<compile_context>
chip_gen: v7x
topology: tpu7x:2x2x1
jax: 0.10.2.dev20260603
libtpu: 0.0.44.dev20260713+nightly
codegen_flags: <defaults>
</compile_context>

<pallas_src>
import functools

import jax
import jax.numpy as jnp
from jax import lax
from jax.experimental import pallas as pl
from jax.experimental.pallas import tpu as pltpu
from jax.experimental.pallas import tpu_sc as plsc

_PC_START = (-54.0, -54.0)
_VOXEL_SIZE = (0.075, 0.075)
_OUT_STRIDE = 8

_LANES = 16
_RL = 128


@functools.cache
def _make_sc_kernel(B, C, H, W, N, P):
    info = plsc.get_sparse_core_info()
    NC, NS = info.num_cores, info.num_subcores
    NW = NC * NS
    NPTS = N * P
    CT = C // _RL
    TN = N // 8
    TPC = P * C // _RL
    ppw = B * NPTS // NW
    nchunk = ppw // _LANES
    wpb = NW // B
    npw = N // wpb
    assert CT * _RL == C and TN * 8 == N and wpb * B == NW
    assert ppw * NW == B * NPTS and nchunk % 2 == 0
    assert npw == _RL and nchunk == P * (npw // _LANES)

    sx = float(_VOXEL_SIZE[0] * _OUT_STRIDE)
    sy = float(_VOXEL_SIZE[1] * _OUT_STRIDE)
    ox = float(_PC_START[0])
    oy = float(_PC_START[1])

    mesh = plsc.VectorSubcoreMesh(core_axis_name="c", subcore_axis_name="s")

    @functools.partial(
        pl.kernel,
        out_type=jax.ShapeDtypeStruct((B * TN * TPC * 8, _RL), jnp.float32),
        mesh=mesh,
        compiler_params=pltpu.CompilerParams(use_tc_tiling_on_sc=False,
                                             needs_layout_passes=False,
                                             disable_bounds_checks=True,
                                             skip_device_barrier=True),
        scratch_types=[
            pltpu.VMEM((P, 2, npw), jnp.float32),
            pltpu.VMEM((ppw,), jnp.float32),
            pltpu.VMEM((ppw,), jnp.float32),
            pltpu.VMEM((ppw,), jnp.float32),
            pltpu.VMEM((ppw,), jnp.float32),
            pltpu.VMEM((nchunk // 2, 16 * _LANES), jnp.int32),
            pltpu.VMEM((nchunk // 2, 4 * _LANES), jnp.int32),
            pltpu.VMEM((16 * _LANES, _RL), jnp.float32),
            pltpu.VMEM((16 * _LANES, _RL), jnp.float32),
            pltpu.VMEM((4 * _LANES, _RL), jnp.float32),
            pltpu.VMEM((4 * _LANES, _RL), jnp.float32),
            pltpu.SemaphoreType.DMA,
            pltpu.SemaphoreType.DMA,
            pltpu.SemaphoreType.DMA,
            pltpu.SemaphoreType.DMA,
        ],
    )
    def bev_kernel(rows_hbm, bc_hbm, out_hbm,
                   bcb, wab, wbb, wcb, wdb, gidx, oidx,
                   gb0, gb1, ob0, ob1, gs0, gs1, os0, os1):
        wid = lax.axis_index("s") * NC + lax.axis_index("c")
        b = wid // wpb
        nb = wid % wpb
        n0 = nb * npw

        pltpu.sync_copy(bc_hbm.at[b, :, nb], bcb)

        lane = lax.iota(jnp.int32, _LANES)

        nc_per_p = npw // _LANES

        def stage_a(ci, _):
            p = ci // nc_per_p
            nc = ci - p * nc_per_p
            sn = pl.ds(nc * _LANES, _LANES)
            x = (bcb[p, 0, sn] - ox) / sx
            y = (bcb[p, 1, sn] - oy) / sy
            xi = x.astype(jnp.int32)
            yi = y.astype(jnp.int32)
            xi = jnp.where(xi.astype(jnp.float32) > x, xi - 1, xi)
            yi = jnp.where(yi.astype(jnp.float32) > y, yi - 1, yi)
            x0 = jnp.clip(xi, 0, W - 1)
            y0 = jnp.clip(yi, 0, H - 1)
            x1 = jnp.minimum(x0 + 1, W - 1)
            y1 = jnp.minimum(y0 + 1, H - 1)
            wx0 = x - x0.astype(jnp.float32)
            wx1 = x1.astype(jnp.float32) - x
            wy0 = y - y0.astype(jnp.float32)
            wy1 = y1.astype(jnp.float32) - y
            s = pl.ds(ci * _LANES, _LANES)
            wab[s] = wx1 * wy1
            wbb[s] = wx1 * wy0
            wcb[s] = wx0 * wy1
            wdb[s] = wx0 * wy0
            ra = (y0 * W + x0) * (CT * B) + b
            rb = (y1 * W + x0) * (CT * B) + b
            rc = (y0 * W + x1) * (CT * B) + b
            rd = (y1 * W + x1) * (CT * B) + b
            c2 = ci // 2
            g0 = (ci - c2 * 2) * (8 * _LANES)
            gidx[c2, pl.ds(g0 + 0 * _LANES, _LANES)] = ra
            gidx[c2, pl.ds(g0 + 1 * _LANES, _LANES)] = ra + B
            gidx[c2, pl.ds(g0 + 2 * _LANES, _LANES)] = rb
            gidx[c2, pl.ds(g0 + 3 * _LANES, _LANES)] = rb + B
            gidx[c2, pl.ds(g0 + 4 * _LANES, _LANES)] = rc
            gidx[c2, pl.ds(g0 + 5 * _LANES, _LANES)] = rc + B
            gidx[c2, pl.ds(g0 + 6 * _LANES, _LANES)] = rd
            gidx[c2, pl.ds(g0 + 7 * _LANES, _LANES)] = rd + B
            n = n0 + nc * _LANES + lane
            o0 = ((b * TN + lax.shift_right_logical(n, 3)) * TPC
                  + p * CT) * 8 + (n & 7)
            q0 = (ci - c2 * 2) * (2 * _LANES)
            oidx[c2, pl.ds(q0, _LANES)] = o0
            oidx[c2, pl.ds(q0 + _LANES, _LANES)] = o0 + 8

        def combine(c2, gbuf, obuf):
            def sub_body(sub, _):
                s = pl.ds((c2 * 2 + sub) * _LANES, _LANES)
                wa = wab[s]
                wb = wbb[s]
                wc = wcb[s]
                wd = wdb[s]
                gbase = sub * (8 * _LANES)
                obase = sub * (2 * _LANES)

                @plsc.parallel_loop(0, _LANES, step=1, unroll=1)
                def point(i):
                    bi = jnp.full((_LANES,), i, jnp.int32)
                    wai = wa.at[bi].get(mode="promise_in_bounds")
                    wbi = wb.at[bi].get(mode="promise_in_bounds")
                    wci = wc.at[bi].get(mode="promise_in_bounds")
                    wdi = wd.at[bi].get(mode="promise_in_bounds")
                    for t in range(CT):
                        r = t * _LANES + i
                        for v in range(_RL // _LANES):
                            cs = pl.ds(v * _LANES, _LANES)
                            acc = (gbuf[gbase + 0 * CT * _LANES + r, cs] * wai
                                   + gbuf[gbase + 1 * CT * _LANES + r, cs] * wbi
                                   + gbuf[gbase + 2 * CT * _LANES + r, cs] * wci
                                   + gbuf[gbase + 3 * CT * _LANES + r, cs] * wdi)
                            obuf[obase + r, cs] = acc
                return 0

            lax.fori_loop(0, 2, sub_body, 0)

        nbig = nchunk // 2
        last = nbig - 1
        lax.fori_loop(0, 2, stage_a, None)
        pltpu.async_copy(rows_hbm.at[gidx.at[0]], gb0, gs0)
        lax.fori_loop(2, 4, stage_a, None)
        pltpu.async_copy(rows_hbm.at[gidx.at[1]], gb1, gs1)
        lax.fori_loop(4, 6, stage_a, None)

        def pair(hi, _):
            for par, gbuf, gsem, obuf, osem in (
                    (0, gb0, gs0, ob0, os0), (1, gb1, gs1, ob1, os1)):
                c2 = hi * 2 + par
                pltpu.make_async_copy(rows_hbm.at[gidx.at[c2]], gbuf,
                                      gsem).wait()

                @pl.when(hi > 0)
                def _wait_prev_scatter(obuf=obuf, osem=osem, c2=c2):
                    pltpu.make_async_copy(obuf, out_hbm.at[oidx.at[c2 - 2]],
                                          osem).wait()

                combine(c2, gbuf, obuf)
                pltpu.async_copy(obuf, out_hbm.at[oidx.at[c2]], osem)
                nxt = jnp.minimum(c2 + 2, last)
                pltpu.async_copy(rows_hbm.at[gidx.at[nxt]], gbuf, gsem)

                @pl.when(c2 + 3 <= last)
                def _prep_next(c2=c2):
                    lax.fori_loop((c2 + 3) * 2, (c2 + 3) * 2 + 2, stage_a,
                                  None)
            return 0

        lax.fori_loop(0, nbig // 2, pair, 0)

        pltpu.make_async_copy(rows_hbm.at[gidx.at[last]], gb0, gs0).wait()
        pltpu.make_async_copy(rows_hbm.at[gidx.at[last]], gb1, gs1).wait()
        pltpu.make_async_copy(ob0, out_hbm.at[oidx.at[last - 1]], os0).wait()
        pltpu.make_async_copy(ob1, out_hbm.at[oidx.at[last]], os1).wait()

    return bev_kernel


def kernel(bev_feature, batch_centers, num_point):
    if isinstance(num_point, tuple):
        num_point = num_point[0] * num_point[1]
    B, C, H, W = bev_feature.shape
    _, N, P, _ = batch_centers.shape
    CT = C // _RL
    TN = N // 8
    TPC = P * C // _RL
    bev_rows = jnp.transpose(
        bev_feature.reshape(B, CT, _RL, H, W), (3, 4, 1, 0, 2)
    ).reshape(H * W * CT * B, _RL)
    bc_view = jnp.transpose(
        batch_centers.reshape(B, N // _RL, _RL, P, 2), (0, 3, 1, 4, 2))
    out_rows = _make_sc_kernel(B, C, H, W, N, P)(bev_rows, bc_view)
    return jnp.transpose(
        out_rows.reshape(B, TN, TPC, 8, _RL), (0, 1, 3, 2, 4)
    ).reshape(B, N, P * C)

# --- scband reference (transcript-rebuilt; emitter-appended) ---
"""Pipeline reference for scband-bevfeature-extractor-51015621542411 (READ-ONLY COPY).

The authoritative reference and input builder live on the scoring server;
editing this copy changes nothing except your own understanding.
"""

import jax, jax.numpy as jnp
import numpy as np

PC_START = (-54.0, -54.0)
VOXEL_SIZE = (0.075, 0.075)
OUT_STRIDE = 8


def setup_inputs(seed: int = 0) -> dict:
    key = jax.random.key(seed)
    k1, k2 = jax.random.split(key)
    bev_feature = jax.random.normal(k1, (4, 256, 180, 180), dtype=jnp.float32)
    # absolute xy coordinates within the point-cloud range [-54, 54)
    batch_centers = jax.random.uniform(k2, (4, 1024, 5, 2), dtype=jnp.float32, minval=-54.0, maxval=54.0)
    return {"bev_feature": bev_feature, "batch_centers": batch_centers, "num_point": 5}


def _bilinear_interpolate(im, x, y):
    # im: [H, W, C]; x, y: [P]
    x0 = jnp.floor(x).astype(jnp.int32)
    x1 = x0 + 1
    y0 = jnp.floor(y).astype(jnp.int32)
    y1 = y0 + 1
    x0 = jnp.clip(x0, 0, im.shape[1] - 1)
    x1 = jnp.clip(x1, 0, im.shape[1] - 1)
    y0 = jnp.clip(y0, 0, im.shape[0] - 1)
    y1 = jnp.clip(y1, 0, im.shape[0] - 1)
    Ia = im[y0, x0]  # [P, C] gather
    Ib = im[y1, x0]
    Ic = im[y0, x1]
    Id = im[y1, x1]
    wa = (x1.astype(x.dtype) - x) * (y1.astype(y.dtype) - y)
    wb = (x1.astype(x.dtype) - x) * (y - y0.astype(y.dtype))
    wc = (x - x0.astype(x.dtype)) * (y1.astype(y.dtype) - y)
    wd = (x - x0.astype(x.dtype)) * (y - y0.astype(y.dtype))
    return Ia * wa[:, None] + Ib * wb[:, None] + Ic * wc[:, None] + Id * wd[:, None]


def reference(bev_feature, batch_centers, num_point) -> jnp.ndarray:
    # bev_feature: [B, C, H, W] -> permute to [B, H, W, C]
    if isinstance(num_point, tuple):
        num_point = num_point[0] * num_point[1]
    im = jnp.transpose(bev_feature, (0, 2, 3, 1))
    xs = (batch_centers[..., 0] - PC_START[0]) / (VOXEL_SIZE[0] * OUT_STRIDE)
    ys = (batch_centers[..., 1] - PC_START[1]) / (VOXEL_SIZE[1] * OUT_STRIDE)
    B, N = batch_centers.shape[0], batch_centers.shape[1]

    def per_batch(im_b, xs_b, ys_b):
        fm = _bilinear_interpolate(im_b, xs_b.reshape(-1), ys_b.reshape(-1))  # [N*P, C]
        return fm.reshape(N, -1)  # [N, P*C]

    feats = jax.vmap(per_batch)(im, xs, ys)  # [B, N, P*C] (ret_maps stacked)
    return feats

if __name__ == "__main__":
    import jax
    _d = setup_inputs()
    print(jax.jit(kernel)(*tuple(_d.values())))

</pallas_src>

<mosaic_0001>
#map = affine_map<(d0, d1) -> (0, 0)>
#map1 = affine_map<(d0, d1) -> (0, 0, 0, 0, 0)>
module attributes {stable_mosaic.version = 14 : i64} {
  func.func @bev_kernel(%arg0: i32, %arg1: i32, %arg2: memref<259200x128xf32, #tpu.memory_space<hbm>>, %arg3: memref<4x5x8x2x128xf32, #tpu.memory_space<hbm>>, %arg4: memref<40960x128xf32, #tpu.memory_space<hbm>>, %arg5: memref<5x2x128xf32, #tpu.memory_space<vmem>>, %arg6: memref<640xf32, #tpu.memory_space<vmem>>, %arg7: memref<640xf32, #tpu.memory_space<vmem>>, %arg8: memref<640xf32, #tpu.memory_space<vmem>>, %arg9: memref<640xf32, #tpu.memory_space<vmem>>, %arg10: memref<20x256xi32, #tpu.memory_space<vmem>>, %arg11: memref<20x64xi32, #tpu.memory_space<vmem>>, %arg12: memref<256x128xf32, #tpu.memory_space<vmem>>, %arg13: memref<256x128xf32, #tpu.memory_space<vmem>>, %arg14: memref<64x128xf32, #tpu.memory_space<vmem>>, %arg15: memref<64x128xf32, #tpu.memory_space<vmem>>, %arg16: memref<!tpu.dma_semaphore, #tpu.memory_space<semaphore_mem>>, %arg17: memref<!tpu.dma_semaphore, #tpu.memory_space<semaphore_mem>>, %arg18: memref<!tpu.dma_semaphore, #tpu.memory_space<semaphore_mem>>, %arg19: memref<!tpu.dma_semaphore, #tpu.memory_space<semaphore_mem>>) attributes {dimension_semantics = [#tpu.dimension_semantics<core_parallel>, #tpu.dimension_semantics<subcore_parallel>], iteration_bounds = array<i64: 2, 16>, scalar_prefetch = 0 : i64, scratch_operands = 15 : i64, tpu.core_type = #tpu.core_type<sc_vector_subcore>, window_params = [{transform_indices = #map}, {transform_indices = #map1}, {transform_indices = #map}]} {
    %mul3A = arith.constant 2 : i32
    %mul3A_0 = arith.muli %arg1, %mul3A : i32
    %add3A = arith.addi %mul3A_0, %arg0 : i32
    %jit3A = arith.constant 8 : i32
    %div3A = arith.divsi %add3A, %jit3A : i32
    %sign3A = arith.constant 0 : i32
    %sign3A_1 = arith.cmpi sgt, %add3A, %sign3A : i32
    %sign3A_2 = arith.extui %sign3A_1 : i1 to i32
    %sign3A_3 = arith.constant 0 : i32
    %sign3A_4 = arith.cmpi slt, %add3A, %sign3A_3 : i32
    %sign3A_5 = arith.extui %sign3A_4 : i1 to i32
    %sign3A_6 = arith.subi %sign3A_2, %sign3A_5 : i32
    %sign3A_7 = arith.constant 0 : i32
    %sign3A_8 = arith.cmpi sgt, %jit3A, %sign3A_7 : i32
    %sign3A_9 = arith.extui %sign3A_8 : i1 to i32
    %sign3A_10 = arith.constant 0 : i32
    %sign3A_11 = arith.cmpi slt, %jit3A, %sign3A_10 : i32
    %sign3A_12 = arith.extui %sign3A_11 : i1 to i32
    %sign3A_13 = arith.subi %sign3A_9, %sign3A_12 : i32
    %ne3A = arith.cmpi ne, %sign3A_6, %sign3A_13 : i32
    %rem3A = arith.remsi %add3A, %jit3A : i32
    %ne3A_14 = arith.constant 0 : i32
    %ne3A_15 = arith.cmpi ne, %rem3A, %ne3A_14 : i32
    %and3A = arith.andi %ne3A, %ne3A_15 : i1
    %sub3A = arith.constant 1 : i32
    %sub3A_16 = arith.subi %div3A, %sub3A : i32
    %select_n3A = arith.select %and3A, %sub3A_16, %div3A : i32
    %jit3A_17 = arith.constant 8 : i32
    %eq3A = arith.constant 0 : i32
    %eq3A_18 = arith.cmpi eq, %jit3A_17, %eq3A : i32
    %jit3A_19 = arith.constant 1 : i32
    %select_n3A_20 = arith.select %eq3A_18, %jit3A_19, %jit3A_17 : i32
    %rem3A_21 = arith.remsi %add3A, %select_n3A_20 : i32
    %ne3A_22 = arith.constant 0 : i32
    %ne3A_23 = arith.cmpi ne, %rem3A_21, %ne3A_22 : i32
    %lt3A = arith.constant 0 : i32
    %lt3A_24 = arith.cmpi slt, %rem3A_21, %lt3A : i32
    %lt3A_25 = arith.constant 0 : i32
    %lt3A_26 = arith.cmpi slt, %select_n3A_20, %lt3A_25 : i32
    %ne3A_27 = arith.xori %lt3A_24, %lt3A_26 : i1
    %and3A_28 = arith.andi %ne3A_27, %ne3A_23 : i1
    %add3A_29 = arith.addi %rem3A_21, %select_n3A_20 : i32
    %select_n3A_30 = arith.select %and3A_28, %add3A_29, %rem3A_21 : i32
    %mul3A_31 = arith.constant 128 : i32
    %mul3A_32 = arith.muli %select_n3A_30, %mul3A_31 : i32
    "tpu.region"() ({
      %run_scoped3A = tpu.sem_alloc : memref<!tpu.dma_semaphore, #tpu.memory_space<semaphore_mem>>
      %dma_start3A_94 = arith.constant 0 : i32
      %dma_start3A_95 = arith.constant 0 : i32
      %dma_start3A_96 = arith.constant 0 : i32
      %dma_start3A_97 = tpu.memref_slice %arg3[%select_n3A, %dma_start3A_94, %select_n3A_30, %dma_start3A_95, %dma_start3A_96] : memref<4x5x8x2x128xf32, #tpu.memory_space<hbm>> -> memref<1x5x1x2x128xf32, #tpu.memory_space<hbm>>
      %dma_start3A_98 = tpu.memref_squeeze %dma_start3A_97 : memref<1x5x1x2x128xf32, #tpu.memory_space<hbm>> -> memref<5x2x128xf32, #tpu.memory_space<hbm>>
      %dma_start3A_99 = arith.constant 0 : i32
      %dma_start3A_100 = arith.constant 0 : i32
      %dma_start3A_101 = arith.constant 0 : i32
      %dma_start3A_102 = tpu.memref_slice %arg3[%select_n3A, %dma_start3A_99, %select_n3A_30, %dma_start3A_100, %dma_start3A_101] : memref<4x5x8x2x128xf32, #tpu.memory_space<hbm>> -> memref<1x5x1x2x128xf32, #tpu.memory_space<hbm>>
      %dma_start3A_103 = tpu.memref_squeeze %dma_start3A_102 : memref<1x5x1x2x128xf32, #tpu.memory_space<hbm>> -> memref<5x2x128xf32, #tpu.memory_space<hbm>>
      tpu.enqueue_dma source(%dma_start3A_103 : memref<5x2x128xf32, #tpu.memory_space<hbm>>) target(%arg5 : memref<5x2x128xf32, #tpu.memory_space<vmem>>) target_semaphore(%run_scoped3A : memref<!tpu.dma_semaphore, #tpu.memory_space<semaphore_mem>>)
      %dma_wait3A_104 = arith.constant 0 : i32
      %dma_wait3A_105 = arith.constant 0 : i32
      %dma_wait3A_106 = arith.constant 0 : i32
      %dma_wait3A_107 = tpu.memref_slice %arg3[%select_n3A, %dma_wait3A_104, %select_n3A_30, %dma_wait3A_105, %dma_wait3A_106] : memref<4x5x8x2x128xf32, #tpu.memory_space<hbm>> -> memref<1x5x1x2x128xf32, #tpu.memory_space<hbm>>
      %dma_wait3A_108 = tpu.memref_squeeze %dma_wait3A_107 : memref<1x5x1x2x128xf32, #tpu.memory_space<hbm>> -> memref<5x2x128xf32, #tpu.memory_space<hbm>>
      %dma_wait3A_109 = arith.constant 0 : i32
      %dma_wait3A_110 = arith.constant 0 : i32
      %dma_wait3A_111 = arith.constant 0 : i32
      %dma_wait3A_112 = tpu.memref_slice %arg3[%select_n3A, %dma_wait3A_109, %select_n3A_30, %dma_wait3A_110, %dma_wait3A_111] : memref<4x5x8x2x128xf32, #tpu.memory_space<hbm>> -> memref<1x5x1x2x128xf32, #tpu.memory_space<hbm>>
      %dma_wait3A_113 = tpu.memref_squeeze %dma_wait3A_112 : memref<1x5x1x2x128xf32, #tpu.memory_space<hbm>> -> memref<5x2x128xf32, #tpu.memory_space<hbm>>
      tpu.wait_dma2 semaphore(%run_scoped3A : memref<!tpu.dma_semaphore, #tpu.memory_space<semaphore_mem>>) src(%dma_wait3A_113 : memref<5x2x128xf32, #tpu.memory_space<hbm>>) dst(%arg5 : memref<5x2x128xf32, #tpu.memory_space<vmem>>)
      tpu.yield
    }) : () -> ()
    %iota3A = tpu.iota {dimensions = array<i32: 0>} : vector<16xi32>
    %scan3A = arith.constant 0 : i32
    %scan3A_33 = arith.constant 2 : i32
    %scan3A_34 = arith.addi %scan3A, %scan3A_33 : i32
    %scan3A_35 = arith.constant 1 : i32
    scf.for %scan3A_94 = %scan3A to %scan3A_34 step %scan3A_35  : i32 {
      %jit3A_95 = arith.constant 8 : i32
      %div3A_96 = arith.divsi %scan3A_94, %jit3A_95 : i32
      %sign3A_97 = arith.constant 0 : i32
      %sign3A_98 = arith.cmpi sgt, %scan3A_94, %sign3A_97 : i32
      %sign3A_99 = arith.extui %sign3A_98 : i1 to i32
      %sign3A_100 = arith.constant 0 : i32
      %sign3A_101 = arith.cmpi slt, %scan3A_94, %sign3A_100 : i32
      %sign3A_102 = arith.extui %sign3A_101 : i1 to i32
      %sign3A_103 = arith.subi %sign3A_99, %sign3A_102 : i32
      %sign3A_104 = arith.constant 0 : i32
      %sign3A_105 = arith.cmpi sgt, %jit3A_95, %sign3A_104 : i32
      %sign3A_106 = arith.extui %sign3A_105 : i1 to i32
      %sign3A_107 = arith.constant 0 : i32
      %sign3A_108 = arith.cmpi slt, %jit3A_95, %sign3A_107 : i32
      %sign3A_109 = arith.extui %sign3A_108 : i1 to i32
      %sign3A_110 = arith.subi %sign3A_106, %sign3A_109 : i32
      %ne3A_111 = arith.cmpi ne, %sign3A_103, %sign3A_110 : i32
      %rem3A_112 = arith.remsi %scan3A_94, %jit3A_95 : i32
      %ne3A_113 = arith.constant 0 : i32
      %ne3A_114 = arith.cmpi ne, %rem3A_112, %ne3A_113 : i32
      %and3A_115 = arith.andi %ne3A_111, %ne3A_114 : i1
      %sub3A_116 = arith.constant 1 : i32
      %sub3A_117 = arith.subi %div3A_96, %sub3A_116 : i32
      %select_n3A_118 = arith.select %and3A_115, %sub3A_117, %div3A_96 : i32
      %mul3A_119 = arith.constant 8 : i32
      %mul3A_120 = arith.muli %select_n3A_118, %mul3A_119 : i32
      %sub3A_121 = arith.subi %scan3A_94, %mul3A_120 : i32
      %mul3A_122 = arith.constant 16 : i32
      %mul3A_123 = arith.muli %sub3A_121, %mul3A_122 : i32
      %get3A = arith.constant 0 : i32
      %get3A_124 = arith.index_cast %select_n3A_118 : i32 to index
      %get3A_125 = arith.index_cast %get3A : i32 to index
      %get3A_126 = arith.index_cast %mul3A_123 : i32 to index
      %get3A_127 = tpu.vector_load %arg5[%get3A_124, %get3A_125, %get3A_126] {strides = array<i32>} : memref<5x2x128xf32, #tpu.memory_space<vmem>>, vector<16xf32>,
      %sub3A_128 = arith.constant -5.400000e+01 : f32
      %sub3A_129 = vector.broadcast %sub3A_128 : f32 to vector<16xf32>
      %sub3A_130 = arith.subf %get3A_127, %sub3A_129 : vector<16xf32>
      %div3A_131 = arith.constant 6.000000e-01 : f32
      %div3A_132 = vector.broadcast %div3A_131 : f32 to vector<16xf32>
      %div3A_133 = arith.divf %sub3A_130, %div3A_132 : vector<16xf32>
      %get3A_134 = arith.constant 1 : i32
      %get3A_135 = arith.index_cast %select_n3A_118 : i32 to index
      %get3A_136 = arith.index_cast %get3A_134 : i32 to index
      %get3A_137 = arith.index_cast %mul3A_123 : i32 to index
      %get3A_138 = tpu.vector_load %arg5[%get3A_135, %get3A_136, %get3A_137] {strides = array<i32>} : memref<5x2x128xf32, #tpu.memory_space<vmem>>, vector<16xf32>,
      %sub3A_139 = arith.constant -5.400000e+01 : f32
      %sub3A_140 = vector.broadcast %sub3A_139 : f32 to vector<16xf32>
      %sub3A_141 = arith.subf %get3A_138, %sub3A_140 : vector<16xf32>
      %div3A_142 = arith.constant 6.000000e-01 : f32
      %div3A_143 = vector.broadcast %div3A_142 : f32 to vector<16xf32>
      %div3A_144 = arith.divf %sub3A_141, %div3A_143 : vector<16xf32>
      %convert_element_type3A = arith.fptosi %div3A_133 : vector<16xf32> to vector<16xi32>
      %convert_element_type3A_145 = arith.fptosi %div3A_144 : vector<16xf32> to vector<16xi32>
      %convert_element_type3A_146 = arith.sitofp %convert_element_type3A : vector<16xi32> to vector<16xf32>
      %gt3A = arith.cmpf ogt, %convert_element_type3A_146, %div3A_133 : vector<16xf32>
      %sub3A_147 = arith.constant 1 : i32
      %sub3A_148 = vector.broadcast %sub3A_147 : i32 to vector<16xi32>
      %sub3A_149 = arith.subi %convert_element_type3A, %sub3A_148 : vector<16xi32>
      %select_n3A_150 = arith.select %gt3A, %sub3A_149, %convert_element_type3A : vector<16xi1>, vector<16xi32>
      %convert_element_type3A_151 = arith.sitofp %convert_element_type3A_145 : vector<16xi32> to vector<16xf32>
      %gt3A_152 = arith.cmpf ogt, %convert_element_type3A_151, %div3A_144 : vector<16xf32>
      %sub3A_153 = arith.constant 1 : i32
      %sub3A_154 = vector.broadcast %sub3A_153 : i32 to vector<16xi32>
      %sub3A_155 = arith.subi %convert_element_type3A_145, %sub3A_154 : vector<16xi32>
      %select_n3A_156 = arith.select %gt3A_152, %sub3A_155, %convert_element_type3A_145 : vector<16xi1>, vector<16xi32>
      %jit3A_157 = arith.constant 0 : i32
      %jit3A_158 = arith.constant 179 : i32
      %max3A = vector.broadcast %jit3A_157 : i32 to vector<16xi32>
      %max3A_159 = arith.maxsi %max3A, %select_n3A_150 : vector<16xi32>
      %min3A = vector.broadcast %jit3A_158 : i32 to vector<16xi32>
      %min3A_160 = arith.minsi %min3A, %max3A_159 : vector<16xi32>
      %jit3A_161 = arith.constant 0 : i32
      %jit3A_162 = arith.constant 179 : i32
      %max3A_163 = vector.broadcast %jit3A_161 : i32 to vector<16xi32>
      %max3A_164 = arith.maxsi %max3A_163, %select_n3A_156 : vector<16xi32>
      %min3A_165 = vector.broadcast %jit3A_162 : i32 to vector<16xi32>
      %min3A_166 = arith.minsi %min3A_165, %max3A_164 : vector<16xi32>
      %add3A_167 = arith.constant 1 : i32
      %add3A_168 = vector.broadcast %add3A_167 : i32 to vector<16xi32>
      %add3A_169 = arith.addi %min3A_160, %add3A_168 : vector<16xi32>
      %min3A_170 = arith.constant 179 : i32
      %min3A_171 = vector.broadcast %min3A_170 : i32 to vector<16xi32>
      %min3A_172 = arith.minsi %add3A_169, %min3A_171 : vector<16xi32>
      %add3A_173 = arith.constant 1 : i32
      %add3A_174 = vector.broadcast %add3A_173 : i32 to vector<16xi32>
      %add3A_175 = arith.addi %min3A_166, %add3A_174 : vector<16xi32>
      %min3A_176 = arith.constant 179 : i32
      %min3A_177 = vector.broadcast %min3A_176 : i32 to vector<16xi32>
      %min3A_178 = arith.minsi %add3A_175, %min3A_177 : vector<16xi32>
      %convert_element_type3A_179 = arith.sitofp %min3A_160 : vector<16xi32> to vector<16xf32>
      %sub3A_180 = arith.subf %div3A_133, %convert_element_type3A_179 : vector<16xf32>
      %convert_element_type3A_181 = arith.sitofp %min3A_172 : vector<16xi32> to vector<16xf32>
      %sub3A_182 = arith.subf %convert_element_type3A_181, %div3A_133 : vector<16xf32>
      %convert_element_type3A_183 = arith.sitofp %min3A_166 : vector<16xi32> to vector<16xf32>
      %sub3A_184 = arith.subf %div3A_144, %convert_element_type3A_183 : vector<16xf32>
      %convert_element_type3A_185 = arith.sitofp %min3A_178 : vector<16xi32> to vector<16xf32>
      %sub3A_186 = arith.subf %convert_element_type3A_185, %div3A_144 : vector<16xf32>
      %mul3A_187 = arith.constant 16 : i32
      %mul3A_188 = arith.muli %scan3A_94, %mul3A_187 : i32
      %mul3A_189 = arith.mulf %sub3A_182, %sub3A_186 : vector<16xf32>
      %swap3A = arith.index_cast %mul3A_188 : i32 to index
      %swap3A_190 = tpu.vector_load %arg6[%swap3A] {strides = array<i32>} : memref<640xf32, #tpu.memory_space<vmem>>, vector<16xf32>,
      tpu.vector_store %arg6[%swap3A], %mul3A_189 {strides = array<i32>} : memref<640xf32, #tpu.memory_space<vmem>>, vector<16xf32>,
      %mul3A_191 = arith.mulf %sub3A_182, %sub3A_184 : vector<16xf32>
      %swap3A_192 = arith.index_cast %mul3A_188 : i32 to index
      %swap3A_193 = tpu.vector_load %arg7[%swap3A_192] {strides = array<i32>} : memref<640xf32, #tpu.memory_space<vmem>>, vector<16xf32>,
      tpu.vector_store %arg7[%swap3A_192], %mul3A_191 {strides = array<i32>} : memref<640xf32, #tpu.memory_space<vmem>>, vector<16xf32>,
      %mul3A_194 = arith.mulf %sub3A_180, %sub3A_186 : vector<16xf32>
      %swap3A_195 = arith.index_cast %mul3A_188 : i32 to index
      %swap3A_196 = tpu.vector_load %arg8[%swap3A_195] {strides = array<i32>} : memref<640xf32, #tpu.memory_space<vmem>>, vector<16xf32>,
      tpu.vector_store %arg8[%swap3A_195], %mul3A_194 {strides = array<i32>} : memref<640xf32, #tpu.memory_space<vmem>>, vector<16xf32>,
      %mul3A_197 = arith.mulf %sub3A_180, %sub3A_184 : vector<16xf32>
      %swap3A_198 = arith.index_cast %mul3A_188 : i32 to index
      %swap3A_199 = tpu.vector_load %arg9[%swap3A_198] {strides = array<i32>} : memref<640xf32, #tpu.memory_space<vmem>>, vector<16xf32>,
      tpu.vector_store %arg9[%swap3A_198], %mul3A_197 {strides = array<i32>} : memref<640xf32, #tpu.memory_space<vmem>>, vector<16xf32>,
      %mul3A_200 = arith.constant 180 : i32
      %mul3A_201 = vector.broadcast %mul3A_200 : i32 to vector<16xi32>
      %mul3A_202 = arith.muli %min3A_166, %mul3A_201 : vector<16xi32>
      %add3A_203 = arith.addi %mul3A_202, %min3A_160 : vector<16xi32>
      %mul3A_204 = arith.constant 8 : i32
      %mul3A_205 = vector.broadcast %mul3A_204 : i32 to vector<16xi32>
      %mul3A_206 = arith.muli %add3A_203, %mul3A_205 : vector<16xi32>
      %add3A_207 = vector.broadcast %select_n3A : i32 to vector<16xi32>
      %add3A_208 = arith.addi %mul3A_206, %add3A_207 : vector<16xi32>
      %mul3A_209 = arith.constant 180 : i32
      %mul3A_210 = vector.broadcast %mul3A_209 : i32 to vector<16xi32>
      %mul3A_211 = arith.muli %min3A_178, %mul3A_210 : vector<16xi32>
      %add3A_212 = arith.addi %mul3A_211, %min3A_160 : vector<16xi32>
      %mul3A_213 = arith.constant 8 : i32
      %mul3A_214 = vector.broadcast %mul3A_213 : i32 to vector<16xi32>
      %mul3A_215 = arith.muli %add3A_212, %mul3A_214 : vector<16xi32>
      %add3A_216 = vector.broadcast %select_n3A : i32 to vector<16xi32>
      %add3A_217 = arith.addi %mul3A_215, %add3A_216 : vector<16xi32>
      %mul3A_218 = arith.constant 180 : i32
      %mul3A_219 = vector.broadcast %mul3A_218 : i32 to vector<16xi32>
      %mul3A_220 = arith.muli %min3A_166, %mul3A_219 : vector<16xi32>
      %add3A_221 = arith.addi %mul3A_220, %min3A_172 : vector<16xi32>
      %mul3A_222 = arith.constant 8 : i32
      %mul3A_223 = vector.broadcast %mul3A_222 : i32 to vector<16xi32>
      %mul3A_224 = arith.muli %add3A_221, %mul3A_223 : vector<16xi32>
      %add3A_225 = vector.broadcast %select_n3A : i32 to vector<16xi32>
      %add3A_226 = arith.addi %mul3A_224, %add3A_225 : vector<16xi32>
      %mul3A_227 = arith.constant 180 : i32
      %mul3A_228 = vector.broadcast %mul3A_227 : i32 to vector<16xi32>
      %mul3A_229 = arith.muli %min3A_178, %mul3A_228 : vector<16xi32>
      %add3A_230 = arith.addi %mul3A_229, %min3A_172 : vector<16xi32>
      %mul3A_231 = arith.constant 8 : i32
      %mul3A_232 = vector.broadcast %mul3A_231 : i32 to vector<16xi32>
      %mul3A_233 = arith.muli %add3A_230, %mul3A_232 : vector<16xi32>
      %add3A_234 = vector.broadcast %select_n3A : i32 to vector<16xi32>
      %add3A_235 = arith.addi %mul3A_233, %add3A_234 : vector<16xi32>
      %jit3A_236 = arith.constant 2 : i32
      %div3A_237 = arith.divsi %scan3A_94, %jit3A_236 : i32
      %sign3A_238 = arith.constant 0 : i32
      %sign3A_239 = arith.cmpi sgt, %scan3A_94, %sign3A_238 : i32
      %sign3A_240 = arith.extui %sign3A_239 : i1 to i32
      %sign3A_241 = arith.constant 0 : i32
      %sign3A_242 = arith.cmpi slt, %scan3A_94, %sign3A_241 : i32
      %sign3A_243 = arith.extui %sign3A_242 : i1 to i32
      %sign3A_244 = arith.subi %sign3A_240, %sign3A_243 : i32
      %sign3A_245 = arith.constant 0 : i32
      %sign3A_246 = arith.cmpi sgt, %jit3A_236, %sign3A_245 : i32
      %sign3A_247 = arith.extui %sign3A_246 : i1 to i32
      %sign3A_248 = arith.constant 0 : i32
      %sign3A_249 = arith.cmpi slt, %jit3A_236, %sign3A_248 : i32
      %sign3A_250 = arith.extui %sign3A_249 : i1 to i32
      %sign3A_251 = arith.subi %sign3A_247, %sign3A_250 : i32
      %ne3A_252 = arith.cmpi ne, %sign3A_244, %sign3A_251 : i32
      %rem3A_253 = arith.remsi %scan3A_94, %jit3A_236 : i32
      %ne3A_254 = arith.constant 0 : i32
      %ne3A_255 = arith.cmpi ne, %rem3A_253, %ne3A_254 : i32
      %and3A_256 = arith.andi %ne3A_252, %ne3A_255 : i1
      %sub3A_257 = arith.constant 1 : i32
      %sub3A_258 = arith.subi %div3A_237, %sub3A_257 : i32
      %select_n3A_259 = arith.select %and3A_256, %sub3A_258, %div3A_237 : i32
      %mul3A_260 = arith.constant 2 : i32
      %mul3A_261 = arith.muli %select_n3A_259, %mul3A_260 : i32
      %sub3A_262 = arith.subi %scan3A_94, %mul3A_261 : i32
      %mul3A_263 = arith.constant 128 : i32
      %mul3A_264 = arith.muli %sub3A_262, %mul3A_263 : i32
      %add3A_265 = arith.constant 0 : i32
      %add3A_266 = arith.addi %mul3A_264, %add3A_265 : i32
      %swap3A_267 = arith.index_cast %select_n3A_259 : i32 to index
      %swap3A_268 = arith.index_cast %add3A_266 : i32 to index
      %swap3A_269 = tpu.vector_load %arg10[%swap3A_267, %swap3A_268] {strides = array<i32>} : memref<20x256xi32, #tpu.memory_space<vmem>>, vector<16xi32>,
      tpu.vector_store %arg10[%swap3A_267, %swap3A_268], %add3A_208 {strides = array<i32>} : memref<20x256xi32, #tpu.memory_space<vmem>>, vector<16xi32>,
      %add3A_270 = arith.constant 4 : i32
      %add3A_271 = vector.broadcast %add3A_270 : i32 to vector<16xi32>
      %add3A_272 = arith.addi %add3A_208, %add3A_271 : vector<16xi32>
      %add3A_273 = arith.constant 16 : i32
      %add3A_274 = arith.addi %mul3A_264, %add3A_273 : i32
      %swap3A_275 = arith.index_cast %select_n3A_259 : i32 to index
      %swap3A_276 = arith.index_cast %add3A_274 : i32 to index
      %swap3A_277 = tpu.vector_load %arg10[%swap3A_275, %swap3A_276] {strides = array<i32>} : memref<20x256xi32, #tpu.memory_space<vmem>>, vector<16xi32>,
      tpu.vector_store %arg10[%swap3A_275, %swap3A_276], %add3A_272 {strides = array<i32>} : memref<20x256xi32, #tpu.memory_space<vmem>>, vector<16xi32>,
      %add3A_278 = arith.constant 32 : i32
      %add3A_279 = arith.addi %mul3A_264, %add3A_278 : i32
      %swap3A_280 = arith.index_cast %select_n3A_259 : i32 to index
      %swap3A_281 = arith.index_cast %add3A_279 : i32 to index
      %swap3A_282 = tpu.vector_load %arg10[%swap3A_280, %swap3A_281] {strides = array<i32>} : memref<20x256xi32, #tpu.memory_space<vmem>>, vector<16xi32>,
      tpu.vector_store %arg10[%swap3A_280, %swap3A_281], %add3A_217 {strides = array<i32>} : memref<20x256xi32, #tpu.memory_space<vmem>>, vector<16xi32>,
      %add3A_283 = arith.constant 4 : i32
      %add3A_284 = vector.broadcast %add3A_283 : i32 to vector<16xi32>
      %add3A_285 = arith.addi %add3A_217, %add3A_284 : vector<16xi32>
      %add3A_286 = arith.constant 48 : i32
      %add3A_287 = arith.addi %mul3A_264, %add3A_286 : i32
      %swap3A_288 = arith.index_cast %select_n3A_259 : i32 to index
      %swap3A_289 = arith.index_cast %add3A_287 : i32 to index
      %swap3A_290 = tpu.vector_load %arg10[%swap3A_288, %swap3A_289] {strides = array<i32>} : memref<20x256xi32, #tpu.memory_space<vmem>>, vector<16xi32>,
      tpu.vector_store %arg10[%swap3A_288, %swap3A_289], %add3A_285 {strides = array<i32>} : memref<20x256xi32, #tpu.memory_space<vmem>>, vector<16xi32>,
      %add3A_291 = arith.constant 64 : i32
      %add3A_292 = arith.addi %mul3A_264, %add3A_291 : i32
      %swap3A_293 = arith.index_cast %select_n3A_259 : i32 to index
      %swap3A_294 = arith.index_cast %add3A_292 : i32 to index
      %swap3A_295 = tpu.vector_load %arg10[%swap3A_293, %swap3A_294] {strides = array<i32>} : memref<20x256xi32, #tpu.memory_space<vmem>>, vector<16xi32>,
      tpu.vector_store %arg10[%swap3A_293, %swap3A_294], %add3A_226 {strides = array<i32>} : memref<20x256xi32, #tpu.memory_space<vmem>>, vector<16xi32>,
      %add3A_296 = arith.constant 4 : i32
      %add3A_297 = vector.broadcast %add3A_296 : i32 to vector<16xi32>
      %add3A_298 = arith.addi %add3A_226, %add3A_297 : vector<16xi32>
      %add3A_299 = arith.constant 80 : i32
      %add3A_300 = arith.addi %mul3A_264, %add3A_299 : i32
      %swap3A_301 = arith.index_cast %select_n3A_259 : i32 to index
      %swap3A_302 = arith.index_cast %add3A_300 : i32 to index
      %swap3A_303 = tpu.vector_load %arg10[%swap3A_301, %swap3A_302] {strides = array<i32>} : memref<20x256xi32, #tpu.memory_space<vmem>>, vector<16xi32>,
      tpu.vector_store %arg10[%swap3A_301, %swap3A_302], %add3A_298 {strides = array<i32>} : memref<20x256xi32, #tpu.memory_space<vmem>>, vector<16xi32>,
      %add3A_304 = arith.constant 96 : i32
      %add3A_305 = arith.addi %mul3A_264, %add3A_304 : i32
      %swap3A_306 = arith.index_cast %select_n3A_259 : i32 to index
      %swap3A_307 = arith.index_cast %add3A_305 : i32 to index
      %swap3A_308 = tpu.vector_load %arg10[%swap3A_306, %swap3A_307] {strides = array<i32>} : memref<20x256xi32, #tpu.memory_space<vmem>>, vector<16xi32>,
      tpu.vector_store %arg10[%swap3A_306, %swap3A_307], %add3A_235 {strides = array<i32>} : memref<20x256xi32, #tpu.memory_space<vmem>>, vector<16xi32>,
      %add3A_309 = arith.constant 4 : i32
      %add3A_310 = vector.broadcast %add3A_309 : i32 to vector<16xi32>
      %add3A_311 = arith.addi %add3A_235, %add3A_310 : vector<16xi32>
      %add3A_312 = arith.constant 112 : i32
      %add3A_313 = arith.addi %mul3A_264, %add3A_312 : i32
      %swap3A_314 = arith.index_cast %select_n3A_259 : i32 to index
      %swap3A_315 = arith.index_cast %add3A_313 : i32 to index
      %swap3A_316 = tpu.vector_load %arg10[%swap3A_314, %swap3A_315] {strides = array<i32>} : memref<20x256xi32, #tpu.memory_space<vmem>>, vector<16xi32>,
      tpu.vector_store %arg10[%swap3A_314, %swap3A_315], %add3A_311 {strides = array<i32>} : memref<20x256xi32, #tpu.memory_space<vmem>>, vector<16xi32>,
      %mul3A_317 = arith.constant 16 : i32
      %mul3A_318 = arith.muli %sub3A_121, %mul3A_317 : i32
      %add3A_319 = arith.addi %mul3A_32, %mul3A_318 : i32
      %add3A_320 = vector.broadcast %add3A_319 : i32 to vector<16xi32>
      %add3A_321 = arith.addi %add3A_320, %iota3A : vector<16xi32>
      %mul3A_322 = arith.constant 128 : i32
      %mul3A_323 = arith.muli %select_n3A, %mul3A_322 : i32
      %shift_right_logical3A = arith.constant 3 : i32
      %shift_right_logical3A_324 = vector.broadcast %shift_right_logical3A : i32 to vector<16xi32>
      %shift_right_logical3A_325 = arith.shrui %add3A_321, %shift_right_logical3A_324 : vector<16xi32>
      %add3A_326 = vector.broadcast %mul3A_323 : i32 to vector<16xi32>
      %add3A_327 = arith.addi %add3A_326, %shift_right_logical3A_325 : vector<16xi32>
      %mul3A_328 = arith.constant 10 : i32
      %mul3A_329 = vector.broadcast %mul3A_328 : i32 to vector<16xi32>
      %mul3A_330 = arith.muli %add3A_327, %mul3A_329 : vector<16xi32>
      %mul3A_331 = arith.constant 2 : i32
      %mul3A_332 = arith.muli %select_n3A_118, %mul3A_331 : i32
      %add3A_333 = vector.broadcast %mul3A_332 : i32 to vector<16xi32>
      %add3A_334 = arith.addi %mul3A_330, %add3A_333 : vector<16xi32>
      %mul3A_335 = arith.constant 8 : i32
      %mul3A_336 = vector.broadcast %mul3A_335 : i32 to vector<16xi32>
      %mul3A_337 = arith.muli %add3A_334, %mul3A_336 : vector<16xi32>
      %and3A_338 = arith.constant 7 : i32
      %and3A_339 = vector.broadcast %and3A_338 : i32 to vector<16xi32>
      %and3A_340 = arith.andi %add3A_321, %and3A_339 : vector<16xi32>
      %add3A_341 = arith.addi %mul3A_337, %and3A_340 : vector<16xi32>
      %mul3A_342 = arith.constant 2 : i32
      %mul3A_343 = arith.muli %select_n3A_259, %mul3A_342 : i32
      %sub3A_344 = arith.subi %scan3A_94, %mul3A_343 : i32
      %mul3A_345 = arith.constant 32 : i32
      %mul3A_346 = arith.muli %sub3A_344, %mul3A_345 : i32
      %swap3A_347 = arith.index_cast %select_n3A_259 : i32 to index
      %swap3A_348 = arith.index_cast %mul3A_346 : i32 to index
      %swap3A_349 = tpu.vector_load %arg11[%swap3A_347, %swap3A_348] {strides = array<i32>} : memref<20x64xi32, #tpu.memory_space<vmem>>, vector<16xi32>,
      tpu.vector_store %arg11[%swap3A_347, %swap3A_348], %add3A_341 {strides = array<i32>} : memref<20x64xi32, #tpu.memory_space<vmem>>, vector<16xi32>,
      %add3A_350 = arith.constant 8 : i32
      %add3A_351 = vector.broadcast %add3A_350 : i32 to vector<16xi32>
      %add3A_352 = arith.addi %add3A_341, %add3A_351 : vector<16xi32>
      %add3A_353 = arith.constant 16 : i32
      %add3A_354 = arith.addi %mul3A_346, %add3A_353 : i32
      %swap3A_355 = arith.index_cast %select_n3A_259 : i32 to index
      %swap3A_356 = arith.index_cast %add3A_354 : i32 to index
      %swap3A_357 = tpu.vector_load %arg11[%swap3A_355, %swap3A_356] {strides = array<i32>} : memref<20x64xi32, #tpu.memory_space<vmem>>, vector<16xi32>,
      tpu.vector_store %arg11[%swap3A_355, %swap3A_356], %add3A_352 {strides = array<i32>} : memref<20x64xi32, #tpu.memory_space<vmem>>, vector<16xi32>,
    }
    %scan3A_36 = arith.constant 2 : i32
    %dma_start3A = arith.constant 0 : i32
    %dma_start3A_37 = arith.constant 0 : i32
    %dma_start3A_38 = tpu.memref_slice %arg10[%dma_start3A, %dma_start3A_37] : memref<20x256xi32, #tpu.memory_space<vmem>> -> memref<1x256xi32, #tpu.memory_space<vmem>>
    %dma_start3A_39 = tpu.memref_squeeze %dma_start3A_38 : memref<1x256xi32, #tpu.memory_space<vmem>> -> memref<256xi32, #tpu.memory_space<vmem>>
    %dma_start3A_40 = arith.constant 0 : i32
    %dma_start3A_41 = arith.constant 0 : i32
    %dma_start3A_42 = tpu.memref_slice %arg2[%dma_start3A_40, %dma_start3A_41] : memref<259200x128xf32, #tpu.memory_space<hbm>> -> memref<259200x128xf32, #tpu.memory_space<hbm>>
    tpu.enqueue_indirect_dma source(%dma_start3A_42 : memref<259200x128xf32, #tpu.memory_space<hbm>>) target(%arg12 : memref<256x128xf32, #tpu.memory_space<vmem>>) offsets(%dma_start3A_39 : memref<256xi32, #tpu.memory_space<vmem>>) semaphore(%arg16 : memref<!tpu.dma_semaphore, #tpu.memory_space<semaphore_mem>>)
    %scan3A_43 = arith.constant 2 : i32
    %scan3A_44 = arith.constant 2 : i32
    %scan3A_45 = arith.addi %scan3A_43, %scan3A_44 : i32
    %scan3A_46 = arith.constant 1 : i32
    scf.for %scan3A_94 = %scan3A_43 to %scan3A_45 step %scan3A_46  : i32 {
      %jit3A_95 = arith.constant 8 : i32
      %div3A_96 = arith.divsi %scan3A_94, %jit3A_95 : i32
      %sign3A_97 = arith.constant 0 : i32
      %sign3A_98 = arith.cmpi sgt, %scan3A_94, %sign3A_97 : i32
      %sign3A_99 = arith.extui %sign3A_98 : i1 to i32
      %sign3A_100 = arith.constant 0 : i32
      %sign3A_101 = arith.cmpi slt, %scan3A_94, %sign3A_100 : i32
      %sign3A_102 = arith.extui %sign3A_101 : i1 to i32
      %sign3A_103 = arith.subi %sign3A_99, %sign3A_102 : i32
      %sign3A_104 = arith.constant 0 : i32
      %sign3A_105 = arith.cmpi sgt, %jit3A_95, %sign3A_104 : i32
      %sign3A_106 = arith.extui %sign3A_105 : i1 to i32
      %sign3A_107 = arith.constant 0 : i32
      %sign3A_108 = arith.cmpi slt, %jit3A_95, %sign3A_107 : i32
      %sign3A_109 = arith.extui %sign3A_108 : i1 to i32
      %sign3A_110 = arith.subi %sign3A_106, %sign3A_109 : i32
      %ne3A_111 = arith.cmpi ne, %sign3A_103, %sign3A_110 : i32
      %rem3A_112 = arith.remsi %scan3A_94, %jit3A_95 : i32
      %ne3A_113 = arith.constant 0 : i32
      %ne3A_114 = arith.cmpi ne, %rem3A_112, %ne3A_113 : i32
      %and3A_115 = arith.andi %ne3A_111, %ne3A_114 : i1
      %sub3A_116 = arith.constant 1 : i32
      %sub3A_117 = arith.subi %div3A_96, %sub3A_116 : i32
      %select_n3A_118 = arith.select %and3A_115, %sub3A_117, %div3A_96 : i32
      %mul3A_119 = arith.constant 8 : i32
      %mul3A_120 = arith.muli %select_n3A_118, %mul3A_119 : i32
      %sub3A_121 = arith.subi %scan3A_94, %mul3A_120 : i32
      %mul3A_122 = arith.constant 16 : i32
      %mul3A_123 = arith.muli %sub3A_121, %mul3A_122 : i32
      %get3A = arith.constant 0 : i32
      %get3A_124 = arith.index_cast %select_n3A_118 : i32 to index
      %get3A_125 = arith.index_cast %get3A : i32 to index
      %get3A_126 = arith.index_cast %mul3A_123 : i32 to index
      %get3A_127 = tpu.vector_load %arg5[%get3A_124, %get3A_125, %get3A_126] {strides = array<i32>} : memref<5x2x128xf32, #tpu.memory_space<vmem>>, vector<16xf32>,
      %sub3A_128 = arith.constant -5.400000e+01 : f32
      %sub3A_129 = vector.broadcast %sub3A_128 : f32 to vector<16xf32>
      %sub3A_130 = arith.subf %get3A_127, %sub3A_129 : vector<16xf32>
      %div3A_131 = arith.constant 6.000000e-01 : f32
      %div3A_132 = vector.broadcast %div3A_131 : f32 to vector<16xf32>
      %div3A_133 = arith.divf %sub3A_130, %div3A_132 : vector<16xf32>
      %get3A_134 = arith.constant 1 : i32
      %get3A_135 = arith.index_cast %select_n3A_118 : i32 to index
      %get3A_136 = arith.index_cast %get3A_134 : i32 to index
      %get3A_137 = arith.index_cast %mul3A_123 : i32 to index
      %get3A_138 = tpu.vector_load %arg5[%get3A_135, %get3A_136, %get3A_137] {strides = array<i32>} : memref<5x2x128xf32, #tpu.memory_space<vmem>>, vector<16xf32>,
      %sub3A_139 = arith.constant -5.400000e+01 : f32
      %sub3A_140 = vector.broadcast %sub3A_139 : f32 to vector<16xf32>
      %sub3A_141 = arith.subf %get3A_138, %sub3A_140 : vector<16xf32>
      %div3A_142 = arith.constant 6.000000e-01 : f32
      %div3A_143 = vector.broadcast %div3A_142 : f32 to vector<16xf32>
      %div3A_144 = arith.divf %sub3A_141, %div3A_143 : vector<16xf32>
      %convert_element_type3A = arith.fptosi %div3A_133 : vector<16xf32> to vector<16xi32>
      %convert_element_type3A_145 = arith.fptosi %div3A_144 : vector<16xf32> to vector<16xi32>
      %convert_element_type3A_146 = arith.sitofp %convert_element_type3A : vector<16xi32> to vector<16xf32>
      %gt3A = arith.cmpf ogt, %convert_element_type3A_146, %div3A_133 : vector<16xf32>
      %sub3A_147 = arith.constant 1 : i32
      %sub3A_148 = vector.broadcast %sub3A_147 : i32 to vector<16xi32>
      %sub3A_149 = arith.subi %convert_element_type3A, %sub3A_148 : vector<16xi32>
      %select_n3A_150 = arith.select %gt3A, %sub3A_149, %convert_element_type3A : vector<16xi1>, vector<16xi32>
      %convert_element_type3A_151 = arith.sitofp %convert_element_type3A_145 : vector<16xi32> to vector<16xf32>
      %gt3A_152 = arith.cmpf ogt, %convert_element_type3A_151, %div3A_144 : vector<16xf32>
      %sub3A_153 = arith.constant 1 : i32
      %sub3A_154 = vector.broadcast %sub3A_153 : i32 to vector<16xi32>
      %sub3A_155 = arith.subi %convert_element_type3A_145, %sub3A_154 : vector<16xi32>
      %select_n3A_156 = arith.select %gt3A_152, %sub3A_155, %convert_element_type3A_145 : vector<16xi1>, vector<16xi32>
      %jit3A_157 = arith.constant 0 : i32
      %jit3A_158 = arith.constant 179 : i32
      %max3A = vector.broadcast %jit3A_157 : i32 to vector<16xi32>
      %max3A_159 = arith.maxsi %max3A, %select_n3A_150 : vector<16xi32>
      %min3A = vector.broadcast %jit3A_158 : i32 to vector<16xi32>
      %min3A_160 = arith.minsi %min3A, %max3A_159 : vector<16xi32>
      %jit3A_161 = arith.constant 0 : i32
      %jit3A_162 = arith.constant 179 : i32
      %max3A_163 = vector.broadcast %jit3A_161 : i32 to vector<16xi32>
      %max3A_164 = arith.maxsi %max3A_163, %select_n3A_156 : vector<16xi32>
      %min3A_165 = vector.broadcast %jit3A_162 : i32 to vector<16xi32>
      %min3A_166 = arith.minsi %min3A_165, %max3A_164 : vector<16xi32>
      %add3A_167 = arith.constant 1 : i32
      %add3A_168 = vector.broadcast %add3A_167 : i32 to vector<16xi32>
      %add3A_169 = arith.addi %min3A_160, %add3A_168 : vector<16xi32>
      %min3A_170 = arith.constant 179 : i32
      %min3A_171 = vector.broadcast %min3A_170 : i32 to vector<16xi32>
      %min3A_172 = arith.minsi %add3A_169, %min3A_171 : vector<16xi32>
      %add3A_173 = arith.constant 1 : i32
      %add3A_174 = vector.broadcast %add3A_173 : i32 to vector<16xi32>
      %add3A_175 = arith.addi %min3A_166, %add3A_174 : vector<16xi32>
      %min3A_176 = arith.constant 179 : i32
      %min3A_177 = vector.broadcast %min3A_176 : i32 to vector<16xi32>
      %min3A_178 = arith.minsi %add3A_175, %min3A_177 : vector<16xi32>
      %convert_element_type3A_179 = arith.sitofp %min3A_160 : vector<16xi32> to vector<16xf32>
      %sub3A_180 = arith.subf %div3A_133, %convert_element_type3A_179 : vector<16xf32>
      %convert_element_type3A_181 = arith.sitofp %min3A_172 : vector<16xi32> to vector<16xf32>
      %sub3A_182 = arith.subf %convert_element_type3A_181, %div3A_133 : vector<16xf32>
      %convert_element_type3A_183 = arith.sitofp %min3A_166 : vector<16xi32> to vector<16xf32>
      %sub3A_184 = arith.subf %div3A_144, %convert_element_type3A_183 : vector<16xf32>
      %convert_element_type3A_185 = arith.sitofp %min3A_178 : vector<16xi32> to vector<16xf32>
      %sub3A_186 = arith.subf %convert_element_type3A_185, %div3A_144 : vector<16xf32>
      %mul3A_187 = arith.constant 16 : i32
      %mul3A_188 = arith.muli %scan3A_94, %mul3A_187 : i32
      %mul3A_189 = arith.mulf %sub3A_182, %sub3A_186 : vector<16xf32>
      %swap3A = arith.index_cast %mul3A_188 : i32 to index
      %swap3A_190 = tpu.vector_load %arg6[%swap3A] {strides = array<i32>} : memref<640xf32, #tpu.memory_space<vmem>>, vector<16xf32>,
      tpu.vector_store %arg6[%swap3A], %mul3A_189 {strides = array<i32>} : memref<640xf32, #tpu.memory_space<vmem>>, vector<16xf32>,
      %mul3A_191 = arith.mulf %sub3A_182, %sub3A_184 : vector<16xf32>
      %swap3A_192 = arith.index_cast %mul3A_188 : i32 to index
      %swap3A_193 = tpu.vector_load %arg7[%swap3A_192] {strides = array<i32>} : memref<640xf32, #tpu.memory_space<vmem>>, vector<16xf32>,
      tpu.vector_store %arg7[%swap3A_192], %mul3A_191 {strides = array<i32>} : memref<640xf32, #tpu.memory_space<vmem>>, vector<16xf32>,
      %mul3A_194 = arith.mulf %sub3A_180, %sub3A_186 : vector<16xf32>
      %swap3A_195 = arith.index_cast %mul3A_188 : i32 to index
      %swap3A_196 = tpu.vector_load %arg8[%swap3A_195] {strides = array<i32>} : memref<640xf32, #tpu.memory_space<vmem>>, vector<16xf32>,
      tpu.vector_store %arg8[%swap3A_195], %mul3A_194 {strides = array<i32>} : memref<640xf32, #tpu.memory_space<vmem>>, vector<16xf32>,
      %mul3A_197 = arith.mulf %sub3A_180, %sub3A_184 : vector<16xf32>
      %swap3A_198 = arith.index_cast %mul3A_188 : i32 to index
      %swap3A_199 = tpu.vector_load %arg9[%swap3A_198] {strides = array<i32>} : memref<640xf32, #tpu.memory_space<vmem>>, vector<16xf32>,
      tpu.vector_store %arg9[%swap3A_198], %mul3A_197 {strides = array<i32>} : memref<640xf32, #tpu.memory_space<vmem>>, vector<16xf32>,
      %mul3A_200 = arith.constant 180 : i32
      %mul3A_201 = vector.broadcast %mul3A_200 : i32 to vector<16xi32>
      %mul3A_202 = arith.muli %min3A_166, %mul3A_201 : vector<16xi32>
      %add3A_203 = arith.addi %mul3A_202, %min3A_160 : vector<16xi32>
      %mul3A_204 = arith.constant 8 : i32
      %mul3A_205 = vector.broadcast %mul3A_204 : i32 to vector<16xi32>
      %mul3A_206 = arith.muli %add3A_203, %mul3A_205 : vector<16xi32>
      %add3A_207 = vector.broadcast %select_n3A : i32 to vector<16xi32>
      %add3A_208 = arith.addi %mul3A_206, %add3A_207 : vector<16xi32>
      %mul3A_209 = arith.constant 180 : i32
      %mul3A_210 = vector.broadcast %mul3A_209 : i32 to vector<16xi32>
      %mul3A_211 = arith.muli %min3A_178, %mul3A_210 : vector<16xi32>
      %add3A_212 = arith.addi %mul3A_211, %min3A_160 : vector<16xi32>
      %mul3A_213 = arith.constant 8 : i32
      %mul3A_214 = vector.broadcast %mul3A_213 : i32 to vector<16xi32>
      %mul3A_215 = arith.muli %add3A_212, %mul3A_214 : vector<16xi32>
      %add3A_216 = vector.broadcast %select_n3A : i32 to vector<16xi32>
      %add3A_217 = arith.addi %mul3A_215, %add3A_216 : vector<16xi32>
      %mul3A_218 = arith.constant 180 : i32
      %mul3A_219 = vector.broadcast %mul3A_218 : i32 to vector<16xi32>
      %mul3A_220 = arith.muli %min3A_166, %mul3A_219 : vector<16xi32>
      %add3A_221 = arith.addi %mul3A_220, %min3A_172 : vector<16xi32>
      %mul3A_222 = arith.constant 8 : i32
      %mul3A_223 = vector.broadcast %mul3A_222 : i32 to vector<16xi32>
      %mul3A_224 = arith.muli %add3A_221, %mul3A_223 : vector<16xi32>
      %add3A_225 = vector.broadcast %select_n3A : i32 to vector<16xi32>
      %add3A_226 = arith.addi %mul3A_224, %add3A_225 : vector<16xi32>
      %mul3A_227 = arith.constant 180 : i32
      %mul3A_228 = vector.broadcast %mul3A_227 : i32 to vector<16xi32>
      %mul3A_229 = arith.muli %min3A_178, %mul3A_228 : vector<16xi32>
      %add3A_230 = arith.addi %mul3A_229, %min3A_172 : vector<16xi32>
      %mul3A_231 = arith.constant 8 : i32
      %mul3A_232 = vector.broadcast %mul3A_231 : i32 to vector<16xi32>
      %mul3A_233 = arith.muli %add3A_230, %mul3A_232 : vector<16xi32>
      %add3A_234 = vector.broadcast %select_n3A : i32 to vector<16xi32>
      %add3A_235 = arith.addi %mul3A_233, %add3A_234 : vector<16xi32>
      %jit3A_236 = arith.constant 2 : i32
      %div3A_237 = arith.divsi %scan3A_94, %jit3A_236 : i32
      %sign3A_238 = arith.constant 0 : i32
      %sign3A_239 = arith.cmpi sgt, %scan3A_94, %sign3A_238 : i32
      %sign3A_240 = arith.extui %sign3A_239 : i1 to i32
      %sign3A_241 = arith.constant 0 : i32
      %sign3A_242 = arith.cmpi slt, %scan3A_94, %sign3A_241 : i32
      %sign3A_243 = arith.extui %sign3A_242 : i1 to i32
      %sign3A_244 = arith.subi %sign3A_240, %sign3A_243 : i32
      %sign3A_245 = arith.constant 0 : i32
      %sign3A_246 = arith.cmpi sgt, %jit3A_236, %sign3A_245 : i32
      %sign3A_247 = arith.extui %sign3A_246 : i1 to i32
      %sign3A_248 = arith.constant 0 : i32
      %sign3A_249 = arith.cmpi slt, %jit3A_236, %sign3A_248 : i32
      %sign3A_250 = arith.extui %sign3A_249 : i1 to i32
      %sign3A_251 = arith.subi %sign3A_247, %sign3A_250 : i32
      %ne3A_252 = arith.cmpi ne, %sign3A_244, %sign3A_251 : i32
      %rem3A_253 = arith.remsi %scan3A_94, %jit3A_236 : i32
      %ne3A_254 = arith.constant 0 : i32
      %ne3A_255 = arith.cmpi ne, %rem3A_253, %ne3A_254 : i32
      %and3A_256 = arith.andi %ne3A_252, %ne3A_255 : i1
      %sub3A_257 = arith.constant 1 : i32
      %sub3A_258 = arith.subi %div3A_237, %sub3A_257 : i32
      %select_n3A_259 = arith.select %and3A_256, %sub3A_258, %div3A_237 : i32
      %mul3A_260 = arith.constant 2 : i32
      %mul3A_261 = arith.muli %select_n3A_259, %mul3A_260 : i32
      %sub3A_262 = arith.subi %scan3A_94, %mul3A_261 : i32
      %mul3A_263 = arith.constant 128 : i32
      %mul3A_264 = arith.muli %sub3A_262, %mul3A_263 : i32
      %add3A_265 = arith.constant 0 : i32
      %add3A_266 = arith.addi %mul3A_264, %add3A_265 : i32
      %swap3A_267 = arith.index_cast %select_n3A_259 : i32 to index
      %swap3A_268 = arith.index_cast %add3A_266 : i32 to index
      %swap3A_269 = tpu.vector_load %arg10[%swap3A_267, %swap3A_268] {strides = array<i32>} : memref<20x256xi32, #tpu.memory_space<vmem>>, vector<16xi32>,
      tpu.vector_store %arg10[%swap3A_267, %swap3A_268], %add3A_208 {strides = array<i32>} : memref<20x256xi32, #tpu.memory_space<vmem>>, vector<16xi32>,
      %add3A_270 = arith.constant 4 : i32
      %add3A_271 = vector.broadcast %add3A_270 : i32 to vector<16xi32>
      %add3A_272 = arith.addi %add3A_208, %add3A_271 : vector<16xi32>
      %add3A_273 = arith.constant 16 : i32
      %add3A_274 = arith.addi %mul3A_264, %add3A_273 : i32
      %swap3A_275 = arith.index_cast %select_n3A_259 : i32 to index
      %swap3A_276 = arith.index_cast %add3A_274 : i32 to index
      %swap3A_277 = tpu.vector_load %arg10[%swap3A_275, %swap3A_276] {strides = array<i32>} : memref<20x256xi32, #tpu.memory_space<vmem>>, vector<16xi32>,
      tpu.vector_store %arg10[%swap3A_275, %swap3A_276], %add3A_272 {strides = array<i32>} : memref<20x256xi32, #tpu.memory_space<vmem>>, vector<16xi32>,
      %add3A_278 = arith.constant 32 : i32
      %add3A_279 = arith.addi %mul3A_264, %add3A_278 : i32
      %swap3A_280 = arith.index_cast %select_n3A_259 : i32 to index
      %swap3A_281 = arith.index_cast %add3A_279 : i32 to index
      %swap3A_282 = tpu.vector_load %arg10[%swap3A_280, %swap3A_281] {strides = array<i32>} : memref<20x256xi32, #tpu.memory_space<vmem>>, vector<16xi32>,
      tpu.vector_store %arg10[%swap3A_280, %swap3A_281], %add3A_217 {strides = array<i32>} : memref<20x256xi32, #tpu.memory_space<vmem>>, vector<16xi32>,
      %add3A_283 = arith.constant 4 : i32
      %add3A_284 = vector.broadcast %add3A_283 : i32 to vector<16xi32>
      %add3A_285 = arith.addi %add3A_217, %add3A_284 : vector<16xi32>
      %add3A_286 = arith.constant 48 : i32
      %add3A_287 = arith.addi %mul3A_264, %add3A_286 : i32
      %swap3A_288 = arith.index_cast %select_n3A_259 : i32 to index
      %swap3A_289 = arith.index_cast %add3A_287 : i32 to index
      %swap3A_290 = tpu.vector_load %arg10[%swap3A_288, %swap3A_289] {strides = array<i32>} : memref<20x256xi32, #tpu.memory_space<vmem>>, vector<16xi32>,
      tpu.vector_store %arg10[%swap3A_288, %swap3A_289], %add3A_285 {strides = array<i32>} : memref<20x256xi32, #tpu.memory_space<vmem>>, vector<16xi32>,
      %add3A_291 = arith.constant 64 : i32
      %add3A_292 = arith.addi %mul3A_264, %add3A_291 : i32
      %swap3A_293 = arith.index_cast %select_n3A_259 : i32 to index
      %swap3A_294 = arith.index_cast %add3A_292 : i32 to index
      %swap3A_295 = tpu.vector_load %arg10[%swap3A_293, %swap3A_294] {strides = array<i32>} : memref<20x256xi32, #tpu.memory_space<vmem>>, vector<16xi32>,
      tpu.vector_store %arg10[%swap3A_293, %swap3A_294], %add3A_226 {strides = array<i32>} : memref<20x256xi32, #tpu.memory_space<vmem>>, vector<16xi32>,
      %add3A_296 = arith.constant 4 : i32
      %add3A_297 = vector.broadcast %add3A_296 : i32 to vector<16xi32>
      %add3A_298 = arith.addi %add3A_226, %add3A_297 : vector<16xi32>
      %add3A_299 = arith.constant 80 : i32
      %add3A_300 = arith.addi %mul3A_264, %add3A_299 : i32
      %swap3A_301 = arith.index_cast %select_n3A_259 : i32 to index
      %swap3A_302 = arith.index_cast %add3A_300 : i32 to index
      %swap3A_303 = tpu.vector_load %arg10[%swap3A_301, %swap3A_302] {strides = array<i32>} : memref<20x256xi32, #tpu.memory_space<vmem>>, vector<16xi32>,
      tpu.vector_store %arg10[%swap3A_301, %swap3A_302], %add3A_298 {strides = array<i32>} : memref<20x256xi32, #tpu.memory_space<vmem>>, vector<16xi32>,
      %add3A_304 = arith.constant 96 : i32
      %add3A_305 = arith.addi %mul3A_264, %add3A_304 : i32
      %swap3A_306 = arith.index_cast %select_n3A_259 : i32 to index
      %swap3A_307 = arith.index_cast %add3A_305 : i32 to index
      %swap3A_308 = tpu.vector_load %arg10[%swap3A_306, %swap3A_307] {strides = array<i32>} : memref<20x256xi32, #tpu.memory_space<vmem>>, vector<16xi32>,
      tpu.vector_store %arg10[%swap3A_306, %swap3A_307], %add3A_235 {strides = array<i32>} : memref<20x256xi32, #tpu.memory_space<vmem>>, vector<16xi32>,
      %add3A_309 = arith.constant 4 : i32
      %add3A_310 = vector.broadcast %add3A_309 : i32 to vector<16xi32>
      %add3A_311 = arith.addi %add3A_235, %add3A_310 : vector<16xi32>
      %add3A_312 = arith.constant 112 : i32
      %add3A_313 = arith.addi %mul3A_264, %add3A_312 : i32
      %swap3A_314 = arith.index_cast %select_n3A_259 : i32 to index
      %swap3A_315 = arith.index_cast %add3A_313 : i32 to index
      %swap3A_316 = tpu.vector_load %arg10[%swap3A_314, %swap3A_315] {strides = array<i32>} : memref<20x256xi32, #tpu.memory_space<vmem>>, vector<16xi32>,
      tpu.vector_store %arg10[%swap3A_314, %swap3A_315], %add3A_311 {strides = array<i32>} : memref<20x256xi32, #tpu.memory_space<vmem>>, vector<16xi32>,
      %mul3A_317 = arith.constant 16 : i32
      %mul3A_318 = arith.muli %sub3A_121, %mul3A_317 : i32
      %add3A_319 = arith.addi %mul3A_32, %mul3A_318 : i32
      %add3A_320 = vector.broadcast %add3A_319 : i32 to vector<16xi32>
      %add3A_321 = arith.addi %add3A_320, %iota3A : vector<16xi32>
      %mul3A_322 = arith.constant 128 : i32
      %mul3A_323 = arith.muli %select_n3A, %mul3A_322 : i32
      %shift_right_logical3A = arith.constant 3 : i32
      %shift_right_logical3A_324 = vector.broadcast %shift_right_logical3A : i32 to vector<16xi32>
      %shift_right_logical3A_325 = arith.shrui %add3A_321, %shift_right_logical3A_324 : vector<16xi32>
      %add3A_326 = vector.broadcast %mul3A_323 : i32 to vector<16xi32>
      %add3A_327 = arith.addi %add3A_326, %shift_right_logical3A_325 : vector<16xi32>
      %mul3A_328 = arith.constant 10 : i32
      %mul3A_329 = vector.broadcast %mul3A_328 : i32 to vector<16xi32>
      %mul3A_330 = arith.muli %add3A_327, %mul3A_329 : vector<16xi32>
      %mul3A_331 = arith.constant 2 : i32
      %mul3A_332 = arith.muli %select_n3A_118, %mul3A_331 : i32
      %add3A_333 = vector.broadcast %mul3A_332 : i32 to vector<16xi32>
      %add3A_334 = arith.addi %mul3A_330, %add3A_333 : vector<16xi32>
      %mul3A_335 = arith.constant 8 : i32
      %mul3A_336 = vector.broadcast %mul3A_335 : i32 to vector<16xi32>
      %mul3A_337 = arith.muli %add3A_334, %mul3A_336 : vector<16xi32>
      %and3A_338 = arith.constant 7 : i32
      %and3A_339 = vector.broadcast %and3A_338 : i32 to vector<16xi32>
      %and3A_340 = arith.andi %add3A_321, %and3A_339 : vector<16xi32>
      %add3A_341 = arith.addi %mul3A_337, %and3A_340 : vector<16xi32>
      %mul3A_342 = arith.constant 2 : i32
      %mul3A_343 = arith.muli %select_n3A_259, %mul3A_342 : i32
      %sub3A_344 = arith.subi %scan3A_94, %mul3A_343 : i32
      %mul3A_345 = arith.constant 32 : i32
      %mul3A_346 = arith.muli %sub3A_344, %mul3A_345 : i32
      %swap3A_347 = arith.index_cast %select_n3A_259 : i32 to index
      %swap3A_348 = arith.index_cast %mul3A_346 : i32 to index
      %swap3A_349 = tpu.vector_load %arg11[%swap3A_347, %swap3A_348] {strides = array<i32>} : memref<20x64xi32, #tpu.memory_space<vmem>>, vector<16xi32>,
      tpu.vector_store %arg11[%swap3A_347, %swap3A_348], %add3A_341 {strides = array<i32>} : memref<20x64xi32, #tpu.memory_space<vmem>>, vector<16xi32>,
      %add3A_350 = arith.constant 8 : i32
      %add3A_351 = vector.broadcast %add3A_350 : i32 to vector<16xi32>
      %add3A_352 = arith.addi %add3A_341, %add3A_351 : vector<16xi32>
      %add3A_353 = arith.constant 16 : i32
      %add3A_354 = arith.addi %mul3A_346, %add3A_353 : i32
      %swap3A_355 = arith.index_cast %select_n3A_259 : i32 to index
      %swap3A_356 = arith.index_cast %add3A_354 : i32 to index
      %swap3A_357 = tpu.vector_load %arg11[%swap3A_355, %swap3A_356] {strides = array<i32>} : memref<20x64xi32, #tpu.memory_space<vmem>>, vector<16xi32>,
      tpu.vector_store %arg11[%swap3A_355, %swap3A_356], %add3A_352 {strides = array<i32>} : memref<20x64xi32, #tpu.memory_space<vmem>>, vector<16xi32>,
    }
    %scan3A_47 = arith.constant 2 : i32
    %dma_start3A_48 = arith.constant 1 : i32
    %dma_start3A_49 = arith.constant 0 : i32
    %dma_start3A_50 = tpu.memref_slice %arg10[%dma_start3A_48, %dma_start3A_49] : memref<20x256xi32, #tpu.memory_space<vmem>> -> memref<1x256xi32, #tpu.memory_space<vmem>>
    %dma_start3A_51 = tpu.memref_squeeze %dma_start3A_50 : memref<1x256xi32, #tpu.memory_space<vmem>> -> memref<256xi32, #tpu.memory_space<vmem>>
    %dma_start3A_52 = arith.constant 0 : i32
    %dma_start3A_53 = arith.constant 0 : i32
    %dma_start3A_54 = tpu.memref_slice %arg2[%dma_start3A_52, %dma_start3A_53] : memref<259200x128xf32, #tpu.memory_space<hbm>> -> memref<259200x128xf32, #tpu.memory_space<hbm>>
    tpu.enqueue_indirect_dma source(%dma_start3A_54 : memref<259200x128xf32, #tpu.memory_space<hbm>>) target(%arg13 : memref<256x128xf32, #tpu.memory_space<vmem>>) offsets(%dma_start3A_51 : memref<256xi32, #tpu.memory_space<vmem>>) semaphore(%arg17 : memref<!tpu.dma_semaphore, #tpu.memory_space<semaphore_mem>>)
    %scan3A_55 = arith.constant 4 : i32
    %scan3A_56 = arith.constant 2 : i32
    %scan3A_57 = arith.addi %scan3A_55, %scan3A_56 : i32
    %scan3A_58 = arith.constant 1 : i32
    scf.for %scan3A_94 = %scan3A_55 to %scan3A_57 step %scan3A_58  : i32 {
      %jit3A_95 = arith.constant 8 : i32
      %div3A_96 = arith.divsi %scan3A_94, %jit3A_95 : i32
      %sign3A_97 = arith.constant 0 : i32
      %sign3A_98 = arith.cmpi sgt, %scan3A_94, %sign3A_97 : i32
      %sign3A_99 = arith.extui %sign3A_98 : i1 to i32
      %sign3A_100 = arith.constant 0 : i32
      %sign3A_101 = arith.cmpi slt, %scan3A_94, %sign3A_100 : i32
      %sign3A_102 = arith.extui %sign3A_101 : i1 to i32
      %sign3A_103 = arith.subi %sign3A_99, %sign3A_102 : i32
      %sign3A_104 = arith.constant 0 : i32
      %sign3A_105 = arith.cmpi sgt, %jit3A_95, %sign3A_104 : i32
      %sign3A_106 = arith.extui %sign3A_105 : i1 to i32
      %sign3A_107 = arith.constant 0 : i32
      %sign3A_108 = arith.cmpi slt, %jit3A_95, %sign3A_107 : i32
      %sign3A_109 = arith.extui %sign3A_108 : i1 to i32
      %sign3A_110 = arith.subi %sign3A_106, %sign3A_109 : i32
      %ne3A_111 = arith.cmpi ne, %sign3A_103, %sign3A_110 : i32
      %rem3A_112 = arith.remsi %scan3A_94, %jit3A_95 : i32
      %ne3A_113 = arith.constant 0 : i32
      %ne3A_114 = arith.cmpi ne, %rem3A_112, %ne3A_113 : i32
      %and3A_115 = arith.andi %ne3A_111, %ne3A_114 : i1
      %sub3A_116 = arith.constant 1 : i32
      %sub3A_117 = arith.subi %div3A_96, %sub3A_116 : i32
      %select_n3A_118 = arith.select %and3A_115, %sub3A_117, %div3A_96 : i32
      %mul3A_119 = arith.constant 8 : i32
      %mul3A_120 = arith.muli %select_n3A_118, %mul3A_119 : i32
      %sub3A_121 = arith.subi %scan3A_94, %mul3A_120 : i32
      %mul3A_122 = arith.constant 16 : i32
      %mul3A_123 = arith.muli %sub3A_121, %mul3A_122 : i32
      %get3A = arith.constant 0 : i32
      %get3A_124 = arith.index_cast %select_n3A_118 : i32 to index
      %get3A_125 = arith.index_cast %get3A : i32 to index
      %get3A_126 = arith.index_cast %mul3A_123 : i32 to index
      %get3A_127 = tpu.vector_load %arg5[%get3A_124, %get3A_125, %get3A_126] {strides = array<i32>} : memref<5x2x128xf32, #tpu.memory_space<vmem>>, vector<16xf32>,
      %sub3A_128 = arith.constant -5.400000e+01 : f32
      %sub3A_129 = vector.broadcast %sub3A_128 : f32 to vector<16xf32>
      %sub3A_130 = arith.subf %get3A_127, %sub3A_129 : vector<16xf32>
      %div3A_131 = arith.constant 6.000000e-01 : f32
      %div3A_132 = vector.broadcast %div3A_131 : f32 to vector<16xf32>
      %div3A_133 = arith.divf %sub3A_130, %div3A_132 : vector<16xf32>
      %get3A_134 = arith.constant 1 : i32
      %get3A_135 = arith.index_cast %select_n3A_118 : i32 to index
      %get3A_136 = arith.index_cast %get3A_134 : i32 to index
      %get3A_137 = arith.index_cast %mul3A_123 : i32 to index
      %get3A_138 = tpu.vector_load %arg5[%get3A_135, %get3A_136, %get3A_137] {strides = array<i32>} : memref<5x2x128xf32, #tpu.memory_space<vmem>>, vector<16xf32>,
      %sub3A_139 = arith.constant -5.400000e+01 : f32
      %sub3A_140 = vector.broadcast %sub3A_139 : f32 to vector<16xf32>
      %sub3A_141 = arith.subf %get3A_138, %sub3A_140 : vector<16xf32>
      %div3A_142 = arith.constant 6.000000e-01 : f32
      %div3A_143 = vector.broadcast %div3A_142 : f32 to vector<16xf32>
      %div3A_144 = arith.divf %sub3A_141, %div3A_143 : vector<16xf32>
      %convert_element_type3A = arith.fptosi %div3A_133 : vector<16xf32> to vector<16xi32>
      %convert_element_type3A_145 = arith.fptosi %div3A_144 : vector<16xf32> to vector<16xi32>
      %convert_element_type3A_146 = arith.sitofp %convert_element_type3A : vector<16xi32> to vector<16xf32>
      %gt3A = arith.cmpf ogt, %convert_element_type3A_146, %div3A_133 : vector<16xf32>
      %sub3A_147 = arith.constant 1 : i32
      %sub3A_148 = vector.broadcast %sub3A_147 : i32 to vector<16xi32>
      %sub3A_149 = arith.subi %convert_element_type3A, %sub3A_148 : vector<16xi32>
      %select_n3A_150 = arith.select %gt3A, %sub3A_149, %convert_element_type3A : vector<16xi1>, vector<16xi32>
      %convert_element_type3A_151 = arith.sitofp %convert_element_type3A_145 : vector<16xi32> to vector<16xf32>
      %gt3A_152 = arith.cmpf ogt, %convert_element_type3A_151, %div3A_144 : vector<16xf32>
      %sub3A_153 = arith.constant 1 : i32
      %sub3A_154 = vector.broadcast %sub3A_153 : i32 to vector<16xi32>
      %sub3A_155 = arith.subi %convert_element_type3A_145, %sub3A_154 : vector<16xi32>
      %select_n3A_156 = arith.select %gt3A_152, %sub3A_155, %convert_element_type3A_145 : vector<16xi1>, vector<16xi32>
      %jit3A_157 = arith.constant 0 : i32
      %jit3A_158 = arith.constant 179 : i32
      %max3A = vector.broadcast %jit3A_157 : i32 to vector<16xi32>
      %max3A_159 = arith.maxsi %max3A, %select_n3A_150 : vector<16xi32>
      %min3A = vector.broadcast %jit3A_158 : i32 to vector<16xi32>
      %min3A_160 = arith.minsi %min3A, %max3A_159 : vector<16xi32>
      %jit3A_161 = arith.constant 0 : i32
      %jit3A_162 = arith.constant 179 : i32
      %max3A_163 = vector.broadcast %jit3A_161 : i32 to vector<16xi32>
      %max3A_164 = arith.maxsi %max3A_163, %select_n3A_156 : vector<16xi32>
      %min3A_165 = vector.broadcast %jit3A_162 : i32 to vector<16xi32>
      %min3A_166 = arith.minsi %min3A_165, %max3A_164 : vector<16xi32>
      %add3A_167 = arith.constant 1 : i32
      %add3A_168 = vector.broadcast %add3A_167 : i32 to vector<16xi32>
      %add3A_169 = arith.addi %min3A_160, %add3A_168 : vector<16xi32>
      %min3A_170 = arith.constant 179 : i32
      %min3A_171 = vector.broadcast %min3A_170 : i32 to vector<16xi32>
      %min3A_172 = arith.minsi %add3A_169, %min3A_171 : vector<16xi32>
      %add3A_173 = arith.constant 1 : i32
      %add3A_174 = vector.broadcast %add3A_173 : i32 to vector<16xi32>
      %add3A_175 = arith.addi %min3A_166, %add3A_174 : vector<16xi32>
      %min3A_176 = arith.constant 179 : i32
      %min3A_177 = vector.broadcast %min3A_176 : i32 to vector<16xi32>
      %min3A_178 = arith.minsi %add3A_175, %min3A_177 : vector<16xi32>
      %convert_element_type3A_179 = arith.sitofp %min3A_160 : vector<16xi32> to vector<16xf32>
      %sub3A_180 = arith.subf %div3A_133, %convert_element_type3A_179 : vector<16xf32>
      %convert_element_type3A_181 = arith.sitofp %min3A_172 : vector<16xi32> to vector<16xf32>
      %sub3A_182 = arith.subf %convert_element_type3A_181, %div3A_133 : vector<16xf32>
      %convert_element_type3A_183 = arith.sitofp %min3A_166 : vector<16xi32> to vector<16xf32>
      %sub3A_184 = arith.subf %div3A_144, %convert_element_type3A_183 : vector<16xf32>
      %convert_element_type3A_185 = arith.sitofp %min3A_178 : vector<16xi32> to vector<16xf32>
      %sub3A_186 = arith.subf %convert_element_type3A_185, %div3A_144 : vector<16xf32>
      %mul3A_187 = arith.constant 16 : i32
      %mul3A_188 = arith.muli %scan3A_94, %mul3A_187 : i32
      %mul3A_189 = arith.mulf %sub3A_182, %sub3A_186 : vector<16xf32>
      %swap3A = arith.index_cast %mul3A_188 : i32 to index
      %swap3A_190 = tpu.vector_load %arg6[%swap3A] {strides = array<i32>} : memref<640xf32, #tpu.memory_space<vmem>>, vector<16xf32>,
      tpu.vector_store %arg6[%swap3A], %mul3A_189 {strides = array<i32>} : memref<640xf32, #tpu.memory_space<vmem>>, vector<16xf32>,
      %mul3A_191 = arith.mulf %sub3A_182, %sub3A_184 : vector<16xf32>
      %swap3A_192 = arith.index_cast %mul3A_188 : i32 to index
      %swap3A_193 = tpu.vector_load %arg7[%swap3A_192] {strides = array<i32>} : memref<640xf32, #tpu.memory_space<vmem>>, vector<16xf32>,
      tpu.vector_store %arg7[%swap3A_192], %mul3A_191 {strides = array<i32>} : memref<640xf32, #tpu.memory_space<vmem>>, vector<16xf32>,
      %mul3A_194 = arith.mulf %sub3A_180, %sub3A_186 : vector<16xf32>
      %swap3A_195 = arith.index_cast %mul3A_188 : i32 to index
      %swap3A_196 = tpu.vector_load %arg8[%swap3A_195] {strides = array<i32>} : memref<640xf32, #tpu.memory_space<vmem>>, vector<16xf32>,
      tpu.vector_store %arg8[%swap3A_195], %mul3A_194 {strides = array<i32>} : memref<640xf32, #tpu.memory_space<vmem>>, vector<16xf32>,
      %mul3A_197 = arith.mulf %sub3A_180, %sub3A_184 : vector<16xf32>
      %swap3A_198 = arith.index_cast %mul3A_188 : i32 to index
      %swap3A_199 = tpu.vector_load %arg9[%swap3A_198] {strides = array<i32>} : memref<640xf32, #tpu.memory_space<vmem>>, vector<16xf32>,
      tpu.vector_store %arg9[%swap3A_198], %mul3A_197 {strides = array<i32>} : memref<640xf32, #tpu.memory_space<vmem>>, vector<16xf32>,
      %mul3A_200 = arith.constant 180 : i32
      %mul3A_201 = vector.broadcast %mul3A_200 : i32 to vector<16xi32>
      %mul3A_202 = arith.muli %min3A_166, %mul3A_201 : vector<16xi32>
      %add3A_203 = arith.addi %mul3A_202, %min3A_160 : vector<16xi32>
      %mul3A_204 = arith.constant 8 : i32
      %mul3A_205 = vector.broadcast %mul3A_204 : i32 to vector<16xi32>
      %mul3A_206 = arith.muli %add3A_203, %mul3A_205 : vector<16xi32>
      %add3A_207 = vector.broadcast %select_n3A : i32 to vector<16xi32>
      %add3A_208 = arith.addi %mul3A_206, %add3A_207 : vector<16xi32>
      %mul3A_209 = arith.constant 180 : i32
      %mul3A_210 = vector.broadcast %mul3A_209 : i32 to vector<16xi32>
      %mul3A_211 = arith.muli %min3A_178, %mul3A_210 : vector<16xi32>
      %add3A_212 = arith.addi %mul3A_211, %min3A_160 : vector<16xi32>
      %mul3A_213 = arith.constant 8 : i32
      %mul3A_214 = vector.broadcast %mul3A_213 : i32 to vector<16xi32>
      %mul3A_215 = arith.muli %add3A_212, %mul3A_214 : vector<16xi32>
      %add3A_216 = vector.broadcast %select_n3A : i32 to vector<16xi32>
      %add3A_217 = arith.addi %mul3A_215, %add3A_216 : vector<16xi32>
      %mul3A_218 = arith.constant 180 : i32
      %mul3A_219 = vector.broadcast %mul3A_218 : i32 to vector<16xi32>
      %mul3A_220 = arith.muli %min3A_166, %mul3A_219 : vector<16xi32>
      %add3A_221 = arith.addi %mul3A_220, %min3A_172 : vector<16xi32>
      %mul3A_222 = arith.constant 8 : i32
      %mul3A_223 = vector.broadcast %mul3A_222 : i32 to vector<16xi32>
      %mul3A_224 = arith.muli %add3A_221, %mul3A_223 : vector<16xi32>
      %add3A_225 = vector.broadcast %select_n3A : i32 to vector<16xi32>
      %add3A_226 = arith.addi %mul3A_224, %add3A_225 : vector<16xi32>
      %mul3A_227 = arith.constant 180 : i32
      %mul3A_228 = vector.broadcast %mul3A_227 : i32 to vector<16xi32>
      %mul3A_229 = arith.muli %min3A_178, %mul3A_228 : vector<16xi32>
      %add3A_230 = arith.addi %mul3A_229, %min3A_172 : vector<16xi32>
      %mul3A_231 = arith.constant 8 : i32
      %mul3A_232 = vector.broadcast %mul3A_231 : i32 to vector<16xi32>
      %mul3A_233 = arith.muli %add3A_230, %mul3A_232 : vector<16xi32>
      %add3A_234 = vector.broadcast %select_n3A : i32 to vector<16xi32>
      %add3A_235 = arith.addi %mul3A_233, %add3A_234 : vector<16xi32>
      %jit3A_236 = arith.constant 2 : i32
      %div3A_237 = arith.divsi %scan3A_94, %jit3A_236 : i32
      %sign3A_238 = arith.constant 0 : i32
      %sign3A_239 = arith.cmpi sgt, %scan3A_94, %sign3A_238 : i32
      %sign3A_240 = arith.extui %sign3A_239 : i1 to i32
      %sign3A_241 = arith.constant 0 : i32
      %sign3A_242 = arith.cmpi slt, %scan3A_94, %sign3A_241 : i32
      %sign3A_243 = arith.extui %sign3A_242 : i1 to i32
      %sign3A_244 = arith.subi %sign3A_240, %sign3A_243 : i32
      %sign3A_245 = arith.constant 0 : i32
      %sign3A_246 = arith.cmpi sgt, %jit3A_236, %sign3A_245 : i32
      %sign3A_247 = arith.extui %sign3A_246 : i1 to i32
      %sign3A_248 = arith.constant 0 : i32
      %sign3A_249 = arith.cmpi slt, %jit3A_236, %sign3A_248 : i32
      %sign3A_250 = arith.extui %sign3A_249 : i1 to i32
      %sign3A_251 = arith.subi %sign3A_247, %sign3A_250 : i32
      %ne3A_252 = arith.cmpi ne, %sign3A_244, %sign3A_251 : i32
      %rem3A_253 = arith.remsi %scan3A_94, %jit3A_236 : i32
      %ne3A_254 = arith.constant 0 : i32
      %ne3A_255 = arith.cmpi ne, %rem3A_253, %ne3A_254 : i32
      %and3A_256 = arith.andi %ne3A_252, %ne3A_255 : i1
      %sub3A_257 = arith.constant 1 : i32
      %sub3A_258 = arith.subi %div3A_237, %sub3A_257 : i32
      %select_n3A_259 = arith.select %and3A_256, %sub3A_258, %div3A_237 : i32
      %mul3A_260 = arith.constant 2 : i32
      %mul3A_261 = arith.muli %select_n3A_259, %mul3A_260 : i32
      %sub3A_262 = arith.subi %scan3A_94, %mul3A_261 : i32
      %mul3A_263 = arith.constant 128 : i32
      %mul3A_264 = arith.muli %sub3A_262, %mul3A_263 : i32
      %add3A_265 = arith.constant 0 : i32
      %add3A_266 = arith.addi %mul3A_264, %add3A_265 : i32
      %swap3A_267 = arith.index_cast %select_n3A_259 : i32 to index
      %swap3A_268 = arith.index_cast %add3A_266 : i32 to index
      %swap3A_269 = tpu.vector_load %arg10[%swap3A_267, %swap3A_268] {strides = array<i32>} : memref<20x256xi32, #tpu.memory_space<vmem>>, vector<16xi32>,
      tpu.vector_store %arg10[%swap3A_267, %swap3A_268], %add3A_208 {strides = array<i32>} : memref<20x256xi32, #tpu.memory_space<vmem>>, vector<16xi32>,
      %add3A_270 = arith.constant 4 : i32
      %add3A_271 = vector.broadcast %add3A_270 : i32 to vector<16xi32>
      %add3A_272 = arith.addi %add3A_208, %add3A_271 : vector<16xi32>
      %add3A_273 = arith.constant 16 : i32
      %add3A_274 = arith.addi %mul3A_264, %add3A_273 : i32
      %swap3A_275 = arith.index_cast %select_n3A_259 : i32 to index
      %swap3A_276 = arith.index_cast %add3A_274 : i32 to index
      %swap3A_277 = tpu.vector_load %arg10[%swap3A_275, %swap3A_276] {strides = array<i32>} : memref<20x256xi32, #tpu.memory_space<vmem>>, vector<16xi32>,
      tpu.vector_store %arg10[%swap3A_275, %swap3A_276], %add3A_272 {strides = array<i32>} : memref<20x256xi32, #tpu.memory_space<vmem>>, vector<16xi32>,
      %add3A_278 = arith.constant 32 : i32
      %add3A_279 = arith.addi %mul3A_264, %add3A_278 : i32
      %swap3A_280 = arith.index_cast %select_n3A_259 : i32 to index
      %swap3A_281 = arith.index_cast %add3A_279 : i32 to index
      %swap3A_282 = tpu.vector_load %arg10[%swap3A_280, %swap3A_281] {strides = array<i32>} : memref<20x256xi32, #tpu.memory_space<vmem>>, vector<16xi32>,
      tpu.vector_store %arg10[%swap3A_280, %swap3A_281], %add3A_217 {strides = array<i32>} : memref<20x256xi32, #tpu.memory_space<vmem>>, vector<16xi32>,
      %add3A_283 = arith.constant 4 : i32
      %add3A_284 = vector.broadcast %add3A_283 : i32 to vector<16xi32>
      %add3A_285 = arith.addi %add3A_217, %add3A_284 : vector<16xi32>
      %add3A_286 = arith.constant 48 : i32
      %add3A_287 = arith.addi %mul3A_264, %add3A_286 : i32
      %swap3A_288 = arith.index_cast %select_n3A_259 : i32 to index
      %swap3A_289 = arith.index_cast %add3A_287 : i32 to index
      %swap3A_290 = tpu.vector_load %arg10[%swap3A_288, %swap3A_289] {strides = array<i32>} : memref<20x256xi32, #tpu.memory_space<vmem>>, vector<16xi32>,
      tpu.vector_store %arg10[%swap3A_288, %swap3A_289], %add3A_285 {strides = array<i32>} : memref<20x256xi32, #tpu.memory_space<vmem>>, vector<16xi32>,
      %add3A_291 = arith.constant 64 : i32
      %add3A_292 = arith.addi %mul3A_264, %add3A_291 : i32
      %swap3A_293 = arith.index_cast %select_n3A_259 : i32 to index
      %swap3A_294 = arith.index_cast %add3A_292 : i32 to index
      %swap3A_295 = tpu.vector_load %arg10[%swap3A_293, %swap3A_294] {strides = array<i32>} : memref<20x256xi32, #tpu.memory_space<vmem>>, vector<16xi32>,
      tpu.vector_store %arg10[%swap3A_293, %swap3A_294], %add3A_226 {strides = array<i32>} : memref<20x256xi32, #tpu.memory_space<vmem>>, vector<16xi32>,
      %add3A_296 = arith.constant 4 : i32
      %add3A_297 = vector.broadcast %add3A_296 : i32 to vector<16xi32>
      %add3A_298 = arith.addi %add3A_226, %add3A_297 : vector<16xi32>
      %add3A_299 = arith.constant 80 : i32
      %add3A_300 = arith.addi %mul3A_264, %add3A_299 : i32
      %swap3A_301 = arith.index_cast %select_n3A_259 : i32 to index
      %swap3A_302 = arith.index_cast %add3A_300 : i32 to index
      %swap3A_303 = tpu.vector_load %arg10[%swap3A_301, %swap3A_302] {strides = array<i32>} : memref<20x256xi32, #tpu.memory_space<vmem>>, vector<16xi32>,
      tpu.vector_store %arg10[%swap3A_301, %swap3A_302], %add3A_298 {strides = array<i32>} : memref<20x256xi32, #tpu.memory_space<vmem>>, vector<16xi32>,
      %add3A_304 = arith.constant 96 : i32
      %add3A_305 = arith.addi %mul3A_264, %add3A_304 : i32
      %swap3A_306 = arith.index_cast %select_n3A_259 : i32 to index
      %swap3A_307 = arith.index_cast %add3A_305 : i32 to index
      %swap3A_308 = tpu.vector_load %arg10[%swap3A_306, %swap3A_307] {strides = array<i32>} : memref<20x256xi32, #tpu.memory_space<vmem>>, vector<16xi32>,
      tpu.vector_store %arg10[%swap3A_306, %swap3A_307], %add3A_235 {strides = array<i32>} : memref<20x256xi32, #tpu.memory_space<vmem>>, vector<16xi32>,
      %add3A_309 = arith.constant 4 : i32
      %add3A_310 = vector.broadcast %add3A_309 : i32 to vector<16xi32>
      %add3A_311 = arith.addi %add3A_235, %add3A_310 : vector<16xi32>
      %add3A_312 = arith.constant 112 : i32
      %add3A_313 = arith.addi %mul3A_264, %add3A_312 : i32
      %swap3A_314 = arith.index_cast %select_n3A_259 : i32 to index
      %swap3A_315 = arith.index_cast %add3A_313 : i32 to index
      %swap3A_316 = tpu.vector_load %arg10[%swap3A_314, %swap3A_315] {strides = array<i32>} : memref<20x256xi32, #tpu.memory_space<vmem>>, vector<16xi32>,
      tpu.vector_store %arg10[%swap3A_314, %swap3A_315], %add3A_311 {strides = array<i32>} : memref<20x256xi32, #tpu.memory_space<vmem>>, vector<16xi32>,
      %mul3A_317 = arith.constant 16 : i32
      %mul3A_318 = arith.muli %sub3A_121, %mul3A_317 : i32
      %add3A_319 = arith.addi %mul3A_32, %mul3A_318 : i32
      %add3A_320 = vector.broadcast %add3A_319 : i32 to vector<16xi32>
      %add3A_321 = arith.addi %add3A_320, %iota3A : vector<16xi32>
      %mul3A_322 = arith.constant 128 : i32
      %mul3A_323 = arith.muli %select_n3A, %mul3A_322 : i32
      %shift_right_logical3A = arith.constant 3 : i32
      %shift_right_logical3A_324 = vector.broadcast %shift_right_logical3A : i32 to vector<16xi32>
      %shift_right_logical3A_325 = arith.shrui %add3A_321, %shift_right_logical3A_324 : vector<16xi32>
      %add3A_326 = vector.broadcast %mul3A_323 : i32 to vector<16xi32>
      %add3A_327 = arith.addi %add3A_326, %shift_right_logical3A_325 : vector<16xi32>
      %mul3A_328 = arith.constant 10 : i32
      %mul3A_329 = vector.broadcast %mul3A_328 : i32 to vector<16xi32>
      %mul3A_330 = arith.muli %add3A_327, %mul3A_329 : vector<16xi32>
      %mul3A_331 = arith.constant 2 : i32
      %mul3A_332 = arith.muli %select_n3A_118, %mul3A_331 : i32
      %add3A_333 = vector.broadcast %mul3A_332 : i32 to vector<16xi32>
      %add3A_334 = arith.addi %mul3A_330, %add3A_333 : vector<16xi32>
      %mul3A_335 = arith.constant 8 : i32
      %mul3A_336 = vector.broadcast %mul3A_335 : i32 to vector<16xi32>
      %mul3A_337 = arith.muli %add3A_334, %mul3A_336 : vector<16xi32>
      %and3A_338 = arith.constant 7 : i32
      %and3A_339 = vector.broadcast %and3A_338 : i32 to vector<16xi32>
      %and3A_340 = arith.andi %add3A_321, %and3A_339 : vector<16xi32>
      %add3A_341 = arith.addi %mul3A_337, %and3A_340 : vector<16xi32>
      %mul3A_342 = arith.constant 2 : i32
      %mul3A_343 = arith.muli %select_n3A_259, %mul3A_342 : i32
      %sub3A_344 = arith.subi %scan3A_94, %mul3A_343 : i32
      %mul3A_345 = arith.constant 32 : i32
      %mul3A_346 = arith.muli %sub3A_344, %mul3A_345 : i32
      %swap3A_347 = arith.index_cast %select_n3A_259 : i32 to index
      %swap3A_348 = arith.index_cast %mul3A_346 : i32 to index
      %swap3A_349 = tpu.vector_load %arg11[%swap3A_347, %swap3A_348] {strides = array<i32>} : memref<20x64xi32, #tpu.memory_space<vmem>>, vector<16xi32>,
      tpu.vector_store %arg11[%swap3A_347, %swap3A_348], %add3A_341 {strides = array<i32>} : memref<20x64xi32, #tpu.memory_space<vmem>>, vector<16xi32>,
      %add3A_350 = arith.constant 8 : i32
      %add3A_351 = vector.broadcast %add3A_350 : i32 to vector<16xi32>
      %add3A_352 = arith.addi %add3A_341, %add3A_351 : vector<16xi32>
      %add3A_353 = arith.constant 16 : i32
      %add3A_354 = arith.addi %mul3A_346, %add3A_353 : i32
      %swap3A_355 = arith.index_cast %select_n3A_259 : i32 to index
      %swap3A_356 = arith.index_cast %add3A_354 : i32 to index
      %swap3A_357 = tpu.vector_load %arg11[%swap3A_355, %swap3A_356] {strides = array<i32>} : memref<20x64xi32, #tpu.memory_space<vmem>>, vector<16xi32>,
      tpu.vector_store %arg11[%swap3A_355, %swap3A_356], %add3A_352 {strides = array<i32>} : memref<20x64xi32, #tpu.memory_space<vmem>>, vector<16xi32>,
    }
    %scan3A_59 = arith.constant 2 : i32
    %scan3A_60 = arith.constant 0 : i32
    %scan3A_61 = arith.constant 0 : i32
    %scan3A_62 = arith.constant 10 : i32
    %scan3A_63 = arith.addi %scan3A_61, %scan3A_62 : i32
    %scan3A_64 = arith.constant 1 : i32
    %scan3A_65 = scf.for %scan3A_94 = %scan3A_61 to %scan3A_63 step %scan3A_64 iter_args(%scan3A_95 = %scan3A_60) -> (i32)  : i32 {
      %mul3A_96 = arith.constant 2 : i32
      %mul3A_97 = arith.muli %scan3A_94, %mul3A_96 : i32
      %add3A_98 = arith.constant 0 : i32
      %add3A_99 = arith.addi %mul3A_97, %add3A_98 : i32
      %dma_wait3A_100 = arith.constant 0 : i32
      %dma_wait3A_101 = tpu.memref_slice %arg10[%add3A_99, %dma_wait3A_100] : memref<20x256xi32, #tpu.memory_space<vmem>> -> memref<1x256xi32, #tpu.memory_space<vmem>>
      %dma_wait3A_102 = tpu.memref_squeeze %dma_wait3A_101 : memref<1x256xi32, #tpu.memory_space<vmem>> -> memref<256xi32, #tpu.memory_space<vmem>>
      %dma_wait3A_103 = arith.constant 0 : i32
      %dma_wait3A_104 = arith.constant 0 : i32
      %dma_wait3A_105 = tpu.memref_slice %arg2[%dma_wait3A_103, %dma_wait3A_104] : memref<259200x128xf32, #tpu.memory_space<hbm>> -> memref<259200x128xf32, #tpu.memory_space<hbm>>
      tpu.wait_indirect_dma semaphore(%arg16 : memref<!tpu.dma_semaphore, #tpu.memory_space<semaphore_mem>>) src(%dma_wait3A_105 : memref<259200x128xf32, #tpu.memory_space<hbm>>) dst(%arg12 : memref<256x128xf32, #tpu.memory_space<vmem>>)
      %gt3A = arith.constant 0 : i32
      %gt3A_106 = arith.cmpi sgt, %scan3A_94, %gt3A : i32
      %convert_element_type3A = arith.extui %gt3A_106 : i1 to i32
      %cond3A = arith.constant 0 : i32
      %cond3A_107 = arith.cmpi ne, %convert_element_type3A, %cond3A : i32
      scf.if %cond3A_107 {
        %sub3A_182 = arith.constant 2 : i32
        %sub3A_183 = arith.subi %add3A_99, %sub3A_182 : i32
        %dma_wait3A_184 = arith.constant 0 : i32
        %dma_wait3A_185 = tpu.memref_slice %arg11[%sub3A_183, %dma_wait3A_184] : memref<20x64xi32, #tpu.memory_space<vmem>> -> memref<1x64xi32, #tpu.memory_space<vmem>>
        %dma_wait3A_186 = tpu.memref_squeeze %dma_wait3A_185 : memref<1x64xi32, #tpu.memory_space<vmem>> -> memref<64xi32, #tpu.memory_space<vmem>>
        %dma_wait3A_187 = arith.constant 0 : i32
        %dma_wait3A_188 = arith.constant 0 : i32
        %dma_wait3A_189 = tpu.memref_slice %arg4[%dma_wait3A_187, %dma_wait3A_188] : memref<40960x128xf32, #tpu.memory_space<hbm>> -> memref<40960x128xf32, #tpu.memory_space<hbm>>
        tpu.wait_indirect_dma semaphore(%arg18 : memref<!tpu.dma_semaphore, #tpu.memory_space<semaphore_mem>>) src(%arg14 : memref<64x128xf32, #tpu.memory_space<vmem>>) dst(%dma_wait3A_189 : memref<40960x128xf32, #tpu.memory_space<hbm>>)
      } else {
      }
      %scan3A_108 = arith.constant 0 : i32
      %scan3A_109 = arith.constant 0 : i32
      %scan3A_110 = arith.constant 2 : i32
      %scan3A_111 = arith.addi %scan3A_109, %scan3A_110 : i32
      %scan3A_112 = arith.constant 1 : i32
      %scan3A_113 = scf.for %scan3A_182 = %scan3A_109 to %scan3A_111 step %scan3A_112 iter_args(%scan3A_183 = %scan3A_108) -> (i32)  : i32 {
        %mul3A_184 = arith.constant 2 : i32
        %mul3A_185 = arith.muli %add3A_99, %mul3A_184 : i32
        %add3A_186 = arith.addi %mul3A_185, %scan3A_182 : i32
        %mul3A_187 = arith.constant 16 : i32
        %mul3A_188 = arith.muli %add3A_186, %mul3A_187 : i32
        %get3A = arith.index_cast %mul3A_188 : i32 to index
        %get3A_189 = tpu.vector_load %arg6[%get3A] {strides = array<i32>} : memref<640xf32, #tpu.memory_space<vmem>>, vector<16xf32>,
        %get3A_190 = arith.index_cast %mul3A_188 : i32 to index
        %get3A_191 = tpu.vector_load %arg7[%get3A_190] {strides = array<i32>} : memref<640xf32, #tpu.memory_space<vmem>>, vector<16xf32>,
        %get3A_192 = arith.index_cast %mul3A_188 : i32 to index
        %get3A_193 = tpu.vector_load %arg8[%get3A_192] {strides = array<i32>} : memref<640xf32, #tpu.memory_space<vmem>>, vector<16xf32>,
        %get3A_194 = arith.index_cast %mul3A_188 : i32 to index
        %get3A_195 = tpu.vector_load %arg9[%get3A_194] {strides = array<i32>} : memref<640xf32, #tpu.memory_space<vmem>>, vector<16xf32>,
        %mul3A_196 = arith.constant 128 : i32
        %mul3A_197 = arith.muli %scan3A_182, %mul3A_196 : i32
        %mul3A_198 = arith.constant 32 : i32
        %mul3A_199 = arith.muli %scan3A_182, %mul3A_198 : i32
        %parallel_loop3A = arith.constant 0 : i32
        %parallel_loop3A_200 = arith.constant 16 : i32
        %parallel_loop3A_201 = arith.constant 1 : i32
        scf.for %parallel_loop3A_203 = %parallel_loop3A to %parallel_loop3A_200 step %parallel_loop3A_201  : i32 {
          %parallel_loop3A_204 = vector.broadcast %parallel_loop3A_203 : i32 to vector<16xi32>
          %parallel_loop3A_205 = arith.constant 0 : i32
          %parallel_loop3A_206 = vector.broadcast %parallel_loop3A_205 : i32 to vector<16xi32>
          %parallel_loop3A_207 = arith.cmpi slt, %parallel_loop3A_204, %parallel_loop3A_206 : vector<16xi32>
          %parallel_loop3A_208 = arith.constant 16 : i32
          %parallel_loop3A_209 = vector.broadcast %parallel_loop3A_208 : i32 to vector<16xi32>
          %parallel_loop3A_210 = arith.addi %parallel_loop3A_204, %parallel_loop3A_209 : vector<16xi32>
          %parallel_loop3A_211 = arith.select %parallel_loop3A_207, %parallel_loop3A_210, %parallel_loop3A_204 : vector<16xi1>, vector<16xi32>
          %parallel_loop3A_212 = vector.shape_cast %parallel_loop3A_211 : vector<16xi32> to vector<16x1xi32>
          %parallel_loop3A_213 = vector.shape_cast %parallel_loop3A_212 : vector<16x1xi32> to vector<16xi32>
          %parallel_loop3A_214 = tpu.dynamic_gather %get3A_189[%parallel_loop3A_213] in [0] : vector<16xf32>, vector<16xi32> -> vector<16xf32>
          %parallel_loop3A_215 = arith.constant 0 : i32
          %parallel_loop3A_216 = vector.broadcast %parallel_loop3A_215 : i32 to vector<16xi32>
          %parallel_loop3A_217 = arith.cmpi slt, %parallel_loop3A_204, %parallel_loop3A_216 : vector<16xi32>
          %parallel_loop3A_218 = arith.constant 16 : i32
          %parallel_loop3A_219 = vector.broadcast %parallel_loop3A_218 : i32 to vector<16xi32>
          %parallel_loop3A_220 = arith.addi %parallel_loop3A_204, %parallel_loop3A_219 : vector<16xi32>
          %parallel_loop3A_221 = arith.select %parallel_loop3A_217, %parallel_loop3A_220, %parallel_loop3A_204 : vector<16xi1>, vector<16xi32>
          %parallel_loop3A_222 = vector.shape_cast %parallel_loop3A_221 : vector<16xi32> to vector<16x1xi32>
          %parallel_loop3A_223 = vector.shape_cast %parallel_loop3A_222 : vector<16x1xi32> to vector<16xi32>
          %parallel_loop3A_224 = tpu.dynamic_gather %get3A_191[%parallel_loop3A_223] in [0] : vector<16xf32>, vector<16xi32> -> vector<16xf32>
          %parallel_loop3A_225 = arith.constant 0 : i32
          %parallel_loop3A_226 = vector.broadcast %parallel_loop3A_225 : i32 to vector<16xi32>
          %parallel_loop3A_227 = arith.cmpi slt, %parallel_loop3A_204, %parallel_loop3A_226 : vector<16xi32>
          %parallel_loop3A_228 = arith.constant 16 : i32
          %parallel_loop3A_229 = vector.broadcast %parallel_loop3A_228 : i32 to vector<16xi32>
          %parallel_loop3A_230 = arith.addi %parallel_loop3A_204, %parallel_loop3A_229 : vector<16xi32>
          %parallel_loop3A_231 = arith.select %parallel_loop3A_227, %parallel_loop3A_230, %parallel_loop3A_204 : vector<16xi1>, vector<16xi32>
          %parallel_loop3A_232 = vector.shape_cast %parallel_loop3A_231 : vector<16xi32> to vector<16x1xi32>
          %parallel_loop3A_233 = vector.shape_cast %parallel_loop3A_232 : vector<16x1xi32> to vector<16xi32>
          %parallel_loop3A_234 = tpu.dynamic_gather %get3A_193[%parallel_loop3A_233] in [0] : vector<16xf32>, vector<16xi32> -> vector<16xf32>
          %parallel_loop3A_235 = arith.constant 0 : i32
          %parallel_loop3A_236 = vector.broadcast %parallel_loop3A_235 : i32 to vector<16xi32>
          %parallel_loop3A_237 = arith.cmpi slt, %parallel_loop3A_204, %parallel_loop3A_236 : vector<16xi32>
          %parallel_loop3A_238 = arith.constant 16 : i32
          %parallel_loop3A_239 = vector.broadcast %parallel_loop3A_238 : i32 to vector<16xi32>
          %parallel_loop3A_240 = arith.addi %parallel_loop3A_204, %parallel_loop3A_239 : vector<16xi32>
          %parallel_loop3A_241 = arith.select %parallel_loop3A_237, %parallel_loop3A_240, %parallel_loop3A_204 : vector<16xi1>, vector<16xi32>
          %parallel_loop3A_242 = vector.shape_cast %parallel_loop3A_241 : vector<16xi32> to vector<16x1xi32>
          %parallel_loop3A_243 = vector.shape_cast %parallel_loop3A_242 : vector<16x1xi32> to vector<16xi32>
          %parallel_loop3A_244 = tpu.dynamic_gather %get3A_195[%parallel_loop3A_243] in [0] : vector<16xf32>, vector<16xi32> -> vector<16xf32>
          %parallel_loop3A_245 = arith.constant 0 : i32
          %parallel_loop3A_246 = arith.addi %parallel_loop3A_245, %parallel_loop3A_203 : i32
          %parallel_loop3A_247 = arith.constant 0 : i32
          %parallel_loop3A_248 = arith.addi %mul3A_197, %parallel_loop3A_247 : i32
          %parallel_loop3A_249 = arith.addi %parallel_loop3A_248, %parallel_loop3A_246 : i32
          %parallel_loop3A_250 = arith.index_cast %parallel_loop3A_249 : i32 to index
          %parallel_loop3A_251 = arith.constant 0 : index
          %parallel_loop3A_252 = tpu.vector_load %arg12[%parallel_loop3A_250, %parallel_loop3A_251] {strides = array<i32>} : memref<256x128xf32, #tpu.memory_space<vmem>>, vector<16xf32>,
          %parallel_loop3A_253 = arith.mulf %parallel_loop3A_252, %parallel_loop3A_214 : vector<16xf32>
          %parallel_loop3A_254 = arith.constant 32 : i32
          %parallel_loop3A_255 = arith.addi %mul3A_197, %parallel_loop3A_254 : i32
          %parallel_loop3A_256 = arith.addi %parallel_loop3A_255, %parallel_loop3A_246 : i32
          %parallel_loop3A_257 = arith.index_cast %parallel_loop3A_256 : i32 to index
          %parallel_loop3A_258 = arith.constant 0 : index
          %parallel_loop3A_259 = tpu.vector_load %arg12[%parallel_loop3A_257, %parallel_loop3A_258] {strides = array<i32>} : memref<256x128xf32, #tpu.memory_space<vmem>>, vector<16xf32>,
          %parallel_loop3A_260 = arith.mulf %parallel_loop3A_259, %parallel_loop3A_224 : vector<16xf32>
          %parallel_loop3A_261 = arith.addf %parallel_loop3A_253, %parallel_loop3A_260 : vector<16xf32>
          %parallel_loop3A_262 = arith.constant 64 : i32
          %parallel_loop3A_263 = arith.addi %mul3A_197, %parallel_loop3A_262 : i32
          %parallel_loop3A_264 = arith.addi %parallel_loop3A_263, %parallel_loop3A_246 : i32
          %parallel_loop3A_265 = arith.index_cast %parallel_loop3A_264 : i32 to index
          %parallel_loop3A_266 = arith.constant 0 : index
          %parallel_loop3A_267 = tpu.vector_load %arg12[%parallel_loop3A_265, %parallel_loop3A_266] {strides = array<i32>} : memref<256x128xf32, #tpu.memory_space<vmem>>, vector<16xf32>,
          %parallel_loop3A_268 = arith.mulf %parallel_loop3A_267, %parallel_loop3A_234 : vector<16xf32>
          %parallel_loop3A_269 = arith.addf %parallel_loop3A_261, %parallel_loop3A_268 : vector<16xf32>
          %parallel_loop3A_270 = arith.constant 96 : i32
          %parallel_loop3A_271 = arith.addi %mul3A_197, %parallel_loop3A_270 : i32
          %parallel_loop3A_272 = arith.addi %parallel_loop3A_271, %parallel_loop3A_246 : i32
          %parallel_loop3A_273 = arith.index_cast %parallel_loop3A_272 : i32 to index
          %parallel_loop3A_274 = arith.constant 0 : index
          %parallel_loop3A_275 = tpu.vector_load %arg12[%parallel_loop3A_273, %parallel_loop3A_274] {strides = array<i32>} : memref<256x128xf32, #tpu.memory_space<vmem>>, vector<16xf32>,
          %parallel_loop3A_276 = arith.mulf %parallel_loop3A_275, %parallel_loop3A_244 : vector<16xf32>
          %parallel_loop3A_277 = arith.addf %parallel_loop3A_269, %parallel_loop3A_276 : vector<16xf32>
          %parallel_loop3A_278 = arith.addi %mul3A_199, %parallel_loop3A_246 : i32
          %parallel_loop3A_279 = arith.index_cast %parallel_loop3A_278 : i32 to index
          %parallel_loop3A_280 = arith.constant 0 : index
          %parallel_loop3A_281 = tpu.vector_load %arg14[%parallel_loop3A_279, %parallel_loop3A_280] {strides = array<i32>} : memref<64x128xf32, #tpu.memory_space<vmem>>, vector<16xf32>,
          tpu.vector_store %arg14[%parallel_loop3A_279, %parallel_loop3A_280], %parallel_loop3A_277 {strides = array<i32>} : memref<64x128xf32, #tpu.memory_space<vmem>>, vector<16xf32>,
          %parallel_loop3A_282 = arith.constant 0 : i32
          %parallel_loop3A_283 = arith.addi %mul3A_197, %parallel_loop3A_282 : i32
          %parallel_loop3A_284 = arith.addi %parallel_loop3A_283, %parallel_loop3A_246 : i32
          %parallel_loop3A_285 = arith.index_cast %parallel_loop3A_284 : i32 to index
          %parallel_loop3A_286 = arith.constant 16 : index
          %parallel_loop3A_287 = tpu.vector_load %arg12[%parallel_loop3A_285, %parallel_loop3A_286] {strides = array<i32>} : memref<256x128xf32, #tpu.memory_space<vmem>>, vector<16xf32>,
          %parallel_loop3A_288 = arith.mulf %parallel_loop3A_287, %parallel_loop3A_214 : vector<16xf32>
          %parallel_loop3A_289 = arith.constant 32 : i32
          %parallel_loop3A_290 = arith.addi %mul3A_197, %parallel_loop3A_289 : i32
          %parallel_loop3A_291 = arith.addi %parallel_loop3A_290, %parallel_loop3A_246 : i32
          %parallel_loop3A_292 = arith.index_cast %parallel_loop3A_291 : i32 to index
          %parallel_loop3A_293 = arith.constant 16 : index
          %parallel_loop3A_294 = tpu.vector_load %arg12[%parallel_loop3A_292, %parallel_loop3A_293] {strides = array<i32>} : memref<256x128xf32, #tpu.memory_space<vmem>>, vector<16xf32>,
          %parallel_loop3A_295 = arith.mulf %parallel_loop3A_294, %parallel_loop3A_224 : vector<16xf32>
          %parallel_loop3A_296 = arith.addf %parallel_loop3A_288, %parallel_loop3A_295 : vector<16xf32>
          %parallel_loop3A_297 = arith.constant 64 : i32
          %parallel_loop3A_298 = arith.addi %mul3A_197, %parallel_loop3A_297 : i32
          %parallel_loop3A_299 = arith.addi %parallel_loop3A_298, %parallel_loop3A_246 : i32
          %parallel_loop3A_300 = arith.index_cast %parallel_loop3A_299 : i32 to index
          %parallel_loop3A_301 = arith.constant 16 : index
          %parallel_loop3A_302 = tpu.vector_load %arg12[%parallel_loop3A_300, %parallel_loop3A_301] {strides = array<i32>} : memref<256x128xf32, #tpu.memory_space<vmem>>, vector<16xf32>,
          %parallel_loop3A_303 = arith.mulf %parallel_loop3A_302, %parallel_loop3A_234 : vector<16xf32>
          %parallel_loop3A_304 = arith.addf %parallel_loop3A_296, %parallel_loop3A_303 : vector<16xf32>
          %parallel_loop3A_305 = arith.constant 96 : i32
          %parallel_loop3A_306 = arith.addi %mul3A_197, %parallel_loop3A_305 : i32
          %parallel_loop3A_307 = arith.addi %parallel_loop3A_306, %parallel_loop3A_246 : i32
          %parallel_loop3A_308 = arith.index_cast %parallel_loop3A_307 : i32 to index
          %parallel_loop3A_309 = arith.constant 16 : index
          %parallel_loop3A_310 = tpu.vector_load %arg12[%parallel_loop3A_308, %parallel_loop3A_309] {strides = array<i32>} : memref<256x128xf32, #tpu.memory_space<vmem>>, vector<16xf32>,
          %parallel_loop3A_311 = arith.mulf %parallel_loop3A_310, %parallel_loop3A_244 : vector<16xf32>
          %parallel_loop3A_312 = arith.addf %parallel_loop3A_304, %parallel_loop3A_311 : vector<16xf32>
          %parallel_loop3A_313 = arith.addi %mul3A_199, %parallel_loop3A_246 : i32
          %parallel_loop3A_314 = arith.index_cast %parallel_loop3A_313 : i32 to index
          %parallel_loop3A_315 = arith.constant 16 : index
          %parallel_loop3A_316 = tpu.vector_load %arg14[%parallel_loop3A_314, %parallel_loop3A_315] {strides = array<i32>} : memref<64x128xf32, #tpu.memory_space<vmem>>, vector<16xf32>,
          tpu.vector_store %arg14[%parallel_loop3A_314, %parallel_loop3A_315], %parallel_loop3A_312 {strides = array<i32>} : memref<64x128xf32, #tpu.memory_space<vmem>>, vector<16xf32>,
          %parallel_loop3A_317 = arith.constant 0 : i32
          %parallel_loop3A_318 = arith.addi %mul3A_197, %parallel_loop3A_317 : i32
          %parallel_loop3A_319 = arith.addi %parallel_loop3A_318, %parallel_loop3A_246 : i32
          %parallel_loop3A_320 = arith.index_cast %parallel_loop3A_319 : i32 to index
          %parallel_loop3A_321 = arith.constant 32 : index
          %parallel_loop3A_322 = tpu.vector_load %arg12[%parallel_loop3A_320, %parallel_loop3A_321] {strides = array<i32>} : memref<256x128xf32, #tpu.memory_space<vmem>>, vector<16xf32>,
          %parallel_loop3A_323 = arith.mulf %parallel_loop3A_322, %parallel_loop3A_214 : vector<16xf32>
          %parallel_loop3A_324 = arith.constant 32 : i32
          %parallel_loop3A_325 = arith.addi %mul3A_197, %parallel_loop3A_324 : i32
          %parallel_loop3A_326 = arith.addi %parallel_loop3A_325, %parallel_loop3A_246 : i32
          %parallel_loop3A_327 = arith.index_cast %parallel_loop3A_326 : i32 to index
          %parallel_loop3A_328 = arith.constant 32 : index
          %parallel_loop3A_329 = tpu.vector_load %arg12[%parallel_loop3A_327, %parallel_loop3A_328] {strides = array<i32>} : memref<256x128xf32, #tpu.memory_space<vmem>>, vector<16xf32>,
          %parallel_loop3A_330 = arith.mulf %parallel_loop3A_329, %parallel_loop3A_224 : vector<16xf32>
          %parallel_loop3A_331 = arith.addf %parallel_loop3A_323, %parallel_loop3A_330 : vector<16xf32>
          %parallel_loop3A_332 = arith.constant 64 : i32
          %parallel_loop3A_333 = arith.addi %mul3A_197, %parallel_loop3A_332 : i32
          %parallel_loop3A_334 = arith.addi %parallel_loop3A_333, %parallel_loop3A_246 : i32
          %parallel_loop3A_335 = arith.index_cast %parallel_loop3A_334 : i32 to index
          %parallel_loop3A_336 = arith.constant 32 : index
          %parallel_loop3A_337 = tpu.vector_load %arg12[%parallel_loop3A_335, %parallel_loop3A_336] {strides = array<i32>} : memref<256x128xf32, #tpu.memory_space<vmem>>, vector<16xf32>,
          %parallel_loop3A_338 = arith.mulf %parallel_loop3A_337, %parallel_loop3A_234 : vector<16xf32>
          %parallel_loop3A_339 = arith.addf %parallel_loop3A_331, %parallel_loop3A_338 : vector<16xf32>
          %parallel_loop3A_340 = arith.constant 96 : i32
          %parallel_loop3A_341 = arith.addi %mul3A_197, %parallel_loop3A_340 : i32
          %parallel_loop3A_342 = arith.addi %parallel_loop3A_341, %parallel_loop3A_246 : i32
          %parallel_loop3A_343 = arith.index_cast %parallel_loop3A_342 : i32 to index
          %parallel_loop3A_344 = arith.constant 32 : index
          %parallel_loop3A_345 = tpu.vector_load %arg12[%parallel_loop3A_343, %parallel_loop3A_344] {strides = array<i32>} : memref<256x128xf32, #tpu.memory_space<vmem>>, vector<16xf32>,
          %parallel_loop3A_346 = arith.mulf %parallel_loop3A_345, %parallel_loop3A_244 : vector<16xf32>
          %parallel_loop3A_347 = arith.addf %parallel_loop3A_339, %parallel_loop3A_346 : vector<16xf32>
          %parallel_loop3A_348 = arith.addi %mul3A_199, %parallel_loop3A_246 : i32
          %parallel_loop3A_349 = arith.index_cast %parallel_loop3A_348 : i32 to index
          %parallel_loop3A_350 = arith.constant 32 : index
          %parallel_loop3A_351 = tpu.vector_load %arg14[%parallel_loop3A_349, %parallel_loop3A_350] {strides = array<i32>} : memref<64x128xf32, #tpu.memory_space<vmem>>, vector<16xf32>,
          tpu.vector_store %arg14[%parallel_loop3A_349, %parallel_loop3A_350], %parallel_loop3A_347 {strides = array<i32>} : memref<64x128xf32, #tpu.memory_space<vmem>>, vector<16xf32>,
          %parallel_loop3A_352 = arith.constant 0 : i32
          %parallel_loop3A_353 = arith.addi %mul3A_197, %parallel_loop3A_352 : i32
          %parallel_loop3A_354 = arith.addi %parallel_loop3A_353, %parallel_loop3A_246 : i32
          %parallel_loop3A_355 = arith.index_cast %parallel_loop3A_354 : i32 to index
          %parallel_loop3A_356 = arith.constant 48 : index
          %parallel_loop3A_357 = tpu.vector_load %arg12[%parallel_loop3A_355, %parallel_loop3A_356] {strides = array<i32>} : memref<256x128xf32, #tpu.memory_space<vmem>>, vector<16xf32>,
          %parallel_loop3A_358 = arith.mulf %parallel_loop3A_357, %parallel_loop3A_214 : vector<16xf32>
          %parallel_loop3A_359 = arith.constant 32 : i32
          %parallel_loop3A_360 = arith.addi %mul3A_197, %parallel_loop3A_359 : i32
          %parallel_loop3A_361 = arith.addi %parallel_loop3A_360, %parallel_loop3A_246 : i32
          %parallel_loop3A_362 = arith.index_cast %parallel_loop3A_361 : i32 to index
          %parallel_loop3A_363 = arith.constant 48 : index
          %parallel_loop3A_364 = tpu.vector_load %arg12[%parallel_loop3A_362, %parallel_loop3A_363] {strides = array<i32>} : memref<256x128xf32, #tpu.memory_space<vmem>>, vector<16xf32>,
          %parallel_loop3A_365 = arith.mulf %parallel_loop3A_364, %parallel_loop3A_224 : vector<16xf32>
          %parallel_loop3A_366 = arith.addf %parallel_loop3A_358, %parallel_loop3A_365 : vector<16xf32>
          %parallel_loop3A_367 = arith.constant 64 : i32
          %parallel_loop3A_368 = arith.addi %mul3A_197, %parallel_loop3A_367 : i32
          %parallel_loop3A_369 = arith.addi %parallel_loop3A_368, %parallel_loop3A_246 : i32
          %parallel_loop3A_370 = arith.index_cast %parallel_loop3A_369 : i32 to index
          %parallel_loop3A_371 = arith.constant 48 : index
          %parallel_loop3A_372 = tpu.vector_load %arg12[%parallel_loop3A_370, %parallel_loop3A_371] {strides = array<i32>} : memref<256x128xf32, #tpu.memory_space<vmem>>, vector<16xf32>,
          %parallel_loop3A_373 = arith.mulf %parallel_loop3A_372, %parallel_loop3A_234 : vector<16xf32>
          %parallel_loop3A_374 = arith.addf %parallel_loop3A_366, %parallel_loop3A_373 : vector<16xf32>
          %parallel_loop3A_375 = arith.constant 96 : i32
          %parallel_loop3A_376 = arith.addi %mul3A_197, %parallel_loop3A_375 : i32
          %parallel_loop3A_377 = arith.addi %parallel_loop3A_376, %parallel_loop3A_246 : i32
          %parallel_loop3A_378 = arith.index_cast %parallel_loop3A_377 : i32 to index
          %parallel_loop3A_379 = arith.constant 48 : index
          %parallel_loop3A_380 = tpu.vector_load %arg12[%parallel_loop3A_378, %parallel_loop3A_379] {strides = array<i32>} : memref<256x128xf32, #tpu.memory_space<vmem>>, vector<16xf32>,
          %parallel_loop3A_381 = arith.mulf %parallel_loop3A_380, %parallel_loop3A_244 : vector<16xf32>
          %parallel_loop3A_382 = arith.addf %parallel_loop3A_374, %parallel_loop3A_381 : vector<16xf32>
          %parallel_loop3A_383 = arith.addi %mul3A_199, %parallel_loop3A_246 : i32
          %parallel_loop3A_384 = arith.index_cast %parallel_loop3A_383 : i32 to index
          %parallel_loop3A_385 = arith.constant 48 : index
          %parallel_loop3A_386 = tpu.vector_load %arg14[%parallel_loop3A_384, %parallel_loop3A_385] {strides = array<i32>} : memref<64x128xf32, #tpu.memory_space<vmem>>, vector<16xf32>,
          tpu.vector_store %arg14[%parallel_loop3A_384, %parallel_loop3A_385], %parallel_loop3A_382 {strides = array<i32>} : memref<64x128xf32, #tpu.memory_space<vmem>>, vector<16xf32>,
          %parallel_loop3A_387 = arith.constant 0 : i32
          %parallel_loop3A_388 = arith.addi %mul3A_197, %parallel_loop3A_387 : i32
          %parallel_loop3A_389 = arith.addi %parallel_loop3A_388, %parallel_loop3A_246 : i32
          %parallel_loop3A_390 = arith.index_cast %parallel_loop3A_389 : i32 to index
          %parallel_loop3A_391 = arith.constant 64 : index
          %parallel_loop3A_392 = tpu.vector_load %arg12[%parallel_loop3A_390, %parallel_loop3A_391] {strides = array<i32>} : memref<256x128xf32, #tpu.memory_space<vmem>>, vector<16xf32>,
          %parallel_loop3A_393 = arith.mulf %parallel_loop3A_392, %parallel_loop3A_214 : vector<16xf32>
          %parallel_loop3A_394 = arith.constant 32 : i32
          %parallel_loop3A_395 = arith.addi %mul3A_197, %parallel_loop3A_394 : i32
          %parallel_loop3A_396 = arith.addi %parallel_loop3A_395, %parallel_loop3A_246 : i32
          %parallel_loop3A_397 = arith.index_cast %parallel_loop3A_396 : i32 to index
          %parallel_loop3A_398 = arith.constant 64 : index
          %parallel_loop3A_399 = tpu.vector_load %arg12[%parallel_loop3A_397, %parallel_loop3A_398] {strides = array<i32>} : memref<256x128xf32, #tpu.memory_space<vmem>>, vector<16xf32>,
          %parallel_loop3A_400 = arith.mulf %parallel_loop3A_399, %parallel_loop3A_224 : vector<16xf32>
          %parallel_loop3A_401 = arith.addf %parallel_loop3A_393, %parallel_loop3A_400 : vector<16xf32>
          %parallel_loop3A_402 = arith.constant 64 : i32
          %parallel_loop3A_403 = arith.addi %mul3A_197, %parallel_loop3A_402 : i32
          %parallel_loop3A_404 = arith.addi %parallel_loop3A_403, %parallel_loop3A_246 : i32
          %parallel_loop3A_405 = arith.index_cast %parallel_loop3A_404 : i32 to index
          %parallel_loop3A_406 = arith.constant 64 : index
          %parallel_loop3A_407 = tpu.vector_load %arg12[%parallel_loop3A_405, %parallel_loop3A_406] {strides = array<i32>} : memref<256x128xf32, #tpu.memory_space<vmem>>, vector<16xf32>,
          %parallel_loop3A_408 = arith.mulf %parallel_loop3A_407, %parallel_loop3A_234 : vector<16xf32>
          %parallel_loop3A_409 = arith.addf %parallel_loop3A_401, %parallel_loop3A_408 : vector<16xf32>
          %parallel_loop3A_410 = arith.constant 96 : i32
          %parallel_loop3A_411 = arith.addi %mul3A_197, %parallel_loop3A_410 : i32
          %parallel_loop3A_412 = arith.addi %parallel_loop3A_411, %parallel_loop3A_246 : i32
          %parallel_loop3A_413 = arith.index_cast %parallel_loop3A_412 : i32 to index
          %parallel_loop3A_414 = arith.constant 64 : index
          %parallel_loop3A_415 = tpu.vector_load %arg12[%parallel_loop3A_413, %parallel_loop3A_414] {strides = array<i32>} : memref<256x128xf32, #tpu.memory_space<vmem>>, vector<16xf32>,
          %parallel_loop3A_416 = arith.mulf %parallel_loop3A_415, %parallel_loop3A_244 : vector<16xf32>
          %parallel_loop3A_417 = arith.addf %parallel_loop3A_409, %parallel_loop3A_416 : vector<16xf32>
          %parallel_loop3A_418 = arith.addi %mul3A_199, %parallel_loop3A_246 : i32
          %parallel_loop3A_419 = arith.index_cast %parallel_loop3A_418 : i32 to index
          %parallel_loop3A_420 = arith.constant 64 : index
          %parallel_loop3A_421 = tpu.vector_load %arg14[%parallel_loop3A_419, %parallel_loop3A_420] {strides = array<i32>} : memref<64x128xf32, #tpu.memory_space<vmem>>, vector<16xf32>,
          tpu.vector_store %arg14[%parallel_loop3A_419, %parallel_loop3A_420], %parallel_loop3A_417 {strides = array<i32>} : memref<64x128xf32, #tpu.memory_space<vmem>>, vector<16xf32>,
          %parallel_loop3A_422 = arith.constant 0 : i32
          %parallel_loop3A_423 = arith.addi %mul3A_197, %parallel_loop3A_422 : i32
          %parallel_loop3A_424 = arith.addi %parallel_loop3A_423, %parallel_loop3A_246 : i32
          %parallel_loop3A_425 = arith.index_cast %parallel_loop3A_424 : i32 to index
          %parallel_loop3A_426 = arith.constant 80 : index
          %parallel_loop3A_427 = tpu.vector_load %arg12[%parallel_loop3A_425, %parallel_loop3A_426] {strides = array<i32>} : memref<256x128xf32, #tpu.memory_space<vmem>>, vector<16xf32>,
          %parallel_loop3A_428 = arith.mulf %parallel_loop3A_427, %parallel_loop3A_214 : vector<16xf32>
          %parallel_loop3A_429 = arith.constant 32 : i32
          %parallel_loop3A_430 = arith.addi %mul3A_197, %parallel_loop3A_429 : i32
          %parallel_loop3A_431 = arith.addi %parallel_loop3A_430, %parallel_loop3A_246 : i32
          %parallel_loop3A_432 = arith.index_cast %parallel_loop3A_431 : i32 to index
          %parallel_loop3A_433 = arith.constant 80 : index
          %parallel_loop3A_434 = tpu.vector_load %arg12[%parallel_loop3A_432, %parallel_loop3A_433] {strides = array<i32>} : memref<256x128xf32, #tpu.memory_space<vmem>>, vector<16xf32>,
          %parallel_loop3A_435 = arith.mulf %parallel_loop3A_434, %parallel_loop3A_224 : vector<16xf32>
          %parallel_loop3A_436 = arith.addf %parallel_loop3A_428, %parallel_loop3A_435 : vector<16xf32>
          %parallel_loop3A_437 = arith.constant 64 : i32
          %parallel_loop3A_438 = arith.addi %mul3A_197, %parallel_loop3A_437 : i32
          %parallel_loop3A_439 = arith.addi %parallel_loop3A_438, %parallel_loop3A_246 : i32
          %parallel_loop3A_440 = arith.index_cast %parallel_loop3A_439 : i32 to index
          %parallel_loop3A_441 = arith.constant 80 : index
          %parallel_loop3A_442 = tpu.vector_load %arg12[%parallel_loop3A_440, %parallel_loop3A_441] {strides = array<i32>} : memref<256x128xf32, #tpu.memory_space<vmem>>, vector<16xf32>,
          %parallel_loop3A_443 = arith.mulf %parallel_loop3A_442, %parallel_loop3A_234 : vector<16xf32>
          %parallel_loop3A_444 = arith.addf %parallel_loop3A_436, %parallel_loop3A_443 : vector<16xf32>
          %parallel_loop3A_445 = arith.constant 96 : i32
          %parallel_loop3A_446 = arith.addi %mul3A_197, %parallel_loop3A_445 : i32
          %parallel_loop3A_447 = arith.addi %parallel_loop3A_446, %parallel_loop3A_246 : i32
          %parallel_loop3A_448 = arith.index_cast %parallel_loop3A_447 : i32 to index
          %parallel_loop3A_449 = arith.constant 80 : index
          %parallel_loop3A_450 = tpu.vector_load %arg12[%parallel_loop3A_448, %parallel_loop3A_449] {strides = array<i32>} : memref<256x128xf32, #tpu.memory_space<vmem>>, vector<16xf32>,
          %parallel_loop3A_451 = arith.mulf %parallel_loop3A_450, %parallel_loop3A_244 : vector<16xf32>
          %parallel_loop3A_452 = arith.addf %parallel_loop3A_444, %parallel_loop3A_451 : vector<16xf32>
          %parallel_loop3A_453 = arith.addi %mul3A_199, %parallel_loop3A_246 : i32
          %parallel_loop3A_454 = arith.index_cast %parallel_loop3A_453 : i32 to index
          %parallel_loop3A_455 = arith.constant 80 : index
          %parallel_loop3A_456 = tpu.vector_load %arg14[%parallel_loop3A_454, %parallel_loop3A_455] {strides = array<i32>} : memref<64x128xf32, #tpu.memory_space<vmem>>, vector<16xf32>,
          tpu.vector_store %arg14[%parallel_loop3A_454, %parallel_loop3A_455], %parallel_loop3A_452 {strides = array<i32>} : memref<64x128xf32, #tpu.memory_space<vmem>>, vector<16xf32>,
          %parallel_loop3A_457 = arith.constant 0 : i32
          %parallel_loop3A_458 = arith.addi %mul3A_197, %parallel_loop3A_457 : i32
          %parallel_loop3A_459 = arith.addi %parallel_loop3A_458, %parallel_loop3A_246 : i32
          %parallel_loop3A_460 = arith.index_cast %parallel_loop3A_459 : i32 to index
          %parallel_loop3A_461 = arith.constant 96 : index
          %parallel_loop3A_462 = tpu.vector_load %arg12[%parallel_loop3A_460, %parallel_loop3A_461] {strides = array<i32>} : memref<256x128xf32, #tpu.memory_space<vmem>>, vector<16xf32>,
          %parallel_loop3A_463 = arith.mulf %parallel_loop3A_462, %parallel_loop3A_214 : vector<16xf32>
          %parallel_loop3A_464 = arith.constant 32 : i32
          %parallel_loop3A_465 = arith.addi %mul3A_197, %parallel_loop3A_464 : i32
          %parallel_loop3A_466 = arith.addi %parallel_loop3A_465, %parallel_loop3A_246 : i32
          %parallel_loop3A_467 = arith.index_cast %parallel_loop3A_466 : i32 to index
          %parallel_loop3A_468 = arith.constant 96 : index
          %parallel_loop3A_469 = tpu.vector_load %arg12[%parallel_loop3A_467, %parallel_loop3A_468] {strides = array<i32>} : memref<256x128xf32, #tpu.memory_space<vmem>>, vector<16xf32>,
          %parallel_loop3A_470 = arith.mulf %parallel_loop3A_469, %parallel_loop3A_224 : vector<16xf32>
          %parallel_loop3A_471 = arith.addf %parallel_loop3A_463, %parallel_loop3A_470 : vector<16xf32>
          %parallel_loop3A_472 = arith.constant 64 : i32
          %parallel_loop3A_473 = arith.addi %mul3A_197, %parallel_loop3A_472 : i32
          %parallel_loop3A_474 = arith.addi %parallel_loop3A_473, %parallel_loop3A_246 : i32
          %parallel_loop3A_475 = arith.index_cast %parallel_loop3A_474 : i32 to index
          %parallel_loop3A_476 = arith.constant 96 : index
          %parallel_loop3A_477 = tpu.vector_load %arg12[%parallel_loop3A_475, %parallel_loop3A_476] {strides = array<i32>} : memref<256x128xf32, #tpu.memory_space<vmem>>, vector<16xf32>,
          %parallel_loop3A_478 = arith.mulf %parallel_loop3A_477, %parallel_loop3A_234 : vector<16xf32>
          %parallel_loop3A_479 = arith.addf %parallel_loop3A_471, %parallel_loop3A_478 : vector<16xf32>
          %parallel_loop3A_480 = arith.constant 96 : i32
          %parallel_loop3A_481 = arith.addi %mul3A_197, %parallel_loop3A_480 : i32
          %parallel_loop3A_482 = arith.addi %parallel_loop3A_481, %parallel_loop3A_246 : i32
          %parallel_loop3A_483 = arith.index_cast %parallel_loop3A_482 : i32 to index
          %parallel_loop3A_484 = arith.constant 96 : index
          %parallel_loop3A_485 = tpu.vector_load %arg12[%parallel_loop3A_483, %parallel_loop3A_484] {strides = array<i32>} : memref<256x128xf32, #tpu.memory_space<vmem>>, vector<16xf32>,
          %parallel_loop3A_486 = arith.mulf %parallel_loop3A_485, %parallel_loop3A_244 : vector<16xf32>
          %parallel_loop3A_487 = arith.addf %parallel_loop3A_479, %parallel_loop3A_486 : vector<16xf32>
          %parallel_loop3A_488 = arith.addi %mul3A_199, %parallel_loop3A_246 : i32
          %parallel_loop3A_489 = arith.index_cast %parallel_loop3A_488 : i32 to index
          %parallel_loop3A_490 = arith.constant 96 : index
          %parallel_loop3A_491 = tpu.vector_load %arg14[%parallel_loop3A_489, %parallel_loop3A_490] {strides = array<i32>} : memref<64x128xf32, #tpu.memory_space<vmem>>, vector<16xf32>,
          tpu.vector_store %arg14[%parallel_loop3A_489, %parallel_loop3A_490], %parallel_loop3A_487 {strides = array<i32>} : memref<64x128xf32, #tpu.memory_space<vmem>>, vector<16xf32>,
          %parallel_loop3A_492 = arith.constant 0 : i32
          %parallel_loop3A_493 = arith.addi %mul3A_197, %parallel_loop3A_492 : i32
          %parallel_loop3A_494 = arith.addi %parallel_loop3A_493, %parallel_loop3A_246 : i32
          %parallel_loop3A_495 = arith.index_cast %parallel_loop3A_494 : i32 to index
          %parallel_loop3A_496 = arith.constant 112 : index
          %parallel_loop3A_497 = tpu.vector_load %arg12[%parallel_loop3A_495, %parallel_loop3A_496] {strides = array<i32>} : memref<256x128xf32, #tpu.memory_space<vmem>>, vector<16xf32>,
          %parallel_loop3A_498 = arith.mulf %parallel_loop3A_497, %parallel_loop3A_214 : vector<16xf32>
          %parallel_loop3A_499 = arith.constant 32 : i32
          %parallel_loop3A_500 = arith.addi %mul3A_197, %parallel_loop3A_499 : i32
          %parallel_loop3A_501 = arith.addi %parallel_loop3A_500, %parallel_loop3A_246 : i32
          %parallel_loop3A_502 = arith.index_cast %parallel_loop3A_501 : i32 to index
          %parallel_loop3A_503 = arith.constant 112 : index
          %parallel_loop3A_504 = tpu.vector_load %arg12[%parallel_loop3A_502, %parallel_loop3A_503] {strides = array<i32>} : memref<256x128xf32, #tpu.memory_space<vmem>>, vector<16xf32>,
          %parallel_loop3A_505 = arith.mulf %parallel_loop3A_504, %parallel_loop3A_224 : vector<16xf32>
          %parallel_loop3A_506 = arith.addf %parallel_loop3A_498, %parallel_loop3A_505 : vector<16xf32>
          %parallel_loop3A_507 = arith.constant 64 : i32
          %parallel_loop3A_508 = arith.addi %mul3A_197, %parallel_loop3A_507 : i32
          %parallel_loop3A_509 = arith.addi %parallel_loop3A_508, %parallel_loop3A_246 : i32
          %parallel_loop3A_510 = arith.index_cast %parallel_loop3A_509 : i32 to index
          %parallel_loop3A_511 = arith.constant 112 : index
          %parallel_loop3A_512 = tpu.vector_load %arg12[%parallel_loop3A_510, %parallel_loop3A_511] {strides = array<i32>} : memref<256x128xf32, #tpu.memory_space<vmem>>, vector<16xf32>,
          %parallel_loop3A_513 = arith.mulf %parallel_loop3A_512, %parallel_loop3A_234 : vector<16xf32>
          %parallel_loop3A_514 = arith.addf %parallel_loop3A_506, %parallel_loop3A_513 : vector<16xf32>
          %parallel_loop3A_515 = arith.constant 96 : i32
          %parallel_loop3A_516 = arith.addi %mul3A_197, %parallel_loop3A_515 : i32
          %parallel_loop3A_517 = arith.addi %parallel_loop3A_516, %parallel_loop3A_246 : i32
          %parallel_loop3A_518 = arith.index_cast %parallel_loop3A_517 : i32 to index
          %parallel_loop3A_519 = arith.constant 112 : index
          %parallel_loop3A_520 = tpu.vector_load %arg12[%parallel_loop3A_518, %parallel_loop3A_519] {strides = array<i32>} : memref<256x128xf32, #tpu.memory_space<vmem>>, vector<16xf32>,
          %parallel_loop3A_521 = arith.mulf %parallel_loop3A_520, %parallel_loop3A_244 : vector<16xf32>
          %parallel_loop3A_522 = arith.addf %parallel_loop3A_514, %parallel_loop3A_521 : vector<16xf32>
          %parallel_loop3A_523 = arith.addi %mul3A_199, %parallel_loop3A_246 : i32
          %parallel_loop3A_524 = arith.index_cast %parallel_loop3A_523 : i32 to index
          %parallel_loop3A_525 = arith.constant 112 : index
          %parallel_loop3A_526 = tpu.vector_load %arg14[%parallel_loop3A_524, %parallel_loop3A_525] {strides = array<i32>} : memref<64x128xf32, #tpu.memory_space<vmem>>, vector<16xf32>,
          tpu.vector_store %arg14[%parallel_loop3A_524, %parallel_loop3A_525], %parallel_loop3A_522 {strides = array<i32>} : memref<64x128xf32, #tpu.memory_space<vmem>>, vector<16xf32>,
          %parallel_loop3A_527 = arith.constant 16 : i32
          %parallel_loop3A_528 = arith.addi %parallel_loop3A_527, %parallel_loop3A_203 : i32
          %parallel_loop3A_529 = arith.constant 0 : i32
          %parallel_loop3A_530 = arith.addi %mul3A_197, %parallel_loop3A_529 : i32
          %parallel_loop3A_531 = arith.addi %parallel_loop3A_530, %parallel_loop3A_528 : i32
          %parallel_loop3A_532 = arith.index_cast %parallel_loop3A_531 : i32 to index
          %parallel_loop3A_533 = arith.constant 0 : index
          %parallel_loop3A_534 = tpu.vector_load %arg12[%parallel_loop3A_532, %parallel_loop3A_533] {strides = array<i32>} : memref<256x128xf32, #tpu.memory_space<vmem>>, vector<16xf32>,
          %parallel_loop3A_535 = arith.mulf %parallel_loop3A_534, %parallel_loop3A_214 : vector<16xf32>
          %parallel_loop3A_536 = arith.constant 32 : i32
          %parallel_loop3A_537 = arith.addi %mul3A_197, %parallel_loop3A_536 : i32
          %parallel_loop3A_538 = arith.addi %parallel_loop3A_537, %parallel_loop3A_528 : i32
          %parallel_loop3A_539 = arith.index_cast %parallel_loop3A_538 : i32 to index
          %parallel_loop3A_540 = arith.constant 0 : index
          %parallel_loop3A_541 = tpu.vector_load %arg12[%parallel_loop3A_539, %parallel_loop3A_540] {strides = array<i32>} : memref<256x128xf32, #tpu.memory_space<vmem>>, vector<16xf32>,
          %parallel_loop3A_542 = arith.mulf %parallel_loop3A_541, %parallel_loop3A_224 : vector<16xf32>
          %parallel_loop3A_543 = arith.addf %parallel_loop3A_535, %parallel_loop3A_542 : vector<16xf32>
          %parallel_loop3A_544 = arith.constant 64 : i32
          %parallel_loop3A_545 = arith.addi %mul3A_197, %parallel_loop3A_544 : i32
          %parallel_loop3A_546 = arith.addi %parallel_loop3A_545, %parallel_loop3A_528 : i32
          %parallel_loop3A_547 = arith.index_cast %parallel_loop3A_546 : i32 to index
          %parallel_loop3A_548 = arith.constant 0 : index
          %parallel_loop3A_549 = tpu.vector_load %arg12[%parallel_loop3A_547, %parallel_loop3A_548] {strides = array<i32>} : memref<256x128xf32, #tpu.memory_space<vmem>>, vector<16xf32>,
          %parallel_loop3A_550 = arith.mulf %parallel_loop3A_549, %parallel_loop3A_234 : vector<16xf32>
          %parallel_loop3A_551 = arith.addf %parallel_loop3A_543, %parallel_loop3A_550 : vector<16xf32>
          %parallel_loop3A_552 = arith.constant 96 : i32
          %parallel_loop3A_553 = arith.addi %mul3A_197, %parallel_loop3A_552 : i32
          %parallel_loop3A_554 = arith.addi %parallel_loop3A_553, %parallel_loop3A_528 : i32
          %parallel_loop3A_555 = arith.index_cast %parallel_loop3A_554 : i32 to index
          %parallel_loop3A_556 = arith.constant 0 : index
          %parallel_loop3A_557 = tpu.vector_load %arg12[%parallel_loop3A_555, %parallel_loop3A_556] {strides = array<i32>} : memref<256x128xf32, #tpu.memory_space<vmem>>, vector<16xf32>,
          %parallel_loop3A_558 = arith.mulf %parallel_loop3A_557, %parallel_loop3A_244 : vector<16xf32>
          %parallel_loop3A_559 = arith.addf %parallel_loop3A_551, %parallel_loop3A_558 : vector<16xf32>
          %parallel_loop3A_560 = arith.addi %mul3A_199, %parallel_loop3A_528 : i32
          %parallel_loop3A_561 = arith.index_cast %parallel_loop3A_560 : i32 to index
          %parallel_loop3A_562 = arith.constant 0 : index
          %parallel_loop3A_563 = tpu.vector_load %arg14[%parallel_loop3A_561, %parallel_loop3A_562] {strides = array<i32>} : memref<64x128xf32, #tpu.memory_space<vmem>>, vector<16xf32>,
          tpu.vector_store %arg14[%parallel_loop3A_561, %parallel_loop3A_562], %parallel_loop3A_559 {strides = array<i32>} : memref<64x128xf32, #tpu.memory_space<vmem>>, vector<16xf32>,
          %parallel_loop3A_564 = arith.constant 0 : i32
          %parallel_loop3A_565 = arith.addi %mul3A_197, %parallel_loop3A_564 : i32
          %parallel_loop3A_566 = arith.addi %parallel_loop3A_565, %parallel_loop3A_528 : i32
          %parallel_loop3A_567 = arith.index_cast %parallel_loop3A_566 : i32 to index
          %parallel_loop3A_568 = arith.constant 16 : index
          %parallel_loop3A_569 = tpu.vector_load %arg12[%parallel_loop3A_567, %parallel_loop3A_568] {strides = array<i32>} : memref<256x128xf32, #tpu.memory_space<vmem>>, vector<16xf32>,
          %parallel_loop3A_570 = arith.mulf %parallel_loop3A_569, %parallel_loop3A_214 : vector<16xf32>
          %parallel_loop3A_571 = arith.constant 32 : i32
          %parallel_loop3A_572 = arith.addi %mul3A_197, %parallel_loop3A_571 : i32
          %parallel_loop3A_573 = arith.addi %parallel_loop3A_572, %parallel_loop3A_528 : i32
          %parallel_loop3A_574 = arith.index_cast %parallel_loop3A_573 : i32 to index
          %parallel_loop3A_575 = arith.constant 16 : index
          %parallel_loop3A_576 = tpu.vector_load %arg12[%parallel_loop3A_574, %parallel_loop3A_575] {strides = array<i32>} : memref<256x128xf32, #tpu.memory_space<vmem>>, vector<16xf32>,
          %parallel_loop3A_577 = arith.mulf %parallel_loop3A_576, %parallel_loop3A_224 : vector<16xf32>
          %parallel_loop3A_578 = arith.addf %parallel_loop3A_570, %parallel_loop3A_577 : vector<16xf32>
          %parallel_loop3A_579 = arith.constant 64 : i32
          %parallel_loop3A_580 = arith.addi %mul3A_197, %parallel_loop3A_579 : i32
          %parallel_loop3A_581 = arith.addi %parallel_loop3A_580, %parallel_loop3A_528 : i32
          %parallel_loop3A_582 = arith.index_cast %parallel_loop3A_581 : i32 to index
          %parallel_loop3A_583 = arith.constant 16 : index
          %parallel_loop3A_584 = tpu.vector_load %arg12[%parallel_loop3A_582, %parallel_loop3A_583] {strides = array<i32>} : memref<256x128xf32, #tpu.memory_space<vmem>>, vector<16xf32>,
          %parallel_loop3A_585 = arith.mulf %parallel_loop3A_584, %parallel_loop3A_234 : vector<16xf32>
          %parallel_loop3A_586 = arith.addf %parallel_loop3A_578, %parallel_loop3A_585 : vector<16xf32>
          %parallel_loop3A_587 = arith.constant 96 : i32
          %parallel_loop3A_588 = arith.addi %mul3A_197, %parallel_loop3A_587 : i32
          %parallel_loop3A_589 = arith.addi %parallel_loop3A_588, %parallel_loop3A_528 : i32
          %parallel_loop3A_590 = arith.index_cast %parallel_loop3A_589 : i32 to index
          %parallel_loop3A_591 = arith.constant 16 : index
          %parallel_loop3A_592 = tpu.vector_load %arg12[%parallel_loop3A_590, %parallel_loop3A_591] {strides = array<i32>} : memref<256x128xf32, #tpu.memory_space<vmem>>, vector<16xf32>,
          %parallel_loop3A_593 = arith.mulf %parallel_loop3A_592, %parallel_loop3A_244 : vector<16xf32>
          %parallel_loop3A_594 = arith.addf %parallel_loop3A_586, %parallel_loop3A_593 : vector<16xf32>
          %parallel_loop3A_595 = arith.addi %mul3A_199, %parallel_loop3A_528 : i32
          %parallel_loop3A_596 = arith.index_cast %parallel_loop3A_595 : i32 to index
          %parallel_loop3A_597 = arith.constant 16 : index
          %parallel_loop3A_598 = tpu.vector_load %arg14[%parallel_loop3A_596, %parallel_loop3A_597] {strides = array<i32>} : memref<64x128xf32, #tpu.memory_space<vmem>>, vector<16xf32>,
          tpu.vector_store %arg14[%parallel_loop3A_596, %parallel_loop3A_597], %parallel_loop3A_594 {strides = array<i32>} : memref<64x128xf32, #tpu.memory_space<vmem>>, vector<16xf32>,
          %parallel_loop3A_599 = arith.constant 0 : i32
          %parallel_loop3A_600 = arith.addi %mul3A_197, %parallel_loop3A_599 : i32
          %parallel_loop3A_601 = arith.addi %parallel_loop3A_600, %parallel_loop3A_528 : i32
          %parallel_loop3A_602 = arith.index_cast %parallel_loop3A_601 : i32 to index
          %parallel_loop3A_603 = arith.constant 32 : index
          %parallel_loop3A_604 = tpu.vector_load %arg12[%parallel_loop3A_602, %parallel_loop3A_603] {strides = array<i32>} : memref<256x128xf32, #tpu.memory_space<vmem>>, vector<16xf32>,
          %parallel_loop3A_605 = arith.mulf %parallel_loop3A_604, %parallel_loop3A_214 : vector<16xf32>
          %parallel_loop3A_606 = arith.constant 32 : i32
          %parallel_loop3A_607 = arith.addi %mul3A_197, %parallel_loop3A_606 : i32
          %parallel_loop3A_608 = arith.addi %parallel_loop3A_607, %parallel_loop3A_528 : i32
          %parallel_loop3A_609 = arith.index_cast %parallel_loop3A_608 : i32 to index
          %parallel_loop3A_610 = arith.constant 32 : index
          %parallel_loop3A_611 = tpu.vector_load %arg12[%parallel_loop3A_609, %parallel_loop3A_610] {strides = array<i32>} : memref<256x128xf32, #tpu.memory_space<vmem>>, vector<16xf32>,
          %parallel_loop3A_612 = arith.mulf %parallel_loop3A_611, %parallel_loop3A_224 : vector<16xf32>
          %parallel_loop3A_613 = arith.addf %parallel_loop3A_605, %parallel_loop3A_612 : vector<16xf32>
          %parallel_loop3A_614 = arith.constant 64 : i32
          %parallel_loop3A_615 = arith.addi %mul3A_197, %parallel_loop3A_614 : i32
          %parallel_loop3A_616 = arith.addi %parallel_loop3A_615, %parallel_loop3A_528 : i32
          %parallel_loop3A_617 = arith.index_cast %parallel_loop3A_616 : i32 to index
          %parallel_loop3A_618 = arith.constant 32 : index
          %parallel_loop3A_619 = tpu.vector_load %arg12[%parallel_loop3A_617, %parallel_loop3A_618] {strides = array<i32>} : memref<256x128xf32, #tpu.memory_space<vmem>>, vector<16xf32>,
          %parallel_loop3A_620 = arith.mulf %parallel_loop3A_619, %parallel_loop3A_234 : vector<16xf32>
          %parallel_loop3A_621 = arith.addf %parallel_loop3A_613, %parallel_loop3A_620 : vector<16xf32>
          %parallel_loop3A_622 = arith.constant 96 : i32
          %parallel_loop3A_623 = arith.addi %mul3A_197, %parallel_loop3A_622 : i32
          %parallel_loop3A_624 = arith.addi %parallel_loop3A_623, %parallel_loop3A_528 : i32
          %parallel_loop3A_625 = arith.index_cast %parallel_loop3A_624 : i32 to index
          %parallel_loop3A_626 = arith.constant 32 : index
          %parallel_loop3A_627 = tpu.vector_load %arg12[%parallel_loop3A_625, %parallel_loop3A_626] {strides = array<i32>} : memref<256x128xf32, #tpu.memory_space<vmem>>, vector<16xf32>,
          %parallel_loop3A_628 = arith.mulf %parallel_loop3A_627, %parallel_loop3A_244 : vector<16xf32>
          %parallel_loop3A_629 = arith.addf %parallel_loop3A_621, %parallel_loop3A_628 : vector<16xf32>
          %parallel_loop3A_630 = arith.addi %mul3A_199, %parallel_loop3A_528 : i32
          %parallel_loop3A_631 = arith.index_cast %parallel_loop3A_630 : i32 to index
          %parallel_loop3A_632 = arith.constant 32 : index
          %parallel_loop3A_633 = tpu.vector_load %arg14[%parallel_loop3A_631, %parallel_loop3A_632] {strides = array<i32>} : memref<64x128xf32, #tpu.memory_space<vmem>>, vector<16xf32>,
          tpu.vector_store %arg14[%parallel_loop3A_631, %parallel_loop3A_632], %parallel_loop3A_629 {strides = array<i32>} : memref<64x128xf32, #tpu.memory_space<vmem>>, vector<16xf32>,
          %parallel_loop3A_634 = arith.constant 0 : i32
          %parallel_loop3A_635 = arith.addi %mul3A_197, %parallel_loop3A_634 : i32
          %parallel_loop3A_636 = arith.addi %parallel_loop3A_635, %parallel_loop3A_528 : i32
          %parallel_loop3A_637 = arith.index_cast %parallel_loop3A_636 : i32 to index
          %parallel_loop3A_638 = arith.constant 48 : index
          %parallel_loop3A_639 = tpu.vector_load %arg12[%parallel_loop3A_637, %parallel_loop3A_638] {strides = array<i32>} : memref<256x128xf32, #tpu.memory_space<vmem>>, vector<16xf32>,
          %parallel_loop3A_640 = arith.mulf %parallel_loop3A_639, %parallel_loop3A_214 : vector<16xf32>
          %parallel_loop3A_641 = arith.constant 32 : i32
          %parallel_loop3A_642 = arith.addi %mul3A_197, %parallel_loop3A_641 : i32
          %parallel_loop3A_643 = arith.addi %parallel_loop3A_642, %parallel_loop3A_528 : i32
          %parallel_loop3A_644 = arith.index_cast %parallel_loop3A_643 : i32 to index
          %parallel_loop3A_645 = arith.constant 48 : index
          %parallel_loop3A_646 = tpu.vector_load %arg12[%parallel_loop3A_644, %parallel_loop3A_645] {strides = array<i32>} : memref<256x128xf32, #tpu.memory_space<vmem>>, vector<16xf32>,
          %parallel_loop3A_647 = arith.mulf %parallel_loop3A_646, %parallel_loop3A_224 : vector<16xf32>
          %parallel_loop3A_648 = arith.addf %parallel_loop3A_640, %parallel_loop3A_647 : vector<16xf32>
          %parallel_loop3A_649 = arith.constant 64 : i32
          %parallel_loop3A_650 = arith.addi %mul3A_197, %parallel_loop3A_649 : i32
          %parallel_loop3A_651 = arith.addi %parallel_loop3A_650, %parallel_loop3A_528 : i32
          %parallel_loop3A_652 = arith.index_cast %parallel_loop3A_651 : i32 to index
          %parallel_loop3A_653 = arith.constant 48 : index
          %parallel_loop3A_654 = tpu.vector_load %arg12[%parallel_loop3A_652, %parallel_loop3A_653] {strides = array<i32>} : memref<256x128xf32, #tpu.memory_space<vmem>>, vector<16xf32>,
          %parallel_loop3A_655 = arith.mulf %parallel_loop3A_654, %parallel_loop3A_234 : vector<16xf32>
          %parallel_loop3A_656 = arith.addf %parallel_loop3A_648, %parallel_loop3A_655 : vector<16xf32>
          %parallel_loop3A_657 = arith.constant 96 : i32
          %parallel_loop3A_658 = arith.addi %mul3A_197, %parallel_loop3A_657 : i32
          %parallel_loop3A_659 = arith.addi %parallel_loop3A_658, %parallel_loop3A_528 : i32
          %parallel_loop3A_660 = arith.index_cast %parallel_loop3A_659 : i32 to index
          %parallel_loop3A_661 = arith.constant 48 : index
          %parallel_loop3A_662 = tpu.vector_load %arg12[%parallel_loop3A_660, %parallel_loop3A_661] {strides = array<i32>} : memref<256x128xf32, #tpu.memory_space<vmem>>, vector<16xf32>,
          %parallel_loop3A_663 = arith.mulf %parallel_loop3A_662, %parallel_loop3A_244 : vector<16xf32>
          %parallel_loop3A_664 = arith.addf %parallel_loop3A_656, %parallel_loop3A_663 : vector<16xf32>
          %parallel_loop3A_665 = arith.addi %mul3A_199, %parallel_loop3A_528 : i32
          %parallel_loop3A_666 = arith.index_cast %parallel_loop3A_665 : i32 to index
          %parallel_loop3A_667 = arith.constant 48 : index
          %parallel_loop3A_668 = tpu.vector_load %arg14[%parallel_loop3A_666, %parallel_loop3A_667] {strides = array<i32>} : memref<64x128xf32, #tpu.memory_space<vmem>>, vector<16xf32>,
          tpu.vector_store %arg14[%parallel_loop3A_666, %parallel_loop3A_667], %parallel_loop3A_664 {strides = array<i32>} : memref<64x128xf32, #tpu.memory_space<vmem>>, vector<16xf32>,
          %parallel_loop3A_669 = arith.constant 0 : i32
          %parallel_loop3A_670 = arith.addi %mul3A_197, %parallel_loop3A_669 : i32
          %parallel_loop3A_671 = arith.addi %parallel_loop3A_670, %parallel_loop3A_528 : i32
          %parallel_loop3A_672 = arith.index_cast %parallel_loop3A_671 : i32 to index
          %parallel_loop3A_673 = arith.constant 64 : index
          %parallel_loop3A_674 = tpu.vector_load %arg12[%parallel_loop3A_672, %parallel_loop3A_673] {strides = array<i32>} : memref<256x128xf32, #tpu.memory_space<vmem>>, vector<16xf32>,
          %parallel_loop3A_675 = arith.mulf %parallel_loop3A_674, %parallel_loop3A_214 : vector<16xf32>
          %parallel_loop3A_676 = arith.constant 32 : i32
          %parallel_loop3A_677 = arith.addi %mul3A_197, %parallel_loop3A_676 : i32
          %parallel_loop3A_678 = arith.addi %parallel_loop3A_677, %parallel_loop3A_528 : i32
          %parallel_loop3A_679 = arith.index_cast %parallel_loop3A_678 : i32 to index
          %parallel_loop3A_680 = arith.constant 64 : index
          %parallel_loop3A_681 = tpu.vector_load %arg12[%parallel_loop3A_679, %parallel_loop3A_680] {strides = array<i32>} : memref<256x128xf32, #tpu.memory_space<vmem>>, vector<16xf32>,
          %parallel_loop3A_682 = arith.mulf %parallel_loop3A_681, %parallel_loop3A_224 : vector<16xf32>
          %parallel_loop3A_683 = arith.addf %parallel_loop3A_675, %parallel_loop3A_682 : vector<16xf32>
          %parallel_loop3A_684 = arith.constant 64 : i32
          %parallel_loop3A_685 = arith.addi %mul3A_197, %parallel_loop3A_684 : i32
          %parallel_loop3A_686 = arith.addi %parallel_loop3A_685, %parallel_loop3A_528 : i32
          %parallel_loop3A_687 = arith.index_cast %parallel_loop3A_686 : i32 to index
          %parallel_loop3A_688 = arith.constant 64 : index
          %parallel_loop3A_689 = tpu.vector_load %arg12[%parallel_loop3A_687, %parallel_loop3A_688] {strides = array<i32>} : memref<256x128xf32, #tpu.memory_space<vmem>>, vector<16xf32>,
          %parallel_loop3A_690 = arith.mulf %parallel_loop3A_689, %parallel_loop3A_234 : vector<16xf32>
          %parallel_loop3A_691 = arith.addf %parallel_loop3A_683, %parallel_loop3A_690 : vector<16xf32>
          %parallel_loop3A_692 = arith.constant 96 : i32
          %parallel_loop3A_693 = arith.addi %mul3A_197, %parallel_loop3A_692 : i32
          %parallel_loop3A_694 = arith.addi %parallel_loop3A_693, %parallel_loop3A_528 : i32
          %parallel_loop3A_695 = arith.index_cast %parallel_loop3A_694 : i32 to index
          %parallel_loop3A_696 = arith.constant 64 : index
          %parallel_loop3A_697 = tpu.vector_load %arg12[%parallel_loop3A_695, %parallel_loop3A_696] {strides = array<i32>} : memref<256x128xf32, #tpu.memory_space<vmem>>, vector<16xf32>,
          %parallel_loop3A_698 = arith.mulf %parallel_loop3A_697, %parallel_loop3A_244 : vector<16xf32>
          %parallel_loop3A_699 = arith.addf %parallel_loop3A_691, %parallel_loop3A_698 : vector<16xf32>
          %parallel_loop3A_700 = arith.addi %mul3A_199, %parallel_loop3A_528 : i32
          %parallel_loop3A_701 = arith.index_cast %parallel_loop3A_700 : i32 to index
          %parallel_loop3A_702 = arith.constant 64 : index
          %parallel_loop3A_703 = tpu.vector_load %arg14[%parallel_loop3A_701, %parallel_loop3A_702] {strides = array<i32>} : memref<64x128xf32, #tpu.memory_space<vmem>>, vector<16xf32>,
          tpu.vector_store %arg14[%parallel_loop3A_701, %parallel_loop3A_702], %parallel_loop3A_699 {strides = array<i32>} : memref<64x128xf32, #tpu.memory_space<vmem>>, vector<16xf32>,
          %parallel_loop3A_704 = arith.constant 0 : i32
          %parallel_loop3A_705 = arith.addi %mul3A_197, %parallel_loop3A_704 : i32
          %parallel_loop3A_706 = arith.addi %parallel_loop3A_705, %parallel_loop3A_528 : i32
          %parallel_loop3A_707 = arith.index_cast %parallel_loop3A_706 : i32 to index
          %parallel_loop3A_708 = arith.constant 80 : index
          %parallel_loop3A_709 = tpu.vector_load %arg12[%parallel_loop3A_707, %parallel_loop3A_708] {strides = array<i32>} : memref<256x128xf32, #tpu.memory_space<vmem>>, vector<16xf32>,
          %parallel_loop3A_710 = arith.mulf %parallel_loop3A_709, %parallel_loop3A_214 : vector<16xf32>
          %parallel_loop3A_711 = arith.constant 32 : i32
          %parallel_loop3A_712 = arith.addi %mul3A_197, %parallel_loop3A_711 : i32
          %parallel_loop3A_713 = arith.addi %parallel_loop3A_712, %parallel_loop3A_528 : i32
          %parallel_loop3A_714 = arith.index_cast %parallel_loop3A_713 : i32 to index
          %parallel_loop3A_715 = arith.constant 80 : index
          %parallel_loop3A_716 = tpu.vector_load %arg12[%parallel_loop3A_714, %parallel_loop3A_715] {strides = array<i32>} : memref<256x128xf32, #tpu.memory_space<vmem>>, vector<16xf32>,
          %parallel_loop3A_717 = arith.mulf %parallel_loop3A_716, %parallel_loop3A_224 : vector<16xf32>
          %parallel_loop3A_718 = arith.addf %parallel_loop3A_710, %parallel_loop3A_717 : vector<16xf32>
          %parallel_loop3A_719 = arith.constant 64 : i32
          %parallel_loop3A_720 = arith.addi %mul3A_197, %parallel_loop3A_719 : i32
          %parallel_loop3A_721 = arith.addi %parallel_loop3A_720, %parallel_loop3A_528 : i32
          %parallel_loop3A_722 = arith.index_cast %parallel_loop3A_721 : i32 to index
          %parallel_loop3A_723 = arith.constant 80 : index
          %parallel_loop3A_724 = tpu.vector_load %arg12[%parallel_loop3A_722, %parallel_loop3A_723] {strides = array<i32>} : memref<256x128xf32, #tpu.memory_space<vmem>>, vector<16xf32>,
          %parallel_loop3A_725 = arith.mulf %parallel_loop3A_724, %parallel_loop3A_234 : vector<16xf32>
          %parallel_loop3A_726 = arith.addf %parallel_loop3A_718, %parallel_loop3A_725 : vector<16xf32>
          %parallel_loop3A_727 = arith.constant 96 : i32
          %parallel_loop3A_728 = arith.addi %mul3A_197, %parallel_loop3A_727 : i32
          %parallel_loop3A_729 = arith.addi %parallel_loop3A_728, %parallel_loop3A_528 : i32
          %parallel_loop3A_730 = arith.index_cast %parallel_loop3A_729 : i32 to index
          %parallel_loop3A_731 = arith.constant 80 : index
          %parallel_loop3A_732 = tpu.vector_load %arg12[%parallel_loop3A_730, %parallel_loop3A_731] {strides = array<i32>} : memref<256x128xf32, #tpu.memory_space<vmem>>, vector<16xf32>,
          %parallel_loop3A_733 = arith.mulf %parallel_loop3A_732, %parallel_loop3A_244 : vector<16xf32>
          %parallel_loop3A_734 = arith.addf %parallel_loop3A_726, %parallel_loop3A_733 : vector<16xf32>
          %parallel_loop3A_735 = arith.addi %mul3A_199, %parallel_loop3A_528 : i32
          %parallel_loop3A_736 = arith.index_cast %parallel_loop3A_735 : i32 to index
          %parallel_loop3A_737 = arith.constant 80 : index
          %parallel_loop3A_738 = tpu.vector_load %arg14[%parallel_loop3A_736, %parallel_loop3A_737] {strides = array<i32>} : memref<64x128xf32, #tpu.memory_space<vmem>>, vector<16xf32>,
          tpu.vector_store %arg14[%parallel_loop3A_736, %parallel_loop3A_737], %parallel_loop3A_734 {strides = array<i32>} : memref<64x128xf32, #tpu.memory_space<vmem>>, vector<16xf32>,
          %parallel_loop3A_739 = arith.constant 0 : i32
          %parallel_loop3A_740 = arith.addi %mul3A_197, %parallel_loop3A_739 : i32
          %parallel_loop3A_741 = arith.addi %parallel_loop3A_740, %parallel_loop3A_528 : i32
          %parallel_loop3A_742 = arith.index_cast %parallel_loop3A_741 : i32 to index
          %parallel_loop3A_743 = arith.constant 96 : index
          %parallel_loop3A_744 = tpu.vector_load %arg12[%parallel_loop3A_742, %parallel_loop3A_743] {strides = array<i32>} : memref<256x128xf32, #tpu.memory_space<vmem>>, vector<16xf32>,
          %parallel_loop3A_745 = arith.mulf %parallel_loop3A_744, %parallel_loop3A_214 : vector<16xf32>
          %parallel_loop3A_746 = arith.constant 32 : i32
          %parallel_loop3A_747 = arith.addi %mul3A_197, %parallel_loop3A_746 : i32
          %parallel_loop3A_748 = arith.addi %parallel_loop3A_747, %parallel_loop3A_528 : i32
          %parallel_loop3A_749 = arith.index_cast %parallel_loop3A_748 : i32 to index
          %parallel_loop3A_750 = arith.constant 96 : index
          %parallel_loop3A_751 = tpu.vector_load %arg12[%parallel_loop3A_749, %parallel_loop3A_750] {strides = array<i32>} : memref<256x128xf32, #tpu.memory_space<vmem>>, vector<16xf32>,
          %parallel_loop3A_752 = arith.mulf %parallel_loop3A_751, %parallel_loop3A_224 : vector<16xf32>
          %parallel_loop3A_753 = arith.addf %parallel_loop3A_745, %parallel_loop3A_752 : vector<16xf32>
          %parallel_loop3A_754 = arith.constant 64 : i32
          %parallel_loop3A_755 = arith.addi %mul3A_197, %parallel_loop3A_754 : i32
          %parallel_loop3A_756 = arith.addi %parallel_loop3A_755, %parallel_loop3A_528 : i32
          %parallel_loop3A_757 = arith.index_cast %parallel_loop3A_756 : i32 to index
          %parallel_loop3A_758 = arith.constant 96 : index
          %parallel_loop3A_759 = tpu.vector_load %arg12[%parallel_loop3A_757, %parallel_loop3A_758] {strides = array<i32>} : memref<256x128xf32, #tpu.memory_space<vmem>>, vector<16xf32>,
          %parallel_loop3A_760 = arith.mulf %parallel_loop3A_759, %parallel_loop3A_234 : vector<16xf32>
          %parallel_loop3A_761 = arith.addf %parallel_loop3A_753, %parallel_loop3A_760 : vector<16xf32>
          %parallel_loop3A_762 = arith.constant 96 : i32
          %parallel_loop3A_763 = arith.addi %mul3A_197, %parallel_loop3A_762 : i32
          %parallel_loop3A_764 = arith.addi %parallel_loop3A_763, %parallel_loop3A_528 : i32
          %parallel_loop3A_765 = arith.index_cast %parallel_loop3A_764 : i32 to index
          %parallel_loop3A_766 = arith.constant 96 : index
          %parallel_loop3A_767 = tpu.vector_load %arg12[%parallel_loop3A_765, %parallel_loop3A_766] {strides = array<i32>} : memref<256x128xf32, #tpu.memory_space<vmem>>, vector<16xf32>,
          %parallel_loop3A_768 = arith.mulf %parallel_loop3A_767, %parallel_loop3A_244 : vector<16xf32>
          %parallel_loop3A_769 = arith.addf %parallel_loop3A_761, %parallel_loop3A_768 : vector<16xf32>
          %parallel_loop3A_770 = arith.addi %mul3A_199, %parallel_loop3A_528 : i32
          %parallel_loop3A_771 = arith.index_cast %parallel_loop3A_770 : i32 to index
          %parallel_loop3A_772 = arith.constant 96 : index
          %parallel_loop3A_773 = tpu.vector_load %arg14[%parallel_loop3A_771, %parallel_loop3A_772] {strides = array<i32>} : memref<64x128xf32, #tpu.memory_space<vmem>>, vector<16xf32>,
          tpu.vector_store %arg14[%parallel_loop3A_771, %parallel_loop3A_772], %parallel_loop3A_769 {strides = array<i32>} : memref<64x128xf32, #tpu.memory_space<vmem>>, vector<16xf32>,
          %parallel_loop3A_774 = arith.constant 0 : i32
          %parallel_loop3A_775 = arith.addi %mul3A_197, %parallel_loop3A_774 : i32
          %parallel_loop3A_776 = arith.addi %parallel_loop3A_775, %parallel_loop3A_528 : i32
          %parallel_loop3A_777 = arith.index_cast %parallel_loop3A_776 : i32 to index
          %parallel_loop3A_778 = arith.constant 112 : index
          %parallel_loop3A_779 = tpu.vector_load %arg12[%parallel_loop3A_777, %parallel_loop3A_778] {strides = array<i32>} : memref<256x128xf32, #tpu.memory_space<vmem>>, vector<16xf32>,
          %parallel_loop3A_780 = arith.mulf %parallel_loop3A_779, %parallel_loop3A_214 : vector<16xf32>
          %parallel_loop3A_781 = arith.constant 32 : i32
          %parallel_loop3A_782 = arith.addi %mul3A_197, %parallel_loop3A_781 : i32
          %parallel_loop3A_783 = arith.addi %parallel_loop3A_782, %parallel_loop3A_528 : i32
          %parallel_loop3A_784 = arith.index_cast %parallel_loop3A_783 : i32 to index
          %parallel_loop3A_785 = arith.constant 112 : index
          %parallel_loop3A_786 = tpu.vector_load %arg12[%parallel_loop3A_784, %parallel_loop3A_785] {strides = array<i32>} : memref<256x128xf32, #tpu.memory_space<vmem>>, vector<16xf32>,
          %parallel_loop3A_787 = arith.mulf %parallel_loop3A_786, %parallel_loop3A_224 : vector<16xf32>
          %parallel_loop3A_788 = arith.addf %parallel_loop3A_780, %parallel_loop3A_787 : vector<16xf32>
          %parallel_loop3A_789 = arith.constant 64 : i32
          %parallel_loop3A_790 = arith.addi %mul3A_197, %parallel_loop3A_789 : i32
          %parallel_loop3A_791 = arith.addi %parallel_loop3A_790, %parallel_loop3A_528 : i32
          %parallel_loop3A_792 = arith.index_cast %parallel_loop3A_791 : i32 to index
          %parallel_loop3A_793 = arith.constant 112 : index
          %parallel_loop3A_794 = tpu.vector_load %arg12[%parallel_loop3A_792, %parallel_loop3A_793] {strides = array<i32>} : memref<256x128xf32, #tpu.memory_space<vmem>>, vector<16xf32>,
          %parallel_loop3A_795 = arith.mulf %parallel_loop3A_794, %parallel_loop3A_234 : vector<16xf32>
          %parallel_loop3A_796 = arith.addf %parallel_loop3A_788, %parallel_loop3A_795 : vector<16xf32>
          %parallel_loop3A_797 = arith.constant 96 : i32
          %parallel_loop3A_798 = arith.addi %mul3A_197, %parallel_loop3A_797 : i32
          %parallel_loop3A_799 = arith.addi %parallel_loop3A_798, %parallel_loop3A_528 : i32
          %parallel_loop3A_800 = arith.index_cast %parallel_loop3A_799 : i32 to index
          %parallel_loop3A_801 = arith.constant 112 : index
          %parallel_loop3A_802 = tpu.vector_load %arg12[%parallel_loop3A_800, %parallel_loop3A_801] {strides = array<i32>} : memref<256x128xf32, #tpu.memory_space<vmem>>, vector<16xf32>,
          %parallel_loop3A_803 = arith.mulf %parallel_loop3A_802, %parallel_loop3A_244 : vector<16xf32>
          %parallel_loop3A_804 = arith.addf %parallel_loop3A_796, %parallel_loop3A_803 : vector<16xf32>
          %parallel_loop3A_805 = arith.addi %mul3A_199, %parallel_loop3A_528 : i32
          %parallel_loop3A_806 = arith.index_cast %parallel_loop3A_805 : i32 to index
          %parallel_loop3A_807 = arith.constant 112 : index
          %parallel_loop3A_808 = tpu.vector_load %arg14[%parallel_loop3A_806, %parallel_loop3A_807] {strides = array<i32>} : memref<64x128xf32, #tpu.memory_space<vmem>>, vector<16xf32>,
          tpu.vector_store %arg14[%parallel_loop3A_806, %parallel_loop3A_807], %parallel_loop3A_804 {strides = array<i32>} : memref<64x128xf32, #tpu.memory_space<vmem>>, vector<16xf32>,
        } {sc.loop_unroll_factor = 1 : i64, sc.parallel_access}
        %scan3A_202 = arith.constant 0 : i32
        scf.yield %scan3A_202 : i32
      }
      %scan3A_114 = arith.constant 2 : i32
      %dma_start3A_115 = arith.constant 0 : i32
      %dma_start3A_116 = tpu.memref_slice %arg11[%add3A_99, %dma_start3A_115] : memref<20x64xi32, #tpu.memory_space<vmem>> -> memref<1x64xi32, #tpu.memory_space<vmem>>
      %dma_start3A_117 = tpu.memref_squeeze %dma_start3A_116 : memref<1x64xi32, #tpu.memory_space<vmem>> -> memref<64xi32, #tpu.memory_space<vmem>>
      %dma_start3A_118 = arith.constant 0 : i32
      %dma_start3A_119 = arith.constant 0 : i32
      %dma_start3A_120 = tpu.memref_slice %arg4[%dma_start3A_118, %dma_start3A_119] : memref<40960x128xf32, #tpu.memory_space<hbm>> -> memref<40960x128xf32, #tpu.memory_space<hbm>>
      tpu.enqueue_indirect_dma source(%arg14 : memref<64x128xf32, #tpu.memory_space<vmem>>) target(%dma_start3A_120 : memref<40960x128xf32, #tpu.memory_space<hbm>>) offsets(%dma_start3A_117 : memref<64xi32, #tpu.memory_space<vmem>>) semaphore(%arg18 : memref<!tpu.dma_semaphore, #tpu.memory_space<semaphore_mem>>)
      %add3A_121 = arith.constant 2 : i32
      %add3A_122 = arith.addi %add3A_99, %add3A_121 : i32
      %min3A = arith.constant 19 : i32
      %min3A_123 = arith.minsi %add3A_122, %min3A : i32
      %dma_start3A_124 = arith.constant 0 : i32
      %dma_start3A_125 = tpu.memref_slice %arg10[%min3A_123, %dma_start3A_124] : memref<20x256xi32, #tpu.memory_space<vmem>> -> memref<1x256xi32, #tpu.memory_space<vmem>>
      %dma_start3A_126 = tpu.memref_squeeze %dma_start3A_125 : memref<1x256xi32, #tpu.memory_space<vmem>> -> memref<256xi32, #tpu.memory_space<vmem>>
      %dma_start3A_127 = arith.constant 0 : i32
      %dma_start3A_128 = arith.constant 0 : i32
      %dma_start3A_129 = tpu.memref_slice %arg2[%dma_start3A_127, %dma_start3A_128] : memref<259200x128xf32, #tpu.memory_space<hbm>> -> memref<259200x128xf32, #tpu.memory_space<hbm>>
      tpu.enqueue_indirect_dma source(%dma_start3A_129 : memref<259200x128xf32, #tpu.memory_space<hbm>>) target(%arg12 : memref<256x128xf32, #tpu.memory_space<vmem>>) offsets(%dma_start3A_126 : memref<256xi32, #tpu.memory_space<vmem>>) semaphore(%arg16 : memref<!tpu.dma_semaphore, #tpu.memory_space<semaphore_mem>>)
      %add3A_130 = arith.constant 3 : i32
      %add3A_131 = arith.addi %add3A_99, %add3A_130 : i32
      %le3A = arith.constant 19 : i32
      %le3A_132 = arith.cmpi sle, %add3A_131, %le3A : i32
      %convert_element_type3A_133 = arith.extui %le3A_132 : i1 to i32
      %cond3A_134 = arith.constant 0 : i32
      %cond3A_135 = arith.cmpi ne, %convert_element_type3A_133, %cond3A_134 : i32
      scf.if %cond3A_135 {
        %add3A_182 = arith.constant 3 : i32
        %add3A_183 = arith.addi %add3A_99, %add3A_182 : i32
        %mul3A_184 = arith.constant 2 : i32
        %mul3A_185 = arith.muli %add3A_183, %mul3A_184 : i32
        %add3A_186 = arith.constant 3 : i32
        %add3A_187 = arith.addi %add3A_99, %add3A_186 : i32
        %mul3A_188 = arith.constant 2 : i32
        %mul3A_189 = arith.muli %add3A_187, %mul3A_188 : i32
        %add3A_190 = arith.constant 2 : i32
        %add3A_191 = arith.addi %mul3A_189, %add3A_190 : i32
        %while3A = arith.subi %add3A_191, %mul3A_185 : i32
        %while3A_192 = arith.addi %mul3A_185, %while3A : i32
        %while3A_193 = arith.constant 1 : i32
        %while3A_194 = arith.divsi %while3A, %while3A_193 : i32
        %while3A_195 = arith.muli %while3A_194, %while3A_193 : i32
        %while3A_196 = arith.addi %mul3A_185, %while3A_195 : i32
        %while3A_197 = arith.constant 1 : i32
        scf.for %while3A_199 = %mul3A_185 to %while3A_196 step %while3A_197  : i32 {
          %jit3A_200 = arith.constant 8 : i32
          %div3A_201 = arith.divsi %while3A_199, %jit3A_200 : i32
          %sign3A_202 = arith.constant 0 : i32
          %sign3A_203 = arith.cmpi sgt, %while3A_199, %sign3A_202 : i32
          %sign3A_204 = arith.extui %sign3A_203 : i1 to i32
          %sign3A_205 = arith.constant 0 : i32
          %sign3A_206 = arith.cmpi slt, %while3A_199, %sign3A_205 : i32
          %sign3A_207 = arith.extui %sign3A_206 : i1 to i32
          %sign3A_208 = arith.subi %sign3A_204, %sign3A_207 : i32
          %sign3A_209 = arith.constant 0 : i32
          %sign3A_210 = arith.cmpi sgt, %jit3A_200, %sign3A_209 : i32
          %sign3A_211 = arith.extui %sign3A_210 : i1 to i32
          %sign3A_212 = arith.constant 0 : i32
          %sign3A_213 = arith.cmpi slt, %jit3A_200, %sign3A_212 : i32
          %sign3A_214 = arith.extui %sign3A_213 : i1 to i32
          %sign3A_215 = arith.subi %sign3A_211, %sign3A_214 : i32
          %ne3A_216 = arith.cmpi ne, %sign3A_208, %sign3A_215 : i32
          %rem3A_217 = arith.remsi %while3A_199, %jit3A_200 : i32
          %ne3A_218 = arith.constant 0 : i32
          %ne3A_219 = arith.cmpi ne, %rem3A_217, %ne3A_218 : i32
          %and3A_220 = arith.andi %ne3A_216, %ne3A_219 : i1
          %sub3A_221 = arith.constant 1 : i32
          %sub3A_222 = arith.subi %div3A_201, %sub3A_221 : i32
          %select_n3A_223 = arith.select %and3A_220, %sub3A_222, %div3A_201 : i32
          %mul3A_224 = arith.constant 8 : i32
          %mul3A_225 = arith.muli %select_n3A_223, %mul3A_224 : i32
          %sub3A_226 = arith.subi %while3A_199, %mul3A_225 : i32
          %mul3A_227 = arith.constant 16 : i32
          %mul3A_228 = arith.muli %sub3A_226, %mul3A_227 : i32
          %get3A = arith.constant 0 : i32
          %get3A_229 = arith.index_cast %select_n3A_223 : i32 to index
          %get3A_230 = arith.index_cast %get3A : i32 to index
          %get3A_231 = arith.index_cast %mul3A_228 : i32 to index
          %get3A_232 = tpu.vector_load %arg5[%get3A_229, %get3A_230, %get3A_231] {strides = array<i32>} : memref<5x2x128xf32, #tpu.memory_space<vmem>>, vector<16xf32>,
          %sub3A_233 = arith.constant -5.400000e+01 : f32
          %sub3A_234 = vector.broadcast %sub3A_233 : f32 to vector<16xf32>
          %sub3A_235 = arith.subf %get3A_232, %sub3A_234 : vector<16xf32>
          %div3A_236 = arith.constant 6.000000e-01 : f32
          %div3A_237 = vector.broadcast %div3A_236 : f32 to vector<16xf32>
          %div3A_238 = arith.divf %sub3A_235, %div3A_237 : vector<16xf32>
          %get3A_239 = arith.constant 1 : i32
          %get3A_240 = arith.index_cast %select_n3A_223 : i32 to index
          %get3A_241 = arith.index_cast %get3A_239 : i32 to index
          %get3A_242 = arith.index_cast %mul3A_228 : i32 to index
          %get3A_243 = tpu.vector_load %arg5[%get3A_240, %get3A_241, %get3A_242] {strides = array<i32>} : memref<5x2x128xf32, #tpu.memory_space<vmem>>, vector<16xf32>,
          %sub3A_244 = arith.constant -5.400000e+01 : f32
          %sub3A_245 = vector.broadcast %sub3A_244 : f32 to vector<16xf32>
          %sub3A_246 = arith.subf %get3A_243, %sub3A_245 : vector<16xf32>
          %div3A_247 = arith.constant 6.000000e-01 : f32
          %div3A_248 = vector.broadcast %div3A_247 : f32 to vector<16xf32>
          %div3A_249 = arith.divf %sub3A_246, %div3A_248 : vector<16xf32>
          %convert_element_type3A_250 = arith.fptosi %div3A_238 : vector<16xf32> to vector<16xi32>
          %convert_element_type3A_251 = arith.fptosi %div3A_249 : vector<16xf32> to vector<16xi32>
          %convert_element_type3A_252 = arith.sitofp %convert_element_type3A_250 : vector<16xi32> to vector<16xf32>
          %gt3A_253 = arith.cmpf ogt, %convert_element_type3A_252, %div3A_238 : vector<16xf32>
          %sub3A_254 = arith.constant 1 : i32
          %sub3A_255 = vector.broadcast %sub3A_254 : i32 to vector<16xi32>
          %sub3A_256 = arith.subi %convert_element_type3A_250, %sub3A_255 : vector<16xi32>
          %select_n3A_257 = arith.select %gt3A_253, %sub3A_256, %convert_element_type3A_250 : vector<16xi1>, vector<16xi32>
          %convert_element_type3A_258 = arith.sitofp %convert_element_type3A_251 : vector<16xi32> to vector<16xf32>
          %gt3A_259 = arith.cmpf ogt, %convert_element_type3A_258, %div3A_249 : vector<16xf32>
          %sub3A_260 = arith.constant 1 : i32
          %sub3A_261 = vector.broadcast %sub3A_260 : i32 to vector<16xi32>
          %sub3A_262 = arith.subi %convert_element_type3A_251, %sub3A_261 : vector<16xi32>
          %select_n3A_263 = arith.select %gt3A_259, %sub3A_262, %convert_element_type3A_251 : vector<16xi1>, vector<16xi32>
          %jit3A_264 = arith.constant 0 : i32
          %jit3A_265 = arith.constant 179 : i32
          %max3A = vector.broadcast %jit3A_264 : i32 to vector<16xi32>
          %max3A_266 = arith.maxsi %max3A, %select_n3A_257 : vector<16xi32>
          %min3A_267 = vector.broadcast %jit3A_265 : i32 to vector<16xi32>
          %min3A_268 = arith.minsi %min3A_267, %max3A_266 : vector<16xi32>
          %jit3A_269 = arith.constant 0 : i32
          %jit3A_270 = arith.constant 179 : i32
          %max3A_271 = vector.broadcast %jit3A_269 : i32 to vector<16xi32>
          %max3A_272 = arith.maxsi %max3A_271, %select_n3A_263 : vector<16xi32>
          %min3A_273 = vector.broadcast %jit3A_270 : i32 to vector<16xi32>
          %min3A_274 = arith.minsi %min3A_273, %max3A_272 : vector<16xi32>
          %add3A_275 = arith.constant 1 : i32
          %add3A_276 = vector.broadcast %add3A_275 : i32 to vector<16xi32>
          %add3A_277 = arith.addi %min3A_268, %add3A_276 : vector<16xi32>
          %min3A_278 = arith.constant 179 : i32
          %min3A_279 = vector.broadcast %min3A_278 : i32 to vector<16xi32>
          %min3A_280 = arith.minsi %add3A_277, %min3A_279 : vector<16xi32>
          %add3A_281 = arith.constant 1 : i32
          %add3A_282 = vector.broadcast %add3A_281 : i32 to vector<16xi32>
          %add3A_283 = arith.addi %min3A_274, %add3A_282 : vector<16xi32>
          %min3A_284 = arith.constant 179 : i32
          %min3A_285 = vector.broadcast %min3A_284 : i32 to vector<16xi32>
          %min3A_286 = arith.minsi %add3A_283, %min3A_285 : vector<16xi32>
          %convert_element_type3A_287 = arith.sitofp %min3A_268 : vector<16xi32> to vector<16xf32>
          %sub3A_288 = arith.subf %div3A_238, %convert_element_type3A_287 : vector<16xf32>
          %convert_element_type3A_289 = arith.sitofp %min3A_280 : vector<16xi32> to vector<16xf32>
          %sub3A_290 = arith.subf %convert_element_type3A_289, %div3A_238 : vector<16xf32>
          %convert_element_type3A_291 = arith.sitofp %min3A_274 : vector<16xi32> to vector<16xf32>
          %sub3A_292 = arith.subf %div3A_249, %convert_element_type3A_291 : vector<16xf32>
          %convert_element_type3A_293 = arith.sitofp %min3A_286 : vector<16xi32> to vector<16xf32>
          %sub3A_294 = arith.subf %convert_element_type3A_293, %div3A_249 : vector<16xf32>
          %mul3A_295 = arith.constant 16 : i32
          %mul3A_296 = arith.muli %while3A_199, %mul3A_295 : i32
          %mul3A_297 = arith.mulf %sub3A_290, %sub3A_294 : vector<16xf32>
          %swap3A = arith.index_cast %mul3A_296 : i32 to index
          %swap3A_298 = tpu.vector_load %arg6[%swap3A] {strides = array<i32>} : memref<640xf32, #tpu.memory_space<vmem>>, vector<16xf32>,
          tpu.vector_store %arg6[%swap3A], %mul3A_297 {strides = array<i32>} : memref<640xf32, #tpu.memory_space<vmem>>, vector<16xf32>,
          %mul3A_299 = arith.mulf %sub3A_290, %sub3A_292 : vector<16xf32>
          %swap3A_300 = arith.index_cast %mul3A_296 : i32 to index
          %swap3A_301 = tpu.vector_load %arg7[%swap3A_300] {strides = array<i32>} : memref<640xf32, #tpu.memory_space<vmem>>, vector<16xf32>,
          tpu.vector_store %arg7[%swap3A_300], %mul3A_299 {strides = array<i32>} : memref<640xf32, #tpu.memory_space<vmem>>, vector<16xf32>,
          %mul3A_302 = arith.mulf %sub3A_288, %sub3A_294 : vector<16xf32>
          %swap3A_303 = arith.index_cast %mul3A_296 : i32 to index
          %swap3A_304 = tpu.vector_load %arg8[%swap3A_303] {strides = array<i32>} : memref<640xf32, #tpu.memory_space<vmem>>, vector<16xf32>,
          tpu.vector_store %arg8[%swap3A_303], %mul3A_302 {strides = array<i32>} : memref<640xf32, #tpu.memory_space<vmem>>, vector<16xf32>,
          %mul3A_305 = arith.mulf %sub3A_288, %sub3A_292 : vector<16xf32>
          %swap3A_306 = arith.index_cast %mul3A_296 : i32 to index
          %swap3A_307 = tpu.vector_load %arg9[%swap3A_306] {strides = array<i32>} : memref<640xf32, #tpu.memory_space<vmem>>, vector<16xf32>,
          tpu.vector_store %arg9[%swap3A_306], %mul3A_305 {strides = array<i32>} : memref<640xf32, #tpu.memory_space<vmem>>, vector<16xf32>,
          %mul3A_308 = arith.constant 180 : i32
          %mul3A_309 = vector.broadcast %mul3A_308 : i32 to vector<16xi32>
          %mul3A_310 = arith.muli %min3A_274, %mul3A_309 : vector<16xi32>
          %add3A_311 = arith.addi %mul3A_310, %min3A_268 : vector<16xi32>
          %mul3A_312 = arith.constant 8 : i32
          %mul3A_313 = vector.broadcast %mul3A_312 : i32 to vector<16xi32>
          %mul3A_314 = arith.muli %add3A_311, %mul3A_313 : vector<16xi32>
          %add3A_315 = vector.broadcast %select_n3A : i32 to vector<16xi32>
          %add3A_316 = arith.addi %mul3A_314, %add3A_315 : vector<16xi32>
          %mul3A_317 = arith.constant 180 : i32
          %mul3A_318 = vector.broadcast %mul3A_317 : i32 to vector<16xi32>
          %mul3A_319 = arith.muli %min3A_286, %mul3A_318 : vector<16xi32>
          %add3A_320 = arith.addi %mul3A_319, %min3A_268 : vector<16xi32>
          %mul3A_321 = arith.constant 8 : i32
          %mul3A_322 = vector.broadcast %mul3A_321 : i32 to vector<16xi32>
          %mul3A_323 = arith.muli %add3A_320, %mul3A_322 : vector<16xi32>
          %add3A_324 = vector.broadcast %select_n3A : i32 to vector<16xi32>
          %add3A_325 = arith.addi %mul3A_323, %add3A_324 : vector<16xi32>
          %mul3A_326 = arith.constant 180 : i32
          %mul3A_327 = vector.broadcast %mul3A_326 : i32 to vector<16xi32>
          %mul3A_328 = arith.muli %min3A_274, %mul3A_327 : vector<16xi32>
          %add3A_329 = arith.addi %mul3A_328, %min3A_280 : vector<16xi32>
          %mul3A_330 = arith.constant 8 : i32
          %mul3A_331 = vector.broadcast %mul3A_330 : i32 to vector<16xi32>
          %mul3A_332 = arith.muli %add3A_329, %mul3A_331 : vector<16xi32>
          %add3A_333 = vector.broadcast %select_n3A : i32 to vector<16xi32>
          %add3A_334 = arith.addi %mul3A_332, %add3A_333 : vector<16xi32>
          %mul3A_335 = arith.constant 180 : i32
          %mul3A_336 = vector.broadcast %mul3A_335 : i32 to vector<16xi32>
          %mul3A_337 = arith.muli %min3A_286, %mul3A_336 : vector<16xi32>
          %add3A_338 = arith.addi %mul3A_337, %min3A_280 : vector<16xi32>
          %mul3A_339 = arith.constant 8 : i32
          %mul3A_340 = vector.broadcast %mul3A_339 : i32 to vector<16xi32>
          %mul3A_341 = arith.muli %add3A_338, %mul3A_340 : vector<16xi32>
          %add3A_342 = vector.broadcast %select_n3A : i32 to vector<16xi32>
          %add3A_343 = arith.addi %mul3A_341, %add3A_342 : vector<16xi32>
          %jit3A_344 = arith.constant 2 : i32
          %div3A_345 = arith.divsi %while3A_199, %jit3A_344 : i32
          %sign3A_346 = arith.constant 0 : i32
          %sign3A_347 = arith.cmpi sgt, %while3A_199, %sign3A_346 : i32
          %sign3A_348 = arith.extui %sign3A_347 : i1 to i32
          %sign3A_349 = arith.constant 0 : i32
          %sign3A_350 = arith.cmpi slt, %while3A_199, %sign3A_349 : i32
          %sign3A_351 = arith.extui %sign3A_350 : i1 to i32
          %sign3A_352 = arith.subi %sign3A_348, %sign3A_351 : i32
          %sign3A_353 = arith.constant 0 : i32
          %sign3A_354 = arith.cmpi sgt, %jit3A_344, %sign3A_353 : i32
          %sign3A_355 = arith.extui %sign3A_354 : i1 to i32
          %sign3A_356 = arith.constant 0 : i32
          %sign3A_357 = arith.cmpi slt, %jit3A_344, %sign3A_356 : i32
          %sign3A_358 = arith.extui %sign3A_357 : i1 to i32
          %sign3A_359 = arith.subi %sign3A_355, %sign3A_358 : i32
          %ne3A_360 = arith.cmpi ne, %sign3A_352, %sign3A_359 : i32
          %rem3A_361 = arith.remsi %while3A_199, %jit3A_344 : i32
          %ne3A_362 = arith.constant 0 : i32
          %ne3A_363 = arith.cmpi ne, %rem3A_361, %ne3A_362 : i32
          %and3A_364 = arith.andi %ne3A_360, %ne3A_363 : i1
          %sub3A_365 = arith.constant 1 : i32
          %sub3A_366 = arith.subi %div3A_345, %sub3A_365 : i32
          %select_n3A_367 = arith.select %and3A_364, %sub3A_366, %div3A_345 : i32
          %mul3A_368 = arith.constant 2 : i32
          %mul3A_369 = arith.muli %select_n3A_367, %mul3A_368 : i32
          %sub3A_370 = arith.subi %while3A_199, %mul3A_369 : i32
          %mul3A_371 = arith.constant 128 : i32
          %mul3A_372 = arith.muli %sub3A_370, %mul3A_371 : i32
          %add3A_373 = arith.constant 0 : i32
          %add3A_374 = arith.addi %mul3A_372, %add3A_373 : i32
          %swap3A_375 = arith.index_cast %select_n3A_367 : i32 to index
          %swap3A_376 = arith.index_cast %add3A_374 : i32 to index
          %swap3A_377 = tpu.vector_load %arg10[%swap3A_375, %swap3A_376] {strides = array<i32>} : memref<20x256xi32, #tpu.memory_space<vmem>>, vector<16xi32>,
          tpu.vector_store %arg10[%swap3A_375, %swap3A_376], %add3A_316 {strides = array<i32>} : memref<20x256xi32, #tpu.memory_space<vmem>>, vector<16xi32>,
          %add3A_378 = arith.constant 4 : i32
          %add3A_379 = vector.broadcast %add3A_378 : i32 to vector<16xi32>
          %add3A_380 = arith.addi %add3A_316, %add3A_379 : vector<16xi32>
          %add3A_381 = arith.constant 16 : i32
          %add3A_382 = arith.addi %mul3A_372, %add3A_381 : i32
          %swap3A_383 = arith.index_cast %select_n3A_367 : i32 to index
          %swap3A_384 = arith.index_cast %add3A_382 : i32 to index
          %swap3A_385 = tpu.vector_load %arg10[%swap3A_383, %swap3A_384] {strides = array<i32>} : memref<20x256xi32, #tpu.memory_space<vmem>>, vector<16xi32>,
          tpu.vector_store %arg10[%swap3A_383, %swap3A_384], %add3A_380 {strides = array<i32>} : memref<20x256xi32, #tpu.memory_space<vmem>>, vector<16xi32>,
          %add3A_386 = arith.constant 32 : i32
          %add3A_387 = arith.addi %mul3A_372, %add3A_386 : i32
          %swap3A_388 = arith.index_cast %select_n3A_367 : i32 to index
          %swap3A_389 = arith.index_cast %add3A_387 : i32 to index
          %swap3A_390 = tpu.vector_load %arg10[%swap3A_388, %swap3A_389] {strides = array<i32>} : memref<20x256xi32, #tpu.memory_space<vmem>>, vector<16xi32>,
          tpu.vector_store %arg10[%swap3A_388, %swap3A_389], %add3A_325 {strides = array<i32>} : memref<20x256xi32, #tpu.memory_space<vmem>>, vector<16xi32>,
          %add3A_391 = arith.constant 4 : i32
          %add3A_392 = vector.broadcast %add3A_391 : i32 to vector<16xi32>
          %add3A_393 = arith.addi %add3A_325, %add3A_392 : vector<16xi32>
          %add3A_394 = arith.constant 48 : i32
          %add3A_395 = arith.addi %mul3A_372, %add3A_394 : i32
          %swap3A_396 = arith.index_cast %select_n3A_367 : i32 to index
          %swap3A_397 = arith.index_cast %add3A_395 : i32 to index
          %swap3A_398 = tpu.vector_load %arg10[%swap3A_396, %swap3A_397] {strides = array<i32>} : memref<20x256xi32, #tpu.memory_space<vmem>>, vector<16xi32>,
          tpu.vector_store %arg10[%swap3A_396, %swap3A_397], %add3A_393 {strides = array<i32>} : memref<20x256xi32, #tpu.memory_space<vmem>>, vector<16xi32>,
          %add3A_399 = arith.constant 64 : i32
          %add3A_400 = arith.addi %mul3A_372, %add3A_399 : i32
          %swap3A_401 = arith.index_cast %select_n3A_367 : i32 to index
          %swap3A_402 = arith.index_cast %add3A_400 : i32 to index
          %swap3A_403 = tpu.vector_load %arg10[%swap3A_401, %swap3A_402] {strides = array<i32>} : memref<20x256xi32, #tpu.memory_space<vmem>>, vector<16xi32>,
          tpu.vector_store %arg10[%swap3A_401, %swap3A_402], %add3A_334 {strides = array<i32>} : memref<20x256xi32, #tpu.memory_space<vmem>>, vector<16xi32>,
          %add3A_404 = arith.constant 4 : i32
          %add3A_405 = vector.broadcast %add3A_404 : i32 to vector<16xi32>
          %add3A_406 = arith.addi %add3A_334, %add3A_405 : vector<16xi32>
          %add3A_407 = arith.constant 80 : i32
          %add3A_408 = arith.addi %mul3A_372, %add3A_407 : i32
          %swap3A_409 = arith.index_cast %select_n3A_367 : i32 to index
          %swap3A_410 = arith.index_cast %add3A_408 : i32 to index
          %swap3A_411 = tpu.vector_load %arg10[%swap3A_409, %swap3A_410] {strides = array<i32>} : memref<20x256xi32, #tpu.memory_space<vmem>>, vector<16xi32>,
          tpu.vector_store %arg10[%swap3A_409, %swap3A_410], %add3A_406 {strides = array<i32>} : memref<20x256xi32, #tpu.memory_space<vmem>>, vector<16xi32>,
          %add3A_412 = arith.constant 96 : i32
          %add3A_413 = arith.addi %mul3A_372, %add3A_412 : i32
          %swap3A_414 = arith.index_cast %select_n3A_367 : i32 to index
          %swap3A_415 = arith.index_cast %add3A_413 : i32 to index
          %swap3A_416 = tpu.vector_load %arg10[%swap3A_414, %swap3A_415] {strides = array<i32>} : memref<20x256xi32, #tpu.memory_space<vmem>>, vector<16xi32>,
          tpu.vector_store %arg10[%swap3A_414, %swap3A_415], %add3A_343 {strides = array<i32>} : memref<20x256xi32, #tpu.memory_space<vmem>>, vector<16xi32>,
          %add3A_417 = arith.constant 4 : i32
          %add3A_418 = vector.broadcast %add3A_417 : i32 to vector<16xi32>
          %add3A_419 = arith.addi %add3A_343, %add3A_418 : vector<16xi32>
          %add3A_420 = arith.constant 112 : i32
          %add3A_421 = arith.addi %mul3A_372, %add3A_420 : i32
          %swap3A_422 = arith.index_cast %select_n3A_367 : i32 to index
          %swap3A_423 = arith.index_cast %add3A_421 : i32 to index
          %swap3A_424 = tpu.vector_load %arg10[%swap3A_422, %swap3A_423] {strides = array<i32>} : memref<20x256xi32, #tpu.memory_space<vmem>>, vector<16xi32>,
          tpu.vector_store %arg10[%swap3A_422, %swap3A_423], %add3A_419 {strides = array<i32>} : memref<20x256xi32, #tpu.memory_space<vmem>>, vector<16xi32>,
          %mul3A_425 = arith.constant 16 : i32
          %mul3A_426 = arith.muli %sub3A_226, %mul3A_425 : i32
          %add3A_427 = arith.addi %mul3A_32, %mul3A_426 : i32
          %add3A_428 = vector.broadcast %add3A_427 : i32 to vector<16xi32>
          %add3A_429 = arith.addi %add3A_428, %iota3A : vector<16xi32>
          %mul3A_430 = arith.constant 128 : i32
          %mul3A_431 = arith.muli %select_n3A, %mul3A_430 : i32
          %shift_right_logical3A = arith.constant 3 : i32
          %shift_right_logical3A_432 = vector.broadcast %shift_right_logical3A : i32 to vector<16xi32>
          %shift_right_logical3A_433 = arith.shrui %add3A_429, %shift_right_logical3A_432 : vector<16xi32>
          %add3A_434 = vector.broadcast %mul3A_431 : i32 to vector<16xi32>
          %add3A_435 = arith.addi %add3A_434, %shift_right_logical3A_433 : vector<16xi32>
          %mul3A_436 = arith.constant 10 : i32
          %mul3A_437 = vector.broadcast %mul3A_436 : i32 to vector<16xi32>
          %mul3A_438 = arith.muli %add3A_435, %mul3A_437 : vector<16xi32>
          %mul3A_439 = arith.constant 2 : i32
          %mul3A_440 = arith.muli %select_n3A_223, %mul3A_439 : i32
          %add3A_441 = vector.broadcast %mul3A_440 : i32 to vector<16xi32>
          %add3A_442 = arith.addi %mul3A_438, %add3A_441 : vector<16xi32>
          %mul3A_443 = arith.constant 8 : i32
          %mul3A_444 = vector.broadcast %mul3A_443 : i32 to vector<16xi32>
          %mul3A_445 = arith.muli %add3A_442, %mul3A_444 : vector<16xi32>
          %and3A_446 = arith.constant 7 : i32
          %and3A_447 = vector.broadcast %and3A_446 : i32 to vector<16xi32>
          %and3A_448 = arith.andi %add3A_429, %and3A_447 : vector<16xi32>
          %add3A_449 = arith.addi %mul3A_445, %and3A_448 : vector<16xi32>
          %mul3A_450 = arith.constant 2 : i32
          %mul3A_451 = arith.muli %select_n3A_367, %mul3A_450 : i32
          %sub3A_452 = arith.subi %while3A_199, %mul3A_451 : i32
          %mul3A_453 = arith.constant 32 : i32
          %mul3A_454 = arith.muli %sub3A_452, %mul3A_453 : i32
          %swap3A_455 = arith.index_cast %select_n3A_367 : i32 to index
          %swap3A_456 = arith.index_cast %mul3A_454 : i32 to index
          %swap3A_457 = tpu.vector_load %arg11[%swap3A_455, %swap3A_456] {strides = array<i32>} : memref<20x64xi32, #tpu.memory_space<vmem>>, vector<16xi32>,
          tpu.vector_store %arg11[%swap3A_455, %swap3A_456], %add3A_449 {strides = array<i32>} : memref<20x64xi32, #tpu.memory_space<vmem>>, vector<16xi32>,
          %add3A_458 = arith.constant 8 : i32
          %add3A_459 = vector.broadcast %add3A_458 : i32 to vector<16xi32>
          %add3A_460 = arith.addi %add3A_449, %add3A_459 : vector<16xi32>
          %add3A_461 = arith.constant 16 : i32
          %add3A_462 = arith.addi %mul3A_454, %add3A_461 : i32
          %swap3A_463 = arith.index_cast %select_n3A_367 : i32 to index
          %swap3A_464 = arith.index_cast %add3A_462 : i32 to index
          %swap3A_465 = tpu.vector_load %arg11[%swap3A_463, %swap3A_464] {strides = array<i32>} : memref<20x64xi32, #tpu.memory_space<vmem>>, vector<16xi32>,
          tpu.vector_store %arg11[%swap3A_463, %swap3A_464], %add3A_460 {strides = array<i32>} : memref<20x64xi32, #tpu.memory_space<vmem>>, vector<16xi32>,
        }
        %while3A_198 = arith.constant 1 : i32
        scf.for %while3A_199 = %while3A_196 to %while3A_192 step %while3A_198  : i32 {
          %jit3A_200 = arith.constant 8 : i32
          %div3A_201 = arith.divsi %while3A_199, %jit3A_200 : i32
          %sign3A_202 = arith.constant 0 : i32
          %sign3A_203 = arith.cmpi sgt, %while3A_199, %sign3A_202 : i32
          %sign3A_204 = arith.extui %sign3A_203 : i1 to i32
          %sign3A_205 = arith.constant 0 : i32
          %sign3A_206 = arith.cmpi slt, %while3A_199, %sign3A_205 : i32
          %sign3A_207 = arith.extui %sign3A_206 : i1 to i32
          %sign3A_208 = arith.subi %sign3A_204, %sign3A_207 : i32
          %sign3A_209 = arith.constant 0 : i32
          %sign3A_210 = arith.cmpi sgt, %jit3A_200, %sign3A_209 : i32
          %sign3A_211 = arith.extui %sign3A_210 : i1 to i32
          %sign3A_212 = arith.constant 0 : i32
          %sign3A_213 = arith.cmpi slt, %jit3A_200, %sign3A_212 : i32
          %sign3A_214 = arith.extui %sign3A_213 : i1 to i32
          %sign3A_215 = arith.subi %sign3A_211, %sign3A_214 : i32
          %ne3A_216 = arith.cmpi ne, %sign3A_208, %sign3A_215 : i32
          %rem3A_217 = arith.remsi %while3A_199, %jit3A_200 : i32
          %ne3A_218 = arith.constant 0 : i32
          %ne3A_219 = arith.cmpi ne, %rem3A_217, %ne3A_218 : i32
          %and3A_220 = arith.andi %ne3A_216, %ne3A_219 : i1
          %sub3A_221 = arith.constant 1 : i32
          %sub3A_222 = arith.subi %div3A_201, %sub3A_221 : i32
          %select_n3A_223 = arith.select %and3A_220, %sub3A_222, %div3A_201 : i32
          %mul3A_224 = arith.constant 8 : i32
          %mul3A_225 = arith.muli %select_n3A_223, %mul3A_224 : i32
          %sub3A_226 = arith.subi %while3A_199, %mul3A_225 : i32
          %mul3A_227 = arith.constant 16 : i32
          %mul3A_228 = arith.muli %sub3A_226, %mul3A_227 : i32
          %get3A = arith.constant 0 : i32
          %get3A_229 = arith.index_cast %select_n3A_223 : i32 to index
          %get3A_230 = arith.index_cast %get3A : i32 to index
          %get3A_231 = arith.index_cast %mul3A_228 : i32 to index
          %get3A_232 = tpu.vector_load %arg5[%get3A_229, %get3A_230, %get3A_231] {strides = array<i32>} : memref<5x2x128xf32, #tpu.memory_space<vmem>>, vector<16xf32>,
          %sub3A_233 = arith.constant -5.400000e+01 : f32
          %sub3A_234 = vector.broadcast %sub3A_233 : f32 to vector<16xf32>
          %sub3A_235 = arith.subf %get3A_232, %sub3A_234 : vector<16xf32>
          %div3A_236 = arith.constant 6.000000e-01 : f32
          %div3A_237 = vector.broadcast %div3A_236 : f32 to vector<16xf32>
          %div3A_238 = arith.divf %sub3A_235, %div3A_237 : vector<16xf32>
          %get3A_239 = arith.constant 1 : i32
          %get3A_240 = arith.index_cast %select_n3A_223 : i32 to index
          %get3A_241 = arith.index_cast %get3A_239 : i32 to index
          %get3A_242 = arith.index_cast %mul3A_228 : i32 to index
          %get3A_243 = tpu.vector_load %arg5[%get3A_240, %get3A_241, %get3A_242] {strides = array<i32>} : memref<5x2x128xf32, #tpu.memory_space<vmem>>, vector<16xf32>,
          %sub3A_244 = arith.constant -5.400000e+01 : f32
          %sub3A_245 = vector.broadcast %sub3A_244 : f32 to vector<16xf32>
          %sub3A_246 = arith.subf %get3A_243, %sub3A_245 : vector<16xf32>
          %div3A_247 = arith.constant 6.000000e-01 : f32
          %div3A_248 = vector.broadcast %div3A_247 : f32 to vector<16xf32>
          %div3A_249 = arith.divf %sub3A_246, %div3A_248 : vector<16xf32>
          %convert_element_type3A_250 = arith.fptosi %div3A_238 : vector<16xf32> to vector<16xi32>
          %convert_element_type3A_251 = arith.fptosi %div3A_249 : vector<16xf32> to vector<16xi32>
          %convert_element_type3A_252 = arith.sitofp %convert_element_type3A_250 : vector<16xi32> to vector<16xf32>
          %gt3A_253 = arith.cmpf ogt, %convert_element_type3A_252, %div3A_238 : vector<16xf32>
          %sub3A_254 = arith.constant 1 : i32
          %sub3A_255 = vector.broadcast %sub3A_254 : i32 to vector<16xi32>
          %sub3A_256 = arith.subi %convert_element_type3A_250, %sub3A_255 : vector<16xi32>
          %select_n3A_257 = arith.select %gt3A_253, %sub3A_256, %convert_element_type3A_250 : vector<16xi1>, vector<16xi32>
          %convert_element_type3A_258 = arith.sitofp %convert_element_type3A_251 : vector<16xi32> to vector<16xf32>
          %gt3A_259 = arith.cmpf ogt, %convert_element_type3A_258, %div3A_249 : vector<16xf32>
          %sub3A_260 = arith.constant 1 : i32
          %sub3A_261 = vector.broadcast %sub3A_260 : i32 to vector<16xi32>
          %sub3A_262 = arith.subi %convert_element_type3A_251, %sub3A_261 : vector<16xi32>
          %select_n3A_263 = arith.select %gt3A_259, %sub3A_262, %convert_element_type3A_251 : vector<16xi1>, vector<16xi32>
          %jit3A_264 = arith.constant 0 : i32
          %jit3A_265 = arith.constant 179 : i32
          %max3A = vector.broadcast %jit3A_264 : i32 to vector<16xi32>
          %max3A_266 = arith.maxsi %max3A, %select_n3A_257 : vector<16xi32>
          %min3A_267 = vector.broadcast %jit3A_265 : i32 to vector<16xi32>
          %min3A_268 = arith.minsi %min3A_267, %max3A_266 : vector<16xi32>
          %jit3A_269 = arith.constant 0 : i32
          %jit3A_270 = arith.constant 179 : i32
          %max3A_271 = vector.broadcast %jit3A_269 : i32 to vector<16xi32>
          %max3A_272 = arith.maxsi %max3A_271, %select_n3A_263 : vector<16xi32>
          %min3A_273 = vector.broadcast %jit3A_270 : i32 to vector<16xi32>
          %min3A_274 = arith.minsi %min3A_273, %max3A_272 : vector<16xi32>
          %add3A_275 = arith.constant 1 : i32
          %add3A_276 = vector.broadcast %add3A_275 : i32 to vector<16xi32>
          %add3A_277 = arith.addi %min3A_268, %add3A_276 : vector<16xi32>
          %min3A_278 = arith.constant 179 : i32
          %min3A_279 = vector.broadcast %min3A_278 : i32 to vector<16xi32>
          %min3A_280 = arith.minsi %add3A_277, %min3A_279 : vector<16xi32>
          %add3A_281 = arith.constant 1 : i32
          %add3A_282 = vector.broadcast %add3A_281 : i32 to vector<16xi32>
          %add3A_283 = arith.addi %min3A_274, %add3A_282 : vector<16xi32>
          %min3A_284 = arith.constant 179 : i32
          %min3A_285 = vector.broadcast %min3A_284 : i32 to vector<16xi32>
          %min3A_286 = arith.minsi %add3A_283, %min3A_285 : vector<16xi32>
          %convert_element_type3A_287 = arith.sitofp %min3A_268 : vector<16xi32> to vector<16xf32>
          %sub3A_288 = arith.subf %div3A_238, %convert_element_type3A_287 : vector<16xf32>
          %convert_element_type3A_289 = arith.sitofp %min3A_280 : vector<16xi32> to vector<16xf32>
          %sub3A_290 = arith.subf %convert_element_type3A_289, %div3A_238 : vector<16xf32>
          %convert_element_type3A_291 = arith.sitofp %min3A_274 : vector<16xi32> to vector<16xf32>
          %sub3A_292 = arith.subf %div3A_249, %convert_element_type3A_291 : vector<16xf32>
          %convert_element_type3A_293 = arith.sitofp %min3A_286 : vector<16xi32> to vector<16xf32>
          %sub3A_294 = arith.subf %convert_element_type3A_293, %div3A_249 : vector<16xf32>
          %mul3A_295 = arith.constant 16 : i32
          %mul3A_296 = arith.muli %while3A_199, %mul3A_295 : i32
          %mul3A_297 = arith.mulf %sub3A_290, %sub3A_294 : vector<16xf32>
          %swap3A = arith.index_cast %mul3A_296 : i32 to index
          %swap3A_298 = tpu.vector_load %arg6[%swap3A] {strides = array<i32>} : memref<640xf32, #tpu.memory_space<vmem>>, vector<16xf32>,
          tpu.vector_store %arg6[%swap3A], %mul3A_297 {strides = array<i32>} : memref<640xf32, #tpu.memory_space<vmem>>, vector<16xf32>,
          %mul3A_299 = arith.mulf %sub3A_290, %sub3A_292 : vector<16xf32>
          %swap3A_300 = arith.index_cast %mul3A_296 : i32 to index
          %swap3A_301 = tpu.vector_load %arg7[%swap3A_300] {strides = array<i32>} : memref<640xf32, #tpu.memory_space<vmem>>, vector<16xf32>,
          tpu.vector_store %arg7[%swap3A_300], %mul3A_299 {strides = array<i32>} : memref<640xf32, #tpu.memory_space<vmem>>, vector<16xf32>,
          %mul3A_302 = arith.mulf %sub3A_288, %sub3A_294 : vector<16xf32>
          %swap3A_303 = arith.index_cast %mul3A_296 : i32 to index
          %swap3A_304 = tpu.vector_load %arg8[%swap3A_303] {strides = array<i32>} : memref<640xf32, #tpu.memory_space<vmem>>, vector<16xf32>,
          tpu.vector_store %arg8[%swap3A_303], %mul3A_302 {strides = array<i32>} : memref<640xf32, #tpu.memory_space<vmem>>, vector<16xf32>,
          %mul3A_305 = arith.mulf %sub3A_288, %sub3A_292 : vector<16xf32>
          %swap3A_306 = arith.index_cast %mul3A_296 : i32 to index
          %swap3A_307 = tpu.vector_load %arg9[%swap3A_306] {strides = array<i32>} : memref<640xf32, #tpu.memory_space<vmem>>, vector<16xf32>,
          tpu.vector_store %arg9[%swap3A_306], %mul3A_305 {strides = array<i32>} : memref<640xf32, #tpu.memory_space<vmem>>, vector<16xf32>,
          %mul3A_308 = arith.constant 180 : i32
          %mul3A_309 = vector.broadcast %mul3A_308 : i32 to vector<16xi32>
          %mul3A_310 = arith.muli %min3A_274, %mul3A_309 : vector<16xi32>
          %add3A_311 = arith.addi %mul3A_310, %min3A_268 : vector<16xi32>
          %mul3A_312 = arith.constant 8 : i32
          %mul3A_313 = vector.broadcast %mul3A_312 : i32 to vector<16xi32>
          %mul3A_314 = arith.muli %add3A_311, %mul3A_313 : vector<16xi32>
          %add3A_315 = vector.broadcast %select_n3A : i32 to vector<16xi32>
          %add3A_316 = arith.addi %mul3A_314, %add3A_315 : vector<16xi32>
          %mul3A_317 = arith.constant 180 : i32
          %mul3A_318 = vector.broadcast %mul3A_317 : i32 to vector<16xi32>
          %mul3A_319 = arith.muli %min3A_286, %mul3A_318 : vector<16xi32>
          %add3A_320 = arith.addi %mul3A_319, %min3A_268 : vector<16xi32>
          %mul3A_321 = arith.constant 8 : i32
          %mul3A_322 = vector.broadcast %mul3A_321 : i32 to vector<16xi32>
          %mul3A_323 = arith.muli %add3A_320, %mul3A_322 : vector<16xi32>
          %add3A_324 = vector.broadcast %select_n3A : i32 to vector<16xi32>
          %add3A_325 = arith.addi %mul3A_323, %add3A_324 : vector<16xi32>
          %mul3A_326 = arith.constant 180 : i32
          %mul3A_327 = vector.broadcast %mul3A_326 : i32 to vector<16xi32>
          %mul3A_328 = arith.muli %min3A_274, %mul3A_327 : vector<16xi32>
          %add3A_329 = arith.addi %mul3A_328, %min3A_280 : vector<16xi32>
          %mul3A_330 = arith.constant 8 : i32
          %mul3A_331 = vector.broadcast %mul3A_330 : i32 to vector<16xi32>
          %mul3A_332 = arith.muli %add3A_329, %mul3A_331 : vector<16xi32>
          %add3A_333 = vector.broadcast %select_n3A : i32 to vector<16xi32>
          %add3A_334 = arith.addi %mul3A_332, %add3A_333 : vector<16xi32>
          %mul3A_335 = arith.constant 180 : i32
          %mul3A_336 = vector.broadcast %mul3A_335 : i32 to vector<16xi32>
          %mul3A_337 = arith.muli %min3A_286, %mul3A_336 : vector<16xi32>
          %add3A_338 = arith.addi %mul3A_337, %min3A_280 : vector<16xi32>
          %mul3A_339 = arith.constant 8 : i32
          %mul3A_340 = vector.broadcast %mul3A_339 : i32 to vector<16xi32>
          %mul3A_341 = arith.muli %add3A_338, %mul3A_340 : vector<16xi32>
          %add3A_342 = vector.broadcast %select_n3A : i32 to vector<16xi32>
          %add3A_343 = arith.addi %mul3A_341, %add3A_342 : vector<16xi32>
          %jit3A_344 = arith.constant 2 : i32
          %div3A_345 = arith.divsi %while3A_199, %jit3A_344 : i32
          %sign3A_346 = arith.constant 0 : i32
          %sign3A_347 = arith.cmpi sgt, %while3A_199, %sign3A_346 : i32
          %sign3A_348 = arith.extui %sign3A_347 : i1 to i32
          %sign3A_349 = arith.constant 0 : i32
          %sign3A_350 = arith.cmpi slt, %while3A_199, %sign3A_349 : i32
          %sign3A_351 = arith.extui %sign3A_350 : i1 to i32
          %sign3A_352 = arith.subi %sign3A_348, %sign3A_351 : i32
          %sign3A_353 = arith.constant 0 : i32
          %sign3A_354 = arith.cmpi sgt, %jit3A_344, %sign3A_353 : i32
          %sign3A_355 = arith.extui %sign3A_354 : i1 to i32
          %sign3A_356 = arith.constant 0 : i32
          %sign3A_357 = arith.cmpi slt, %jit3A_344, %sign3A_356 : i32
          %sign3A_358 = arith.extui %sign3A_357 : i1 to i32
          %sign3A_359 = arith.subi %sign3A_355, %sign3A_358 : i32
          %ne3A_360 = arith.cmpi ne, %sign3A_352, %sign3A_359 : i32
          %rem3A_361 = arith.remsi %while3A_199, %jit3A_344 : i32
          %ne3A_362 = arith.constant 0 : i32
          %ne3A_363 = arith.cmpi ne, %rem3A_361, %ne3A_362 : i32
          %and3A_364 = arith.andi %ne3A_360, %ne3A_363 : i1
          %sub3A_365 = arith.constant 1 : i32
          %sub3A_366 = arith.subi %div3A_345, %sub3A_365 : i32
          %select_n3A_367 = arith.select %and3A_364, %sub3A_366, %div3A_345 : i32
          %mul3A_368 = arith.constant 2 : i32
          %mul3A_369 = arith.muli %select_n3A_367, %mul3A_368 : i32
          %sub3A_370 = arith.subi %while3A_199, %mul3A_369 : i32
          %mul3A_371 = arith.constant 128 : i32
          %mul3A_372 = arith.muli %sub3A_370, %mul3A_371 : i32
          %add3A_373 = arith.constant 0 : i32
          %add3A_374 = arith.addi %mul3A_372, %add3A_373 : i32
          %swap3A_375 = arith.index_cast %select_n3A_367 : i32 to index
          %swap3A_376 = arith.index_cast %add3A_374 : i32 to index
          %swap3A_377 = tpu.vector_load %arg10[%swap3A_375, %swap3A_376] {strides = array<i32>} : memref<20x256xi32, #tpu.memory_space<vmem>>, vector<16xi32>,
          tpu.vector_store %arg10[%swap3A_375, %swap3A_376], %add3A_316 {strides = array<i32>} : memref<20x256xi32, #tpu.memory_space<vmem>>, vector<16xi32>,
          %add3A_378 = arith.constant 4 : i32
          %add3A_379 = vector.broadcast %add3A_378 : i32 to vector<16xi32>
          %add3A_380 = arith.addi %add3A_316, %add3A_379 : vector<16xi32>
          %add3A_381 = arith.constant 16 : i32
          %add3A_382 = arith.addi %mul3A_372, %add3A_381 : i32
          %swap3A_383 = arith.index_cast %select_n3A_367 : i32 to index
          %swap3A_384 = arith.index_cast %add3A_382 : i32 to index
          %swap3A_385 = tpu.vector_load %arg10[%swap3A_383, %swap3A_384] {strides = array<i32>} : memref<20x256xi32, #tpu.memory_space<vmem>>, vector<16xi32>,
          tpu.vector_store %arg10[%swap3A_383, %swap3A_384], %add3A_380 {strides = array<i32>} : memref<20x256xi32, #tpu.memory_space<vmem>>, vector<16xi32>,
          %add3A_386 = arith.constant 32 : i32
          %add3A_387 = arith.addi %mul3A_372, %add3A_386 : i32
          %swap3A_388 = arith.index_cast %select_n3A_367 : i32 to index
          %swap3A_389 = arith.index_cast %add3A_387 : i32 to index
          %swap3A_390 = tpu.vector_load %arg10[%swap3A_388, %swap3A_389] {strides = array<i32>} : memref<20x256xi32, #tpu.memory_space<vmem>>, vector<16xi32>,
          tpu.vector_store %arg10[%swap3A_388, %swap3A_389], %add3A_325 {strides = array<i32>} : memref<20x256xi32, #tpu.memory_space<vmem>>, vector<16xi32>,
          %add3A_391 = arith.constant 4 : i32
          %add3A_392 = vector.broadcast %add3A_391 : i32 to vector<16xi32>
          %add3A_393 = arith.addi %add3A_325, %add3A_392 : vector<16xi32>
          %add3A_394 = arith.constant 48 : i32
          %add3A_395 = arith.addi %mul3A_372, %add3A_394 : i32
          %swap3A_396 = arith.index_cast %select_n3A_367 : i32 to index
          %swap3A_397 = arith.index_cast %add3A_395 : i32 to index
          %swap3A_398 = tpu.vector_load %arg10[%swap3A_396, %swap3A_397] {strides = array<i32>} : memref<20x256xi32, #tpu.memory_space<vmem>>, vector<16xi32>,
          tpu.vector_store %arg10[%swap3A_396, %swap3A_397], %add3A_393 {strides = array<i32>} : memref<20x256xi32, #tpu.memory_space<vmem>>, vector<16xi32>,
          %add3A_399 = arith.constant 64 : i32
          %add3A_400 = arith.addi %mul3A_372, %add3A_399 : i32
          %swap3A_401 = arith.index_cast %select_n3A_367 : i32 to index
          %swap3A_402 = arith.index_cast %add3A_400 : i32 to index
          %swap3A_403 = tpu.vector_load %arg10[%swap3A_401, %swap3A_402] {strides = array<i32>} : memref<20x256xi32, #tpu.memory_space<vmem>>, vector<16xi32>,
          tpu.vector_store %arg10[%swap3A_401, %swap3A_402], %add3A_334 {strides = array<i32>} : memref<20x256xi32, #tpu.memory_space<vmem>>, vector<16xi32>,
          %add3A_404 = arith.constant 4 : i32
          %add3A_405 = vector.broadcast %add3A_404 : i32 to vector<16xi32>
          %add3A_406 = arith.addi %add3A_334, %add3A_405 : vector<16xi32>
          %add3A_407 = arith.constant 80 : i32
          %add3A_408 = arith.addi %mul3A_372, %add3A_407 : i32
          %swap3A_409 = arith.index_cast %select_n3A_367 : i32 to index
          %swap3A_410 = arith.index_cast %add3A_408 : i32 to index
          %swap3A_411 = tpu.vector_load %arg10[%swap3A_409, %swap3A_410] {strides = array<i32>} : memref<20x256xi32, #tpu.memory_space<vmem>>, vector<16xi32>,
          tpu.vector_store %arg10[%swap3A_409, %swap3A_410], %add3A_406 {strides = array<i32>} : memref<20x256xi32, #tpu.memory_space<vmem>>, vector<16xi32>,
          %add3A_412 = arith.constant 96 : i32
          %add3A_413 = arith.addi %mul3A_372, %add3A_412 : i32
          %swap3A_414 = arith.index_cast %select_n3A_367 : i32 to index
          %swap3A_415 = arith.index_cast %add3A_413 : i32 to index
          %swap3A_416 = tpu.vector_load %arg10[%swap3A_414, %swap3A_415] {strides = array<i32>} : memref<20x256xi32, #tpu.memory_space<vmem>>, vector<16xi32>,
          tpu.vector_store %arg10[%swap3A_414, %swap3A_415], %add3A_343 {strides = array<i32>} : memref<20x256xi32, #tpu.memory_space<vmem>>, vector<16xi32>,
          %add3A_417 = arith.constant 4 : i32
          %add3A_418 = vector.broadcast %add3A_417 : i32 to vector<16xi32>
          %add3A_419 = arith.addi %add3A_343, %add3A_418 : vector<16xi32>
          %add3A_420 = arith.constant 112 : i32
          %add3A_421 = arith.addi %mul3A_372, %add3A_420 : i32
          %swap3A_422 = arith.index_cast %select_n3A_367 : i32 to index
          %swap3A_423 = arith.index_cast %add3A_421 : i32 to index
          %swap3A_424 = tpu.vector_load %arg10[%swap3A_422, %swap3A_423] {strides = array<i32>} : memref<20x256xi32, #tpu.memory_space<vmem>>, vector<16xi32>,
          tpu.vector_store %arg10[%swap3A_422, %swap3A_423], %add3A_419 {strides = array<i32>} : memref<20x256xi32, #tpu.memory_space<vmem>>, vector<16xi32>,
          %mul3A_425 = arith.constant 16 : i32
          %mul3A_426 = arith.muli %sub3A_226, %mul3A_425 : i32
          %add3A_427 = arith.addi %mul3A_32, %mul3A_426 : i32
          %add3A_428 = vector.broadcast %add3A_427 : i32 to vector<16xi32>
          %add3A_429 = arith.addi %add3A_428, %iota3A : vector<16xi32>
          %mul3A_430 = arith.constant 128 : i32
          %mul3A_431 = arith.muli %select_n3A, %mul3A_430 : i32
          %shift_right_logical3A = arith.constant 3 : i32
          %shift_right_logical3A_432 = vector.broadcast %shift_right_logical3A : i32 to vector<16xi32>
          %shift_right_logical3A_433 = arith.shrui %add3A_429, %shift_right_logical3A_432 : vector<16xi32>
          %add3A_434 = vector.broadcast %mul3A_431 : i32 to vector<16xi32>
          %add3A_435 = arith.addi %add3A_434, %shift_right_logical3A_433 : vector<16xi32>
          %mul3A_436 = arith.constant 10 : i32
          %mul3A_437 = vector.broadcast %mul3A_436 : i32 to vector<16xi32>
          %mul3A_438 = arith.muli %add3A_435, %mul3A_437 : vector<16xi32>
          %mul3A_439 = arith.constant 2 : i32
          %mul3A_440 = arith.muli %select_n3A_223, %mul3A_439 : i32
          %add3A_441 = vector.broadcast %mul3A_440 : i32 to vector<16xi32>
          %add3A_442 = arith.addi %mul3A_438, %add3A_441 : vector<16xi32>
          %mul3A_443 = arith.constant 8 : i32
          %mul3A_444 = vector.broadcast %mul3A_443 : i32 to vector<16xi32>
          %mul3A_445 = arith.muli %add3A_442, %mul3A_444 : vector<16xi32>
          %and3A_446 = arith.constant 7 : i32
          %and3A_447 = vector.broadcast %and3A_446 : i32 to vector<16xi32>
          %and3A_448 = arith.andi %add3A_429, %and3A_447 : vector<16xi32>
          %add3A_449 = arith.addi %mul3A_445, %and3A_448 : vector<16xi32>
          %mul3A_450 = arith.constant 2 : i32
          %mul3A_451 = arith.muli %select_n3A_367, %mul3A_450 : i32
          %sub3A_452 = arith.subi %while3A_199, %mul3A_451 : i32
          %mul3A_453 = arith.constant 32 : i32
          %mul3A_454 = arith.muli %sub3A_452, %mul3A_453 : i32
          %swap3A_455 = arith.index_cast %select_n3A_367 : i32 to index
          %swap3A_456 = arith.index_cast %mul3A_454 : i32 to index
          %swap3A_457 = tpu.vector_load %arg11[%swap3A_455, %swap3A_456] {strides = array<i32>} : memref<20x64xi32, #tpu.memory_space<vmem>>, vector<16xi32>,
          tpu.vector_store %arg11[%swap3A_455, %swap3A_456], %add3A_449 {strides = array<i32>} : memref<20x64xi32, #tpu.memory_space<vmem>>, vector<16xi32>,
          %add3A_458 = arith.constant 8 : i32
          %add3A_459 = vector.broadcast %add3A_458 : i32 to vector<16xi32>
          %add3A_460 = arith.addi %add3A_449, %add3A_459 : vector<16xi32>
          %add3A_461 = arith.constant 16 : i32
          %add3A_462 = arith.addi %mul3A_454, %add3A_461 : i32
          %swap3A_463 = arith.index_cast %select_n3A_367 : i32 to index
          %swap3A_464 = arith.index_cast %add3A_462 : i32 to index
          %swap3A_465 = tpu.vector_load %arg11[%swap3A_463, %swap3A_464] {strides = array<i32>} : memref<20x64xi32, #tpu.memory_space<vmem>>, vector<16xi32>,
          tpu.vector_store %arg11[%swap3A_463, %swap3A_464], %add3A_460 {strides = array<i32>} : memref<20x64xi32, #tpu.memory_space<vmem>>, vector<16xi32>,
        }
      } else {
      }
      %mul3A_136 = arith.constant 2 : i32
      %mul3A_137 = arith.muli %scan3A_94, %mul3A_136 : i32
      %add3A_138 = arith.constant 1 : i32
      %add3A_139 = arith.addi %mul3A_137, %add3A_138 : i32
      %dma_wait3A_140 = arith.constant 0 : i32
      %dma_wait3A_141 = tpu.memref_slice %arg10[%add3A_139, %dma_wait3A_140] : memref<20x256xi32, #tpu.memory_space<vmem>> -> memref<1x256xi32, #tpu.memory_space<vmem>>
      %dma_wait3A_142 = tpu.memref_squeeze %dma_wait3A_141 : memref<1x256xi32, #tpu.memory_space<vmem>> -> memref<256xi32, #tpu.memory_space<vmem>>
      %dma_wait3A_143 = arith.constant 0 : i32
      %dma_wait3A_144 = arith.constant 0 : i32
      %dma_wait3A_145 = tpu.memref_slice %arg2[%dma_wait3A_143, %dma_wait3A_144] : memref<259200x128xf32, #tpu.memory_space<hbm>> -> memref<259200x128xf32, #tpu.memory_space<hbm>>
      tpu.wait_indirect_dma semaphore(%arg17 : memref<!tpu.dma_semaphore, #tpu.memory_space<semaphore_mem>>) src(%dma_wait3A_145 : memref<259200x128xf32, #tpu.memory_space<hbm>>) dst(%arg13 : memref<256x128xf32, #tpu.memory_space<vmem>>)
      %gt3A_146 = arith.constant 0 : i32
      %gt3A_147 = arith.cmpi sgt, %scan3A_94, %gt3A_146 : i32
      %convert_element_type3A_148 = arith.extui %gt3A_147 : i1 to i32
      %cond3A_149 = arith.constant 0 : i32
      %cond3A_150 = arith.cmpi ne, %convert_element_type3A_148, %cond3A_149 : i32
      scf.if %cond3A_150 {
        %sub3A_182 = arith.constant 2 : i32
        %sub3A_183 = arith.subi %add3A_139, %sub3A_182 : i32
        %dma_wait3A_184 = arith.constant 0 : i32
        %dma_wait3A_185 = tpu.memref_slice %arg11[%sub3A_183, %dma_wait3A_184] : memref<20x64xi32, #tpu.memory_space<vmem>> -> memref<1x64xi32, #tpu.memory_space<vmem>>
        %dma_wait3A_186 = tpu.memref_squeeze %dma_wait3A_185 : memref<1x64xi32, #tpu.memory_space<vmem>> -> memref<64xi32, #tpu.memory_space<vmem>>
        %dma_wait3A_187 = arith.constant 0 : i32
        %dma_wait3A_188 = arith.constant 0 : i32
        %dma_wait3A_189 = tpu.memref_slice %arg4[%dma_wait3A_187, %dma_wait3A_188] : memref<40960x128xf32, #tpu.memory_space<hbm>> -> memref<40960x128xf32, #tpu.memory_space<hbm>>
        tpu.wait_indirect_dma semaphore(%arg19 : memref<!tpu.dma_semaphore, #tpu.memory_space<semaphore_mem>>) src(%arg15 : memref<64x128xf32, #tpu.memory_space<vmem>>) dst(%dma_wait3A_189 : memref<40960x128xf32, #tpu.memory_space<hbm>>)
      } else {
      }
      %scan3A_151 = arith.constant 0 : i32
      %scan3A_152 = arith.constant 0 : i32
      %scan3A_153 = arith.constant 2 : i32
      %scan3A_154 = arith.addi %scan3A_152, %scan3A_153 : i32
      %scan3A_155 = arith.constant 1 : i32
      %scan3A_156 = scf.for %scan3A_182 = %scan3A_152 to %scan3A_154 step %scan3A_155 iter_args(%scan3A_183 = %scan3A_151) -> (i32)  : i32 {
        %mul3A_184 = arith.constant 2 : i32
        %mul3A_185 = arith.muli %add3A_139, %mul3A_184 : i32
        %add3A_186 = arith.addi %mul3A_185, %scan3A_182 : i32
        %mul3A_187 = arith.constant 16 : i32
        %mul3A_188 = arith.muli %add3A_186, %mul3A_187 : i32
        %get3A = arith.index_cast %mul3A_188 : i32 to index
        %get3A_189 = tpu.vector_load %arg6[%get3A] {strides = array<i32>} : memref<640xf32, #tpu.memory_space<vmem>>, vector<16xf32>,
        %get3A_190 = arith.index_cast %mul3A_188 : i32 to index
        %get3A_191 = tpu.vector_load %arg7[%get3A_190] {strides = array<i32>} : memref<640xf32, #tpu.memory_space<vmem>>, vector<16xf32>,
        %get3A_192 = arith.index_cast %mul3A_188 : i32 to index
        %get3A_193 = tpu.vector_load %arg8[%get3A_192] {strides = array<i32>} : memref<640xf32, #tpu.memory_space<vmem>>, vector<16xf32>,
        %get3A_194 = arith.index_cast %mul3A_188 : i32 to index
        %get3A_195 = tpu.vector_load %arg9[%get3A_194] {strides = array<i32>} : memref<640xf32, #tpu.memory_space<vmem>>, vector<16xf32>,
        %mul3A_196 = arith.constant 128 : i32
        %mul3A_197 = arith.muli %scan3A_182, %mul3A_196 : i32
        %mul3A_198 = arith.constant 32 : i32
        %mul3A_199 = arith.muli %scan3A_182, %mul3A_198 : i32
        %parallel_loop3A = arith.constant 0 : i32
        %parallel_loop3A_200 = arith.constant 16 : i32
        %parallel_loop3A_201 = arith.constant 1 : i32
        scf.for %parallel_loop3A_203 = %parallel_loop3A to %parallel_loop3A_200 step %parallel_loop3A_201  : i32 {
          %parallel_loop3A_204 = vector.broadcast %parallel_loop3A_203 : i32 to vector<16xi32>
          %parallel_loop3A_205 = arith.constant 0 : i32
          %parallel_loop3A_206 = vector.broadcast %parallel_loop3A_205 : i32 to vector<16xi32>
          %parallel_loop3A_207 = arith.cmpi slt, %parallel_loop3A_204, %parallel_loop3A_206 : vector<16xi32>
          %parallel_loop3A_208 = arith.constant 16 : i32
          %parallel_loop3A_209 = vector.broadcast %parallel_loop3A_208 : i32 to vector<16xi32>
          %parallel_loop3A_210 = arith.addi %parallel_loop3A_204, %parallel_loop3A_209 : vector<16xi32>
          %parallel_loop3A_211 = arith.select %parallel_loop3A_207, %parallel_loop3A_210, %parallel_loop3A_204 : vector<16xi1>, vector<16xi32>
          %parallel_loop3A_212 = vector.shape_cast %parallel_loop3A_211 : vector<16xi32> to vector<16x1xi32>
          %parallel_loop3A_213 = vector.shape_cast %parallel_loop3A_212 : vector<16x1xi32> to vector<16xi32>
          %parallel_loop3A_214 = tpu.dynamic_gather %get3A_189[%parallel_loop3A_213] in [0] : vector<16xf32>, vector<16xi32> -> vector<16xf32>
          %parallel_loop3A_215 = arith.constant 0 : i32
          %parallel_loop3A_216 = vector.broadcast %parallel_loop3A_215 : i32 to vector<16xi32>
          %parallel_loop3A_217 = arith.cmpi slt, %parallel_loop3A_204, %parallel_loop3A_216 : vector<16xi32>
          %parallel_loop3A_218 = arith.constant 16 : i32
          %parallel_loop3A_219 = vector.broadcast %parallel_loop3A_218 : i32 to vector<16xi32>
          %parallel_loop3A_220 = arith.addi %parallel_loop3A_204, %parallel_loop3A_219 : vector<16xi32>
          %parallel_loop3A_221 = arith.select %parallel_loop3A_217, %parallel_loop3A_220, %parallel_loop3A_204 : vector<16xi1>, vector<16xi32>
          %parallel_loop3A_222 = vector.shape_cast %parallel_loop3A_221 : vector<16xi32> to vector<16x1xi32>
          %parallel_loop3A_223 = vector.shape_cast %parallel_loop3A_222 : vector<16x1xi32> to vector<16xi32>
          %parallel_loop3A_224 = tpu.dynamic_gather %get3A_191[%parallel_loop3A_223] in [0] : vector<16xf32>, vector<16xi32> -> vector<16xf32>
          %parallel_loop3A_225 = arith.constant 0 : i32
          %parallel_loop3A_226 = vector.broadcast %parallel_loop3A_225 : i32 to vector<16xi32>
          %parallel_loop3A_227 = arith.cmpi slt, %parallel_loop3A_204, %parallel_loop3A_226 : vector<16xi32>
          %parallel_loop3A_228 = arith.constant 16 : i32
          %parallel_loop3A_229 = vector.broadcast %parallel_loop3A_228 : i32 to vector<16xi32>
          %parallel_loop3A_230 = arith.addi %parallel_loop3A_204, %parallel_loop3A_229 : vector<16xi32>
          %parallel_loop3A_231 = arith.select %parallel_loop3A_227, %parallel_loop3A_230, %parallel_loop3A_204 : vector<16xi1>, vector<16xi32>
          %parallel_loop3A_232 = vector.shape_cast %parallel_loop3A_231 : vector<16xi32> to vector<16x1xi32>
          %parallel_loop3A_233 = vector.shape_cast %parallel_loop3A_232 : vector<16x1xi32> to vector<16xi32>
          %parallel_loop3A_234 = tpu.dynamic_gather %get3A_193[%parallel_loop3A_233] in [0] : vector<16xf32>, vector<16xi32> -> vector<16xf32>
          %parallel_loop3A_235 = arith.constant 0 : i32
          %parallel_loop3A_236 = vector.broadcast %parallel_loop3A_235 : i32 to vector<16xi32>
          %parallel_loop3A_237 = arith.cmpi slt, %parallel_loop3A_204, %parallel_loop3A_236 : vector<16xi32>
          %parallel_loop3A_238 = arith.constant 16 : i32
          %parallel_loop3A_239 = vector.broadcast %parallel_loop3A_238 : i32 to vector<16xi32>
          %parallel_loop3A_240 = arith.addi %parallel_loop3A_204, %parallel_loop3A_239 : vector<16xi32>
          %parallel_loop3A_241 = arith.select %parallel_loop3A_237, %parallel_loop3A_240, %parallel_loop3A_204 : vector<16xi1>, vector<16xi32>
          %parallel_loop3A_242 = vector.shape_cast %parallel_loop3A_241 : vector<16xi32> to vector<16x1xi32>
          %parallel_loop3A_243 = vector.shape_cast %parallel_loop3A_242 : vector<16x1xi32> to vector<16xi32>
          %parallel_loop3A_244 = tpu.dynamic_gather %get3A_195[%parallel_loop3A_243] in [0] : vector<16xf32>, vector<16xi32> -> vector<16xf32>
          %parallel_loop3A_245 = arith.constant 0 : i32
          %parallel_loop3A_246 = arith.addi %parallel_loop3A_245, %parallel_loop3A_203 : i32
          %parallel_loop3A_247 = arith.constant 0 : i32
          %parallel_loop3A_248 = arith.addi %mul3A_197, %parallel_loop3A_247 : i32
          %parallel_loop3A_249 = arith.addi %parallel_loop3A_248, %parallel_loop3A_246 : i32
          %parallel_loop3A_250 = arith.index_cast %parallel_loop3A_249 : i32 to index
          %parallel_loop3A_251 = arith.constant 0 : index
          %parallel_loop3A_252 = tpu.vector_load %arg13[%parallel_loop3A_250, %parallel_loop3A_251] {strides = array<i32>} : memref<256x128xf32, #tpu.memory_space<vmem>>, vector<16xf32>,
          %parallel_loop3A_253 = arith.mulf %parallel_loop3A_252, %parallel_loop3A_214 : vector<16xf32>
          %parallel_loop3A_254 = arith.constant 32 : i32
          %parallel_loop3A_255 = arith.addi %mul3A_197, %parallel_loop3A_254 : i32
          %parallel_loop3A_256 = arith.addi %parallel_loop3A_255, %parallel_loop3A_246 : i32
          %parallel_loop3A_257 = arith.index_cast %parallel_loop3A_256 : i32 to index
          %parallel_loop3A_258 = arith.constant 0 : index
          %parallel_loop3A_259 = tpu.vector_load %arg13[%parallel_loop3A_257, %parallel_loop3A_258] {strides = array<i32>} : memref<256x128xf32, #tpu.memory_space<vmem>>, vector<16xf32>,
          %parallel_loop3A_260 = arith.mulf %parallel_loop3A_259, %parallel_loop3A_224 : vector<16xf32>
          %parallel_loop3A_261 = arith.addf %parallel_loop3A_253, %parallel_loop3A_260 : vector<16xf32>
          %parallel_loop3A_262 = arith.constant 64 : i32
          %parallel_loop3A_263 = arith.addi %mul3A_197, %parallel_loop3A_262 : i32
          %parallel_loop3A_264 = arith.addi %parallel_loop3A_263, %parallel_loop3A_246 : i32
          %parallel_loop3A_265 = arith.index_cast %parallel_loop3A_264 : i32 to index
          %parallel_loop3A_266 = arith.constant 0 : index
          %parallel_loop3A_267 = tpu.vector_load %arg13[%parallel_loop3A_265, %parallel_loop3A_266] {strides = array<i32>} : memref<256x128xf32, #tpu.memory_space<vmem>>, vector<16xf32>,
          %parallel_loop3A_268 = arith.mulf %parallel_loop3A_267, %parallel_loop3A_234 : vector<16xf32>
          %parallel_loop3A_269 = arith.addf %parallel_loop3A_261, %parallel_loop3A_268 : vector<16xf32>
          %parallel_loop3A_270 = arith.constant 96 : i32
          %parallel_loop3A_271 = arith.addi %mul3A_197, %parallel_loop3A_270 : i32
          %parallel_loop3A_272 = arith.addi %parallel_loop3A_271, %parallel_loop3A_246 : i32
          %parallel_loop3A_273 = arith.index_cast %parallel_loop3A_272 : i32 to index
          %parallel_loop3A_274 = arith.constant 0 : index
          %parallel_loop3A_275 = tpu.vector_load %arg13[%parallel_loop3A_273, %parallel_loop3A_274] {strides = array<i32>} : memref<256x128xf32, #tpu.memory_space<vmem>>, vector<16xf32>,
          %parallel_loop3A_276 = arith.mulf %parallel_loop3A_275, %parallel_loop3A_244 : vector<16xf32>
          %parallel_loop3A_277 = arith.addf %parallel_loop3A_269, %parallel_loop3A_276 : vector<16xf32>
          %parallel_loop3A_278 = arith.addi %mul3A_199, %parallel_loop3A_246 : i32
          %parallel_loop3A_279 = arith.index_cast %parallel_loop3A_278 : i32 to index
          %parallel_loop3A_280 = arith.constant 0 : index
          %parallel_loop3A_281 = tpu.vector_load %arg15[%parallel_loop3A_279, %parallel_loop3A_280] {strides = array<i32>} : memref<64x128xf32, #tpu.memory_space<vmem>>, vector<16xf32>,
          tpu.vector_store %arg15[%parallel_loop3A_279, %parallel_loop3A_280], %parallel_loop3A_277 {strides = array<i32>} : memref<64x128xf32, #tpu.memory_space<vmem>>, vector<16xf32>,
          %parallel_loop3A_282 = arith.constant 0 : i32
          %parallel_loop3A_283 = arith.addi %mul3A_197, %parallel_loop3A_282 : i32
          %parallel_loop3A_284 = arith.addi %parallel_loop3A_283, %parallel_loop3A_246 : i32
          %parallel_loop3A_285 = arith.index_cast %parallel_loop3A_284 : i32 to index
          %parallel_loop3A_286 = arith.constant 16 : index
          %parallel_loop3A_287 = tpu.vector_load %arg13[%parallel_loop3A_285, %parallel_loop3A_286] {strides = array<i32>} : memref<256x128xf32, #tpu.memory_space<vmem>>, vector<16xf32>,
          %parallel_loop3A_288 = arith.mulf %parallel_loop3A_287, %parallel_loop3A_214 : vector<16xf32>
          %parallel_loop3A_289 = arith.constant 32 : i32
          %parallel_loop3A_290 = arith.addi %mul3A_197, %parallel_loop3A_289 : i32
          %parallel_loop3A_291 = arith.addi %parallel_loop3A_290, %parallel_loop3A_246 : i32
          %parallel_loop3A_292 = arith.index_cast %parallel_loop3A_291 : i32 to index
          %parallel_loop3A_293 = arith.constant 16 : index
          %parallel_loop3A_294 = tpu.vector_load %arg13[%parallel_loop3A_292, %parallel_loop3A_293] {strides = array<i32>} : memref<256x128xf32, #tpu.memory_space<vmem>>, vector<16xf32>,
          %parallel_loop3A_295 = arith.mulf %parallel_loop3A_294, %parallel_loop3A_224 : vector<16xf32>
          %parallel_loop3A_296 = arith.addf %parallel_loop3A_288, %parallel_loop3A_295 : vector<16xf32>
          %parallel_loop3A_297 = arith.constant 64 : i32
          %parallel_loop3A_298 = arith.addi %mul3A_197, %parallel_loop3A_297 : i32
          %parallel_loop3A_299 = arith.addi %parallel_loop3A_298, %parallel_loop3A_246 : i32
          %parallel_loop3A_300 = arith.index_cast %parallel_loop3A_299 : i32 to index
          %parallel_loop3A_301 = arith.constant 16 : index
          %parallel_loop3A_302 = tpu.vector_load %arg13[%parallel_loop3A_300, %parallel_loop3A_301] {strides = array<i32>} : memref<256x128xf32, #tpu.memory_space<vmem>>, vector<16xf32>,
          %parallel_loop3A_303 = arith.mulf %parallel_loop3A_302, %parallel_loop3A_234 : vector<16xf32>
          %parallel_loop3A_304 = arith.addf %parallel_loop3A_296, %parallel_loop3A_303 : vector<16xf32>
          %parallel_loop3A_305 = arith.constant 96 : i32
          %parallel_loop3A_306 = arith.addi %mul3A_197, %parallel_loop3A_305 : i32
          %parallel_loop3A_307 = arith.addi %parallel_loop3A_306, %parallel_loop3A_246 : i32
          %parallel_loop3A_308 = arith.index_cast %parallel_loop3A_307 : i32 to index
          %parallel_loop3A_309 = arith.constant 16 : index
          %parallel_loop3A_310 = tpu.vector_load %arg13[%parallel_loop3A_308, %parallel_loop3A_309] {strides = array<i32>} : memref<256x128xf32, #tpu.memory_space<vmem>>, vector<16xf32>,
          %parallel_loop3A_311 = arith.mulf %parallel_loop3A_310, %parallel_loop3A_244 : vector<16xf32>
          %parallel_loop3A_312 = arith.addf %parallel_loop3A_304, %parallel_loop3A_311 : vector<16xf32>
          %parallel_loop3A_313 = arith.addi %mul3A_199, %parallel_loop3A_246 : i32
          %parallel_loop3A_314 = arith.index_cast %parallel_loop3A_313 : i32 to index
          %parallel_loop3A_315 = arith.constant 16 : index
          %parallel_loop3A_316 = tpu.vector_load %arg15[%parallel_loop3A_314, %parallel_loop3A_315] {strides = array<i32>} : memref<64x128xf32, #tpu.memory_space<vmem>>, vector<16xf32>,
          tpu.vector_store %arg15[%parallel_loop3A_314, %parallel_loop3A_315], %parallel_loop3A_312 {strides = array<i32>} : memref<64x128xf32, #tpu.memory_space<vmem>>, vector<16xf32>,
          %parallel_loop3A_317 = arith.constant 0 : i32
          %parallel_loop3A_318 = arith.addi %mul3A_197, %parallel_loop3A_317 : i32
          %parallel_loop3A_319 = arith.addi %parallel_loop3A_318, %parallel_loop3A_246 : i32
          %parallel_loop3A_320 = arith.index_cast %parallel_loop3A_319 : i32 to index
          %parallel_loop3A_321 = arith.constant 32 : index
          %parallel_loop3A_322 = tpu.vector_load %arg13[%parallel_loop3A_320, %parallel_loop3A_321] {strides = array<i32>} : memref<256x128xf32, #tpu.memory_space<vmem>>, vector<16xf32>,
          %parallel_loop3A_323 = arith.mulf %parallel_loop3A_322, %parallel_loop3A_214 : vector<16xf32>
          %parallel_loop3A_324 = arith.constant 32 : i32
          %parallel_loop3A_325 = arith.addi %mul3A_197, %parallel_loop3A_324 : i32
          %parallel_loop3A_326 = arith.addi %parallel_loop3A_325, %parallel_loop3A_246 : i32
          %parallel_loop3A_327 = arith.index_cast %parallel_loop3A_326 : i32 to index
          %parallel_loop3A_328 = arith.constant 32 : index
          %parallel_loop3A_329 = tpu.vector_load %arg13[%parallel_loop3A_327, %parallel_loop3A_328] {strides = array<i32>} : memref<256x128xf32, #tpu.memory_space<vmem>>, vector<16xf32>,
          %parallel_loop3A_330 = arith.mulf %parallel_loop3A_329, %parallel_loop3A_224 : vector<16xf32>
          %parallel_loop3A_331 = arith.addf %parallel_loop3A_323, %parallel_loop3A_330 : vector<16xf32>
          %parallel_loop3A_332 = arith.constant 64 : i32
          %parallel_loop3A_333 = arith.addi %mul3A_197, %parallel_loop3A_332 : i32
          %parallel_loop3A_334 = arith.addi %parallel_loop3A_333, %parallel_loop3A_246 : i32
          %parallel_loop3A_335 = arith.index_cast %parallel_loop3A_334 : i32 to index
          %parallel_loop3A_336 = arith.constant 32 : index
          %parallel_loop3A_337 = tpu.vector_load %arg13[%parallel_loop3A_335, %parallel_loop3A_336] {strides = array<i32>} : memref<256x128xf32, #tpu.memory_space<vmem>>, vector<16xf32>,
          %parallel_loop3A_338 = arith.mulf %parallel_loop3A_337, %parallel_loop3A_234 : vector<16xf32>
          %parallel_loop3A_339 = arith.addf %parallel_loop3A_331, %parallel_loop3A_338 : vector<16xf32>
          %parallel_loop3A_340 = arith.constant 96 : i32
          %parallel_loop3A_341 = arith.addi %mul3A_197, %parallel_loop3A_340 : i32
          %parallel_loop3A_342 = arith.addi %parallel_loop3A_341, %parallel_loop3A_246 : i32
          %parallel_loop3A_343 = arith.index_cast %parallel_loop3A_342 : i32 to index
          %parallel_loop3A_344 = arith.constant 32 : index
          %parallel_loop3A_345 = tpu.vector_load %arg13[%parallel_loop3A_343, %parallel_loop3A_344] {strides = array<i32>} : memref<256x128xf32, #tpu.memory_space<vmem>>, vector<16xf32>,
          %parallel_loop3A_346 = arith.mulf %parallel_loop3A_345, %parallel_loop3A_244 : vector<16xf32>
          %parallel_loop3A_347 = arith.addf %parallel_loop3A_339, %parallel_loop3A_346 : vector<16xf32>
          %parallel_loop3A_348 = arith.addi %mul3A_199, %parallel_loop3A_246 : i32
          %parallel_loop3A_349 = arith.index_cast %parallel_loop3A_348 : i32 to index
          %parallel_loop3A_350 = arith.constant 32 : index
          %parallel_loop3A_351 = tpu.vector_load %arg15[%parallel_loop3A_349, %parallel_loop3A_350] {strides = array<i32>} : memref<64x128xf32, #tpu.memory_space<vmem>>, vector<16xf32>,
          tpu.vector_store %arg15[%parallel_loop3A_349, %parallel_loop3A_350], %parallel_loop3A_347 {strides = array<i32>} : memref<64x128xf32, #tpu.memory_space<vmem>>, vector<16xf32>,
          %parallel_loop3A_352 = arith.constant 0 : i32
          %parallel_loop3A_353 = arith.addi %mul3A_197, %parallel_loop3A_352 : i32
          %parallel_loop3A_354 = arith.addi %parallel_loop3A_353, %parallel_loop3A_246 : i32
          %parallel_loop3A_355 = arith.index_cast %parallel_loop3A_354 : i32 to index
          %parallel_loop3A_356 = arith.constant 48 : index
          %parallel_loop3A_357 = tpu.vector_load %arg13[%parallel_loop3A_355, %parallel_loop3A_356] {strides = array<i32>} : memref<256x128xf32, #tpu.memory_space<vmem>>, vector<16xf32>,
          %parallel_loop3A_358 = arith.mulf %parallel_loop3A_357, %parallel_loop3A_214 : vector<16xf32>
          %parallel_loop3A_359 = arith.constant 32 : i32
          %parallel_loop3A_360 = arith.addi %mul3A_197, %parallel_loop3A_359 : i32
          %parallel_loop3A_361 = arith.addi %parallel_loop3A_360, %parallel_loop3A_246 : i32
          %parallel_loop3A_362 = arith.index_cast %parallel_loop3A_361 : i32 to index
          %parallel_loop3A_363 = arith.constant 48 : index
          %parallel_loop3A_364 = tpu.vector_load %arg13[%parallel_loop3A_362, %parallel_loop3A_363] {strides = array<i32>} : memref<256x128xf32, #tpu.memory_space<vmem>>, vector<16xf32>,
          %parallel_loop3A_365 = arith.mulf %parallel_loop3A_364, %parallel_loop3A_224 : vector<16xf32>
          %parallel_loop3A_366 = arith.addf %parallel_loop3A_358, %parallel_loop3A_365 : vector<16xf32>
          %parallel_loop3A_367 = arith.constant 64 : i32
          %parallel_loop3A_368 = arith.addi %mul3A_197, %parallel_loop3A_367 : i32
          %parallel_loop3A_369 = arith.addi %parallel_loop3A_368, %parallel_loop3A_246 : i32
          %parallel_loop3A_370 = arith.index_cast %parallel_loop3A_369 : i32 to index
          %parallel_loop3A_371 = arith.constant 48 : index
          %parallel_loop3A_372 = tpu.vector_load %arg13[%parallel_loop3A_370, %parallel_loop3A_371] {strides = array<i32>} : memref<256x128xf32, #tpu.memory_space<vmem>>, vector<16xf32>,
          %parallel_loop3A_373 = arith.mulf %parallel_loop3A_372, %parallel_loop3A_234 : vector<16xf32>
          %parallel_loop3A_374 = arith.addf %parallel_loop3A_366, %parallel_loop3A_373 : vector<16xf32>
          %parallel_loop3A_375 = arith.constant 96 : i32
          %parallel_loop3A_376 = arith.addi %mul3A_197, %parallel_loop3A_375 : i32
          %parallel_loop3A_377 = arith.addi %parallel_loop3A_376, %parallel_loop3A_246 : i32
          %parallel_loop3A_378 = arith.index_cast %parallel_loop3A_377 : i32 to index
          %parallel_loop3A_379 = arith.constant 48 : index
          %parallel_loop3A_380 = tpu.vector_load %arg13[%parallel_loop3A_378, %parallel_loop3A_379] {strides = array<i32>} : memref<256x128xf32, #tpu.memory_space<vmem>>, vector<16xf32>,
          %parallel_loop3A_381 = arith.mulf %parallel_loop3A_380, %parallel_loop3A_244 : vector<16xf32>
          %parallel_loop3A_382 = arith.addf %parallel_loop3A_374, %parallel_loop3A_381 : vector<16xf32>
          %parallel_loop3A_383 = arith.addi %mul3A_199, %parallel_loop3A_246 : i32
          %parallel_loop3A_384 = arith.index_cast %parallel_loop3A_383 : i32 to index
          %parallel_loop3A_385 = arith.constant 48 : index
          %parallel_loop3A_386 = tpu.vector_load %arg15[%parallel_loop3A_384, %parallel_loop3A_385] {strides = array<i32>} : memref<64x128xf32, #tpu.memory_space<vmem>>, vector<16xf32>,
          tpu.vector_store %arg15[%parallel_loop3A_384, %parallel_loop3A_385], %parallel_loop3A_382 {strides = array<i32>} : memref<64x128xf32, #tpu.memory_space<vmem>>, vector<16xf32>,
          %parallel_loop3A_387 = arith.constant 0 : i32
          %parallel_loop3A_388 = arith.addi %mul3A_197, %parallel_loop3A_387 : i32
          %parallel_loop3A_389 = arith.addi %parallel_loop3A_388, %parallel_loop3A_246 : i32
          %parallel_loop3A_390 = arith.index_cast %parallel_loop3A_389 : i32 to index
          %parallel_loop3A_391 = arith.constant 64 : index
          %parallel_loop3A_392 = tpu.vector_load %arg13[%parallel_loop3A_390, %parallel_loop3A_391] {strides = array<i32>} : memref<256x128xf32, #tpu.memory_space<vmem>>, vector<16xf32>,
          %parallel_loop3A_393 = arith.mulf %parallel_loop3A_392, %parallel_loop3A_214 : vector<16xf32>
          %parallel_loop3A_394 = arith.constant 32 : i32
          %parallel_loop3A_395 = arith.addi %mul3A_197, %parallel_loop3A_394 : i32
          %parallel_loop3A_396 = arith.addi %parallel_loop3A_395, %parallel_loop3A_246 : i32
          %parallel_loop3A_397 = arith.index_cast %parallel_loop3A_396 : i32 to index
          %parallel_loop3A_398 = arith.constant 64 : index
          %parallel_loop3A_399 = tpu.vector_load %arg13[%parallel_loop3A_397, %parallel_loop3A_398] {strides = array<i32>} : memref<256x128xf32, #tpu.memory_space<vmem>>, vector<16xf32>,
          %parallel_loop3A_400 = arith.mulf %parallel_loop3A_399, %parallel_loop3A_224 : vector<16xf32>
          %parallel_loop3A_401 = arith.addf %parallel_loop3A_393, %parallel_loop3A_400 : vector<16xf32>
          %parallel_loop3A_402 = arith.constant 64 : i32
          %parallel_loop3A_403 = arith.addi %mul3A_197, %parallel_loop3A_402 : i32
          %parallel_loop3A_404 = arith.addi %parallel_loop3A_403, %parallel_loop3A_246 : i32
          %parallel_loop3A_405 = arith.index_cast %parallel_loop3A_404 : i32 to index
          %parallel_loop3A_406 = arith.constant 64 : index
          %parallel_loop3A_407 = tpu.vector_load %arg13[%parallel_loop3A_405, %parallel_loop3A_406] {strides = array<i32>} : memref<256x128xf32, #tpu.memory_space<vmem>>, vector<16xf32>,
          %parallel_loop3A_408 = arith.mulf %parallel_loop3A_407, %parallel_loop3A_234 : vector<16xf32>
          %parallel_loop3A_409 = arith.addf %parallel_loop3A_401, %parallel_loop3A_408 : vector<16xf32>
          %parallel_loop3A_410 = arith.constant 96 : i32
          %parallel_loop3A_411 = arith.addi %mul3A_197, %parallel_loop3A_410 : i32
          %parallel_loop3A_412 = arith.addi %parallel_loop3A_411, %parallel_loop3A_246 : i32
          %parallel_loop3A_413 = arith.index_cast %parallel_loop3A_412 : i32 to index
          %parallel_loop3A_414 = arith.constant 64 : index
          %parallel_loop3A_415 = tpu.vector_load %arg13[%parallel_loop3A_413, %parallel_loop3A_414] {strides = array<i32>} : memref<256x128xf32, #tpu.memory_space<vmem>>, vector<16xf32>,
          %parallel_loop3A_416 = arith.mulf %parallel_loop3A_415, %parallel_loop3A_244 : vector<16xf32>
          %parallel_loop3A_417 = arith.addf %parallel_loop3A_409, %parallel_loop3A_416 : vector<16xf32>
          %parallel_loop3A_418 = arith.addi %mul3A_199, %parallel_loop3A_246 : i32
          %parallel_loop3A_419 = arith.index_cast %parallel_loop3A_418 : i32 to index
          %parallel_loop3A_420 = arith.constant 64 : index
          %parallel_loop3A_421 = tpu.vector_load %arg15[%parallel_loop3A_419, %parallel_loop3A_420] {strides = array<i32>} : memref<64x128xf32, #tpu.memory_space<vmem>>, vector<16xf32>,
          tpu.vector_store %arg15[%parallel_loop3A_419, %parallel_loop3A_420], %parallel_loop3A_417 {strides = array<i32>} : memref<64x128xf32, #tpu.memory_space<vmem>>, vector<16xf32>,
          %parallel_loop3A_422 = arith.constant 0 : i32
          %parallel_loop3A_423 = arith.addi %mul3A_197, %parallel_loop3A_422 : i32
          %parallel_loop3A_424 = arith.addi %parallel_loop3A_423, %parallel_loop3A_246 : i32
          %parallel_loop3A_425 = arith.index_cast %parallel_loop3A_424 : i32 to index
          %parallel_loop3A_426 = arith.constant 80 : index
          %parallel_loop3A_427 = tpu.vector_load %arg13[%parallel_loop3A_425, %parallel_loop3A_426] {strides = array<i32>} : memref<256x128xf32, #tpu.memory_space<vmem>>, vector<16xf32>,
          %parallel_loop3A_428 = arith.mulf %parallel_loop3A_427, %parallel_loop3A_214 : vector<16xf32>
          %parallel_loop3A_429 = arith.constant 32 : i32
          %parallel_loop3A_430 = arith.addi %mul3A_197, %parallel_loop3A_429 : i32
          %parallel_loop3A_431 = arith.addi %parallel_loop3A_430, %parallel_loop3A_246 : i32
          %parallel_loop3A_432 = arith.index_cast %parallel_loop3A_431 : i32 to index
          %parallel_loop3A_433 = arith.constant 80 : index
          %parallel_loop3A_434 = tpu.vector_load %arg13[%parallel_loop3A_432, %parallel_loop3A_433] {strides = array<i32>} : memref<256x128xf32, #tpu.memory_space<vmem>>, vector<16xf32>,
          %parallel_loop3A_435 = arith.mulf %parallel_loop3A_434, %parallel_loop3A_224 : vector<16xf32>
          %parallel_loop3A_436 = arith.addf %parallel_loop3A_428, %parallel_loop3A_435 : vector<16xf32>
          %parallel_loop3A_437 = arith.constant 64 : i32
          %parallel_loop3A_438 = arith.addi %mul3A_197, %parallel_loop3A_437 : i32
          %parallel_loop3A_439 = arith.addi %parallel_loop3A_438, %parallel_loop3A_246 : i32
          %parallel_loop3A_440 = arith.index_cast %parallel_loop3A_439 : i32 to index
          %parallel_loop3A_441 = arith.constant 80 : index
          %parallel_loop3A_442 = tpu.vector_load %arg13[%parallel_loop3A_440, %parallel_loop3A_441] {strides = array<i32>} : memref<256x128xf32, #tpu.memory_space<vmem>>, vector<16xf32>,
          %parallel_loop3A_443 = arith.mulf %parallel_loop3A_442, %parallel_loop3A_234 : vector<16xf32>
          %parallel_loop3A_444 = arith.addf %parallel_loop3A_436, %parallel_loop3A_443 : vector<16xf32>
          %parallel_loop3A_445 = arith.constant 96 : i32
          %parallel_loop3A_446 = arith.addi %mul3A_197, %parallel_loop3A_445 : i32
          %parallel_loop3A_447 = arith.addi %parallel_loop3A_446, %parallel_loop3A_246 : i32
          %parallel_loop3A_448 = arith.index_cast %parallel_loop3A_447 : i32 to index
          %parallel_loop3A_449 = arith.constant 80 : index
          %parallel_loop3A_450 = tpu.vector_load %arg13[%parallel_loop3A_448, %parallel_loop3A_449] {strides = array<i32>} : memref<256x128xf32, #tpu.memory_space<vmem>>, vector<16xf32>,
          %parallel_loop3A_451 = arith.mulf %parallel_loop3A_450, %parallel_loop3A_244 : vector<16xf32>
          %parallel_loop3A_452 = arith.addf %parallel_loop3A_444, %parallel_loop3A_451 : vector<16xf32>
          %parallel_loop3A_453 = arith.addi %mul3A_199, %parallel_loop3A_246 : i32
          %parallel_loop3A_454 = arith.index_cast %parallel_loop3A_453 : i32 to index
          %parallel_loop3A_455 = arith.constant 80 : index
          %parallel_loop3A_456 = tpu.vector_load %arg15[%parallel_loop3A_454, %parallel_loop3A_455] {strides = array<i32>} : memref<64x128xf32, #tpu.memory_space<vmem>>, vector<16xf32>,
          tpu.vector_store %arg15[%parallel_loop3A_454, %parallel_loop3A_455], %parallel_loop3A_452 {strides = array<i32>} : memref<64x128xf32, #tpu.memory_space<vmem>>, vector<16xf32>,
          %parallel_loop3A_457 = arith.constant 0 : i32
          %parallel_loop3A_458 = arith.addi %mul3A_197, %parallel_loop3A_457 : i32
          %parallel_loop3A_459 = arith.addi %parallel_loop3A_458, %parallel_loop3A_246 : i32
          %parallel_loop3A_460 = arith.index_cast %parallel_loop3A_459 : i32 to index
          %parallel_loop3A_461 = arith.constant 96 : index
          %parallel_loop3A_462 = tpu.vector_load %arg13[%parallel_loop3A_460, %parallel_loop3A_461] {strides = array<i32>} : memref<256x128xf32, #tpu.memory_space<vmem>>, vector<16xf32>,
          %parallel_loop3A_463 = arith.mulf %parallel_loop3A_462, %parallel_loop3A_214 : vector<16xf32>
          %parallel_loop3A_464 = arith.constant 32 : i32
          %parallel_loop3A_465 = arith.addi %mul3A_197, %parallel_loop3A_464 : i32
          %parallel_loop3A_466 = arith.addi %parallel_loop3A_465, %parallel_loop3A_246 : i32
          %parallel_loop3A_467 = arith.index_cast %parallel_loop3A_466 : i32 to index
          %parallel_loop3A_468 = arith.constant 96 : index
          %parallel_loop3A_469 = tpu.vector_load %arg13[%parallel_loop3A_467, %parallel_loop3A_468] {strides = array<i32>} : memref<256x128xf32, #tpu.memory_space<vmem>>, vector<16xf32>,
          %parallel_loop3A_470 = arith.mulf %parallel_loop3A_469, %parallel_loop3A_224 : vector<16xf32>
          %parallel_loop3A_471 = arith.addf %parallel_loop3A_463, %parallel_loop3A_470 : vector<16xf32>
          %parallel_loop3A_472 = arith.constant 64 : i32
          %parallel_loop3A_473 = arith.addi %mul3A_197, %parallel_loop3A_472 : i32
          %parallel_loop3A_474 = arith.addi %parallel_loop3A_473, %parallel_loop3A_246 : i32
          %parallel_loop3A_475 = arith.index_cast %parallel_loop3A_474 : i32 to index
          %parallel_loop3A_476 = arith.constant 96 : index
          %parallel_loop3A_477 = tpu.vector_load %arg13[%parallel_loop3A_475, %parallel_loop3A_476] {strides = array<i32>} : memref<256x128xf32, #tpu.memory_space<vmem>>, vector<16xf32>,
          %parallel_loop3A_478 = arith.mulf %parallel_loop3A_477, %parallel_loop3A_234 : vector<16xf32>
          %parallel_loop3A_479 = arith.addf %parallel_loop3A_471, %parallel_loop3A_478 : vector<16xf32>
          %parallel_loop3A_480 = arith.constant 96 : i32
          %parallel_loop3A_481 = arith.addi %mul3A_197, %parallel_loop3A_480 : i32
          %parallel_loop3A_482 = arith.addi %parallel_loop3A_481, %parallel_loop3A_246 : i32
          %parallel_loop3A_483 = arith.index_cast %parallel_loop3A_482 : i32 to index
          %parallel_loop3A_484 = arith.constant 96 : index
          %parallel_loop3A_485 = tpu.vector_load %arg13[%parallel_loop3A_483, %parallel_loop3A_484] {strides = array<i32>} : memref<256x128xf32, #tpu.memory_space<vmem>>, vector<16xf32>,
          %parallel_loop3A_486 = arith.mulf %parallel_loop3A_485, %parallel_loop3A_244 : vector<16xf32>
          %parallel_loop3A_487 = arith.addf %parallel_loop3A_479, %parallel_loop3A_486 : vector<16xf32>
          %parallel_loop3A_488 = arith.addi %mul3A_199, %parallel_loop3A_246 : i32
          %parallel_loop3A_489 = arith.index_cast %parallel_loop3A_488 : i32 to index
          %parallel_loop3A_490 = arith.constant 96 : index
          %parallel_loop3A_491 = tpu.vector_load %arg15[%parallel_loop3A_489, %parallel_loop3A_490] {strides = array<i32>} : memref<64x128xf32, #tpu.memory_space<vmem>>, vector<16xf32>,
          tpu.vector_store %arg15[%parallel_loop3A_489, %parallel_loop3A_490], %parallel_loop3A_487 {strides = array<i32>} : memref<64x128xf32, #tpu.memory_space<vmem>>, vector<16xf32>,
          %parallel_loop3A_492 = arith.constant 0 : i32
          %parallel_loop3A_493 = arith.addi %mul3A_197, %parallel_loop3A_492 : i32
          %parallel_loop3A_494 = arith.addi %parallel_loop3A_493, %parallel_loop3A_246 : i32
          %parallel_loop3A_495 = arith.index_cast %parallel_loop3A_494 : i32 to index
          %parallel_loop3A_496 = arith.constant 112 : index
          %parallel_loop3A_497 = tpu.vector_load %arg13[%parallel_loop3A_495, %parallel_loop3A_496] {strides = array<i32>} : memref<256x128xf32, #tpu.memory_space<vmem>>, vector<16xf32>,
          %parallel_loop3A_498 = arith.mulf %parallel_loop3A_497, %parallel_loop3A_214 : vector<16xf32>
          %parallel_loop3A_499 = arith.constant 32 : i32
          %parallel_loop3A_500 = arith.addi %mul3A_197, %parallel_loop3A_499 : i32
          %parallel_loop3A_501 = arith.addi %parallel_loop3A_500, %parallel_loop3A_246 : i32
          %parallel_loop3A_502 = arith.index_cast %parallel_loop3A_501 : i32 to index
          %parallel_loop3A_503 = arith.constant 112 : index
          %parallel_loop3A_504 = tpu.vector_load %arg13[%parallel_loop3A_502, %parallel_loop3A_503] {strides = array<i32>} : memref<256x128xf32, #tpu.memory_space<vmem>>, vector<16xf32>,
          %parallel_loop3A_505 = arith.mulf %parallel_loop3A_504, %parallel_loop3A_224 : vector<16xf32>
          %parallel_loop3A_506 = arith.addf %parallel_loop3A_498, %parallel_loop3A_505 : vector<16xf32>
          %parallel_loop3A_507 = arith.constant 64 : i32
          %parallel_loop3A_508 = arith.addi %mul3A_197, %parallel_loop3A_507 : i32
          %parallel_loop3A_509 = arith.addi %parallel_loop3A_508, %parallel_loop3A_246 : i32
          %parallel_loop3A_510 = arith.index_cast %parallel_loop3A_509 : i32 to index
          %parallel_loop3A_511 = arith.constant 112 : index
          %parallel_loop3A_512 = tpu.vector_load %arg13[%parallel_loop3A_510, %parallel_loop3A_511] {strides = array<i32>} : memref<256x128xf32, #tpu.memory_space<vmem>>, vector<16xf32>,
          %parallel_loop3A_513 = arith.mulf %parallel_loop3A_512, %parallel_loop3A_234 : vector<16xf32>
          %parallel_loop3A_514 = arith.addf %parallel_loop3A_506, %parallel_loop3A_513 : vector<16xf32>
          %parallel_loop3A_515 = arith.constant 96 : i32
          %parallel_loop3A_516 = arith.addi %mul3A_197, %parallel_loop3A_515 : i32
          %parallel_loop3A_517 = arith.addi %parallel_loop3A_516, %parallel_loop3A_246 : i32
          %parallel_loop3A_518 = arith.index_cast %parallel_loop3A_517 : i32 to index
          %parallel_loop3A_519 = arith.constant 112 : index
          %parallel_loop3A_520 = tpu.vector_load %arg13[%parallel_loop3A_518, %parallel_loop3A_519] {strides = array<i32>} : memref<256x128xf32, #tpu.memory_space<vmem>>, vector<16xf32>,
          %parallel_loop3A_521 = arith.mulf %parallel_loop3A_520, %parallel_loop3A_244 : vector<16xf32>
          %parallel_loop3A_522 = arith.addf %parallel_loop3A_514, %parallel_loop3A_521 : vector<16xf32>
          %parallel_loop3A_523 = arith.addi %mul3A_199, %parallel_loop3A_246 : i32
          %parallel_loop3A_524 = arith.index_cast %parallel_loop3A_523 : i32 to index
          %parallel_loop3A_525 = arith.constant 112 : index
          %parallel_loop3A_526 = tpu.vector_load %arg15[%parallel_loop3A_524, %parallel_loop3A_525] {strides = array<i32>} : memref<64x128xf32, #tpu.memory_space<vmem>>, vector<16xf32>,
          tpu.vector_store %arg15[%parallel_loop3A_524, %parallel_loop3A_525], %parallel_loop3A_522 {strides = array<i32>} : memref<64x128xf32, #tpu.memory_space<vmem>>, vector<16xf32>,
          %parallel_loop3A_527 = arith.constant 16 : i32
          %parallel_loop3A_528 = arith.addi %parallel_loop3A_527, %parallel_loop3A_203 : i32
          %parallel_loop3A_529 = arith.constant 0 : i32
          %parallel_loop3A_530 = arith.addi %mul3A_197, %parallel_loop3A_529 : i32
          %parallel_loop3A_531 = arith.addi %parallel_loop3A_530, %parallel_loop3A_528 : i32
          %parallel_loop3A_532 = arith.index_cast %parallel_loop3A_531 : i32 to index
          %parallel_loop3A_533 = arith.constant 0 : index
          %parallel_loop3A_534 = tpu.vector_load %arg13[%parallel_loop3A_532, %parallel_loop3A_533] {strides = array<i32>} : memref<256x128xf32, #tpu.memory_space<vmem>>, vector<16xf32>,
          %parallel_loop3A_535 = arith.mulf %parallel_loop3A_534, %parallel_loop3A_214 : vector<16xf32>
          %parallel_loop3A_536 = arith.constant 32 : i32
          %parallel_loop3A_537 = arith.addi %mul3A_197, %parallel_loop3A_536 : i32
          %parallel_loop3A_538 = arith.addi %parallel_loop3A_537, %parallel_loop3A_528 : i32
          %parallel_loop3A_539 = arith.index_cast %parallel_loop3A_538 : i32 to index
          %parallel_loop3A_540 = arith.constant 0 : index
          %parallel_loop3A_541 = tpu.vector_load %arg13[%parallel_loop3A_539, %parallel_loop3A_540] {strides = array<i32>} : memref<256x128xf32, #tpu.memory_space<vmem>>, vector<16xf32>,
          %parallel_loop3A_542 = arith.mulf %parallel_loop3A_541, %parallel_loop3A_224 : vector<16xf32>
          %parallel_loop3A_543 = arith.addf %parallel_loop3A_535, %parallel_loop3A_542 : vector<16xf32>
          %parallel_loop3A_544 = arith.constant 64 : i32
          %parallel_loop3A_545 = arith.addi %mul3A_197, %parallel_loop3A_544 : i32
          %parallel_loop3A_546 = arith.addi %parallel_loop3A_545, %parallel_loop3A_528 : i32
          %parallel_loop3A_547 = arith.index_cast %parallel_loop3A_546 : i32 to index
          %parallel_loop3A_548 = arith.constant 0 : index
          %parallel_loop3A_549 = tpu.vector_load %arg13[%parallel_loop3A_547, %parallel_loop3A_548] {strides = array<i32>} : memref<256x128xf32, #tpu.memory_space<vmem>>, vector<16xf32>,
          %parallel_loop3A_550 = arith.mulf %parallel_loop3A_549, %parallel_loop3A_234 : vector<16xf32>
          %parallel_loop3A_551 = arith.addf %parallel_loop3A_543, %parallel_loop3A_550 : vector<16xf32>
          %parallel_loop3A_552 = arith.constant 96 : i32
          %parallel_loop3A_553 = arith.addi %mul3A_197, %parallel_loop3A_552 : i32
          %parallel_loop3A_554 = arith.addi %parallel_loop3A_553, %parallel_loop3A_528 : i32
          %parallel_loop3A_555 = arith.index_cast %parallel_loop3A_554 : i32 to index
          %parallel_loop3A_556 = arith.constant 0 : index
          %parallel_loop3A_557 = tpu.vector_load %arg13[%parallel_loop3A_555, %parallel_loop3A_556] {strides = array<i32>} : memref<256x128xf32, #tpu.memory_space<vmem>>, vector<16xf32>,
          %parallel_loop3A_558 = arith.mulf %parallel_loop3A_557, %parallel_loop3A_244 : vector<16xf32>
          %parallel_loop3A_559 = arith.addf %parallel_loop3A_551, %parallel_loop3A_558 : vector<16xf32>
          %parallel_loop3A_560 = arith.addi %mul3A_199, %parallel_loop3A_528 : i32
          %parallel_loop3A_561 = arith.index_cast %parallel_loop3A_560 : i32 to index
          %parallel_loop3A_562 = arith.constant 0 : index
          %parallel_loop3A_563 = tpu.vector_load %arg15[%parallel_loop3A_561, %parallel_loop3A_562] {strides = array<i32>} : memref<64x128xf32, #tpu.memory_space<vmem>>, vector<16xf32>,
          tpu.vector_store %arg15[%parallel_loop3A_561, %parallel_loop3A_562], %parallel_loop3A_559 {strides = array<i32>} : memref<64x128xf32, #tpu.memory_space<vmem>>, vector<16xf32>,
          %parallel_loop3A_564 = arith.constant 0 : i32
          %parallel_loop3A_565 = arith.addi %mul3A_197, %parallel_loop3A_564 : i32
          %parallel_loop3A_566 = arith.addi %parallel_loop3A_565, %parallel_loop3A_528 : i32
          %parallel_loop3A_567 = arith.index_cast %parallel_loop3A_566 : i32 to index
          %parallel_loop3A_568 = arith.constant 16 : index
          %parallel_loop3A_569 = tpu.vector_load %arg13[%parallel_loop3A_567, %parallel_loop3A_568] {strides = array<i32>} : memref<256x128xf32, #tpu.memory_space<vmem>>, vector<16xf32>,
          %parallel_loop3A_570 = arith.mulf %parallel_loop3A_569, %parallel_loop3A_214 : vector<16xf32>
          %parallel_loop3A_571 = arith.constant 32 : i32
          %parallel_loop3A_572 = arith.addi %mul3A_197, %parallel_loop3A_571 : i32
          %parallel_loop3A_573 = arith.addi %parallel_loop3A_572, %parallel_loop3A_528 : i32
          %parallel_loop3A_574 = arith.index_cast %parallel_loop3A_573 : i32 to index
          %parallel_loop3A_575 = arith.constant 16 : index
          %parallel_loop3A_576 = tpu.vector_load %arg13[%parallel_loop3A_574, %parallel_loop3A_575] {strides = array<i32>} : memref<256x128xf32, #tpu.memory_space<vmem>>, vector<16xf32>,
          %parallel_loop3A_577 = arith.mulf %parallel_loop3A_576, %parallel_loop3A_224 : vector<16xf32>
          %parallel_loop3A_578 = arith.addf %parallel_loop3A_570, %parallel_loop3A_577 : vector<16xf32>
          %parallel_loop3A_579 = arith.constant 64 : i32
          %parallel_loop3A_580 = arith.addi %mul3A_197, %parallel_loop3A_579 : i32
          %parallel_loop3A_581 = arith.addi %parallel_loop3A_580, %parallel_loop3A_528 : i32
          %parallel_loop3A_582 = arith.index_cast %parallel_loop3A_581 : i32 to index
          %parallel_loop3A_583 = arith.constant 16 : index
          %parallel_loop3A_584 = tpu.vector_load %arg13[%parallel_loop3A_582, %parallel_loop3A_583] {strides = array<i32>} : memref<256x128xf32, #tpu.memory_space<vmem>>, vector<16xf32>,
          %parallel_loop3A_585 = arith.mulf %parallel_loop3A_584, %parallel_loop3A_234 : vector<16xf32>
          %parallel_loop3A_586 = arith.addf %parallel_loop3A_578, %parallel_loop3A_585 : vector<16xf32>
          %parallel_loop3A_587 = arith.constant 96 : i32
          %parallel_loop3A_588 = arith.addi %mul3A_197, %parallel_loop3A_587 : i32
          %parallel_loop3A_589 = arith.addi %parallel_loop3A_588, %parallel_loop3A_528 : i32
          %parallel_loop3A_590 = arith.index_cast %parallel_loop3A_589 : i32 to index
          %parallel_loop3A_591 = arith.constant 16 : index
          %parallel_loop3A_592 = tpu.vector_load %arg13[%parallel_loop3A_590, %parallel_loop3A_591] {strides = array<i32>} : memref<256x128xf32, #tpu.memory_space<vmem>>, vector<16xf32>,
          %parallel_loop3A_593 = arith.mulf %parallel_loop3A_592, %parallel_loop3A_244 : vector<16xf32>
          %parallel_loop3A_594 = arith.addf %parallel_loop3A_586, %parallel_loop3A_593 : vector<16xf32>
          %parallel_loop3A_595 = arith.addi %mul3A_199, %parallel_loop3A_528 : i32
          %parallel_loop3A_596 = arith.index_cast %parallel_loop3A_595 : i32 to index
          %parallel_loop3A_597 = arith.constant 16 : index
          %parallel_loop3A_598 = tpu.vector_load %arg15[%parallel_loop3A_596, %parallel_loop3A_597] {strides = array<i32>} : memref<64x128xf32, #tpu.memory_space<vmem>>, vector<16xf32>,
          tpu.vector_store %arg15[%parallel_loop3A_596, %parallel_loop3A_597], %parallel_loop3A_594 {strides = array<i32>} : memref<64x128xf32, #tpu.memory_space<vmem>>, vector<16xf32>,
          %parallel_loop3A_599 = arith.constant 0 : i32
          %parallel_loop3A_600 = arith.addi %mul3A_197, %parallel_loop3A_599 : i32
          %parallel_loop3A_601 = arith.addi %parallel_loop3A_600, %parallel_loop3A_528 : i32
          %parallel_loop3A_602 = arith.index_cast %parallel_loop3A_601 : i32 to index
          %parallel_loop3A_603 = arith.constant 32 : index
          %parallel_loop3A_604 = tpu.vector_load %arg13[%parallel_loop3A_602, %parallel_loop3A_603] {strides = array<i32>} : memref<256x128xf32, #tpu.memory_space<vmem>>, vector<16xf32>,
          %parallel_loop3A_605 = arith.mulf %parallel_loop3A_604, %parallel_loop3A_214 : vector<16xf32>
          %parallel_loop3A_606 = arith.constant 32 : i32
          %parallel_loop3A_607 = arith.addi %mul3A_197, %parallel_loop3A_606 : i32
          %parallel_loop3A_608 = arith.addi %parallel_loop3A_607, %parallel_loop3A_528 : i32
          %parallel_loop3A_609 = arith.index_cast %parallel_loop3A_608 : i32 to index
          %parallel_loop3A_610 = arith.constant 32 : index
          %parallel_loop3A_611 = tpu.vector_load %arg13[%parallel_loop3A_609, %parallel_loop3A_610] {strides = array<i32>} : memref<256x128xf32, #tpu.memory_space<vmem>>, vector<16xf32>,
          %parallel_loop3A_612 = arith.mulf %parallel_loop3A_611, %parallel_loop3A_224 : vector<16xf32>
          %parallel_loop3A_613 = arith.addf %parallel_loop3A_605, %parallel_loop3A_612 : vector<16xf32>
          %parallel_loop3A_614 = arith.constant 64 : i32
          %parallel_loop3A_615 = arith.addi %mul3A_197, %parallel_loop3A_614 : i32
          %parallel_loop3A_616 = arith.addi %parallel_loop3A_615, %parallel_loop3A_528 : i32
          %parallel_loop3A_617 = arith.index_cast %parallel_loop3A_616 : i32 to index
          %parallel_loop3A_618 = arith.constant 32 : index
          %parallel_loop3A_619 = tpu.vector_load %arg13[%parallel_loop3A_617, %parallel_loop3A_618] {strides = array<i32>} : memref<256x128xf32, #tpu.memory_space<vmem>>, vector<16xf32>,
          %parallel_loop3A_620 = arith.mulf %parallel_loop3A_619, %parallel_loop3A_234 : vector<16xf32>
          %parallel_loop3A_621 = arith.addf %parallel_loop3A_613, %parallel_loop3A_620 : vector<16xf32>
          %parallel_loop3A_622 = arith.constant 96 : i32
          %parallel_loop3A_623 = arith.addi %mul3A_197, %parallel_loop3A_622 : i32
          %parallel_loop3A_624 = arith.addi %parallel_loop3A_623, %parallel_loop3A_528 : i32
          %parallel_loop3A_625 = arith.index_cast %parallel_loop3A_624 : i32 to index
          %parallel_loop3A_626 = arith.constant 32 : index
          %parallel_loop3A_627 = tpu.vector_load %arg13[%parallel_loop3A_625, %parallel_loop3A_626] {strides = array<i32>} : memref<256x128xf32, #tpu.memory_space<vmem>>, vector<16xf32>,
          %parallel_loop3A_628 = arith.mulf %parallel_loop3A_627, %parallel_loop3A_244 : vector<16xf32>
          %parallel_loop3A_629 = arith.addf %parallel_loop3A_621, %parallel_loop3A_628 : vector<16xf32>
          %parallel_loop3A_630 = arith.addi %mul3A_199, %parallel_loop3A_528 : i32
          %parallel_loop3A_631 = arith.index_cast %parallel_loop3A_630 : i32 to index
          %parallel_loop3A_632 = arith.constant 32 : index
          %parallel_loop3A_633 = tpu.vector_load %arg15[%parallel_loop3A_631, %parallel_loop3A_632] {strides = array<i32>} : memref<64x128xf32, #tpu.memory_space<vmem>>, vector<16xf32>,
          tpu.vector_store %arg15[%parallel_loop3A_631, %parallel_loop3A_632], %parallel_loop3A_629 {strides = array<i32>} : memref<64x128xf32, #tpu.memory_space<vmem>>, vector<16xf32>,
          %parallel_loop3A_634 = arith.constant 0 : i32
          %parallel_loop3A_635 = arith.addi %mul3A_197, %parallel_loop3A_634 : i32
          %parallel_loop3A_636 = arith.addi %parallel_loop3A_635, %parallel_loop3A_528 : i32
          %parallel_loop3A_637 = arith.index_cast %parallel_loop3A_636 : i32 to index
          %parallel_loop3A_638 = arith.constant 48 : index
          %parallel_loop3A_639 = tpu.vector_load %arg13[%parallel_loop3A_637, %parallel_loop3A_638] {strides = array<i32>} : memref<256x128xf32, #tpu.memory_space<vmem>>, vector<16xf32>,
          %parallel_loop3A_640 = arith.mulf %parallel_loop3A_639, %parallel_loop3A_214 : vector<16xf32>
          %parallel_loop3A_641 = arith.constant 32 : i32
          %parallel_loop3A_642 = arith.addi %mul3A_197, %parallel_loop3A_641 : i32
          %parallel_loop3A_643 = arith.addi %parallel_loop3A_642, %parallel_loop3A_528 : i32
          %parallel_loop3A_644 = arith.index_cast %parallel_loop3A_643 : i32 to index
          %parallel_loop3A_645 = arith.constant 48 : index
          %parallel_loop3A_646 = tpu.vector_load %arg13[%parallel_loop3A_644, %parallel_loop3A_645] {strides = array<i32>} : memref<256x128xf32, #tpu.memory_space<vmem>>, vector<16xf32>,
          %parallel_loop3A_647 = arith.mulf %parallel_loop3A_646, %parallel_loop3A_224 : vector<16xf32>
          %parallel_loop3A_648 = arith.addf %parallel_loop3A_640, %parallel_loop3A_647 : vector<16xf32>
          %parallel_loop3A_649 = arith.constant 64 : i32
          %parallel_loop3A_650 = arith.addi %mul3A_197, %parallel_loop3A_649 : i32
          %parallel_loop3A_651 = arith.addi %parallel_loop3A_650, %parallel_loop3A_528 : i32
          %parallel_loop3A_652 = arith.index_cast %parallel_loop3A_651 : i32 to index
          %parallel_loop3A_653 = arith.constant 48 : index
          %parallel_loop3A_654 = tpu.vector_load %arg13[%parallel_loop3A_652, %parallel_loop3A_653] {strides = array<i32>} : memref<256x128xf32, #tpu.memory_space<vmem>>, vector<16xf32>,
          %parallel_loop3A_655 = arith.mulf %parallel_loop3A_654, %parallel_loop3A_234 : vector<16xf32>
          %parallel_loop3A_656 = arith.addf %parallel_loop3A_648, %parallel_loop3A_655 : vector<16xf32>
          %parallel_loop3A_657 = arith.constant 96 : i32
          %parallel_loop3A_658 = arith.addi %mul3A_197, %parallel_loop3A_657 : i32
          %parallel_loop3A_659 = arith.addi %parallel_loop3A_658, %parallel_loop3A_528 : i32
          %parallel_loop3A_660 = arith.index_cast %parallel_loop3A_659 : i32 to index
          %parallel_loop3A_661 = arith.constant 48 : index
          %parallel_loop3A_662 = tpu.vector_load %arg13[%parallel_loop3A_660, %parallel_loop3A_661] {strides = array<i32>} : memref<256x128xf32, #tpu.memory_space<vmem>>, vector<16xf32>,
          %parallel_loop3A_663 = arith.mulf %parallel_loop3A_662, %parallel_loop3A_244 : vector<16xf32>
          %parallel_loop3A_664 = arith.addf %parallel_loop3A_656, %parallel_loop3A_663 : vector<16xf32>
          %parallel_loop3A_665 = arith.addi %mul3A_199, %parallel_loop3A_528 : i32
          %parallel_loop3A_666 = arith.index_cast %parallel_loop3A_665 : i32 to index
          %parallel_loop3A_667 = arith.constant 48 : index
          %parallel_loop3A_668 = tpu.vector_load %arg15[%parallel_loop3A_666, %parallel_loop3A_667] {strides = array<i32>} : memref<64x128xf32, #tpu.memory_space<vmem>>, vector<16xf32>,
          tpu.vector_store %arg15[%parallel_loop3A_666, %parallel_loop3A_667], %parallel_loop3A_664 {strides = array<i32>} : memref<64x128xf32, #tpu.memory_space<vmem>>, vector<16xf32>,
          %parallel_loop3A_669 = arith.constant 0 : i32
          %parallel_loop3A_670 = arith.addi %mul3A_197, %parallel_loop3A_669 : i32
          %parallel_loop3A_671 = arith.addi %parallel_loop3A_670, %parallel_loop3A_528 : i32
          %parallel_loop3A_672 = arith.index_cast %parallel_loop3A_671 : i32 to index
          %parallel_loop3A_673 = arith.constant 64 : index
          %parallel_loop3A_674 = tpu.vector_load %arg13[%parallel_loop3A_672, %parallel_loop3A_673] {strides = array<i32>} : memref<256x128xf32, #tpu.memory_space<vmem>>, vector<16xf32>,
          %parallel_loop3A_675 = arith.mulf %parallel_loop3A_674, %parallel_loop3A_214 : vector<16xf32>
          %parallel_loop3A_676 = arith.constant 32 : i32
          %parallel_loop3A_677 = arith.addi %mul3A_197, %parallel_loop3A_676 : i32
          %parallel_loop3A_678 = arith.addi %parallel_loop3A_677, %parallel_loop3A_528 : i32
          %parallel_loop3A_679 = arith.index_cast %parallel_loop3A_678 : i32 to index
          %parallel_loop3A_680 = arith.constant 64 : index
          %parallel_loop3A_681 = tpu.vector_load %arg13[%parallel_loop3A_679, %parallel_loop3A_680] {strides = array<i32>} : memref<256x128xf32, #tpu.memory_space<vmem>>, vector<16xf32>,
          %parallel_loop3A_682 = arith.mulf %parallel_loop3A_681, %parallel_loop3A_224 : vector<16xf32>
          %parallel_loop3A_683 = arith.addf %parallel_loop3A_675, %parallel_loop3A_682 : vector<16xf32>
          %parallel_loop3A_684 = arith.constant 64 : i32
          %parallel_loop3A_685 = arith.addi %mul3A_197, %parallel_loop3A_684 : i32
          %parallel_loop3A_686 = arith.addi %parallel_loop3A_685, %parallel_loop3A_528 : i32
          %parallel_loop3A_687 = arith.index_cast %parallel_loop3A_686 : i32 to index
          %parallel_loop3A_688 = arith.constant 64 : index
          %parallel_loop3A_689 = tpu.vector_load %arg13[%parallel_loop3A_687, %parallel_loop3A_688] {strides = array<i32>} : memref<256x128xf32, #tpu.memory_space<vmem>>, vector<16xf32>,
          %parallel_loop3A_690 = arith.mulf %parallel_loop3A_689, %parallel_loop3A_234 : vector<16xf32>
          %parallel_loop3A_691 = arith.addf %parallel_loop3A_683, %parallel_loop3A_690 : vector<16xf32>
          %parallel_loop3A_692 = arith.constant 96 : i32
          %parallel_loop3A_693 = arith.addi %mul3A_197, %parallel_loop3A_692 : i32
          %parallel_loop3A_694 = arith.addi %parallel_loop3A_693, %parallel_loop3A_528 : i32
          %parallel_loop3A_695 = arith.index_cast %parallel_loop3A_694 : i32 to index
          %parallel_loop3A_696 = arith.constant 64 : index
          %parallel_loop3A_697 = tpu.vector_load %arg13[%parallel_loop3A_695, %parallel_loop3A_696] {strides = array<i32>} : memref<256x128xf32, #tpu.memory_space<vmem>>, vector<16xf32>,
          %parallel_loop3A_698 = arith.mulf %parallel_loop3A_697, %parallel_loop3A_244 : vector<16xf32>
          %parallel_loop3A_699 = arith.addf %parallel_loop3A_691, %parallel_loop3A_698 : vector<16xf32>
          %parallel_loop3A_700 = arith.addi %mul3A_199, %parallel_loop3A_528 : i32
          %parallel_loop3A_701 = arith.index_cast %parallel_loop3A_700 : i32 to index
          %parallel_loop3A_702 = arith.constant 64 : index
          %parallel_loop3A_703 = tpu.vector_load %arg15[%parallel_loop3A_701, %parallel_loop3A_702] {strides = array<i32>} : memref<64x128xf32, #tpu.memory_space<vmem>>, vector<16xf32>,
          tpu.vector_store %arg15[%parallel_loop3A_701, %parallel_loop3A_702], %parallel_loop3A_699 {strides = array<i32>} : memref<64x128xf32, #tpu.memory_space<vmem>>, vector<16xf32>,
          %parallel_loop3A_704 = arith.constant 0 : i32
          %parallel_loop3A_705 = arith.addi %mul3A_197, %parallel_loop3A_704 : i32
          %parallel_loop3A_706 = arith.addi %parallel_loop3A_705, %parallel_loop3A_528 : i32
          %parallel_loop3A_707 = arith.index_cast %parallel_loop3A_706 : i32 to index
          %parallel_loop3A_708 = arith.constant 80 : index
          %parallel_loop3A_709 = tpu.vector_load %arg13[%parallel_loop3A_707, %parallel_loop3A_708] {strides = array<i32>} : memref<256x128xf32, #tpu.memory_space<vmem>>, vector<16xf32>,
          %parallel_loop3A_710 = arith.mulf %parallel_loop3A_709, %parallel_loop3A_214 : vector<16xf32>
          %parallel_loop3A_711 = arith.constant 32 : i32
          %parallel_loop3A_712 = arith.addi %mul3A_197, %parallel_loop3A_711 : i32
          %parallel_loop3A_713 = arith.addi %parallel_loop3A_712, %parallel_loop3A_528 : i32
          %parallel_loop3A_714 = arith.index_cast %parallel_loop3A_713 : i32 to index
          %parallel_loop3A_715 = arith.constant 80 : index
          %parallel_loop3A_716 = tpu.vector_load %arg13[%parallel_loop3A_714, %parallel_loop3A_715] {strides = array<i32>} : memref<256x128xf32, #tpu.memory_space<vmem>>, vector<16xf32>,
          %parallel_loop3A_717 = arith.mulf %parallel_loop3A_716, %parallel_loop3A_224 : vector<16xf32>
          %parallel_loop3A_718 = arith.addf %parallel_loop3A_710, %parallel_loop3A_717 : vector<16xf32>
          %parallel_loop3A_719 = arith.constant 64 : i32
          %parallel_loop3A_720 = arith.addi %mul3A_197, %parallel_loop3A_719 : i32
          %parallel_loop3A_721 = arith.addi %parallel_loop3A_720, %parallel_loop3A_528 : i32
          %parallel_loop3A_722 = arith.index_cast %parallel_loop3A_721 : i32 to index
          %parallel_loop3A_723 = arith.constant 80 : index
          %parallel_loop3A_724 = tpu.vector_load %arg13[%parallel_loop3A_722, %parallel_loop3A_723] {strides = array<i32>} : memref<256x128xf32, #tpu.memory_space<vmem>>, vector<16xf32>,
          %parallel_loop3A_725 = arith.mulf %parallel_loop3A_724, %parallel_loop3A_234 : vector<16xf32>
          %parallel_loop3A_726 = arith.addf %parallel_loop3A_718, %parallel_loop3A_725 : vector<16xf32>
          %parallel_loop3A_727 = arith.constant 96 : i32
          %parallel_loop3A_728 = arith.addi %mul3A_197, %parallel_loop3A_727 : i32
          %parallel_loop3A_729 = arith.addi %parallel_loop3A_728, %parallel_loop3A_528 : i32
          %parallel_loop3A_730 = arith.index_cast %parallel_loop3A_729 : i32 to index
          %parallel_loop3A_731 = arith.constant 80 : index
          %parallel_loop3A_732 = tpu.vector_load %arg13[%parallel_loop3A_730, %parallel_loop3A_731] {strides = array<i32>} : memref<256x128xf32, #tpu.memory_space<vmem>>, vector<16xf32>,
          %parallel_loop3A_733 = arith.mulf %parallel_loop3A_732, %parallel_loop3A_244 : vector<16xf32>
          %parallel_loop3A_734 = arith.addf %parallel_loop3A_726, %parallel_loop3A_733 : vector<16xf32>
          %parallel_loop3A_735 = arith.addi %mul3A_199, %parallel_loop3A_528 : i32
          %parallel_loop3A_736 = arith.index_cast %parallel_loop3A_735 : i32 to index
          %parallel_loop3A_737 = arith.constant 80 : index
          %parallel_loop3A_738 = tpu.vector_load %arg15[%parallel_loop3A_736, %parallel_loop3A_737] {strides = array<i32>} : memref<64x128xf32, #tpu.memory_space<vmem>>, vector<16xf32>,
          tpu.vector_store %arg15[%parallel_loop3A_736, %parallel_loop3A_737], %parallel_loop3A_734 {strides = array<i32>} : memref<64x128xf32, #tpu.memory_space<vmem>>, vector<16xf32>,
          %parallel_loop3A_739 = arith.constant 0 : i32
          %parallel_loop3A_740 = arith.addi %mul3A_197, %parallel_loop3A_739 : i32
          %parallel_loop3A_741 = arith.addi %parallel_loop3A_740, %parallel_loop3A_528 : i32
          %parallel_loop3A_742 = arith.index_cast %parallel_loop3A_741 : i32 to index
          %parallel_loop3A_743 = arith.constant 96 : index
          %parallel_loop3A_744 = tpu.vector_load %arg13[%parallel_loop3A_742, %parallel_loop3A_743] {strides = array<i32>} : memref<256x128xf32, #tpu.memory_space<vmem>>, vector<16xf32>,
          %parallel_loop3A_745 = arith.mulf %parallel_loop3A_744, %parallel_loop3A_214 : vector<16xf32>
          %parallel_loop3A_746 = arith.constant 32 : i32
          %parallel_loop3A_747 = arith.addi %mul3A_197, %parallel_loop3A_746 : i32
          %parallel_loop3A_748 = arith.addi %parallel_loop3A_747, %parallel_loop3A_528 : i32
          %parallel_loop3A_749 = arith.index_cast %parallel_loop3A_748 : i32 to index
          %parallel_loop3A_750 = arith.constant 96 : index
          %parallel_loop3A_751 = tpu.vector_load %arg13[%parallel_loop3A_749, %parallel_loop3A_750] {strides = array<i32>} : memref<256x128xf32, #tpu.memory_space<vmem>>, vector<16xf32>,
          %parallel_loop3A_752 = arith.mulf %parallel_loop3A_751, %parallel_loop3A_224 : vector<16xf32>
          %parallel_loop3A_753 = arith.addf %parallel_loop3A_745, %parallel_loop3A_752 : vector<16xf32>
          %parallel_loop3A_754 = arith.constant 64 : i32
          %parallel_loop3A_755 = arith.addi %mul3A_197, %parallel_loop3A_754 : i32
          %parallel_loop3A_756 = arith.addi %parallel_loop3A_755, %parallel_loop3A_528 : i32
          %parallel_loop3A_757 = arith.index_cast %parallel_loop3A_756 : i32 to index
          %parallel_loop3A_758 = arith.constant 96 : index
          %parallel_loop3A_759 = tpu.vector_load %arg13[%parallel_loop3A_757, %parallel_loop3A_758] {strides = array<i32>} : memref<256x128xf32, #tpu.memory_space<vmem>>, vector<16xf32>,
          %parallel_loop3A_760 = arith.mulf %parallel_loop3A_759, %parallel_loop3A_234 : vector<16xf32>
          %parallel_loop3A_761 = arith.addf %parallel_loop3A_753, %parallel_loop3A_760 : vector<16xf32>
          %parallel_loop3A_762 = arith.constant 96 : i32
          %parallel_loop3A_763 = arith.addi %mul3A_197, %parallel_loop3A_762 : i32
          %parallel_loop3A_764 = arith.addi %parallel_loop3A_763, %parallel_loop3A_528 : i32
          %parallel_loop3A_765 = arith.index_cast %parallel_loop3A_764 : i32 to index
          %parallel_loop3A_766 = arith.constant 96 : index
          %parallel_loop3A_767 = tpu.vector_load %arg13[%parallel_loop3A_765, %parallel_loop3A_766] {strides = array<i32>} : memref<256x128xf32, #tpu.memory_space<vmem>>, vector<16xf32>,
          %parallel_loop3A_768 = arith.mulf %parallel_loop3A_767, %parallel_loop3A_244 : vector<16xf32>
          %parallel_loop3A_769 = arith.addf %parallel_loop3A_761, %parallel_loop3A_768 : vector<16xf32>
          %parallel_loop3A_770 = arith.addi %mul3A_199, %parallel_loop3A_528 : i32
          %parallel_loop3A_771 = arith.index_cast %parallel_loop3A_770 : i32 to index
          %parallel_loop3A_772 = arith.constant 96 : index
          %parallel_loop3A_773 = tpu.vector_load %arg15[%parallel_loop3A_771, %parallel_loop3A_772] {strides = array<i32>} : memref<64x128xf32, #tpu.memory_space<vmem>>, vector<16xf32>,
          tpu.vector_store %arg15[%parallel_loop3A_771, %parallel_loop3A_772], %parallel_loop3A_769 {strides = array<i32>} : memref<64x128xf32, #tpu.memory_space<vmem>>, vector<16xf32>,
          %parallel_loop3A_774 = arith.constant 0 : i32
          %parallel_loop3A_775 = arith.addi %mul3A_197, %parallel_loop3A_774 : i32
          %parallel_loop3A_776 = arith.addi %parallel_loop3A_775, %parallel_loop3A_528 : i32
          %parallel_loop3A_777 = arith.index_cast %parallel_loop3A_776 : i32 to index
          %parallel_loop3A_778 = arith.constant 112 : index
          %parallel_loop3A_779 = tpu.vector_load %arg13[%parallel_loop3A_777, %parallel_loop3A_778] {strides = array<i32>} : memref<256x128xf32, #tpu.memory_space<vmem>>, vector<16xf32>,
          %parallel_loop3A_780 = arith.mulf %parallel_loop3A_779, %parallel_loop3A_214 : vector<16xf32>
          %parallel_loop3A_781 = arith.constant 32 : i32
          %parallel_loop3A_782 = arith.addi %mul3A_197, %parallel_loop3A_781 : i32
          %parallel_loop3A_783 = arith.addi %parallel_loop3A_782, %parallel_loop3A_528 : i32
          %parallel_loop3A_784 = arith.index_cast %parallel_loop3A_783 : i32 to index
          %parallel_loop3A_785 = arith.constant 112 : index
          %parallel_loop3A_786 = tpu.vector_load %arg13[%parallel_loop3A_784, %parallel_loop3A_785] {strides = array<i32>} : memref<256x128xf32, #tpu.memory_space<vmem>>, vector<16xf32>,
          %parallel_loop3A_787 = arith.mulf %parallel_loop3A_786, %parallel_loop3A_224 : vector<16xf32>
          %parallel_loop3A_788 = arith.addf %parallel_loop3A_780, %parallel_loop3A_787 : vector<16xf32>
          %parallel_loop3A_789 = arith.constant 64 : i32
          %parallel_loop3A_790 = arith.addi %mul3A_197, %parallel_loop3A_789 : i32
          %parallel_loop3A_791 = arith.addi %parallel_loop3A_790, %parallel_loop3A_528 : i32
          %parallel_loop3A_792 = arith.index_cast %parallel_loop3A_791 : i32 to index
          %parallel_loop3A_793 = arith.constant 112 : index
          %parallel_loop3A_794 = tpu.vector_load %arg13[%parallel_loop3A_792, %parallel_loop3A_793] {strides = array<i32>} : memref<256x128xf32, #tpu.memory_space<vmem>>, vector<16xf32>,
          %parallel_loop3A_795 = arith.mulf %parallel_loop3A_794, %parallel_loop3A_234 : vector<16xf32>
          %parallel_loop3A_796 = arith.addf %parallel_loop3A_788, %parallel_loop3A_795 : vector<16xf32>
          %parallel_loop3A_797 = arith.constant 96 : i32
          %parallel_loop3A_798 = arith.addi %mul3A_197, %parallel_loop3A_797 : i32
          %parallel_loop3A_799 = arith.addi %parallel_loop3A_798, %parallel_loop3A_528 : i32
          %parallel_loop3A_800 = arith.index_cast %parallel_loop3A_799 : i32 to index
          %parallel_loop3A_801 = arith.constant 112 : index
          %parallel_loop3A_802 = tpu.vector_load %arg13[%parallel_loop3A_800, %parallel_loop3A_801] {strides = array<i32>} : memref<256x128xf32, #tpu.memory_space<vmem>>, vector<16xf32>,
          %parallel_loop3A_803 = arith.mulf %parallel_loop3A_802, %parallel_loop3A_244 : vector<16xf32>
          %parallel_loop3A_804 = arith.addf %parallel_loop3A_796, %parallel_loop3A_803 : vector<16xf32>
          %parallel_loop3A_805 = arith.addi %mul3A_199, %parallel_loop3A_528 : i32
          %parallel_loop3A_806 = arith.index_cast %parallel_loop3A_805 : i32 to index
          %parallel_loop3A_807 = arith.constant 112 : index
          %parallel_loop3A_808 = tpu.vector_load %arg15[%parallel_loop3A_806, %parallel_loop3A_807] {strides = array<i32>} : memref<64x128xf32, #tpu.memory_space<vmem>>, vector<16xf32>,
          tpu.vector_store %arg15[%parallel_loop3A_806, %parallel_loop3A_807], %parallel_loop3A_804 {strides = array<i32>} : memref<64x128xf32, #tpu.memory_space<vmem>>, vector<16xf32>,
        } {sc.loop_unroll_factor = 1 : i64, sc.parallel_access}
        %scan3A_202 = arith.constant 0 : i32
        scf.yield %scan3A_202 : i32
      }
      %scan3A_157 = arith.constant 2 : i32
      %dma_start3A_158 = arith.constant 0 : i32
      %dma_start3A_159 = tpu.memref_slice %arg11[%add3A_139, %dma_start3A_158] : memref<20x64xi32, #tpu.memory_space<vmem>> -> memref<1x64xi32, #tpu.memory_space<vmem>>
      %dma_start3A_160 = tpu.memref_squeeze %dma_start3A_159 : memref<1x64xi32, #tpu.memory_space<vmem>> -> memref<64xi32, #tpu.memory_space<vmem>>
      %dma_start3A_161 = arith.constant 0 : i32
      %dma_start3A_162 = arith.constant 0 : i32
      %dma_start3A_163 = tpu.memref_slice %arg4[%dma_start3A_161, %dma_start3A_162] : memref<40960x128xf32, #tpu.memory_space<hbm>> -> memref<40960x128xf32, #tpu.memory_space<hbm>>
      tpu.enqueue_indirect_dma source(%arg15 : memref<64x128xf32, #tpu.memory_space<vmem>>) target(%dma_start3A_163 : memref<40960x128xf32, #tpu.memory_space<hbm>>) offsets(%dma_start3A_160 : memref<64xi32, #tpu.memory_space<vmem>>) semaphore(%arg19 : memref<!tpu.dma_semaphore, #tpu.memory_space<semaphore_mem>>)
      %add3A_164 = arith.constant 2 : i32
      %add3A_165 = arith.addi %add3A_139, %add3A_164 : i32
      %min3A_166 = arith.constant 19 : i32
      %min3A_167 = arith.minsi %add3A_165, %min3A_166 : i32
      %dma_start3A_168 = arith.constant 0 : i32
      %dma_start3A_169 = tpu.memref_slice %arg10[%min3A_167, %dma_start3A_168] : memref<20x256xi32, #tpu.memory_space<vmem>> -> memref<1x256xi32, #tpu.memory_space<vmem>>
      %dma_start3A_170 = tpu.memref_squeeze %dma_start3A_169 : memref<1x256xi32, #tpu.memory_space<vmem>> -> memref<256xi32, #tpu.memory_space<vmem>>
      %dma_start3A_171 = arith.constant 0 : i32
      %dma_start3A_172 = arith.constant 0 : i32
      %dma_start3A_173 = tpu.memref_slice %arg2[%dma_start3A_171, %dma_start3A_172] : memref<259200x128xf32, #tpu.memory_space<hbm>> -> memref<259200x128xf32, #tpu.memory_space<hbm>>
      tpu.enqueue_indirect_dma source(%dma_start3A_173 : memref<259200x128xf32, #tpu.memory_space<hbm>>) target(%arg13 : memref<256x128xf32, #tpu.memory_space<vmem>>) offsets(%dma_start3A_170 : memref<256xi32, #tpu.memory_space<vmem>>) semaphore(%arg17 : memref<!tpu.dma_semaphore, #tpu.memory_space<semaphore_mem>>)
      %add3A_174 = arith.constant 3 : i32
      %add3A_175 = arith.addi %add3A_139, %add3A_174 : i32
      %le3A_176 = arith.constant 19 : i32
      %le3A_177 = arith.cmpi sle, %add3A_175, %le3A_176 : i32
      %convert_element_type3A_178 = arith.extui %le3A_177 : i1 to i32
      %cond3A_179 = arith.constant 0 : i32
      %cond3A_180 = arith.cmpi ne, %convert_element_type3A_178, %cond3A_179 : i32
      scf.if %cond3A_180 {
        %add3A_182 = arith.constant 3 : i32
        %add3A_183 = arith.addi %add3A_139, %add3A_182 : i32
        %mul3A_184 = arith.constant 2 : i32
        %mul3A_185 = arith.muli %add3A_183, %mul3A_184 : i32
        %add3A_186 = arith.constant 3 : i32
        %add3A_187 = arith.addi %add3A_139, %add3A_186 : i32
        %mul3A_188 = arith.constant 2 : i32
        %mul3A_189 = arith.muli %add3A_187, %mul3A_188 : i32
        %add3A_190 = arith.constant 2 : i32
        %add3A_191 = arith.addi %mul3A_189, %add3A_190 : i32
        %while3A = arith.subi %add3A_191, %mul3A_185 : i32
        %while3A_192 = arith.addi %mul3A_185, %while3A : i32
        %while3A_193 = arith.constant 1 : i32
        %while3A_194 = arith.divsi %while3A, %while3A_193 : i32
        %while3A_195 = arith.muli %while3A_194, %while3A_193 : i32
        %while3A_196 = arith.addi %mul3A_185, %while3A_195 : i32
        %while3A_197 = arith.constant 1 : i32
        scf.for %while3A_199 = %mul3A_185 to %while3A_196 step %while3A_197  : i32 {
          %jit3A_200 = arith.constant 8 : i32
          %div3A_201 = arith.divsi %while3A_199, %jit3A_200 : i32
          %sign3A_202 = arith.constant 0 : i32
          %sign3A_203 = arith.cmpi sgt, %while3A_199, %sign3A_202 : i32
          %sign3A_204 = arith.extui %sign3A_203 : i1 to i32
          %sign3A_205 = arith.constant 0 : i32
          %sign3A_206 = arith.cmpi slt, %while3A_199, %sign3A_205 : i32
          %sign3A_207 = arith.extui %sign3A_206 : i1 to i32
          %sign3A_208 = arith.subi %sign3A_204, %sign3A_207 : i32
          %sign3A_209 = arith.constant 0 : i32
          %sign3A_210 = arith.cmpi sgt, %jit3A_200, %sign3A_209 : i32
          %sign3A_211 = arith.extui %sign3A_210 : i1 to i32
          %sign3A_212 = arith.constant 0 : i32
          %sign3A_213 = arith.cmpi slt, %jit3A_200, %sign3A_212 : i32
          %sign3A_214 = arith.extui %sign3A_213 : i1 to i32
          %sign3A_215 = arith.subi %sign3A_211, %sign3A_214 : i32
          %ne3A_216 = arith.cmpi ne, %sign3A_208, %sign3A_215 : i32
          %rem3A_217 = arith.remsi %while3A_199, %jit3A_200 : i32
          %ne3A_218 = arith.constant 0 : i32
          %ne3A_219 = arith.cmpi ne, %rem3A_217, %ne3A_218 : i32
          %and3A_220 = arith.andi %ne3A_216, %ne3A_219 : i1
          %sub3A_221 = arith.constant 1 : i32
          %sub3A_222 = arith.subi %div3A_201, %sub3A_221 : i32
          %select_n3A_223 = arith.select %and3A_220, %sub3A_222, %div3A_201 : i32
          %mul3A_224 = arith.constant 8 : i32
          %mul3A_225 = arith.muli %select_n3A_223, %mul3A_224 : i32
          %sub3A_226 = arith.subi %while3A_199, %mul3A_225 : i32
          %mul3A_227 = arith.constant 16 : i32
          %mul3A_228 = arith.muli %sub3A_226, %mul3A_227 : i32
          %get3A = arith.constant 0 : i32
          %get3A_229 = arith.index_cast %select_n3A_223 : i32 to index
          %get3A_230 = arith.index_cast %get3A : i32 to index
          %get3A_231 = arith.index_cast %mul3A_228 : i32 to index
          %get3A_232 = tpu.vector_load %arg5[%get3A_229, %get3A_230, %get3A_231] {strides = array<i32>} : memref<5x2x128xf32, #tpu.memory_space<vmem>>, vector<16xf32>,
          %sub3A_233 = arith.constant -5.400000e+01 : f32
          %sub3A_234 = vector.broadcast %sub3A_233 : f32 to vector<16xf32>
          %sub3A_235 = arith.subf %get3A_232, %sub3A_234 : vector<16xf32>
          %div3A_236 = arith.constant 6.000000e-01 : f32
          %div3A_237 = vector.broadcast %div3A_236 : f32 to vector<16xf32>
          %div3A_238 = arith.divf %sub3A_235, %div3A_237 : vector<16xf32>
          %get3A_239 = arith.constant 1 : i32
          %get3A_240 = arith.index_cast %select_n3A_223 : i32 to index
          %get3A_241 = arith.index_cast %get3A_239 : i32 to index
          %get3A_242 = arith.index_cast %mul3A_228 : i32 to index
          %get3A_243 = tpu.vector_load %arg5[%get3A_240, %get3A_241, %get3A_242] {strides = array<i32>} : memref<5x2x128xf32, #tpu.memory_space<vmem>>, vector<16xf32>,
          %sub3A_244 = arith.constant -5.400000e+01 : f32
          %sub3A_245 = vector.broadcast %sub3A_244 : f32 to vector<16xf32>
          %sub3A_246 = arith.subf %get3A_243, %sub3A_245 : vector<16xf32>
          %div3A_247 = arith.constant 6.000000e-01 : f32
          %div3A_248 = vector.broadcast %div3A_247 : f32 to vector<16xf32>
          %div3A_249 = arith.divf %sub3A_246, %div3A_248 : vector<16xf32>
          %convert_element_type3A_250 = arith.fptosi %div3A_238 : vector<16xf32> to vector<16xi32>
          %convert_element_type3A_251 = arith.fptosi %div3A_249 : vector<16xf32> to vector<16xi32>
          %convert_element_type3A_252 = arith.sitofp %convert_element_type3A_250 : vector<16xi32> to vector<16xf32>
          %gt3A_253 = arith.cmpf ogt, %convert_element_type3A_252, %div3A_238 : vector<16xf32>
          %sub3A_254 = arith.constant 1 : i32
          %sub3A_255 = vector.broadcast %sub3A_254 : i32 to vector<16xi32>
          %sub3A_256 = arith.subi %convert_element_type3A_250, %sub3A_255 : vector<16xi32>
          %select_n3A_257 = arith.select %gt3A_253, %sub3A_256, %convert_element_type3A_250 : vector<16xi1>, vector<16xi32>
          %convert_element_type3A_258 = arith.sitofp %convert_element_type3A_251 : vector<16xi32> to vector<16xf32>
          %gt3A_259 = arith.cmpf ogt, %convert_element_type3A_258, %div3A_249 : vector<16xf32>
          %sub3A_260 = arith.constant 1 : i32
          %sub3A_261 = vector.broadcast %sub3A_260 : i32 to vector<16xi32>
          %sub3A_262 = arith.subi %convert_element_type3A_251, %sub3A_261 : vector<16xi32>
          %select_n3A_263 = arith.select %gt3A_259, %sub3A_262, %convert_element_type3A_251 : vector<16xi1>, vector<16xi32>
          %jit3A_264 = arith.constant 0 : i32
          %jit3A_265 = arith.constant 179 : i32
          %max3A = vector.broadcast %jit3A_264 : i32 to vector<16xi32>
          %max3A_266 = arith.maxsi %max3A, %select_n3A_257 : vector<16xi32>
          %min3A_267 = vector.broadcast %jit3A_265 : i32 to vector<16xi32>
          %min3A_268 = arith.minsi %min3A_267, %max3A_266 : vector<16xi32>
          %jit3A_269 = arith.constant 0 : i32
          %jit3A_270 = arith.constant 179 : i32
          %max3A_271 = vector.broadcast %jit3A_269 : i32 to vector<16xi32>
          %max3A_272 = arith.maxsi %max3A_271, %select_n3A_263 : vector<16xi32>
          %min3A_273 = vector.broadcast %jit3A_270 : i32 to vector<16xi32>
          %min3A_274 = arith.minsi %min3A_273, %max3A_272 : vector<16xi32>
          %add3A_275 = arith.constant 1 : i32
          %add3A_276 = vector.broadcast %add3A_275 : i32 to vector<16xi32>
          %add3A_277 = arith.addi %min3A_268, %add3A_276 : vector<16xi32>
          %min3A_278 = arith.constant 179 : i32
          %min3A_279 = vector.broadcast %min3A_278 : i32 to vector<16xi32>
          %min3A_280 = arith.minsi %add3A_277, %min3A_279 : vector<16xi32>
          %add3A_281 = arith.constant 1 : i32
          %add3A_282 = vector.broadcast %add3A_281 : i32 to vector<16xi32>
          %add3A_283 = arith.addi %min3A_274, %add3A_282 : vector<16xi32>
          %min3A_284 = arith.constant 179 : i32
          %min3A_285 = vector.broadcast %min3A_284 : i32 to vector<16xi32>
          %min3A_286 = arith.minsi %add3A_283, %min3A_285 : vector<16xi32>
          %convert_element_type3A_287 = arith.sitofp %min3A_268 : vector<16xi32> to vector<16xf32>
          %sub3A_288 = arith.subf %div3A_238, %convert_element_type3A_287 : vector<16xf32>
          %convert_element_type3A_289 = arith.sitofp %min3A_280 : vector<16xi32> to vector<16xf32>
          %sub3A_290 = arith.subf %convert_element_type3A_289, %div3A_238 : vector<16xf32>
          %convert_element_type3A_291 = arith.sitofp %min3A_274 : vector<16xi32> to vector<16xf32>
          %sub3A_292 = arith.subf %div3A_249, %convert_element_type3A_291 : vector<16xf32>
          %convert_element_type3A_293 = arith.sitofp %min3A_286 : vector<16xi32> to vector<16xf32>
          %sub3A_294 = arith.subf %convert_element_type3A_293, %div3A_249 : vector<16xf32>
          %mul3A_295 = arith.constant 16 : i32
          %mul3A_296 = arith.muli %while3A_199, %mul3A_295 : i32
          %mul3A_297 = arith.mulf %sub3A_290, %sub3A_294 : vector<16xf32>
          %swap3A = arith.index_cast %mul3A_296 : i32 to index
          %swap3A_298 = tpu.vector_load %arg6[%swap3A] {strides = array<i32>} : memref<640xf32, #tpu.memory_space<vmem>>, vector<16xf32>,
          tpu.vector_store %arg6[%swap3A], %mul3A_297 {strides = array<i32>} : memref<640xf32, #tpu.memory_space<vmem>>, vector<16xf32>,
          %mul3A_299 = arith.mulf %sub3A_290, %sub3A_292 : vector<16xf32>
          %swap3A_300 = arith.index_cast %mul3A_296 : i32 to index
          %swap3A_301 = tpu.vector_load %arg7[%swap3A_300] {strides = array<i32>} : memref<640xf32, #tpu.memory_space<vmem>>, vector<16xf32>,
          tpu.vector_store %arg7[%swap3A_300], %mul3A_299 {strides = array<i32>} : memref<640xf32, #tpu.memory_space<vmem>>, vector<16xf32>,
          %mul3A_302 = arith.mulf %sub3A_288, %sub3A_294 : vector<16xf32>
          %swap3A_303 = arith.index_cast %mul3A_296 : i32 to index
          %swap3A_304 = tpu.vector_load %arg8[%swap3A_303] {strides = array<i32>} : memref<640xf32, #tpu.memory_space<vmem>>, vector<16xf32>,
          tpu.vector_store %arg8[%swap3A_303], %mul3A_302 {strides = array<i32>} : memref<640xf32, #tpu.memory_space<vmem>>, vector<16xf32>,
          %mul3A_305 = arith.mulf %sub3A_288, %sub3A_292 : vector<16xf32>
          %swap3A_306 = arith.index_cast %mul3A_296 : i32 to index
          %swap3A_307 = tpu.vector_load %arg9[%swap3A_306] {strides = array<i32>} : memref<640xf32, #tpu.memory_space<vmem>>, vector<16xf32>,
          tpu.vector_store %arg9[%swap3A_306], %mul3A_305 {strides = array<i32>} : memref<640xf32, #tpu.memory_space<vmem>>, vector<16xf32>,
          %mul3A_308 = arith.constant 180 : i32
          %mul3A_309 = vector.broadcast %mul3A_308 : i32 to vector<16xi32>
          %mul3A_310 = arith.muli %min3A_274, %mul3A_309 : vector<16xi32>
          %add3A_311 = arith.addi %mul3A_310, %min3A_268 : vector<16xi32>
          %mul3A_312 = arith.constant 8 : i32
          %mul3A_313 = vector.broadcast %mul3A_312 : i32 to vector<16xi32>
          %mul3A_314 = arith.muli %add3A_311, %mul3A_313 : vector<16xi32>
          %add3A_315 = vector.broadcast %select_n3A : i32 to vector<16xi32>
          %add3A_316 = arith.addi %mul3A_314, %add3A_315 : vector<16xi32>
          %mul3A_317 = arith.constant 180 : i32
          %mul3A_318 = vector.broadcast %mul3A_317 : i32 to vector<16xi32>
          %mul3A_319 = arith.muli %min3A_286, %mul3A_318 : vector<16xi32>
          %add3A_320 = arith.addi %mul3A_319, %min3A_268 : vector<16xi32>
          %mul3A_321 = arith.constant 8 : i32
          %mul3A_322 = vector.broadcast %mul3A_321 : i32 to vector<16xi32>
          %mul3A_323 = arith.muli %add3A_320, %mul3A_322 : vector<16xi32>
          %add3A_324 = vector.broadcast %select_n3A : i32 to vector<16xi32>
          %add3A_325 = arith.addi %mul3A_323, %add3A_324 : vector<16xi32>
          %mul3A_326 = arith.constant 180 : i32
          %mul3A_327 = vector.broadcast %mul3A_326 : i32 to vector<16xi32>
          %mul3A_328 = arith.muli %min3A_274, %mul3A_327 : vector<16xi32>
          %add3A_329 = arith.addi %mul3A_328, %min3A_280 : vector<16xi32>
          %mul3A_330 = arith.constant 8 : i32
          %mul3A_331 = vector.broadcast %mul3A_330 : i32 to vector<16xi32>
          %mul3A_332 = arith.muli %add3A_329, %mul3A_331 : vector<16xi32>
          %add3A_333 = vector.broadcast %select_n3A : i32 to vector<16xi32>
          %add3A_334 = arith.addi %mul3A_332, %add3A_333 : vector<16xi32>
          %mul3A_335 = arith.constant 180 : i32
          %mul3A_336 = vector.broadcast %mul3A_335 : i32 to vector<16xi32>
          %mul3A_337 = arith.muli %min3A_286, %mul3A_336 : vector<16xi32>
          %add3A_338 = arith.addi %mul3A_337, %min3A_280 : vector<16xi32>
          %mul3A_339 = arith.constant 8 : i32
          %mul3A_340 = vector.broadcast %mul3A_339 : i32 to vector<16xi32>
          %mul3A_341 = arith.muli %add3A_338, %mul3A_340 : vector<16xi32>
          %add3A_342 = vector.broadcast %select_n3A : i32 to vector<16xi32>
          %add3A_343 = arith.addi %mul3A_341, %add3A_342 : vector<16xi32>
          %jit3A_344 = arith.constant 2 : i32
          %div3A_345 = arith.divsi %while3A_199, %jit3A_344 : i32
          %sign3A_346 = arith.constant 0 : i32
          %sign3A_347 = arith.cmpi sgt, %while3A_199, %sign3A_346 : i32
          %sign3A_348 = arith.extui %sign3A_347 : i1 to i32
          %sign3A_349 = arith.constant 0 : i32
          %sign3A_350 = arith.cmpi slt, %while3A_199, %sign3A_349 : i32
          %sign3A_351 = arith.extui %sign3A_350 : i1 to i32
          %sign3A_352 = arith.subi %sign3A_348, %sign3A_351 : i32
          %sign3A_353 = arith.constant 0 : i32
          %sign3A_354 = arith.cmpi sgt, %jit3A_344, %sign3A_353 : i32
          %sign3A_355 = arith.extui %sign3A_354 : i1 to i32
          %sign3A_356 = arith.constant 0 : i32
          %sign3A_357 = arith.cmpi slt, %jit3A_344, %sign3A_356 : i32
          %sign3A_358 = arith.extui %sign3A_357 : i1 to i32
          %sign3A_359 = arith.subi %sign3A_355, %sign3A_358 : i32
          %ne3A_360 = arith.cmpi ne, %sign3A_352, %sign3A_359 : i32
          %rem3A_361 = arith.remsi %while3A_199, %jit3A_344 : i32
          %ne3A_362 = arith.constant 0 : i32
          %ne3A_363 = arith.cmpi ne, %rem3A_361, %ne3A_362 : i32
          %and3A_364 = arith.andi %ne3A_360, %ne3A_363 : i1
          %sub3A_365 = arith.constant 1 : i32
          %sub3A_366 = arith.subi %div3A_345, %sub3A_365 : i32
          %select_n3A_367 = arith.select %and3A_364, %sub3A_366, %div3A_345 : i32
          %mul3A_368 = arith.constant 2 : i32
          %mul3A_369 = arith.muli %select_n3A_367, %mul3A_368 : i32
          %sub3A_370 = arith.subi %while3A_199, %mul3A_369 : i32
          %mul3A_371 = arith.constant 128 : i32
          %mul3A_372 = arith.muli %sub3A_370, %mul3A_371 : i32
          %add3A_373 = arith.constant 0 : i32
          %add3A_374 = arith.addi %mul3A_372, %add3A_373 : i32
          %swap3A_375 = arith.index_cast %select_n3A_367 : i32 to index
          %swap3A_376 = arith.index_cast %add3A_374 : i32 to index
          %swap3A_377 = tpu.vector_load %arg10[%swap3A_375, %swap3A_376] {strides = array<i32>} : memref<20x256xi32, #tpu.memory_space<vmem>>, vector<16xi32>,
          tpu.vector_store %arg10[%swap3A_375, %swap3A_376], %add3A_316 {strides = array<i32>} : memref<20x256xi32, #tpu.memory_space<vmem>>, vector<16xi32>,
          %add3A_378 = arith.constant 4 : i32
          %add3A_379 = vector.broadcast %add3A_378 : i32 to vector<16xi32>
          %add3A_380 = arith.addi %add3A_316, %add3A_379 : vector<16xi32>
          %add3A_381 = arith.constant 16 : i32
          %add3A_382 = arith.addi %mul3A_372, %add3A_381 : i32
          %swap3A_383 = arith.index_cast %select_n3A_367 : i32 to index
          %swap3A_384 = arith.index_cast %add3A_382 : i32 to index
          %swap3A_385 = tpu.vector_load %arg10[%swap3A_383, %swap3A_384] {strides = array<i32>} : memref<20x256xi32, #tpu.memory_space<vmem>>, vector<16xi32>,
          tpu.vector_store %arg10[%swap3A_383, %swap3A_384], %add3A_380 {strides = array<i32>} : memref<20x256xi32, #tpu.memory_space<vmem>>, vector<16xi32>,
          %add3A_386 = arith.constant 32 : i32
          %add3A_387 = arith.addi %mul3A_372, %add3A_386 : i32
          %swap3A_388 = arith.index_cast %select_n3A_367 : i32 to index
          %swap3A_389 = arith.index_cast %add3A_387 : i32 to index
          %swap3A_390 = tpu.vector_load %arg10[%swap3A_388, %swap3A_389] {strides = array<i32>} : memref<20x256xi32, #tpu.memory_space<vmem>>, vector<16xi32>,
          tpu.vector_store %arg10[%swap3A_388, %swap3A_389], %add3A_325 {strides = array<i32>} : memref<20x256xi32, #tpu.memory_space<vmem>>, vector<16xi32>,
          %add3A_391 = arith.constant 4 : i32
          %add3A_392 = vector.broadcast %add3A_391 : i32 to vector<16xi32>
          %add3A_393 = arith.addi %add3A_325, %add3A_392 : vector<16xi32>
          %add3A_394 = arith.constant 48 : i32
          %add3A_395 = arith.addi %mul3A_372, %add3A_394 : i32
          %swap3A_396 = arith.index_cast %select_n3A_367 : i32 to index
          %swap3A_397 = arith.index_cast %add3A_395 : i32 to index
          %swap3A_398 = tpu.vector_load %arg10[%swap3A_396, %swap3A_397] {strides = array<i32>} : memref<20x256xi32, #tpu.memory_space<vmem>>, vector<16xi32>,
          tpu.vector_store %arg10[%swap3A_396, %swap3A_397], %add3A_393 {strides = array<i32>} : memref<20x256xi32, #tpu.memory_space<vmem>>, vector<16xi32>,
          %add3A_399 = arith.constant 64 : i32
          %add3A_400 = arith.addi %mul3A_372, %add3A_399 : i32
          %swap3A_401 = arith.index_cast %select_n3A_367 : i32 to index
          %swap3A_402 = arith.index_cast %add3A_400 : i32 to index
          %swap3A_403 = tpu.vector_load %arg10[%swap3A_401, %swap3A_402] {strides = array<i32>} : memref<20x256xi32, #tpu.memory_space<vmem>>, vector<16xi32>,
          tpu.vector_store %arg10[%swap3A_401, %swap3A_402], %add3A_334 {strides = array<i32>} : memref<20x256xi32, #tpu.memory_space<vmem>>, vector<16xi32>,
          %add3A_404 = arith.constant 4 : i32
          %add3A_405 = vector.broadcast %add3A_404 : i32 to vector<16xi32>
          %add3A_406 = arith.addi %add3A_334, %add3A_405 : vector<16xi32>
          %add3A_407 = arith.constant 80 : i32
          %add3A_408 = arith.addi %mul3A_372, %add3A_407 : i32
          %swap3A_409 = arith.index_cast %select_n3A_367 : i32 to index
          %swap3A_410 = arith.index_cast %add3A_408 : i32 to index
          %swap3A_411 = tpu.vector_load %arg10[%swap3A_409, %swap3A_410] {strides = array<i32>} : memref<20x256xi32, #tpu.memory_space<vmem>>, vector<16xi32>,
          tpu.vector_store %arg10[%swap3A_409, %swap3A_410], %add3A_406 {strides = array<i32>} : memref<20x256xi32, #tpu.memory_space<vmem>>, vector<16xi32>,
          %add3A_412 = arith.constant 96 : i32
          %add3A_413 = arith.addi %mul3A_372, %add3A_412 : i32
          %swap3A_414 = arith.index_cast %select_n3A_367 : i32 to index
          %swap3A_415 = arith.index_cast %add3A_413 : i32 to index
          %swap3A_416 = tpu.vector_load %arg10[%swap3A_414, %swap3A_415] {strides = array<i32>} : memref<20x256xi32, #tpu.memory_space<vmem>>, vector<16xi32>,
          tpu.vector_store %arg10[%swap3A_414, %swap3A_415], %add3A_343 {strides = array<i32>} : memref<20x256xi32, #tpu.memory_space<vmem>>, vector<16xi32>,
          %add3A_417 = arith.constant 4 : i32
          %add3A_418 = vector.broadcast %add3A_417 : i32 to vector<16xi32>
          %add3A_419 = arith.addi %add3A_343, %add3A_418 : vector<16xi32>
          %add3A_420 = arith.constant 112 : i32
          %add3A_421 = arith.addi %mul3A_372, %add3A_420 : i32
          %swap3A_422 = arith.index_cast %select_n3A_367 : i32 to index
          %swap3A_423 = arith.index_cast %add3A_421 : i32 to index
          %swap3A_424 = tpu.vector_load %arg10[%swap3A_422, %swap3A_423] {strides = array<i32>} : memref<20x256xi32, #tpu.memory_space<vmem>>, vector<16xi32>,
          tpu.vector_store %arg10[%swap3A_422, %swap3A_423], %add3A_419 {strides = array<i32>} : memref<20x256xi32, #tpu.memory_space<vmem>>, vector<16xi32>,
          %mul3A_425 = arith.constant 16 : i32
          %mul3A_426 = arith.muli %sub3A_226, %mul3A_425 : i32
          %add3A_427 = arith.addi %mul3A_32, %mul3A_426 : i32
          %add3A_428 = vector.broadcast %add3A_427 : i32 to vector<16xi32>
          %add3A_429 = arith.addi %add3A_428, %iota3A : vector<16xi32>
          %mul3A_430 = arith.constant 128 : i32
          %mul3A_431 = arith.muli %select_n3A, %mul3A_430 : i32
          %shift_right_logical3A = arith.constant 3 : i32
          %shift_right_logical3A_432 = vector.broadcast %shift_right_logical3A : i32 to vector<16xi32>
          %shift_right_logical3A_433 = arith.shrui %add3A_429, %shift_right_logical3A_432 : vector<16xi32>
          %add3A_434 = vector.broadcast %mul3A_431 : i32 to vector<16xi32>
          %add3A_435 = arith.addi %add3A_434, %shift_right_logical3A_433 : vector<16xi32>
          %mul3A_436 = arith.constant 10 : i32
          %mul3A_437 = vector.broadcast %mul3A_436 : i32 to vector<16xi32>
          %mul3A_438 = arith.muli %add3A_435, %mul3A_437 : vector<16xi32>
          %mul3A_439 = arith.constant 2 : i32
          %mul3A_440 = arith.muli %select_n3A_223, %mul3A_439 : i32
          %add3A_441 = vector.broadcast %mul3A_440 : i32 to vector<16xi32>
          %add3A_442 = arith.addi %mul3A_438, %add3A_441 : vector<16xi32>
          %mul3A_443 = arith.constant 8 : i32
          %mul3A_444 = vector.broadcast %mul3A_443 : i32 to vector<16xi32>
          %mul3A_445 = arith.muli %add3A_442, %mul3A_444 : vector<16xi32>
          %and3A_446 = arith.constant 7 : i32
          %and3A_447 = vector.broadcast %and3A_446 : i32 to vector<16xi32>
          %and3A_448 = arith.andi %add3A_429, %and3A_447 : vector<16xi32>
          %add3A_449 = arith.addi %mul3A_445, %and3A_448 : vector<16xi32>
          %mul3A_450 = arith.constant 2 : i32
          %mul3A_451 = arith.muli %select_n3A_367, %mul3A_450 : i32
          %sub3A_452 = arith.subi %while3A_199, %mul3A_451 : i32
          %mul3A_453 = arith.constant 32 : i32
          %mul3A_454 = arith.muli %sub3A_452, %mul3A_453 : i32
          %swap3A_455 = arith.index_cast %select_n3A_367 : i32 to index
          %swap3A_456 = arith.index_cast %mul3A_454 : i32 to index
          %swap3A_457 = tpu.vector_load %arg11[%swap3A_455, %swap3A_456] {strides = array<i32>} : memref<20x64xi32, #tpu.memory_space<vmem>>, vector<16xi32>,
          tpu.vector_store %arg11[%swap3A_455, %swap3A_456], %add3A_449 {strides = array<i32>} : memref<20x64xi32, #tpu.memory_space<vmem>>, vector<16xi32>,
          %add3A_458 = arith.constant 8 : i32
          %add3A_459 = vector.broadcast %add3A_458 : i32 to vector<16xi32>
          %add3A_460 = arith.addi %add3A_449, %add3A_459 : vector<16xi32>
          %add3A_461 = arith.constant 16 : i32
          %add3A_462 = arith.addi %mul3A_454, %add3A_461 : i32
          %swap3A_463 = arith.index_cast %select_n3A_367 : i32 to index
          %swap3A_464 = arith.index_cast %add3A_462 : i32 to index
          %swap3A_465 = tpu.vector_load %arg11[%swap3A_463, %swap3A_464] {strides = array<i32>} : memref<20x64xi32, #tpu.memory_space<vmem>>, vector<16xi32>,
          tpu.vector_store %arg11[%swap3A_463, %swap3A_464], %add3A_460 {strides = array<i32>} : memref<20x64xi32, #tpu.memory_space<vmem>>, vector<16xi32>,
        }
        %while3A_198 = arith.constant 1 : i32
        scf.for %while3A_199 = %while3A_196 to %while3A_192 step %while3A_198  : i32 {
          %jit3A_200 = arith.constant 8 : i32
          %div3A_201 = arith.divsi %while3A_199, %jit3A_200 : i32
          %sign3A_202 = arith.constant 0 : i32
          %sign3A_203 = arith.cmpi sgt, %while3A_199, %sign3A_202 : i32
          %sign3A_204 = arith.extui %sign3A_203 : i1 to i32
          %sign3A_205 = arith.constant 0 : i32
          %sign3A_206 = arith.cmpi slt, %while3A_199, %sign3A_205 : i32
          %sign3A_207 = arith.extui %sign3A_206 : i1 to i32
          %sign3A_208 = arith.subi %sign3A_204, %sign3A_207 : i32
          %sign3A_209 = arith.constant 0 : i32
          %sign3A_210 = arith.cmpi sgt, %jit3A_200, %sign3A_209 : i32
          %sign3A_211 = arith.extui %sign3A_210 : i1 to i32
          %sign3A_212 = arith.constant 0 : i32
          %sign3A_213 = arith.cmpi slt, %jit3A_200, %sign3A_212 : i32
          %sign3A_214 = arith.extui %sign3A_213 : i1 to i32
          %sign3A_215 = arith.subi %sign3A_211, %sign3A_214 : i32
          %ne3A_216 = arith.cmpi ne, %sign3A_208, %sign3A_215 : i32
          %rem3A_217 = arith.remsi %while3A_199, %jit3A_200 : i32
          %ne3A_218 = arith.constant 0 : i32
          %ne3A_219 = arith.cmpi ne, %rem3A_217, %ne3A_218 : i32
          %and3A_220 = arith.andi %ne3A_216, %ne3A_219 : i1
          %sub3A_221 = arith.constant 1 : i32
          %sub3A_222 = arith.subi %div3A_201, %sub3A_221 : i32
          %select_n3A_223 = arith.select %and3A_220, %sub3A_222, %div3A_201 : i32
          %mul3A_224 = arith.constant 8 : i32
          %mul3A_225 = arith.muli %select_n3A_223, %mul3A_224 : i32
          %sub3A_226 = arith.subi %while3A_199, %mul3A_225 : i32
          %mul3A_227 = arith.constant 16 : i32
          %mul3A_228 = arith.muli %sub3A_226, %mul3A_227 : i32
          %get3A = arith.constant 0 : i32
          %get3A_229 = arith.index_cast %select_n3A_223 : i32 to index
          %get3A_230 = arith.index_cast %get3A : i32 to index
          %get3A_231 = arith.index_cast %mul3A_228 : i32 to index
          %get3A_232 = tpu.vector_load %arg5[%get3A_229, %get3A_230, %get3A_231] {strides = array<i32>} : memref<5x2x128xf32, #tpu.memory_space<vmem>>, vector<16xf32>,
          %sub3A_233 = arith.constant -5.400000e+01 : f32
          %sub3A_234 = vector.broadcast %sub3A_233 : f32 to vector<16xf32>
          %sub3A_235 = arith.subf %get3A_232, %sub3A_234 : vector<16xf32>
          %div3A_236 = arith.constant 6.000000e-01 : f32
          %div3A_237 = vector.broadcast %div3A_236 : f32 to vector<16xf32>
          %div3A_238 = arith.divf %sub3A_235, %div3A_237 : vector<16xf32>
          %get3A_239 = arith.constant 1 : i32
          %get3A_240 = arith.index_cast %select_n3A_223 : i32 to index
          %get3A_241 = arith.index_cast %get3A_239 : i32 to index
          %get3A_242 = arith.index_cast %mul3A_228 : i32 to index
          %get3A_243 = tpu.vector_load %arg5[%get3A_240, %get3A_241, %get3A_242] {strides = array<i32>} : memref<5x2x128xf32, #tpu.memory_space<vmem>>, vector<16xf32>,
          %sub3A_244 = arith.constant -5.400000e+01 : f32
          %sub3A_245 = vector.broadcast %sub3A_244 : f32 to vector<16xf32>
          %sub3A_246 = arith.subf %get3A_243, %sub3A_245 : vector<16xf32>
          %div3A_247 = arith.constant 6.000000e-01 : f32
          %div3A_248 = vector.broadcast %div3A_247 : f32 to vector<16xf32>
          %div3A_249 = arith.divf %sub3A_246, %div3A_248 : vector<16xf32>
          %convert_element_type3A_250 = arith.fptosi %div3A_238 : vector<16xf32> to vector<16xi32>
          %convert_element_type3A_251 = arith.fptosi %div3A_249 : vector<16xf32> to vector<16xi32>
          %convert_element_type3A_252 = arith.sitofp %convert_element_type3A_250 : vector<16xi32> to vector<16xf32>
          %gt3A_253 = arith.cmpf ogt, %convert_element_type3A_252, %div3A_238 : vector<16xf32>
          %sub3A_254 = arith.constant 1 : i32
          %sub3A_255 = vector.broadcast %sub3A_254 : i32 to vector<16xi32>
          %sub3A_256 = arith.subi %convert_element_type3A_250, %sub3A_255 : vector<16xi32>
          %select_n3A_257 = arith.select %gt3A_253, %sub3A_256, %convert_element_type3A_250 : vector<16xi1>, vector<16xi32>
          %convert_element_type3A_258 = arith.sitofp %convert_element_type3A_251 : vector<16xi32> to vector<16xf32>
          %gt3A_259 = arith.cmpf ogt, %convert_element_type3A_258, %div3A_249 : vector<16xf32>
          %sub3A_260 = arith.constant 1 : i32
          %sub3A_261 = vector.broadcast %sub3A_260 : i32 to vector<16xi32>
          %sub3A_262 = arith.subi %convert_element_type3A_251, %sub3A_261 : vector<16xi32>
          %select_n3A_263 = arith.select %gt3A_259, %sub3A_262, %convert_element_type3A_251 : vector<16xi1>, vector<16xi32>
          %jit3A_264 = arith.constant 0 : i32
          %jit3A_265 = arith.constant 179 : i32
          %max3A = vector.broadcast %jit3A_264 : i32 to vector<16xi32>
          %max3A_266 = arith.maxsi %max3A, %select_n3A_257 : vector<16xi32>
          %min3A_267 = vector.broadcast %jit3A_265 : i32 to vector<16xi32>
          %min3A_268 = arith.minsi %min3A_267, %max3A_266 : vector<16xi32>
          %jit3A_269 = arith.constant 0 : i32
          %jit3A_270 = arith.constant 179 : i32
          %max3A_271 = vector.broadcast %jit3A_269 : i32 to vector<16xi32>
          %max3A_272 = arith.maxsi %max3A_271, %select_n3A_263 : vector<16xi32>
          %min3A_273 = vector.broadcast %jit3A_270 : i32 to vector<16xi32>
          %min3A_274 = arith.minsi %min3A_273, %max3A_272 : vector<16xi32>
          %add3A_275 = arith.constant 1 : i32
          %add3A_276 = vector.broadcast %add3A_275 : i32 to vector<16xi32>
          %add3A_277 = arith.addi %min3A_268, %add3A_276 : vector<16xi32>
          %min3A_278 = arith.constant 179 : i32
          %min3A_279 = vector.broadcast %min3A_278 : i32 to vector<16xi32>
          %min3A_280 = arith.minsi %add3A_277, %min3A_279 : vector<16xi32>
          %add3A_281 = arith.constant 1 : i32
          %add3A_282 = vector.broadcast %add3A_281 : i32 to vector<16xi32>
          %add3A_283 = arith.addi %min3A_274, %add3A_282 : vector<16xi32>
          %min3A_284 = arith.constant 179 : i32
          %min3A_285 = vector.broadcast %min3A_284 : i32 to vector<16xi32>
          %min3A_286 = arith.minsi %add3A_283, %min3A_285 : vector<16xi32>
          %convert_element_type3A_287 = arith.sitofp %min3A_268 : vector<16xi32> to vector<16xf32>
          %sub3A_288 = arith.subf %div3A_238, %convert_element_type3A_287 : vector<16xf32>
          %convert_element_type3A_289 = arith.sitofp %min3A_280 : vector<16xi32> to vector<16xf32>
          %sub3A_290 = arith.subf %convert_element_type3A_289, %div3A_238 : vector<16xf32>
          %convert_element_type3A_291 = arith.sitofp %min3A_274 : vector<16xi32> to vector<16xf32>
          %sub3A_292 = arith.subf %div3A_249, %convert_element_type3A_291 : vector<16xf32>
          %convert_element_type3A_293 = arith.sitofp %min3A_286 : vector<16xi32> to vector<16xf32>
          %sub3A_294 = arith.subf %convert_element_type3A_293, %div3A_249 : vector<16xf32>
          %mul3A_295 = arith.constant 16 : i32
          %mul3A_296 = arith.muli %while3A_199, %mul3A_295 : i32
          %mul3A_297 = arith.mulf %sub3A_290, %sub3A_294 : vector<16xf32>
          %swap3A = arith.index_cast %mul3A_296 : i32 to index
          %swap3A_298 = tpu.vector_load %arg6[%swap3A] {strides = array<i32>} : memref<640xf32, #tpu.memory_space<vmem>>, vector<16xf32>,
          tpu.vector_store %arg6[%swap3A], %mul3A_297 {strides = array<i32>} : memref<640xf32, #tpu.memory_space<vmem>>, vector<16xf32>,
          %mul3A_299 = arith.mulf %sub3A_290, %sub3A_292 : vector<16xf32>
          %swap3A_300 = arith.index_cast %mul3A_296 : i32 to index
          %swap3A_301 = tpu.vector_load %arg7[%swap3A_300] {strides = array<i32>} : memref<640xf32, #tpu.memory_space<vmem>>, vector<16xf32>,
          tpu.vector_store %arg7[%swap3A_300], %mul3A_299 {strides = array<i32>} : memref<640xf32, #tpu.memory_space<vmem>>, vector<16xf32>,
          %mul3A_302 = arith.mulf %sub3A_288, %sub3A_294 : vector<16xf32>
          %swap3A_303 = arith.index_cast %mul3A_296 : i32 to index
          %swap3A_304 = tpu.vector_load %arg8[%swap3A_303] {strides = array<i32>} : memref<640xf32, #tpu.memory_space<vmem>>, vector<16xf32>,
          tpu.vector_store %arg8[%swap3A_303], %mul3A_302 {strides = array<i32>} : memref<640xf32, #tpu.memory_space<vmem>>, vector<16xf32>,
          %mul3A_305 = arith.mulf %sub3A_288, %sub3A_292 : vector<16xf32>
          %swap3A_306 = arith.index_cast %mul3A_296 : i32 to index
          %swap3A_307 = tpu.vector_load %arg9[%swap3A_306] {strides = array<i32>} : memref<640xf32, #tpu.memory_space<vmem>>, vector<16xf32>,
          tpu.vector_store %arg9[%swap3A_306], %mul3A_305 {strides = array<i32>} : memref<640xf32, #tpu.memory_space<vmem>>, vector<16xf32>,
          %mul3A_308 = arith.constant 180 : i32
          %mul3A_309 = vector.broadcast %mul3A_308 : i32 to vector<16xi32>
          %mul3A_310 = arith.muli %min3A_274, %mul3A_309 : vector<16xi32>
          %add3A_311 = arith.addi %mul3A_310, %min3A_268 : vector<16xi32>
          %mul3A_312 = arith.constant 8 : i32
          %mul3A_313 = vector.broadcast %mul3A_312 : i32 to vector<16xi32>
          %mul3A_314 = arith.muli %add3A_311, %mul3A_313 : vector<16xi32>
          %add3A_315 = vector.broadcast %select_n3A : i32 to vector<16xi32>
          %add3A_316 = arith.addi %mul3A_314, %add3A_315 : vector<16xi32>
          %mul3A_317 = arith.constant 180 : i32
          %mul3A_318 = vector.broadcast %mul3A_317 : i32 to vector<16xi32>
          %mul3A_319 = arith.muli %min3A_286, %mul3A_318 : vector<16xi32>
          %add3A_320 = arith.addi %mul3A_319, %min3A_268 : vector<16xi32>
          %mul3A_321 = arith.constant 8 : i32
          %mul3A_322 = vector.broadcast %mul3A_321 : i32 to vector<16xi32>
          %mul3A_323 = arith.muli %add3A_320, %mul3A_322 : vector<16xi32>
          %add3A_324 = vector.broadcast %select_n3A : i32 to vector<16xi32>
          %add3A_325 = arith.addi %mul3A_323, %add3A_324 : vector<16xi32>
          %mul3A_326 = arith.constant 180 : i32
          %mul3A_327 = vector.broadcast %mul3A_326 : i32 to vector<16xi32>
          %mul3A_328 = arith.muli %min3A_274, %mul3A_327 : vector<16xi32>
          %add3A_329 = arith.addi %mul3A_328, %min3A_280 : vector<16xi32>
          %mul3A_330 = arith.constant 8 : i32
          %mul3A_331 = vector.broadcast %mul3A_330 : i32 to vector<16xi32>
          %mul3A_332 = arith.muli %add3A_329, %mul3A_331 : vector<16xi32>
          %add3A_333 = vector.broadcast %select_n3A : i32 to vector<16xi32>
          %add3A_334 = arith.addi %mul3A_332, %add3A_333 : vector<16xi32>
          %mul3A_335 = arith.constant 180 : i32
          %mul3A_336 = vector.broadcast %mul3A_335 : i32 to vector<16xi32>
          %mul3A_337 = arith.muli %min3A_286, %mul3A_336 : vector<16xi32>
          %add3A_338 = arith.addi %mul3A_337, %min3A_280 : vector<16xi32>
          %mul3A_339 = arith.constant 8 : i32
          %mul3A_340 = vector.broadcast %mul3A_339 : i32 to vector<16xi32>
          %mul3A_341 = arith.muli %add3A_338, %mul3A_340 : vector<16xi32>
          %add3A_342 = vector.broadcast %select_n3A : i32 to vector<16xi32>
          %add3A_343 = arith.addi %mul3A_341, %add3A_342 : vector<16xi32>
          %jit3A_344 = arith.constant 2 : i32
          %div3A_345 = arith.divsi %while3A_199, %jit3A_344 : i32
          %sign3A_346 = arith.constant 0 : i32
          %sign3A_347 = arith.cmpi sgt, %while3A_199, %sign3A_346 : i32
          %sign3A_348 = arith.extui %sign3A_347 : i1 to i32
          %sign3A_349 = arith.constant 0 : i32
          %sign3A_350 = arith.cmpi slt, %while3A_199, %sign3A_349 : i32
          %sign3A_351 = arith.extui %sign3A_350 : i1 to i32
          %sign3A_352 = arith.subi %sign3A_348, %sign3A_351 : i32
          %sign3A_353 = arith.constant 0 : i32
          %sign3A_354 = arith.cmpi sgt, %jit3A_344, %sign3A_353 : i32
          %sign3A_355 = arith.extui %sign3A_354 : i1 to i32
          %sign3A_356 = arith.constant 0 : i32
          %sign3A_357 = arith.cmpi slt, %jit3A_344, %sign3A_356 : i32
          %sign3A_358 = arith.extui %sign3A_357 : i1 to i32
          %sign3A_359 = arith.subi %sign3A_355, %sign3A_358 : i32
          %ne3A_360 = arith.cmpi ne, %sign3A_352, %sign3A_359 : i32
          %rem3A_361 = arith.remsi %while3A_199, %jit3A_344 : i32
          %ne3A_362 = arith.constant 0 : i32
          %ne3A_363 = arith.cmpi ne, %rem3A_361, %ne3A_362 : i32
          %and3A_364 = arith.andi %ne3A_360, %ne3A_363 : i1
          %sub3A_365 = arith.constant 1 : i32
          %sub3A_366 = arith.subi %div3A_345, %sub3A_365 : i32
          %select_n3A_367 = arith.select %and3A_364, %sub3A_366, %div3A_345 : i32
          %mul3A_368 = arith.constant 2 : i32
          %mul3A_369 = arith.muli %select_n3A_367, %mul3A_368 : i32
          %sub3A_370 = arith.subi %while3A_199, %mul3A_369 : i32
          %mul3A_371 = arith.constant 128 : i32
          %mul3A_372 = arith.muli %sub3A_370, %mul3A_371 : i32
          %add3A_373 = arith.constant 0 : i32
          %add3A_374 = arith.addi %mul3A_372, %add3A_373 : i32
          %swap3A_375 = arith.index_cast %select_n3A_367 : i32 to index
          %swap3A_376 = arith.index_cast %add3A_374 : i32 to index
          %swap3A_377 = tpu.vector_load %arg10[%swap3A_375, %swap3A_376] {strides = array<i32>} : memref<20x256xi32, #tpu.memory_space<vmem>>, vector<16xi32>,
          tpu.vector_store %arg10[%swap3A_375, %swap3A_376], %add3A_316 {strides = array<i32>} : memref<20x256xi32, #tpu.memory_space<vmem>>, vector<16xi32>,
          %add3A_378 = arith.constant 4 : i32
          %add3A_379 = vector.broadcast %add3A_378 : i32 to vector<16xi32>
          %add3A_380 = arith.addi %add3A_316, %add3A_379 : vector<16xi32>
          %add3A_381 = arith.constant 16 : i32
          %add3A_382 = arith.addi %mul3A_372, %add3A_381 : i32
          %swap3A_383 = arith.index_cast %select_n3A_367 : i32 to index
          %swap3A_384 = arith.index_cast %add3A_382 : i32 to index
          %swap3A_385 = tpu.vector_load %arg10[%swap3A_383, %swap3A_384] {strides = array<i32>} : memref<20x256xi32, #tpu.memory_space<vmem>>, vector<16xi32>,
          tpu.vector_store %arg10[%swap3A_383, %swap3A_384], %add3A_380 {strides = array<i32>} : memref<20x256xi32, #tpu.memory_space<vmem>>, vector<16xi32>,
          %add3A_386 = arith.constant 32 : i32
          %add3A_387 = arith.addi %mul3A_372, %add3A_386 : i32
          %swap3A_388 = arith.index_cast %select_n3A_367 : i32 to index
          %swap3A_389 = arith.index_cast %add3A_387 : i32 to index
          %swap3A_390 = tpu.vector_load %arg10[%swap3A_388, %swap3A_389] {strides = array<i32>} : memref<20x256xi32, #tpu.memory_space<vmem>>, vector<16xi32>,
          tpu.vector_store %arg10[%swap3A_388, %swap3A_389], %add3A_325 {strides = array<i32>} : memref<20x256xi32, #tpu.memory_space<vmem>>, vector<16xi32>,
          %add3A_391 = arith.constant 4 : i32
          %add3A_392 = vector.broadcast %add3A_391 : i32 to vector<16xi32>
          %add3A_393 = arith.addi %add3A_325, %add3A_392 : vector<16xi32>
          %add3A_394 = arith.constant 48 : i32
          %add3A_395 = arith.addi %mul3A_372, %add3A_394 : i32
          %swap3A_396 = arith.index_cast %select_n3A_367 : i32 to index
          %swap3A_397 = arith.index_cast %add3A_395 : i32 to index
          %swap3A_398 = tpu.vector_load %arg10[%swap3A_396, %swap3A_397] {strides = array<i32>} : memref<20x256xi32, #tpu.memory_space<vmem>>, vector<16xi32>,
          tpu.vector_store %arg10[%swap3A_396, %swap3A_397], %add3A_393 {strides = array<i32>} : memref<20x256xi32, #tpu.memory_space<vmem>>, vector<16xi32>,
          %add3A_399 = arith.constant 64 : i32
          %add3A_400 = arith.addi %mul3A_372, %add3A_399 : i32
          %swap3A_401 = arith.index_cast %select_n3A_367 : i32 to index
          %swap3A_402 = arith.index_cast %add3A_400 : i32 to index
          %swap3A_403 = tpu.vector_load %arg10[%swap3A_401, %swap3A_402] {strides = array<i32>} : memref<20x256xi32, #tpu.memory_space<vmem>>, vector<16xi32>,
          tpu.vector_store %arg10[%swap3A_401, %swap3A_402], %add3A_334 {strides = array<i32>} : memref<20x256xi32, #tpu.memory_space<vmem>>, vector<16xi32>,
          %add3A_404 = arith.constant 4 : i32
          %add3A_405 = vector.broadcast %add3A_404 : i32 to vector<16xi32>
          %add3A_406 = arith.addi %add3A_334, %add3A_405 : vector<16xi32>
          %add3A_407 = arith.constant 80 : i32
          %add3A_408 = arith.addi %mul3A_372, %add3A_407 : i32
          %swap3A_409 = arith.index_cast %select_n3A_367 : i32 to index
          %swap3A_410 = arith.index_cast %add3A_408 : i32 to index
          %swap3A_411 = tpu.vector_load %arg10[%swap3A_409, %swap3A_410] {strides = array<i32>} : memref<20x256xi32, #tpu.memory_space<vmem>>, vector<16xi32>,
          tpu.vector_store %arg10[%swap3A_409, %swap3A_410], %add3A_406 {strides = array<i32>} : memref<20x256xi32, #tpu.memory_space<vmem>>, vector<16xi32>,
          %add3A_412 = arith.constant 96 : i32
          %add3A_413 = arith.addi %mul3A_372, %add3A_412 : i32
          %swap3A_414 = arith.index_cast %select_n3A_367 : i32 to index
          %swap3A_415 = arith.index_cast %add3A_413 : i32 to index
          %swap3A_416 = tpu.vector_load %arg10[%swap3A_414, %swap3A_415] {strides = array<i32>} : memref<20x256xi32, #tpu.memory_space<vmem>>, vector<16xi32>,
          tpu.vector_store %arg10[%swap3A_414, %swap3A_415], %add3A_343 {strides = array<i32>} : memref<20x256xi32, #tpu.memory_space<vmem>>, vector<16xi32>,
          %add3A_417 = arith.constant 4 : i32
          %add3A_418 = vector.broadcast %add3A_417 : i32 to vector<16xi32>
          %add3A_419 = arith.addi %add3A_343, %add3A_418 : vector<16xi32>
          %add3A_420 = arith.constant 112 : i32
          %add3A_421 = arith.addi %mul3A_372, %add3A_420 : i32
          %swap3A_422 = arith.index_cast %select_n3A_367 : i32 to index
          %swap3A_423 = arith.index_cast %add3A_421 : i32 to index
          %swap3A_424 = tpu.vector_load %arg10[%swap3A_422, %swap3A_423] {strides = array<i32>} : memref<20x256xi32, #tpu.memory_space<vmem>>, vector<16xi32>,
          tpu.vector_store %arg10[%swap3A_422, %swap3A_423], %add3A_419 {strides = array<i32>} : memref<20x256xi32, #tpu.memory_space<vmem>>, vector<16xi32>,
          %mul3A_425 = arith.constant 16 : i32
          %mul3A_426 = arith.muli %sub3A_226, %mul3A_425 : i32
          %add3A_427 = arith.addi %mul3A_32, %mul3A_426 : i32
          %add3A_428 = vector.broadcast %add3A_427 : i32 to vector<16xi32>
          %add3A_429 = arith.addi %add3A_428, %iota3A : vector<16xi32>
          %mul3A_430 = arith.constant 128 : i32
          %mul3A_431 = arith.muli %select_n3A, %mul3A_430 : i32
          %shift_right_logical3A = arith.constant 3 : i32
          %shift_right_logical3A_432 = vector.broadcast %shift_right_logical3A : i32 to vector<16xi32>
          %shift_right_logical3A_433 = arith.shrui %add3A_429, %shift_right_logical3A_432 : vector<16xi32>
          %add3A_434 = vector.broadcast %mul3A_431 : i32 to vector<16xi32>
          %add3A_435 = arith.addi %add3A_434, %shift_right_logical3A_433 : vector<16xi32>
          %mul3A_436 = arith.constant 10 : i32
          %mul3A_437 = vector.broadcast %mul3A_436 : i32 to vector<16xi32>
          %mul3A_438 = arith.muli %add3A_435, %mul3A_437 : vector<16xi32>
          %mul3A_439 = arith.constant 2 : i32
          %mul3A_440 = arith.muli %select_n3A_223, %mul3A_439 : i32
          %add3A_441 = vector.broadcast %mul3A_440 : i32 to vector<16xi32>
          %add3A_442 = arith.addi %mul3A_438, %add3A_441 : vector<16xi32>
          %mul3A_443 = arith.constant 8 : i32
          %mul3A_444 = vector.broadcast %mul3A_443 : i32 to vector<16xi32>
          %mul3A_445 = arith.muli %add3A_442, %mul3A_444 : vector<16xi32>
          %and3A_446 = arith.constant 7 : i32
          %and3A_447 = vector.broadcast %and3A_446 : i32 to vector<16xi32>
          %and3A_448 = arith.andi %add3A_429, %and3A_447 : vector<16xi32>
          %add3A_449 = arith.addi %mul3A_445, %and3A_448 : vector<16xi32>
          %mul3A_450 = arith.constant 2 : i32
          %mul3A_451 = arith.muli %select_n3A_367, %mul3A_450 : i32
          %sub3A_452 = arith.subi %while3A_199, %mul3A_451 : i32
          %mul3A_453 = arith.constant 32 : i32
          %mul3A_454 = arith.muli %sub3A_452, %mul3A_453 : i32
          %swap3A_455 = arith.index_cast %select_n3A_367 : i32 to index
          %swap3A_456 = arith.index_cast %mul3A_454 : i32 to index
          %swap3A_457 = tpu.vector_load %arg11[%swap3A_455, %swap3A_456] {strides = array<i32>} : memref<20x64xi32, #tpu.memory_space<vmem>>, vector<16xi32>,
          tpu.vector_store %arg11[%swap3A_455, %swap3A_456], %add3A_449 {strides = array<i32>} : memref<20x64xi32, #tpu.memory_space<vmem>>, vector<16xi32>,
          %add3A_458 = arith.constant 8 : i32
          %add3A_459 = vector.broadcast %add3A_458 : i32 to vector<16xi32>
          %add3A_460 = arith.addi %add3A_449, %add3A_459 : vector<16xi32>
          %add3A_461 = arith.constant 16 : i32
          %add3A_462 = arith.addi %mul3A_454, %add3A_461 : i32
          %swap3A_463 = arith.index_cast %select_n3A_367 : i32 to index
          %swap3A_464 = arith.index_cast %add3A_462 : i32 to index
          %swap3A_465 = tpu.vector_load %arg11[%swap3A_463, %swap3A_464] {strides = array<i32>} : memref<20x64xi32, #tpu.memory_space<vmem>>, vector<16xi32>,
          tpu.vector_store %arg11[%swap3A_463, %swap3A_464], %add3A_460 {strides = array<i32>} : memref<20x64xi32, #tpu.memory_space<vmem>>, vector<16xi32>,
        }
      } else {
      }
      %scan3A_181 = arith.constant 0 : i32
      scf.yield %scan3A_181 : i32
    }
    %scan3A_66 = arith.constant 10 : i32
    %dma_wait3A = arith.constant 19 : i32
    %dma_wait3A_67 = arith.constant 0 : i32
    %dma_wait3A_68 = tpu.memref_slice %arg10[%dma_wait3A, %dma_wait3A_67] : memref<20x256xi32, #tpu.memory_space<vmem>> -> memref<1x256xi32, #tpu.memory_space<vmem>>
    %dma_wait3A_69 = tpu.memref_squeeze %dma_wait3A_68 : memref<1x256xi32, #tpu.memory_space<vmem>> -> memref<256xi32, #tpu.memory_space<vmem>>
    %dma_wait3A_70 = arith.constant 0 : i32
    %dma_wait3A_71 = arith.constant 0 : i32
    %dma_wait3A_72 = tpu.memref_slice %arg2[%dma_wait3A_70, %dma_wait3A_71] : memref<259200x128xf32, #tpu.memory_space<hbm>> -> memref<259200x128xf32, #tpu.memory_space<hbm>>
    tpu.wait_indirect_dma semaphore(%arg16 : memref<!tpu.dma_semaphore, #tpu.memory_space<semaphore_mem>>) src(%dma_wait3A_72 : memref<259200x128xf32, #tpu.memory_space<hbm>>) dst(%arg12 : memref<256x128xf32, #tpu.memory_space<vmem>>)
    %dma_wait3A_73 = arith.constant 19 : i32
    %dma_wait3A_74 = arith.constant 0 : i32
    %dma_wait3A_75 = tpu.memref_slice %arg10[%dma_wait3A_73, %dma_wait3A_74] : memref<20x256xi32, #tpu.memory_space<vmem>> -> memref<1x256xi32, #tpu.memory_space<vmem>>
    %dma_wait3A_76 = tpu.memref_squeeze %dma_wait3A_75 : memref<1x256xi32, #tpu.memory_space<vmem>> -> memref<256xi32, #tpu.memory_space<vmem>>
    %dma_wait3A_77 = arith.constant 0 : i32
    %dma_wait3A_78 = arith.constant 0 : i32
    %dma_wait3A_79 = tpu.memref_slice %arg2[%dma_wait3A_77, %dma_wait3A_78] : memref<259200x128xf32, #tpu.memory_space<hbm>> -> memref<259200x128xf32, #tpu.memory_space<hbm>>
    tpu.wait_indirect_dma semaphore(%arg17 : memref<!tpu.dma_semaphore, #tpu.memory_space<semaphore_mem>>) src(%dma_wait3A_79 : memref<259200x128xf32, #tpu.memory_space<hbm>>) dst(%arg13 : memref<256x128xf32, #tpu.memory_space<vmem>>)
    %dma_wait3A_80 = arith.constant 18 : i32
    %dma_wait3A_81 = arith.constant 0 : i32
    %dma_wait3A_82 = tpu.memref_slice %arg11[%dma_wait3A_80, %dma_wait3A_81] : memref<20x64xi32, #tpu.memory_space<vmem>> -> memref<1x64xi32, #tpu.memory_space<vmem>>
    %dma_wait3A_83 = tpu.memref_squeeze %dma_wait3A_82 : memref<1x64xi32, #tpu.memory_space<vmem>> -> memref<64xi32, #tpu.memory_space<vmem>>
    %dma_wait3A_84 = arith.constant 0 : i32
    %dma_wait3A_85 = arith.constant 0 : i32
    %dma_wait3A_86 = tpu.memref_slice %arg4[%dma_wait3A_84, %dma_wait3A_85] : memref<40960x128xf32, #tpu.memory_space<hbm>> -> memref<40960x128xf32, #tpu.memory_space<hbm>>
    tpu.wait_indirect_dma semaphore(%arg18 : memref<!tpu.dma_semaphore, #tpu.memory_space<semaphore_mem>>) src(%arg14 : memref<64x128xf32, #tpu.memory_space<vmem>>) dst(%dma_wait3A_86 : memref<40960x128xf32, #tpu.memory_space<hbm>>)
    %dma_wait3A_87 = arith.constant 19 : i32
    %dma_wait3A_88 = arith.constant 0 : i32
    %dma_wait3A_89 = tpu.memref_slice %arg11[%dma_wait3A_87, %dma_wait3A_88] : memref<20x64xi32, #tpu.memory_space<vmem>> -> memref<1x64xi32, #tpu.memory_space<vmem>>
    %dma_wait3A_90 = tpu.memref_squeeze %dma_wait3A_89 : memref<1x64xi32, #tpu.memory_space<vmem>> -> memref<64xi32, #tpu.memory_space<vmem>>
    %dma_wait3A_91 = arith.constant 0 : i32
    %dma_wait3A_92 = arith.constant 0 : i32
    %dma_wait3A_93 = tpu.memref_slice %arg4[%dma_wait3A_91, %dma_wait3A_92] : memref<40960x128xf32, #tpu.memory_space<hbm>> -> memref<40960x128xf32, #tpu.memory_space<hbm>>
    tpu.wait_indirect_dma semaphore(%arg19 : memref<!tpu.dma_semaphore, #tpu.memory_space<semaphore_mem>>) src(%arg15 : memref<64x128xf32, #tpu.memory_space<vmem>>) dst(%dma_wait3A_93 : memref<40960x128xf32, #tpu.memory_space<hbm>>)
    return
  }
}

</mosaic_0001>

<sc_bundles>
// kernel: kernel.3.cloned.1.call-start
scs
__scs_entry_jumppad:
0x0: {  	(pc) =	sbr.rel $0x88, $3  }
0x1: {  	(tag) =	ssettag $0x0;
	lr =	simm.s32 $0x1  }
0x2: {  	[smem:$0x3F9F] =	sst lr;
	_ =	strace $0xD0000000  }
0x3: {  	_ = 	snop  }
0x4: {  	_ = 	snop  }
0x5: {  	_ = 	snop  }
0x6: {  	_ = 	snop  }
0x7: {  	_ = 	snop  }
__scs_overlays_trampoline_lowered:
0x8: {  	[smem:$0x3FAE] =	sst s0  }
0x9: {  	[smem:$0x3FAF] =	sst s1  }
0xa: {  	[smem:$0x3FB0] =	sst s2  }
0xb: {  	[smem:$0x3FB1] =	sst s3  }
0xc: {  	[smem:$0x3FB2] =	sst s4  }
0xd: {  	[smem:$0x3FB3] =	sst s5  }
0xe: {  	[smem:$0x3FB4] =	sst s6  }
0xf: {  	[smem:$0x3FB5] =	sst s7  }
0x10: {  	[smem:$0x3FB6] =	sst s8  }
0x11: {  	[smem:$0x3FB7] =	sst s9;
	s0 =	simm.s32 @!p0 $0x0  }
0x12: {  	s1 =	sld [smem:$0x3F9D];
	s0 =	simm.s32 @p0 $0x1  }
0x13: {  	[smem:$0x3FB8] =	sst s0;
	s0 =	simm.s32 @!p1 $0x0  }
0x14: {  	s2 =	sld [smem:$0x3F9C];
	s0 =	simm.s32 @p1 $0x1  }
0x15: {  	[smem:$0x3FB9] =	sst s0;
	s0 =	simm.s32 @!p2 $0x0  }
0x16: {  	s3 =	sld [smem:$0x3FDB];
	s0 =	simm.s32 @p2 $0x1  }
0x17: {  	s4 =	simm.s32 $0x1BF5;
	[smem:$0x3FBB] =	sst s0  }
0x18: {  	s0 =	sld [smem:$0x3F9E];
	_ =	swait.ge [sflag:s4], $0x0  }
0x19: {  	s7 =	sld [smem:$0x3F9F]  }
0x1a: {  	s8 =	sadd.s32 $0xFFFFE003, lr  }
0x1b: {  	s9 =	sadd.s32 $0xFFFFFEF7, lr;
	s5 =	simm.s32 $0xFFFFFFFF;
	p2 =	slt.u32 s8, $0xFFFFF086  }
0x1c: {  	p1 =	slt.u32 s9, $0xF7A;
	s5 =	simm.s32 @!p2 $0x0  }
0x1d: {  	s5 =	simm.s32 @p1 $0x1;
	p0 =	seq.s32 s7, s2  }
0x1e: {  	s7 =	smul.u32 @!p0 $0xF7A, s2;
	p2 =	seq.s32 @!p0 s5, $0x0  }
0x1f: {  	s9 =	smul.u32 $0xF7A, s1;
	s8 =	simm.s32 @!p0 $0x1BF5;
	p2 =	por !p2, p0  }
0x20: {  	[sflag:s8] =	ssyncset.s32 @!p0 $0xFFFFF086;
	s6 =	sadd.s32 @!p0 s3, s7;
	s7 =	simm.s32 @!p0 $0x108  }
0x21: {  	s3 =	sadd.s32 s3, s9;
	s6 =	sadd.s32 @!p0 $0x88, s6;
	s7 =	simm.s32 @p2 $0x1082  }
0x22: {  	[simem:s7], [sflag:s8] =	dma.local @!p0 [hbm:s6], $0xF7A  }
0x23: {  	s9 =	sor.u32 $0xD0000000, s2;
	s6 =	simm.s32 $0x108;
	_ =	swait.ge @!p0 [sflag:s8], $0x0  }
0x24: {  	s3 =	sadd.s32 $0x88, s3;
	s6 =	simm.s32 @!p1 $0x1082;
	[sflag:s4] =	ssyncset.s32 $0xFFFFF086  }
0x25: {  	[simem:s6], [sflag:s4] =	dma.local [hbm:s3], $0xF7A  }
0x26: {  	[smem:$0x3F9F] =	sst s1;
	(tag) =	ssettag s2;
	_ =	strace s9  }
0x27: {  	s1 =	sld [smem:$0x3FAF]  }
0x28: {  	s2 =	sld [smem:$0x3FB0]  }
0x29: {  	s4 =	sld [smem:$0x3FB2]  }
0x2a: {  	p0 =	seq.s32 s5, $0x0;
	s5 =	sld [smem:$0x3FB3]  }
0x2b: {  	s6 =	sld [smem:$0x3FB4]  }
0x2c: {  	s7 =	sld [smem:$0x3FB5]  }
0x2d: {  	s3 =	simm.s32 $0x108;
	s8 =	sld [smem:$0x3FB6]  }
0x2e: {  	s3 =	simm.s32 @!p0 $0x1082;
	s9 =	sld [smem:$0x3FB7]  }
0x2f: {  	lr =	sadd.s32 s0, s3;
	s0 =	sld [smem:$0x3FAE]  }
0x30: {  	s3 =	sld [smem:$0x3FB1]  }
0x31: {  	[smem:$0x3FBA] =	sst s10  }
0x32: {  	s10 =	sld [smem:$0x3FB8];
	_ =	sdelay $0x3  }
0x33: {  	p0 =	seq.s32 s10, $0x1;
	s10 =	sld [smem:$0x3FBA];
	_ =	sdelay $0x3  }
0x34: {  	[smem:$0x3FBA] =	sst s10  }
0x35: {  	s10 =	sld [smem:$0x3FB9];
	_ =	sdelay $0x3  }
0x36: {  	p1 =	seq.s32 s10, $0x1;
	s10 =	sld [smem:$0x3FBA];
	_ =	sdelay $0x3  }
0x37: {  	[smem:$0x3FBA] =	sst s10  }
0x38: {  	s10 =	sld [smem:$0x3FBB]  }
0x39: {  	_ = 	snop;
	(pc) =	sbr.ind lr, $3  }
0x3a: {  	_ = 	snop  }
0x3b: {  	_ = 	snop  }
0x3c: {  	p2 =	seq.s32 s10, $0x1;
	s10 =	sld [smem:$0x3FBA]  }
0x3d: {  	_ =	shalt  }
0x3e: {  	_ =	shalt  }
0x3f: {  	_ =	shalt  }
0x40: {  	_ =	shalt  }
0x41: {  	_ =	shalt  }
0x42: {  	_ =	shalt  }
0x43: {  	_ =	shalt  }
0x44: {  	_ =	shalt  }
0x45: {  	_ =	shalt  }
0x46: {  	_ =	shalt  }
0x47: {  	_ =	shalt  }
0x48: {  	_ =	shalt  }
0x49: {  	_ =	shalt  }
0x4a: {  	_ =	shalt  }
0x4b: {  	_ =	shalt  }
0x4c: {  	_ =	shalt  }
0x4d: {  	_ =	shalt  }
0x4e: {  	_ =	shalt  }
0x4f: {  	_ =	shalt  }
0x50: {  	_ =	shalt  }
0x51: {  	_ =	shalt  }
0x52: {  	_ =	shalt  }
0x53: {  	_ =	shalt  }
0x54: {  	_ =	shalt  }
0x55: {  	_ =	shalt  }
0x56: {  	_ =	shalt  }
0x57: {  	_ =	shalt  }
0x58: {  	_ =	shalt  }
0x59: {  	_ =	shalt  }
0x5a: {  	_ =	shalt  }
0x5b: {  	_ =	shalt  }
0x5c: {  	_ =	shalt  }
0x5d: {  	_ =	shalt  }
0x5e: {  	_ =	shalt  }
0x5f: {  	_ =	shalt  }
0x60: {  	_ =	shalt  }
0x61: {  	_ =	shalt  }
0x62: {  	_ =	shalt  }
0x63: {  	_ =	shalt  }
0x64: {  	_ =	shalt  }
0x65: {  	_ =	shalt  }
0x66: {  	_ =	shalt  }
0x67: {  	_ =	shalt  }
0x68: {  	_ =	shalt  }
0x69: {  	_ =	shalt  }
0x6a: {  	_ =	shalt  }
0x6b: {  	_ =	shalt  }
0x6c: {  	_ =	shalt  }
0x6d: {  	_ =	shalt  }
0x6e: {  	_ =	shalt  }
0x6f: {  	_ =	shalt  }
0x70: {  	_ =	shalt  }
0x71: {  	_ =	shalt  }
0x72: {  	_ =	shalt  }
0x73: {  	_ =	shalt  }
0x74: {  	_ =	shalt  }
0x75: {  	_ =	shalt  }
0x76: {  	_ =	shalt  }
0x77: {  	_ =	shalt  }
0x78: {  	_ =	shalt  }
0x79: {  	_ =	shalt  }
0x7a: {  	_ =	shalt  }
0x7b: {  	_ =	shalt  }
0x7c: {  	_ =	shalt  }
0x7d: {  	_ =	shalt  }
0x7e: {  	_ =	shalt  }
0x7f: {  	_ =	shalt  }
0x80: {  	_ =	shalt  }
0x81: {  	_ =	shalt  }
0x82: {  	_ =	shalt  }
0x83: {  	_ =	shalt  }
0x84: {  	_ =	shalt  }
0x85: {  	_ =	shalt  }
0x86: {  	_ =	shalt  }
0x87: {  	_ =	shalt  }
.Lfunc_end0:
.L_simem_size_0:
called_computation_lowered:
.L_overlay_start_0:
0x88: {  	s2 =	sld [smem:$0x3FD9]  }
0x89: {  	s3 =	sld [smem:$0x3FFE];
	_ =	sdelay $0x1  }
0x8a: {  	s1 =	srdreg.scid  }
0x8b: {  	s0 =	sand.u32 $0x1, s1  }
0x8c: {  	s18 =	sshll.u32 s0, $0xA;
	s2 =	sadd.s32 s3, s2  }
0x8d: {  	s2 =	sadd.s32 s2, s18  }
0x8e: {  	[smem:$0x3FC6] =	sst s2  }
0x8f: {  	_ = 	snop  }
0x90: {  	s2 =	sld [smem:$0x3FC9]  }
0x91: {  	s19 =	sld [smem:$0x3FC8]  }
0x92: {  	s4 =	sld [smem:$0x3FD0];
	(tm) =	ssettm $0x1  }
0x93: {  	s5 =	sld [smem:$0x3FFB];
	_ =	sdelay $0x3  }
0x94: {  	_ =	strace s5  }
0x95: {  	s5 =	sld [smem:$0x3FFC];
	_ =	sdelay $0x3  }
0x96: {  	_ =	strace s5  }
0x97: {  	s5 =	sld [smem:$0x3FFD];
	_ =	sdelay $0x3  }
0x98: {  	_ =	strace s5  }
0x99: {  	_ =	strace $0x8FFFFFFF  }
0x9a: {  	s20 =	sld [smem:$0x3FDB];
	_ =	sdelay $0x1  }
0x9b: {  	s6 =	simm.s32 $_scs_section_size  }
0x9c: {  	s7 =	simm.s32 $_size__tile_overlayer_lowered;
	s8 =	simm.s32 $_tile_overlayer_lowered  }
0x9d: {  	s23 =	simm.s32 $0x1BFF;
	s22 =	sshll.u32 s8, $0x1;
	s5 =	sadd.s32 s6, s20  }
0x9e: {  	s9 =	simm.s32 $0x0;
	s21 =	sshll.u32 s7, $0x1;
	s7 =	sadd.s32 s22, s5  }
0x9f: {  	[timem:s9], [sflag:s23] =	dma.local [hbm:s7], s21  }
0xa0: {  	_ =	swait.ge [sflag:s23], s21  }
0xa1: {  	s6 =	ssub.s32 $0x0, s21;
	[sflag:s23] =	ssyncset.done $0x0  }
0xa2: {  	[sflag:s23] =	ssyncadd.s32 s6;
	_ =	sdelay $0x1  }
0xa3: {  	s24 =	simm.s32 $0x1B8B  }
0xa4: {  	_ =	swait.ge [sflag:s24], $0x1  }
0xa5: {  	[sflag:s24] =	ssyncset.done $0x0  }
0xa6: {  	s25 =	simm.s32 $0x1B8E;
	[sflag:s24] =	ssyncadd.s32 $0xFFFFFFFF  }
0xa7: {  	s26 =	simm.s32 $execute0_lowered;
	[smem:$0x3FD2] =	sst s25  }
0xa8: {  	s6 =	sshll.u32 s26, $0x1;
	_ =	strace $0x80000046;
	[dreg:$0x1] =	wrdreg $0xFFFFFFFF  }
0xa9: {  	s28 =	simm.s32 $_size_execute0_lowered;
	s5 =	sadd.s32 s5, s6;
	[dreg:$0x0] =	wrdreg $0x0  }
0xaa: {  	s6 =	sshll.u32 s28, $0x1;
	[dreg:$0x2] =	wrdreg s5  }
0xab: {  	[dreg:$0x3] =	wrdreg s6  }
0xac: {  	[dreg:$0x4] =	wrdreg $0xC0  }
0xad: {  	_ =	task [dreg:s9], $0x5FFFF  }
0xae: {  	[dreg:$0x1] =	wrdreg $0xFFFFFFFF  }
0xaf: {  	[dreg:$0x0] =	wrdreg $0x60  }
0xb0: {  	[dreg:$0x2] =	wrdreg s2  }
0xb1: {  	[dreg:$0x3] =	wrdreg s19  }
0xb2: {  	[dreg:$0x4] =	wrdreg s4  }
0xb3: {  	[dreg:$0x5] =	wrdreg $0x9  }
0xb4: {  	_ =	task.clear_ibuf [dreg:s9], $0x6FFFF;
	_ =	strace $0x90000046  }
0xb5: {  	s29 =	simm.s32 $0x9;
	_ =	strace $0x80000048  }
0xb6: {  	_ =	swait.ge [sflag:s29], $0x1  }
0xb7: {  	[sflag:s29] =	ssyncadd.s32 $0xFFFFFFFF  }
0xb8: {  	_ =	strace $0x90000048  }
0xb9: {  	_ =	sfence  }
0xba: {  	s30 =	sld [smem:$0x0];
	_ =	sdelay $0x2  }
0xbb: {  	s31 =	sshll.u32 s1, $0xD;
	s1 =	sshrl.u32 s1, $0x2  }
0xbc: {  	s3 =	sand.u32 $0x4000, s31;
	s1 =	sadd.s32 s1, s30  }
0xbd: {  	s0 =	sor.u32 s3, s0;
	s1 =	sshll.u32 s1, $0x11  }
0xbe: {  	s0 =	sor.u32 s1, s0  }
0xbf: {  	s0 =	sadd.s32 $0x8F2B, s0  }
0xc0: {  	[sflag:s0] =	ssyncadd.remote.s32 $0x1  }
0xc1: {  	_ =	sfence.sel $0xFFFF  }
0xc2: {  	[dreg:$0x0] =	wrdreg $0xFFFFFFFF;
	(pc) =	sbr.abs _section_cstart, $3  }
0xc3: {  	[dreg:$0x1] =	wrdreg $0xFFFFFFFF  }
0xc4: {  	_ =	task.clear_ibuf [dreg:s9], $0x2FFFF;
	_ =	strace $0x9FFFFFFF  }
0xc5: {  	(tm) =	ssettm $0x7FFFFFFF  }
tec
execute0_lowered:
.L_overlay_start_1:
0x0: {  	(tag) =	ssettag $0x1  }
0x1: {  	s1 =	rddreg [dreg:$0x0]  }
0x2: {  	s0 =	rddreg [dreg:$0x1]  }
0x3: {  	s3 =	rddreg [dreg:$0x2]  }
0x4: {  	s2 =	simm.s32 $0x0;
	s10 =	stileid.u32;
	s22 =	srdreg.scid  }
0x5: {  	s12 =	simm.s32 $0x100;
	s16 =	simm.s32 $0x2800;
	s18 =	simm.s32 $0xA800  }
0x6: {  	s19 =	simm.s32 $0x1;
	s20 =	simm.s32 $0x40;
	s21 =	simm.s32 $0x12800  }
0x7: {  	[smem:$0x7FF] =	sst s2;
	s4 =	sshll.u32 s10, $0x1;
	s2 =	sand.u32 $0x1, s22  }
0x8: {  	v0 =	vimm.f32 $6.000000240e-01;
	s6 =	sshrl.u32 s10, $0x2;
	s4 =	sand.u32 $0x6, s4;
	_ =	strace $0x80000047  }
0x9: {  	s5 =	ssub.s32 $0x2, s2;
	s7 =	smul.u32 $0x2800, s6;
	s4 =	sor.u32 s2, s4;
	(erf) = vrcp.f32 v0  }
0xa: {  	s24 =	sand.u32 $0x3, s10;
	s8 =	sshrl.u32 s5, $0x1;
	s9 =	sshll.u32 s4, $0x8  }
0xb: {  	s2 =	sshll.u32 s2, $0x7;
	s8 =	ssub.s32 s5, s8;
	s23 =	sor.u32 s7, s9  }
0xc: {  	s7 =	sshll.u32 s24, $0x8;
	s28 =	smax.u32 s8, $0x1;
	s9 =	sshrl.u32 s23, $0x3  }
0xd: {  	s25 =	sor.u32 s2, s7;
	[dreg:$0x5] =	wrdreg s28;
	s0 =	sadd.s32 s0, s9  }
.Ltmp0:
0xe: {  	s29 =	sor.u32 $0x20, s25;
	[dreg:$0x4] =	wrdreg s0;
	(pc) =	sbr.rel .LBB2_1-.Ltmp0, $4  }
0xf: {  	s22 =	simm.s32 $0x2;
	s30 =	sor.u32 $0x40, s25;
	[dreg:$0x6] =	wrdreg s29  }
0x10: {  	v3 =	vlaneseq.u32;
	s26 =	sshll.u32 s6, $0x7;
	s31 =	sor.u32 $0x60, s25;
	[dreg:$0x7] =	wrdreg s30  }
0x11: {  	v5 =	vimm.s32 $0x0;
	v0 =	vmov s6;
	v1 =	vmov s26;
	s26 =	simm.s32 $0x0;
	[dreg:$0x8] =	wrdreg s31;
	s0 =	sadd.s32 $0x80, s25  }
0x12: {  	v6 =	vand.u32 $0x7, v3;
	v7 =	vor.u32 $0x8, v3;
	s5 =	sshll.u32 s4, $0x7;
	v2 =	vor.u32 $0x4, v0;
	s23 =	simm.s32 $0x14800;
	[dreg:$0x9] =	wrdreg s0;
	v4 =	vpop (erf)  }
.LBB2_23:
0x13: {  	_ =	swait.ge [sflag:s19], $0x8000  }
0x14: {  	[sflag:s19] =	ssyncset.done $0x0  }
0x15: {  	[sflag:s19] =	ssyncadd.s32 $0xFFFF8000  }
0x16: {  	_ =	swait.ge [sflag:s22], $0x8000  }
0x17: {  	[sflag:s22] =	ssyncset.done $0x0  }
0x18: {  	s0 =	simm.s32 $0x3;
	[sflag:s22] =	ssyncadd.s32 $0xFFFF8000  }
0x19: {  	_ =	swait.ge [sflag:s0], $0x2000  }
0x1a: {  	[sflag:s0] =	ssyncset.done $0x0  }
0x1b: {  	s2 =	simm.s32 $0x4;
	[sflag:s0] =	ssyncadd.s32 $0xFFFFE000  }
0x1c: {  	_ =	swait.ge [sflag:s2], $0x2000  }
0x1d: {  	s26 =	sadd.s32 $0x1, s26;
	s31 =	rddreg [dreg:$0x5]  }
0x1e: {  	p0 =	sne.s32 s26, s31  }
.Ltmp1:
0x1f: {  	_ = 	snop;
	(pc) =	sbr.rel @!p0 .LBB2_24-.Ltmp1, $3  }
0x20: {  	_ =	sdelay $0x1  }
0x21: {  	[sflag:s2] =	ssyncset.done $0x0  }
0x22: {  	[sflag:s2] =	ssyncadd.s32 $0xFFFFE000  }
.LBB2_1:
0x23: {  	s0 =	simm.s32 $0x0  }
0x24: {  	s2 =	rddreg [dreg:$0x4];
	s4 =	simm.s32 $0x800;
	s31 =	simm.s32 $0x5  }
0x25: {  	[tilespmem:s0], [sflag:$0x5] =	stream.strided.gather [hbm4b:s2+s12], $0x500, s4, s12, $0x38;
	[tilespmem:$0x16800] =	vst v63  }
0x26: {  	_ =	swait.ge [sflag:s31], $0x500  }
0x27: {  	[sflag:s31] =	ssyncset.done $0x0  }
0x28: {  	p0 =	por $0x1, $0x1;
	s0 =	simm.s32 $0x0;
	[sflag:s31] =	ssyncadd.s32 $0xFFFFFB00  }
.LBB2_2:
0x29: {  	s2 =	sshll.u32 s0, $0x4  }
0x2a: {  	v8 =	vld [tilespmem:s2+$0x0]  }
0x2b: {  	v9 =	vld [tilespmem:s2+$0x80];
	_ =	sdelay $0x3  }
0x2c: {  	v8 =	vadd.f32 $5.400000000e+01, v8  }
0x2d: {  	v9 =	vadd.f32 $5.400000000e+01, v9  }
0x2e: {  	v8 =	vmul.f32 v8, v4  }
0x2f: {  	v9 =	vmul.f32 v9, v4  }
0x30: {  	v10 =	vtrunc.f32 v8  }
0x31: {  	v12 =	vtrunc.f32 v9;
	v11 =	vcvt.f32.s32 v10  }
0x32: {  	v13 =	vcvt.f32.s32 v12;
	vm0 =	vlt.f32 v8, v10;
	vm1 =	vlt.f32 v9, v12  }
0x33: {  	v10 =	vsel vm0, $0xFFFFFFFF, v5;
	v12 =	vsel vm1, $0xFFFFFFFF, v5  }
0x34: {  	v10 =	vadd.s32 v11, v10;
	v51 =	vadd.s32 v13, v12  }
0x35: {  	vm14 =	vgt.s32 v10, $0x0;
	vm15 =	vgt.s32 v51, $0x0  }
0x36: {  	v10 =	vnsel vm14, $0x0, v10;
	v11 =	vnsel vm15, $0x0, v51  }
0x37: {  	v52 =	vmin.u32 v10, $0xB2;
	v53 =	vmin.u32 v11, $0xB2  }
0x38: {  	v12 =	vadd.s32 $0x1, v52;
	v13 =	vadd.s32 $0x1, v53  }
0x39: {  	v11 =	vmin.u32 v11, $0xB3;
	v14 =	vcvt.s32.f32 v12;
	v15 =	vcvt.s32.f32 v13  }
0x3a: {  	v10 =	vmin.u32 v10, $0xB3;
	v16 =	vcvt.s32.f32 v11  }
0x3b: {  	v17 =	vcvt.s32.f32 v10;
	v14 =	vsub.f32 v14, v8;
	v15 =	vsub.f32 v15, v9  }
0x3c: {  	v9 =	vsub.f32 v9, v16  }
0x3d: {  	v8 =	vsub.f32 v8, v17;
	v54 =	vmul.f32 v15, v14  }
0x3e: {  	v11 =	vmul.u32 $0xB4, v11;
	v14 =	vmul.f32 v9, v14  }
0x3f: {  	v13 =	vmul.u32 $0xB4, v13;
	v15 =	vmul.f32 v15, v8;
	[tilespmem:s2+$0x500] =	vst v54  }
0x40: {  	v55 =	vadd.s32 v10, v11;
	v8 =	vmul.f32 v9, v8;
	[tilespmem:s2+$0x780] =	vst v14  }
0x41: {  	s4 =	sshll.u32 s0, $0x7;
	v10 =	vadd.s32 v10, v13;
	v9 =	vshll.u32 v55, $0x3;
	[tilespmem:s2+$0xA00] =	vst v15  }
0x42: {  	s4 =	sand.u32 $0x3FFFFF80, s4;
	v10 =	vshll.u32 v10, $0x3;
	[tilespmem:s2+$0xC80] =	vst v8;
	v8 =	vor.u32 v0, v9  }
0x43: {  	v56 =	vor.u32 v0, v10;
	[tilespmem:s4+$0xF00] =	vst v8  }
0x44: {  	v11 =	vadd.s32 v12, v11;
	v12 =	vadd.s32 v12, v13;
	v57 =	vor.u32 v2, v10;
	s2 =	sor.u32 s5, s2;
	[tilespmem:s4+$0xF20] =	vst v56  }
0x45: {  	v60 =	vshll.u32 v12, $0x3;
	v8 =	vor.u32 v2, v9;
	v58 =	vor.u32 s2, v3;
	[tilespmem:s4+$0xF30] =	vst v57  }
0x46: {  	v61 =	vor.u32 v0, v60;
	[tilespmem:s4+$0xF10] =	vst v8;
	v8 =	vshll.u32 v11, $0x3;
	v59 =	vshrl.u32 v58, $0x3  }
0x47: {  	p1 =	por p0, p0;
	[tilespmem:s4+$0xF60] =	vst v61;
	v11 =	vor.u32 v0, v8;
	v8 =	vor.u32 v2, v8;
	v9 =	vadd.s32 v1, v59  }
.Ltmp2:
0x48: {  	v62 =	vor.u32 v2, v60;
	[tilespmem:s4+$0xF50] =	vst v8;
	v8 =	vmul.u32 $0x50, v9;
	(pc) =	sbr.rel @p1 .LBB2_2-.Ltmp2, $4  }
0x49: {  	s31 =	sshll.u32 s0, $0x5;
	[tilespmem:s4+$0xF70] =	vst v62  }
0x4a: {  	s0 =	sand.u32 $0x3FFFFFE0, s31;
	[tilespmem:s4+$0xF40] =	vst v11;
	v63 =	vor.u32 v6, v8  }
0x4b: {  	v8 =	vor.u32 v7, v8;
	[tilespmem:s0+$0x2300] =	vst v63  }
0x4c: {  	p0 =	por $0x0, $0x0;
	[tilespmem:s0+$0x2310] =	vst v8;
	s0 =	simm.s32 $0x1  }
0x4d: {  	s0 =	simm.s32 $0xF00;
	s2 =	simm.s32 $0x2350  }
0x4e: {  	[tilespmem:s16], [sflag:$0x1] =	stream.indirect.gather [hbm4b:s1+s12], $0x80, s0, s12, $0xb8;
	[tilespmem:$0x16800] =	vst v63  }
0x4f: {  	s4 =	simm.s32 $0x1070;
	s6 =	rddreg [dreg:$0x6];
	s0 =	simm.s32 $0x0  }
.LBB2_4:
0x50: {  	s7 =	sshra.s32 s0, $0x2  }
0x51: {  	v8 =	vld [tilespmem:s7+$0x20]  }
0x52: {  	v9 =	vld [tilespmem:s7+$0xA0];
	_ =	sdelay $0x3  }
0x53: {  	v8 =	vadd.f32 $5.400000000e+01, v8  }
0x54: {  	v9 =	vadd.f32 $5.400000000e+01, v9  }
0x55: {  	v8 =	vmul.f32 v8, v4  }
0x56: {  	v9 =	vmul.f32 v9, v4  }
0x57: {  	v10 =	vtrunc.f32 v8  }
0x58: {  	v12 =	vtrunc.f32 v9;
	v11 =	vcvt.f32.s32 v10  }
0x59: {  	v13 =	vcvt.f32.s32 v12;
	vm0 =	vlt.f32 v8, v10;
	vm1 =	vlt.f32 v9, v12  }
0x5a: {  	v10 =	vsel vm0, $0xFFFFFFFF, v5;
	v12 =	vsel vm1, $0xFFFFFFFF, v5  }
0x5b: {  	v10 =	vadd.s32 v11, v10;
	v51 =	vadd.s32 v13, v12  }
0x5c: {  	vm14 =	vgt.s32 v10, $0x0;
	vm15 =	vgt.s32 v51, $0x0  }
0x5d: {  	v10 =	vnsel vm14, $0x0, v10;
	v11 =	vnsel vm15, $0x0, v51  }
0x5e: {  	v52 =	vmin.u32 v10, $0xB2;
	v53 =	vmin.u32 v11, $0xB2  }
0x5f: {  	v12 =	vadd.s32 $0x1, v52;
	v13 =	vadd.s32 $0x1, v53  }
0x60: {  	v11 =	vmin.u32 v11, $0xB3;
	v14 =	vcvt.s32.f32 v12;
	v15 =	vcvt.s32.f32 v13  }
0x61: {  	v10 =	vmin.u32 v10, $0xB3;
	v16 =	vcvt.s32.f32 v11  }
0x62: {  	v17 =	vcvt.s32.f32 v10;
	v14 =	vsub.f32 v14, v8;
	v15 =	vsub.f32 v15, v9  }
0x63: {  	v9 =	vsub.f32 v9, v16  }
0x64: {  	v8 =	vsub.f32 v8, v17;
	v54 =	vmul.f32 v15, v14  }
0x65: {  	v11 =	vmul.u32 $0xB4, v11;
	v14 =	vmul.f32 v9, v14  }
0x66: {  	v13 =	vmul.u32 $0xB4, v13;
	v15 =	vmul.f32 v15, v8;
	[tilespmem:s7+$0x520] =	vst v54  }
0x67: {  	v55 =	vadd.s32 v10, v11;
	v8 =	vmul.f32 v9, v8;
	[tilespmem:s7+$0x7A0] =	vst v14  }
0x68: {  	v10 =	vadd.s32 v10, v13;
	v9 =	vshll.u32 v55, $0x3;
	[tilespmem:s7+$0xA20] =	vst v15  }
0x69: {  	v10 =	vshll.u32 v10, $0x3;
	[tilespmem:s7+$0xCA0] =	vst v8;
	v8 =	vor.u32 v0, v9  }
0x6a: {  	v56 =	vor.u32 v0, v10;
	[tilespmem:s4+$0xFFFFFF90] =	vst v8  }
0x6b: {  	v11 =	vadd.s32 v12, v11;
	v12 =	vadd.s32 v12, v13;
	v57 =	vor.u32 v2, v10;
	[tilespmem:s4+$0xFFFFFFB0] =	vst v56  }
0x6c: {  	v58 =	vor.u32 s6, v3;
	v60 =	vshll.u32 v12, $0x3;
	v8 =	vor.u32 v2, v9;
	[tilespmem:s4+$0xFFFFFFC0] =	vst v57  }
0x6d: {  	v59 =	vshrl.u32 v58, $0x3;
	v61 =	vor.u32 v0, v60;
	[tilespmem:s4+$0xFFFFFFA0] =	vst v8;
	v8 =	vshll.u32 v11, $0x3  }
0x6e: {  	p0 =	sne.s32 s0, $0x40;
	v9 =	vadd.s32 v1, v59;
	[tilespmem:s4+$0xFFFFFFF0] =	vst v61;
	v11 =	vor.u32 v0, v8;
	v8 =	vor.u32 v2, v8  }
.Ltmp3:
0x6f: {  	v62 =	vor.u32 v2, v60;
	[tilespmem:s4+$0xFFFFFFE0] =	vst v8;
	v8 =	vmul.u32 $0x50, v9;
	(pc) =	sbr.rel @p0 .LBB2_4-.Ltmp3, $4  }
0x70: {  	[tilespmem:s4+$0x0] =	vst v62  }
0x71: {  	[tilespmem:s4+$0xFFFFFFD0] =	vst v11;
	v63 =	vor.u32 v6, v8  }
0x72: {  	s6 =	sadd.s32 $0x10, s6;
	v8 =	vor.u32 v7, v8;
	[tilespmem:s2+$0xFFFFFFF0] =	vst v63  }
0x73: {  	s0 =	sadd.s32 $0x40, s0;
	s4 =	sadd.s32 $0x80, s4;
	[tilespmem:s2+$0x0] =	vst v8;
	s2 =	sadd.s32 $0x20, s2  }
0x74: {  	s0 =	simm.s32 $0x1000;
	s28 =	simm.s32 $0x0;
	s2 =	simm.s32 $0x1170  }
0x75: {  	[tilespmem:s18], [sflag:$0x2] =	stream.indirect.gather [hbm4b:s1+s12], $0x80, s0, s12, $0xb8;
	[tilespmem:$0x16800] =	vst v63  }
0x76: {  	s4 =	rddreg [dreg:$0x7];
	s6 =	simm.s32 $0x0;
	s0 =	simm.s32 $0x2390  }
.LBB2_6:
0x77: {  	s7 =	sshra.s32 s6, $0x2  }
0x78: {  	v8 =	vld [tilespmem:s7+$0x40]  }
0x79: {  	v9 =	vld [tilespmem:s7+$0xC0];
	_ =	sdelay $0x3  }
0x7a: {  	v8 =	vadd.f32 $5.400000000e+01, v8  }
0x7b: {  	v9 =	vadd.f32 $5.400000000e+01, v9  }
0x7c: {  	v8 =	vmul.f32 v8, v4  }
0x7d: {  	v9 =	vmul.f32 v9, v4  }
0x7e: {  	v10 =	vtrunc.f32 v8  }
0x7f: {  	v12 =	vtrunc.f32 v9;
	v11 =	vcvt.f32.s32 v10  }
0x80: {  	v13 =	vcvt.f32.s32 v12;
	vm0 =	vlt.f32 v8, v10;
	vm1 =	vlt.f32 v9, v12  }
0x81: {  	v10 =	vsel vm0, $0xFFFFFFFF, v5;
	v12 =	vsel vm1, $0xFFFFFFFF, v5  }
0x82: {  	v10 =	vadd.s32 v11, v10;
	v51 =	vadd.s32 v13, v12  }
0x83: {  	vm14 =	vgt.s32 v10, $0x0;
	vm15 =	vgt.s32 v51, $0x0  }
0x84: {  	v10 =	vnsel vm14, $0x0, v10;
	v11 =	vnsel vm15, $0x0, v51  }
0x85: {  	v52 =	vmin.u32 v10, $0xB2;
	v53 =	vmin.u32 v11, $0xB2  }
0x86: {  	v12 =	vadd.s32 $0x1, v52;
	v13 =	vadd.s32 $0x1, v53  }
0x87: {  	v11 =	vmin.u32 v11, $0xB3;
	v14 =	vcvt.s32.f32 v12;
	v15 =	vcvt.s32.f32 v13  }
0x88: {  	v10 =	vmin.u32 v10, $0xB3;
	v16 =	vcvt.s32.f32 v11  }
0x89: {  	v17 =	vcvt.s32.f32 v10;
	v14 =	vsub.f32 v14, v8;
	v15 =	vsub.f32 v15, v9  }
0x8a: {  	v9 =	vsub.f32 v9, v16  }
0x8b: {  	v8 =	vsub.f32 v8, v17;
	v54 =	vmul.f32 v15, v14  }
0x8c: {  	v11 =	vmul.u32 $0xB4, v11;
	v14 =	vmul.f32 v9, v14  }
0x8d: {  	v13 =	vmul.u32 $0xB4, v13;
	v15 =	vmul.f32 v15, v8;
	[tilespmem:s7+$0x540] =	vst v54  }
0x8e: {  	v55 =	vadd.s32 v10, v11;
	v8 =	vmul.f32 v9, v8;
	[tilespmem:s7+$0x7C0] =	vst v14  }
0x8f: {  	v10 =	vadd.s32 v10, v13;
	v9 =	vshll.u32 v55, $0x3;
	[tilespmem:s7+$0xA40] =	vst v15  }
0x90: {  	v10 =	vshll.u32 v10, $0x3;
	[tilespmem:s7+$0xCC0] =	vst v8;
	v8 =	vor.u32 v0, v9  }
0x91: {  	v56 =	vor.u32 v0, v10;
	[tilespmem:s2+$0xFFFFFF90] =	vst v8  }
0x92: {  	v11 =	vadd.s32 v12, v11;
	v12 =	vadd.s32 v12, v13;
	v57 =	vor.u32 v2, v10;
	[tilespmem:s2+$0xFFFFFFB0] =	vst v56  }
0x93: {  	v58 =	vor.u32 s4, v3;
	v60 =	vshll.u32 v12, $0x3;
	v8 =	vor.u32 v2, v9;
	[tilespmem:s2+$0xFFFFFFC0] =	vst v57  }
0x94: {  	v59 =	vshrl.u32 v58, $0x3;
	v61 =	vor.u32 v0, v60;
	[tilespmem:s2+$0xFFFFFFA0] =	vst v8;
	v8 =	vshll.u32 v11, $0x3  }
0x95: {  	p0 =	sne.s32 s6, $0x40;
	v9 =	vadd.s32 v1, v59;
	[tilespmem:s2+$0xFFFFFFF0] =	vst v61;
	v11 =	vor.u32 v0, v8;
	v8 =	vor.u32 v2, v8  }
.Ltmp4:
0x96: {  	v62 =	vor.u32 v2, v60;
	[tilespmem:s2+$0xFFFFFFE0] =	vst v8;
	v8 =	vmul.u32 $0x50, v9;
	(pc) =	sbr.rel @p0 .LBB2_6-.Ltmp4, $4  }
0x97: {  	[tilespmem:s2+$0x0] =	vst v62  }
0x98: {  	[tilespmem:s2+$0xFFFFFFD0] =	vst v11;
	v63 =	vor.u32 v6, v8  }
0x99: {  	s4 =	sadd.s32 $0x10, s4;
	v8 =	vor.u32 v7, v8;
	[tilespmem:s0+$0xFFFFFFF0] =	vst v63  }
0x9a: {  	s6 =	sadd.s32 $0x40, s6;
	s2 =	sadd.s32 $0x80, s2;
	[tilespmem:s0+$0x0] =	vst v8;
	s0 =	sadd.s32 $0x20, s0  }
.Ltmp5:
0x9b: {  	(pc) =	sbr.rel .LBB2_8-.Ltmp5, $3  }
0x9c: {  	_ =	sdelay $0x1  }
0x9d: {  	s31 =	rddreg [dreg:$0x9]  }
0x9e: {  	s29 =	simm.s32 $0x180;
	s30 =	simm.s32 $0x200;
	s10 =	rddreg [dreg:$0x8]  }
.LBB2_22:
0x9f: {  	s28 =	sadd.s32 $0x1, s28  }
0xa0: {  	p0 =	sne.s32 s28, $0xA  }
.Ltmp6:
0xa1: {  	_ = 	snop;
	(pc) =	sbr.rel @!p0 .LBB2_23-.Ltmp6, $3  }
0xa2: {  	_ =	sdelay $0x1  }
0xa3: {  	s29 =	sadd.s32 $0x100, s29  }
0xa4: {  	s10 =	sadd.s32 $0x40, s10;
	s30 =	sadd.s32 $0x100, s30;
	s31 =	sadd.s32 $0x40, s31  }
.LBB2_8:
0xa5: {  	_ =	swait.ge [sflag:s19], $0x8000  }
0xa6: {  	p0 =	seq.s32 s28, $0x0;
	[sflag:s19] =	ssyncset.done $0x0  }
0xa7: {  	s0 =	simm.s32 @!p0 $0x3;
	[sflag:s19] =	ssyncadd.s32 $0xFFFF8000  }
0xa8: {  	s2 =	sshll.u32 s28, $0x1;
	_ =	swait.ge @!p0 [sflag:s0], $0x2000  }
0xa9: {  	s13 =	sshll.u32 s28, $0x6;
	s15 =	simm.s32 $0x0;
	[sflag:s0] =	ssyncset.done @!p0 $0x0  }
0xaa: {  	p2 =	por $0x1, $0x1;
	[sflag:s0] =	ssyncadd.s32 @!p0 $0xFFFFE000;
	s0 =	simm.s32 $0x0  }
.LBB2_9:
0xab: {  	s4 =	sshll.u32 s0, $0x4  }
0xac: {  	s6 =	sor.u32 s13, s4  }
0xad: {  	s9 =	sshll.u32 s0, $0xE;
	v24 =	vld [tilespmem:s6+$0x500]  }
0xae: {  	s4 =	sand.u32 $0x3FFFC000, s9;
	v25 =	vld [tilespmem:s6+$0x780]  }
0xaf: {  	v26 =	vld [tilespmem:s6+$0xA00];
	s4 =	sadd.s32 $0x4800, s4  }
0xb0: {  	v11 =	vld [tilespmem:s4+$0xFFFFE000]  }
0xb1: {  	v12 =	vld [tilespmem:s4+$0xFFFFF000]  }
0xb2: {  	v27 =	vld [tilespmem:s6+$0xC80]  }
0xb3: {  	v13 =	vmov s15;
	v14 =	vld [tilespmem:s4+$0x0]  }
0xb4: {  	v8 =	vperm.xlane v24, v13;
	v9 =	vperm.xlane v25, v13  }
0xb5: {  	v15 =	vld [tilespmem:s4+$0x1000];
	v10 =	vperm.xlane v26, v13  }
0xb6: {  	v16 =	vmul.f32 v11, v8;
	v12 =	vmul.f32 v12, v9;
	_ =	sdelay $0x1  }
0xb7: {  	v11 =	vperm.xlane v27, v13;
	v13 =	vmul.f32 v14, v10;
	v12 =	vadd.f32 v12, v16;
	_ =	sdelay $0x1  }
0xb8: {  	v14 =	vmul.f32 v15, v11;
	v12 =	vadd.f32 v13, v12  }
0xb9: {  	s11 =	sshll.u32 s0, $0xC  }
0xba: {  	s0 =	sand.u32 $0x3FFFF000, s11;
	v12 =	vadd.f32 v14, v12  }
0xbb: {  	s17 =	sadd.s32 $0x13000, s0  }
0xbc: {  	[tilespmem:s17+$0xFFFFF800] =	vst v12  }
0xbd: {  	v12 =	vld [tilespmem:s4+$0xFFFFE010]  }
0xbe: {  	v13 =	vld [tilespmem:s4+$0xFFFFF010];
	_ =	sdelay $0x1  }
0xbf: {  	v14 =	vld [tilespmem:s4+$0x10];
	_ =	sdelay $0x1  }
0xc0: {  	v15 =	vld [tilespmem:s4+$0x1010]  }
0xc1: {  	v12 =	vmul.f32 v12, v8;
	v13 =	vmul.f32 v13, v9;
	_ =	sdelay $0x1  }
0xc2: {  	v12 =	vadd.f32 v13, v12;
	v13 =	vmul.f32 v14, v10;
	_ =	sdelay $0x1  }
0xc3: {  	v14 =	vmul.f32 v15, v11;
	v12 =	vadd.f32 v13, v12;
	_ =	sdelay $0x1  }
0xc4: {  	v12 =	vadd.f32 v14, v12;
	_ =	sdelay $0x1  }
0xc5: {  	[tilespmem:s17+$0xFFFFF810] =	vst v12  }
0xc6: {  	v12 =	vld [tilespmem:s4+$0xFFFFE020]  }
0xc7: {  	v13 =	vld [tilespmem:s4+$0xFFFFF020];
	_ =	sdelay $0x1  }
0xc8: {  	v14 =	vld [tilespmem:s4+$0x20];
	_ =	sdelay $0x1  }
0xc9: {  	v15 =	vld [tilespmem:s4+$0x1020]  }
0xca: {  	v12 =	vmul.f32 v12, v8;
	v13 =	vmul.f32 v13, v9;
	_ =	sdelay $0x1  }
0xcb: {  	v12 =	vadd.f32 v13, v12;
	v13 =	vmul.f32 v14, v10;
	_ =	sdelay $0x1  }
0xcc: {  	v14 =	vmul.f32 v15, v11;
	v12 =	vadd.f32 v13, v12;
	_ =	sdelay $0x1  }
0xcd: {  	v12 =	vadd.f32 v14, v12;
	_ =	sdelay $0x1  }
0xce: {  	[tilespmem:s17+$0xFFFFF820] =	vst v12  }
0xcf: {  	v12 =	vld [tilespmem:s4+$0xFFFFE030]  }
0xd0: {  	v13 =	vld [tilespmem:s4+$0xFFFFF030];
	_ =	sdelay $0x1  }
0xd1: {  	v14 =	vld [tilespmem:s4+$0x30];
	_ =	sdelay $0x1  }
0xd2: {  	v15 =	vld [tilespmem:s4+$0x1030]  }
0xd3: {  	v12 =	vmul.f32 v12, v8;
	v13 =	vmul.f32 v13, v9;
	_ =	sdelay $0x1  }
0xd4: {  	v12 =	vadd.f32 v13, v12;
	v13 =	vmul.f32 v14, v10;
	_ =	sdelay $0x1  }
0xd5: {  	v14 =	vmul.f32 v15, v11;
	v12 =	vadd.f32 v13, v12  }
0xd6: {  	s7 =	sadd.s32 $0x80, s4  }
0xd7: {  	v17 =	vld [tilespmem:s7+$0xFFFFF000];
	v12 =	vadd.f32 v14, v12  }
0xd8: {  	v16 =	vld [tilespmem:s7+$0xFFFFE000]  }
0xd9: {  	s14 =	simm.s32 $0x1;
	v18 =	vld [tilespmem:s7+$0x0];
	[tilespmem:s17+$0xFFFFF830] =	vst v12  }
0xda: {  	v12 =	vmov s14;
	v19 =	vld [tilespmem:s4+$0xFFFFE040]  }
0xdb: {  	v14 =	vperm.xlane v24, v12;
	v15 =	vperm.xlane v25, v12;
	v20 =	vld [tilespmem:s4+$0xFFFFF040]  }
0xdc: {  	v21 =	vld [tilespmem:s7+$0x1000];
	v13 =	vperm.xlane v26, v12  }
0xdd: {  	v22 =	vld [tilespmem:s4+$0x40];
	v16 =	vmul.f32 v16, v14;
	v17 =	vmul.f32 v17, v15;
	_ =	sdelay $0x1  }
0xde: {  	v23 =	vld [tilespmem:s4+$0x1040];
	v12 =	vperm.xlane v27, v12;
	v16 =	vadd.f32 v17, v16;
	v17 =	vmul.f32 v18, v13  }
0xdf: {  	v18 =	vmul.f32 v19, v8;
	v19 =	vmul.f32 v20, v9  }
0xe0: {  	v20 =	vmul.f32 v21, v12;
	v16 =	vadd.f32 v17, v16  }
0xe1: {  	v17 =	vadd.f32 v19, v18;
	v18 =	vmul.f32 v22, v10  }
0xe2: {  	v16 =	vadd.f32 v20, v16  }
0xe3: {  	s6 =	sadd.s32 $0x80, s17;
	v17 =	vadd.f32 v18, v17;
	v18 =	vmul.f32 v23, v11  }
0xe4: {  	[tilespmem:s6+$0xFFFFF800] =	vst v16  }
0xe5: {  	v16 =	vadd.f32 v18, v17;
	v17 =	vld [tilespmem:s7+$0xFFFFE010]  }
0xe6: {  	v18 =	vld [tilespmem:s7+$0xFFFFF010]  }
0xe7: {  	v19 =	vld [tilespmem:s7+$0x10];
	[tilespmem:s17+$0xFFFFF840] =	vst v16  }
0xe8: {  	v16 =	vld [tilespmem:s4+$0xFFFFE050]  }
0xe9: {  	v20 =	vld [tilespmem:s4+$0xFFFFF050]  }
0xea: {  	v21 =	vld [tilespmem:s7+$0x1010]  }
0xeb: {  	v22 =	vld [tilespmem:s4+$0x50];
	v17 =	vmul.f32 v17, v14;
	v18 =	vmul.f32 v18, v15;
	_ =	sdelay $0x1  }
0xec: {  	v23 =	vld [tilespmem:s4+$0x1050];
	v17 =	vadd.f32 v18, v17;
	v18 =	vmul.f32 v19, v13  }
0xed: {  	v16 =	vmul.f32 v16, v8;
	v19 =	vmul.f32 v20, v9  }
0xee: {  	v20 =	vmul.f32 v21, v12;
	v17 =	vadd.f32 v18, v17  }
0xef: {  	v18 =	vmul.f32 v22, v10;
	v16 =	vadd.f32 v19, v16  }
0xf0: {  	v17 =	vadd.f32 v20, v17  }
0xf1: {  	v19 =	vmul.f32 v23, v11;
	v16 =	vadd.f32 v18, v16  }
0xf2: {  	[tilespmem:s6+$0xFFFFF810] =	vst v17  }
0xf3: {  	v16 =	vadd.f32 v19, v16;
	v17 =	vld [tilespmem:s7+$0xFFFFE020]  }
0xf4: {  	v18 =	vld [tilespmem:s7+$0xFFFFF020]  }
0xf5: {  	v19 =	vld [tilespmem:s7+$0x20];
	[tilespmem:s17+$0xFFFFF850] =	vst v16  }
0xf6: {  	v16 =	vld [tilespmem:s4+$0xFFFFE060]  }
0xf7: {  	v20 =	vld [tilespmem:s4+$0xFFFFF060]  }
0xf8: {  	v21 =	vld [tilespmem:s7+$0x1020]  }
0xf9: {  	v22 =	vld [tilespmem:s4+$0x60];
	v17 =	vmul.f32 v17, v14;
	v18 =	vmul.f32 v18, v15;
	_ =	sdelay $0x1  }
0xfa: {  	v23 =	vld [tilespmem:s4+$0x1060];
	v17 =	vadd.f32 v18, v17;
	v18 =	vmul.f32 v19, v13  }
0xfb: {  	v16 =	vmul.f32 v16, v8;
	v19 =	vmul.f32 v20, v9  }
0xfc: {  	v20 =	vmul.f32 v21, v12;
	v17 =	vadd.f32 v18, v17  }
0xfd: {  	v18 =	vmul.f32 v22, v10;
	v16 =	vadd.f32 v19, v16  }
0xfe: {  	v17 =	vadd.f32 v20, v17  }
0xff: {  	v16 =	vadd.f32 v18, v16;
	v18 =	vmul.f32 v23, v11  }
0x100: {  	[tilespmem:s6+$0xFFFFF820] =	vst v17  }
0x101: {  	v16 =	vadd.f32 v18, v16;
	v17 =	vld [tilespmem:s7+$0xFFFFE030]  }
0x102: {  	v18 =	vld [tilespmem:s7+$0xFFFFF030]  }
0x103: {  	v19 =	vld [tilespmem:s7+$0x30];
	[tilespmem:s17+$0xFFFFF860] =	vst v16  }
0x104: {  	v16 =	vld [tilespmem:s4+$0xFFFFE070]  }
0x105: {  	v20 =	vld [tilespmem:s4+$0xFFFFF070]  }
0x106: {  	v21 =	vld [tilespmem:s7+$0x1030]  }
0x107: {  	v22 =	vld [tilespmem:s4+$0x70];
	v17 =	vmul.f32 v17, v14;
	v18 =	vmul.f32 v18, v15;
	_ =	sdelay $0x1  }
0x108: {  	v17 =	vadd.f32 v18, v17;
	v18 =	vmul.f32 v19, v13;
	v19 =	vld [tilespmem:s4+$0x1070]  }
0x109: {  	v16 =	vmul.f32 v16, v8;
	v20 =	vmul.f32 v20, v9  }
0x10a: {  	s8 =	sadd.s32 $0x80, s7;
	v21 =	vmul.f32 v21, v12;
	v17 =	vadd.f32 v18, v17  }
0x10b: {  	v23 =	vld [tilespmem:s8+$0xFFFFE000];
	v18 =	vmul.f32 v22, v10;
	v16 =	vadd.f32 v20, v16  }
0x10c: {  	v20 =	vld [tilespmem:s8+$0xFFFFF000];
	v17 =	vadd.f32 v21, v17  }
0x10d: {  	s24 =	simm.s32 $0x2;
	v29 =	vld [tilespmem:s8+$0x0];
	v22 =	vadd.f32 v18, v16;
	v19 =	vmul.f32 v19, v11  }
0x10e: {  	v28 =	vmov s24;
	v21 =	vld [tilespmem:s8+$0x1000];
	[tilespmem:s6+$0xFFFFF830] =	vst v17  }
0x10f: {  	v16 =	vperm.xlane v24, v28;
	v18 =	vperm.xlane v25, v28;
	v30 =	vld [tilespmem:s7+$0xFFFFE040];
	v17 =	vadd.f32 v19, v22  }
0x110: {  	v19 =	vperm.xlane v26, v28;
	v22 =	vld [tilespmem:s7+$0xFFFFF040]  }
0x111: {  	v23 =	vmul.f32 v23, v16;
	v31 =	vld [tilespmem:s7+$0x40];
	v20 =	vmul.f32 v20, v18;
	[tilespmem:s17+$0xFFFFF870] =	vst v17  }
0x112: {  	v17 =	vperm.xlane v27, v28;
	v28 =	vld [tilespmem:s4+$0xFFFFE800]  }
0x113: {  	v20 =	vadd.f32 v20, v23;
	v23 =	vmul.f32 v29, v19;
	v29 =	vld [tilespmem:s4+$0xFFFFF800]  }
0x114: {  	v32 =	vld [tilespmem:s7+$0x1040];
	v21 =	vmul.f32 v21, v17  }
0x115: {  	v33 =	vld [tilespmem:s4+$0x800];
	v20 =	vadd.f32 v23, v20;
	v23 =	vmul.f32 v30, v14;
	v22 =	vmul.f32 v22, v15;
	_ =	sdelay $0x1  }
0x116: {  	v20 =	vadd.f32 v21, v20;
	v21 =	vadd.f32 v22, v23;
	v22 =	vmul.f32 v31, v13;
	v23 =	vld [tilespmem:s4+$0x1800]  }
0x117: {  	s9 =	sadd.s32 $0x80, s6;
	v28 =	vmul.f32 v28, v8;
	v29 =	vmul.f32 v29, v9  }
0x118: {  	[tilespmem:s9+$0xFFFFF800] =	vst v20;
	v20 =	vadd.f32 v22, v21;
	v21 =	vmul.f32 v32, v12  }
0x119: {  	v22 =	vmul.f32 v33, v10;
	v30 =	vld [tilespmem:s8+$0xFFFFE010];
	v28 =	vadd.f32 v29, v28  }
0x11a: {  	v20 =	vadd.f32 v21, v20;
	v21 =	vld [tilespmem:s8+$0xFFFFF010]  }
0x11b: {  	v29 =	vld [tilespmem:s8+$0x1010];
	v23 =	vmul.f32 v23, v11;
	v22 =	vadd.f32 v22, v28  }
0x11c: {  	v28 =	vld [tilespmem:s8+$0x10];
	[tilespmem:s6+$0xFFFFF840] =	vst v20  }
0x11d: {  	v20 =	vld [tilespmem:s7+$0xFFFFE050];
	v22 =	vadd.f32 v23, v22  }
0x11e: {  	v23 =	vld [tilespmem:s7+$0xFFFFF050]  }
0x11f: {  	v31 =	vld [tilespmem:s7+$0x50];
	v30 =	vmul.f32 v30, v16;
	v21 =	vmul.f32 v21, v18;
	[tilespmem:s17+$0x0] =	vst v22  }
0x120: {  	v22 =	vld [tilespmem:s4+$0xFFFFE810]  }
0x121: {  	v28 =	vmul.f32 v28, v19;
	v21 =	vadd.f32 v21, v30;
	v30 =	vld [tilespmem:s4+$0xFFFFF810]  }
0x122: {  	v54 =	vld [tilespmem:s7+$0x1050];
	v29 =	vmul.f32 v29, v17  }
0x123: {  	v20 =	vmul.f32 v20, v14;
	v23 =	vmul.f32 v23, v15;
	v21 =	vadd.f32 v28, v21;
	v28 =	vld [tilespmem:s4+$0x810];
	_ =	sdelay $0x1  }
0x124: {  	v20 =	vadd.f32 v23, v20;
	v23 =	vmul.f32 v31, v13;
	v21 =	vadd.f32 v29, v21;
	v29 =	vld [tilespmem:s4+$0x1810]  }
0x125: {  	v22 =	vmul.f32 v22, v8;
	v30 =	vmul.f32 v30, v9  }
0x126: {  	v31 =	vmul.f32 v54, v12;
	v20 =	vadd.f32 v23, v20;
	[tilespmem:s9+$0xFFFFF810] =	vst v21  }
0x127: {  	v21 =	vadd.f32 v30, v22;
	v22 =	vmul.f32 v28, v10;
	v23 =	vld [tilespmem:s8+$0xFFFFE020]  }
0x128: {  	v20 =	vadd.f32 v31, v20;
	v28 =	vld [tilespmem:s8+$0xFFFFF020]  }
0x129: {  	v30 =	vld [tilespmem:s8+$0x1020];
	v21 =	vadd.f32 v22, v21;
	v22 =	vmul.f32 v29, v11  }
0x12a: {  	v29 =	vld [tilespmem:s8+$0x20];
	[tilespmem:s6+$0xFFFFF850] =	vst v20  }
0x12b: {  	v20 =	vadd.f32 v22, v21;
	v21 =	vld [tilespmem:s7+$0xFFFFE060]  }
0x12c: {  	v22 =	vld [tilespmem:s7+$0xFFFFF060]  }
0x12d: {  	v31 =	vld [tilespmem:s7+$0x60];
	[tilespmem:s17+$0x10] =	vst v20;
	v20 =	vmul.f32 v23, v16;
	v23 =	vmul.f32 v28, v18  }
0x12e: {  	v28 =	vld [tilespmem:s4+$0xFFFFE820]  }
0x12f: {  	v20 =	vadd.f32 v23, v20;
	v23 =	vmul.f32 v29, v19;
	v29 =	vld [tilespmem:s4+$0xFFFFF820]  }
0x130: {  	v55 =	vld [tilespmem:s7+$0x1060];
	v30 =	vmul.f32 v30, v17  }
0x131: {  	v21 =	vmul.f32 v21, v14;
	v22 =	vmul.f32 v22, v15;
	v20 =	vadd.f32 v23, v20;
	v23 =	vld [tilespmem:s4+$0x820];
	_ =	sdelay $0x1  }
0x132: {  	v21 =	vadd.f32 v22, v21;
	v22 =	vmul.f32 v31, v13;
	v20 =	vadd.f32 v30, v20;
	v30 =	vld [tilespmem:s4+$0x1820]  }
0x133: {  	s14 =	sadd.s32 $0x80, s8;
	v28 =	vmul.f32 v28, v8;
	v29 =	vmul.f32 v29, v9  }
0x134: {  	v31 =	vld [tilespmem:s14+$0xFFFFE000];
	[tilespmem:s9+$0xFFFFF820] =	vst v20;
	v20 =	vadd.f32 v22, v21;
	v21 =	vmul.f32 v55, v12  }
0x135: {  	v22 =	vmul.f32 v23, v10;
	v23 =	vld [tilespmem:s8+$0xFFFFE030];
	v28 =	vadd.f32 v29, v28  }
0x136: {  	v20 =	vadd.f32 v21, v20;
	v21 =	vld [tilespmem:s8+$0xFFFFF030]  }
0x137: {  	v29 =	vld [tilespmem:s8+$0x1030];
	v22 =	vadd.f32 v22, v28;
	v28 =	vmul.f32 v30, v11  }
0x138: {  	v30 =	vld [tilespmem:s8+$0x30];
	[tilespmem:s6+$0xFFFFF860] =	vst v20  }
0x139: {  	v20 =	vld [tilespmem:s7+$0xFFFFE070];
	v22 =	vadd.f32 v28, v22  }
0x13a: {  	v28 =	vld [tilespmem:s7+$0xFFFFF070]  }
0x13b: {  	v56 =	vld [tilespmem:s7+$0x70];
	[tilespmem:s17+$0x20] =	vst v22;
	v22 =	vmul.f32 v23, v16;
	v21 =	vmul.f32 v21, v18  }
0x13c: {  	v23 =	vld [tilespmem:s4+$0xFFFFE830]  }
0x13d: {  	v21 =	vadd.f32 v21, v22;
	v22 =	vmul.f32 v30, v19;
	v30 =	vld [tilespmem:s4+$0xFFFFF830]  }
0x13e: {  	v57 =	vld [tilespmem:s7+$0x1070];
	v29 =	vmul.f32 v29, v17  }
0x13f: {  	v20 =	vmul.f32 v20, v14;
	v21 =	vadd.f32 v22, v21;
	v22 =	vmul.f32 v28, v15;
	v28 =	vld [tilespmem:s4+$0x830]  }
0x140: {  	v58 =	vld [tilespmem:s4+$0x1830]  }
0x141: {  	s25 =	simm.s32 $0x3;
	v34 =	vld [tilespmem:s14+$0xFFFFF000];
	v21 =	vadd.f32 v29, v21;
	v22 =	vadd.f32 v22, v20;
	v29 =	vmul.f32 v56, v13  }
0x142: {  	v35 =	vmov s25;
	v36 =	vld [tilespmem:s14+$0x1000];
	v23 =	vmul.f32 v23, v8;
	v30 =	vmul.f32 v30, v9  }
0x143: {  	v37 =	vld [tilespmem:s14+$0x0];
	v33 =	vmul.f32 v57, v12;
	v20 =	vperm.xlane v24, v35;
	[tilespmem:s9+$0xFFFFF830] =	vst v21;
	v29 =	vadd.f32 v29, v22  }
0x144: {  	v22 =	vperm.xlane v25, v35;
	v38 =	vld [tilespmem:s8+$0xFFFFE040];
	v23 =	vadd.f32 v30, v23;
	v28 =	vmul.f32 v28, v10  }
0x145: {  	v32 =	vmul.f32 v58, v11;
	v30 =	vmul.f32 v31, v20;
	v31 =	vld [tilespmem:s8+$0xFFFFF040];
	v29 =	vadd.f32 v33, v29  }
0x146: {  	v21 =	vperm.xlane v26, v35;
	v60 =	vld [tilespmem:s8+$0x1040];
	v59 =	vmul.f32 v34, v22;
	v28 =	vadd.f32 v28, v23  }
0x147: {  	v61 =	vld [tilespmem:s8+$0x40];
	v23 =	vperm.xlane v27, v35;
	[tilespmem:s6+$0xFFFFF870] =	vst v29  }
0x148: {  	v29 =	vadd.f32 v59, v30;
	v30 =	vmul.f32 v37, v21;
	v62 =	vld [tilespmem:s7+$0x800];
	v28 =	vadd.f32 v32, v28  }
0x149: {  	v63 =	vmul.f32 v36, v23;
	v40 =	vld [tilespmem:s7+$0xFFFFE800]  }
0x14a: {  	v41 =	vld [tilespmem:s7+$0xFFFFF800];
	v29 =	vadd.f32 v30, v29;
	v30 =	vmul.f32 v38, v16;
	v31 =	vmul.f32 v31, v18;
	[tilespmem:s17+$0x30] =	vst v28  }
0x14b: {  	v28 =	vld [tilespmem:s4+$0xFFFFE840]  }
0x14c: {  	v29 =	vadd.f32 v63, v29;
	v30 =	vadd.f32 v31, v30;
	v31 =	vmul.f32 v61, v19;
	v42 =	vld [tilespmem:s4+$0xFFFFF840]  }
0x14d: {  	s0 =	sadd.s32 $0x80, s9;
	v43 =	vld [tilespmem:s7+$0x1800]  }
0x14e: {  	[tilespmem:s0+$0xFFFFF800] =	vst v29;
	v29 =	vadd.f32 v31, v30;
	v30 =	vmul.f32 v60, v17;
	v31 =	vld [tilespmem:s4+$0x840]  }
0x14f: {  	v45 =	vld [tilespmem:s4+$0x1840];
	v36 =	vmul.f32 v40, v14;
	v37 =	vmul.f32 v41, v15  }
0x150: {  	v44 =	vld [tilespmem:s14+$0x1010];
	v29 =	vadd.f32 v30, v29;
	v30 =	vmul.f32 v62, v13  }
0x151: {  	v46 =	vld [tilespmem:s14+$0xFFFFE010];
	v36 =	vadd.f32 v37, v36;
	v28 =	vmul.f32 v28, v8;
	v32 =	vmul.f32 v42, v9  }
0x152: {  	v35 =	vmul.f32 v43, v12;
	v47 =	vld [tilespmem:s14+$0xFFFFF010]  }
0x153: {  	v39 =	vld [tilespmem:s14+$0x10];
	[tilespmem:s9+$0xFFFFF840] =	vst v29;
	v29 =	vadd.f32 v30, v36;
	v28 =	vadd.f32 v32, v28;
	v30 =	vmul.f32 v31, v10  }
0x154: {  	v31 =	vld [tilespmem:s8+$0x1050]  }
0x155: {  	v48 =	vld [tilespmem:s8+$0xFFFFE050];
	v29 =	vadd.f32 v35, v29;
	v28 =	vadd.f32 v30, v28;
	v30 =	vmul.f32 v45, v11  }
0x156: {  	v49 =	vld [tilespmem:s8+$0xFFFFF050]  }
0x157: {  	v52 =	vld [tilespmem:s8+$0x50];
	v50 =	vmul.f32 v46, v20;
	v51 =	vmul.f32 v47, v22;
	[tilespmem:s6+$0x0] =	vst v29;
	v28 =	vadd.f32 v30, v28  }
0x158: {  	v29 =	vld [tilespmem:s7+$0xFFFFE810]  }
0x159: {  	v53 =	vmul.f32 v39, v21;
	v30 =	vadd.f32 v51, v50;
	v54 =	vld [tilespmem:s7+$0xFFFFF810];
	[tilespmem:s17+$0x40] =	vst v28  }
0x15a: {  	v32 =	vmul.f32 v48, v16;
	v55 =	vld [tilespmem:s4+$0xFFFFE850]  }
0x15b: {  	v33 =	vmul.f32 v49, v18;
	v28 =	vmul.f32 v44, v23;
	v30 =	vadd.f32 v53, v30;
	v56 =	vld [tilespmem:s4+$0xFFFFF850]  }
0x15c: {  	v57 =	vld [tilespmem:s7+$0x810]  }
0x15d: {  	v58 =	vmul.f32 v52, v19;
	v59 =	vld [tilespmem:s4+$0x850];
	v28 =	vadd.f32 v28, v30;
	v30 =	vadd.f32 v33, v32  }
0x15e: {  	v60 =	vld [tilespmem:s7+$0x1810];
	v31 =	vmul.f32 v31, v17  }
0x15f: {  	v61 =	vld [tilespmem:s4+$0x1850];
	v29 =	vmul.f32 v29, v14;
	[tilespmem:s0+$0xFFFFF810] =	vst v28;
	v28 =	vadd.f32 v58, v30;
	v30 =	vmul.f32 v54, v15  }
0x160: {  	v32 =	vld [tilespmem:s14+$0x1020];
	v62 =	vmul.f32 v55, v8;
	v40 =	vmul.f32 v56, v9  }
0x161: {  	v34 =	vld [tilespmem:s14+$0x20];
	v28 =	vadd.f32 v31, v28;
	v29 =	vadd.f32 v30, v29;
	v30 =	vmul.f32 v57, v13  }
0x162: {  	v35 =	vld [tilespmem:s14+$0xFFFFE020];
	v33 =	vmul.f32 v59, v10;
	v31 =	vadd.f32 v40, v62  }
0x163: {  	v37 =	vmul.f32 v60, v12;
	v36 =	vld [tilespmem:s14+$0xFFFFF020];
	[tilespmem:s9+$0xFFFFF850] =	vst v28;
	v28 =	vadd.f32 v30, v29  }
0x164: {  	v63 =	vmul.f32 v61, v11;
	v29 =	vld [tilespmem:s8+$0x1060];
	v33 =	vadd.f32 v33, v31  }
0x165: {  	v30 =	vld [tilespmem:s8+$0x60];
	v37 =	vadd.f32 v37, v28  }
0x166: {  	v31 =	vld [tilespmem:s8+$0xFFFFE060];
	v28 =	vadd.f32 v63, v33  }
0x167: {  	p1 =	por p2, p2;
	s24 =	simm.s32 $0x4;
	s11 =	smov.u32 s14;
	v33 =	vld [tilespmem:s8+$0xFFFFF060];
	[tilespmem:s6+$0x10] =	vst v37  }
.LBB2_10:
0x168: {  	p2 =	sne.s32 s24, $0xF;
	v35 =	vmul.f32 v35, v20;
	v36 =	vmul.f32 v36, v22;
	v37 =	vld [tilespmem:s7+$0xFFFFE820];
	[tilespmem:s17+$0x50] =	vst v28  }
0x169: {  	v28 =	vld [tilespmem:s4+$0xFFFFE860]  }
0x16a: {  	v34 =	vmul.f32 v34, v21;
	v35 =	vadd.f32 v36, v35;
	v36 =	vld [tilespmem:s4+$0xFFFFF860]  }
0x16b: {  	v32 =	vmul.f32 v32, v23;
	v38 =	vld [tilespmem:s7+$0xFFFFF820]  }
0x16c: {  	v31 =	vmul.f32 v31, v16;
	v34 =	vadd.f32 v34, v35;
	v33 =	vmul.f32 v33, v18;
	v35 =	vld [tilespmem:s4+$0x860]  }
0x16d: {  	v39 =	vld [tilespmem:s7+$0x820]  }
0x16e: {  	s14 =	sadd.s32 $0x80, s14;
	v30 =	vmul.f32 v30, v19;
	v32 =	vadd.f32 v32, v34;
	v31 =	vadd.f32 v33, v31;
	v33 =	vld [tilespmem:s4+$0x1860]  }
0x16f: {  	v28 =	vmul.f32 v28, v8;
	v34 =	vld [tilespmem:s14+$0xFFFFE000];
	v36 =	vmul.f32 v36, v9  }
0x170: {  	v29 =	vmul.f32 v29, v17;
	[tilespmem:s0+$0xFFFFF820] =	vst v32;
	v30 =	vadd.f32 v30, v31;
	v31 =	vmul.f32 v37, v14;
	v32 =	vld [tilespmem:s7+$0x1820]  }
0x171: {  	v38 =	vmul.f32 v38, v15;
	v37 =	vld [tilespmem:s11+$0x1030];
	v28 =	vadd.f32 v36, v28;
	v35 =	vmul.f32 v35, v10  }
0x172: {  	v36 =	vld [tilespmem:s11+$0x30];
	v29 =	vadd.f32 v29, v30;
	v30 =	vmul.f32 v39, v13  }
0x173: {  	v31 =	vadd.f32 v38, v31;
	v39 =	vld [tilespmem:s11+$0xFFFFE030];
	v28 =	vadd.f32 v35, v28;
	v33 =	vmul.f32 v33, v11  }
0x174: {  	v35 =	vld [tilespmem:s11+$0xFFFFF030];
	[tilespmem:s9+$0xFFFFF860] =	vst v29  }
0x175: {  	v30 =	vadd.f32 v30, v31;
	v29 =	vld [tilespmem:s8+$0x70];
	v31 =	vmul.f32 v32, v12;
	v28 =	vadd.f32 v33, v28  }
0x176: {  	v32 =	vld [tilespmem:s8+$0xFFFFE070]  }
0x177: {  	v33 =	vld [tilespmem:s8+$0xFFFFF070];
	v30 =	vadd.f32 v31, v30;
	[tilespmem:s17+$0x60] =	vst v28  }
0x178: {  	v28 =	vld [tilespmem:s4+$0xFFFFE870]  }
0x179: {  	[tilespmem:s6+$0x20] =	vst v30;
	v30 =	vld [tilespmem:s4+$0xFFFFF870]  }
0x17a: {  	v31 =	vmul.f32 v39, v20;
	v35 =	vmul.f32 v35, v22;
	v38 =	vld [tilespmem:s7+$0xFFFFE830]  }
0x17b: {  	v39 =	vld [tilespmem:s4+$0x870]  }
0x17c: {  	v40 =	vmov s24;
	v31 =	vadd.f32 v35, v31;
	v35 =	vmul.f32 v36, v21;
	v36 =	vld [tilespmem:s7+$0xFFFFF830]  }
0x17d: {  	v41 =	vperm.xlane v24, v40;
	v37 =	vmul.f32 v37, v23;
	v42 =	vld [tilespmem:s4+$0x1870];
	s4 =	smov.u32 s7;
	s7 =	smov.u32 s8;
	s8 =	smov.u32 s11  }
0x17e: {  	v31 =	vadd.f32 v35, v31;
	v28 =	vmul.f32 v28, v8;
	v8 =	vmovc v14;
	s11 =	smov.u32 s14;
	v35 =	vld [tilespmem:s7+$0x1070];
	v43 =	vmul.f32 v30, v9  }
0x17f: {  	v14 =	vmovc v16;
	v30 =	vmul.f32 v32, v16;
	v32 =	vmul.f32 v33, v18;
	v16 =	vmovc v20;
	v20 =	vmov v41;
	v33 =	vld [tilespmem:s4+$0x830]  }
0x180: {  	v9 =	vmovc v15;
	v31 =	vadd.f32 v37, v31;
	v41 =	vld [tilespmem:s14+$0xFFFFF000];
	v28 =	vadd.f32 v43, v28;
	v10 =	vmul.f32 v39, v10  }
0x181: {  	v29 =	vmul.f32 v29, v19;
	v15 =	vmovc v18;
	v30 =	vadd.f32 v32, v30;
	v32 =	vmul.f32 v38, v8;
	v37 =	vld [tilespmem:s4+$0x1830]  }
0x182: {  	v18 =	vmovc v22;
	v36 =	vmul.f32 v36, v9;
	v38 =	vld [tilespmem:s14+$0x1000];
	v39 =	vadd.f32 v10, v28;
	v11 =	vmul.f32 v42, v11  }
0x183: {  	v22 =	vperm.xlane v25, v40;
	v29 =	vadd.f32 v29, v30;
	v28 =	vld [tilespmem:s14+$0x0];
	[tilespmem:s0+$0xFFFFF830] =	vst v31;
	v30 =	vmul.f32 v35, v17  }
0x184: {  	v32 =	vadd.f32 v36, v32;
	v31 =	vld [tilespmem:s8+$0xFFFFE040];
	v33 =	vmul.f32 v33, v13;
	v42 =	vadd.f32 v11, v39;
	v10 =	vmovc v13  }
0x185: {  	v34 =	vmul.f32 v34, v20;
	v35 =	vperm.xlane v26, v40;
	v13 =	vmovc v19;
	v36 =	vld [tilespmem:s8+$0xFFFFF040];
	v29 =	vadd.f32 v30, v29  }
0x186: {  	v30 =	vmul.f32 v41, v22;
	v39 =	vld [tilespmem:s8+$0x1040];
	v32 =	vadd.f32 v33, v32;
	v33 =	vmul.f32 v37, v12;
	[tilespmem:s17+$0x70] =	vst v42;
	s17 =	smov.u32 s6;
	s6 =	smov.u32 s9;
	s9 =	smov.u32 s0  }
0x187: {  	v19 =	vmovc v21;
	v21 =	vmovc v35;
	v37 =	vperm.xlane v27, v40;
	v11 =	vmov v12;
	v12 =	vmov v17;
	v40 =	vld [tilespmem:s8+$0x40];
	[tilespmem:s6+$0xFFFFF870] =	vst v29  }
0x188: {  	v17 =	vmovc v23;
	v29 =	vadd.f32 v30, v34;
	v28 =	vmul.f32 v28, v21;
	v30 =	vld [tilespmem:s7+$0x800];
	v32 =	vadd.f32 v33, v32  }
0x189: {  	v33 =	vmul.f32 v38, v37;
	v23 =	vmov v37;
	v34 =	vld [tilespmem:s7+$0xFFFFE800]  }
0x18a: {  	v28 =	vadd.f32 v28, v29;
	v29 =	vmul.f32 v31, v16;
	v31 =	vmul.f32 v36, v18;
	v35 =	vld [tilespmem:s7+$0xFFFFF800];
	[tilespmem:s17+$0x30] =	vst v32  }
0x18b: {  	v32 =	vld [tilespmem:s4+$0xFFFFE840]  }
0x18c: {  	v28 =	vadd.f32 v33, v28;
	v29 =	vadd.f32 v31, v29;
	v31 =	vmul.f32 v40, v19;
	v33 =	vld [tilespmem:s4+$0xFFFFF840]  }
0x18d: {  	s0 =	sadd.s32 $0x80, s0;
	v36 =	vld [tilespmem:s7+$0x1800]  }
0x18e: {  	[tilespmem:s0+$0xFFFFF800] =	vst v28;
	v28 =	vadd.f32 v31, v29;
	v29 =	vmul.f32 v39, v17;
	v31 =	vld [tilespmem:s4+$0x840]  }
0x18f: {  	v34 =	vmul.f32 v34, v14;
	v37 =	vld [tilespmem:s14+$0x1010];
	v35 =	vmul.f32 v35, v15  }
0x190: {  	v28 =	vadd.f32 v29, v28;
	v29 =	vmul.f32 v30, v13;
	v30 =	vld [tilespmem:s4+$0x1840]  }
0x191: {  	v32 =	vmul.f32 v32, v8;
	v38 =	vld [tilespmem:s14+$0xFFFFE010];
	v34 =	vadd.f32 v35, v34;
	v33 =	vmul.f32 v33, v9  }
0x192: {  	v35 =	vld [tilespmem:s14+$0xFFFFF010];
	v36 =	vmul.f32 v36, v12  }
0x193: {  	v39 =	vld [tilespmem:s14+$0x10];
	[tilespmem:s9+$0xFFFFF840] =	vst v28;
	v28 =	vadd.f32 v29, v34;
	v29 =	vadd.f32 v33, v32;
	v31 =	vmul.f32 v31, v10  }
0x194: {  	v32 =	vld [tilespmem:s8+$0x1050]  }
0x195: {  	v33 =	vld [tilespmem:s8+$0xFFFFE050];
	v28 =	vadd.f32 v36, v28;
	v29 =	vadd.f32 v31, v29;
	v30 =	vmul.f32 v30, v11  }
0x196: {  	v31 =	vld [tilespmem:s8+$0xFFFFF050]  }
0x197: {  	v34 =	vmul.f32 v38, v20;
	v35 =	vmul.f32 v35, v22;
	v36 =	vld [tilespmem:s8+$0x50];
	[tilespmem:s6+$0x0] =	vst v28;
	v28 =	vadd.f32 v30, v29  }
0x198: {  	v29 =	vld [tilespmem:s7+$0xFFFFE810]  }
0x199: {  	v30 =	vadd.f32 v35, v34;
	v34 =	vmul.f32 v39, v21;
	v35 =	vld [tilespmem:s7+$0xFFFFF810];
	[tilespmem:s17+$0x40] =	vst v28  }
0x19a: {  	v28 =	vmul.f32 v37, v23;
	v37 =	vld [tilespmem:s4+$0xFFFFE850]  }
0x19b: {  	v33 =	vmul.f32 v33, v16;
	v30 =	vadd.f32 v34, v30;
	v31 =	vmul.f32 v31, v18;
	v34 =	vld [tilespmem:s4+$0xFFFFF850]  }
0x19c: {  	v38 =	vld [tilespmem:s7+$0x810]  }
0x19d: {  	v28 =	vadd.f32 v28, v30;
	v30 =	vadd.f32 v31, v33;
	v31 =	vmul.f32 v36, v19;
	v33 =	vld [tilespmem:s4+$0x850]  }
0x19e: {  	v36 =	vmul.f32 v32, v17;
	v39 =	vld [tilespmem:s7+$0x1810]  }
0x19f: {  	v29 =	vmul.f32 v29, v14;
	[tilespmem:s0+$0xFFFFF810] =	vst v28;
	v28 =	vadd.f32 v31, v30;
	v30 =	vmul.f32 v35, v15;
	v31 =	vld [tilespmem:s4+$0x1850]  }
0x1a0: {  	v37 =	vmul.f32 v37, v8;
	v32 =	vld [tilespmem:s14+$0x1020];
	v40 =	vmul.f32 v34, v9  }
0x1a1: {  	v34 =	vld [tilespmem:s14+$0x20];
	v28 =	vadd.f32 v36, v28;
	v29 =	vadd.f32 v30, v29;
	v30 =	vmul.f32 v38, v13  }
0x1a2: {  	v35 =	vld [tilespmem:s14+$0xFFFFE020];
	v37 =	vadd.f32 v40, v37;
	v33 =	vmul.f32 v33, v10  }
.Ltmp7:
0x1a3: {  	v36 =	vld [tilespmem:s14+$0xFFFFF020];
	[tilespmem:s9+$0xFFFFF850] =	vst v28;
	v28 =	vadd.f32 v30, v29;
	v38 =	vmul.f32 v39, v12;
	(pc) =	sbr.rel @p2 .LBB2_10-.Ltmp7, $4  }
0x1a4: {  	v29 =	vld [tilespmem:s8+$0x1060];
	v33 =	vadd.f32 v33, v37;
	v37 =	vmul.f32 v31, v11  }
0x1a5: {  	v30 =	vld [tilespmem:s8+$0x60];
	v38 =	vadd.f32 v38, v28  }
0x1a6: {  	v31 =	vld [tilespmem:s8+$0xFFFFE060];
	v28 =	vadd.f32 v37, v33  }
0x1a7: {  	s24 =	sadd.s32 $0x1, s24;
	v33 =	vld [tilespmem:s8+$0xFFFFF060];
	[tilespmem:s6+$0x10] =	vst v38  }
0x1a8: {  	v24 =	vmul.f32 v35, v20;
	v25 =	vmul.f32 v36, v22;
	_ =	sdelay $0x1  }
0x1a9: {  	v42 =	vmul.f32 v34, v21;
	v24 =	vadd.f32 v25, v24;
	_ =	sdelay $0x1  }
0x1aa: {  	v26 =	vmul.f32 v32, v23;
	v24 =	vadd.f32 v42, v24;
	_ =	sdelay $0x1  }
0x1ab: {  	v24 =	vadd.f32 v26, v24;
	_ =	sdelay $0x1  }
0x1ac: {  	[tilespmem:s0+$0xFFFFF820] =	vst v24  }
0x1ad: {  	v24 =	vld [tilespmem:s11+$0xFFFFE030]  }
0x1ae: {  	v43 =	vld [tilespmem:s11+$0xFFFFF030];
	_ =	sdelay $0x1  }
0x1af: {  	v44 =	vld [tilespmem:s11+$0x30];
	_ =	sdelay $0x1  }
0x1b0: {  	v27 =	vld [tilespmem:s11+$0x1030]  }
0x1b1: {  	v24 =	vmul.f32 v24, v20;
	v25 =	vmul.f32 v43, v22;
	_ =	sdelay $0x1  }
0x1b2: {  	v45 =	vmul.f32 v44, v21;
	v24 =	vadd.f32 v25, v24;
	_ =	sdelay $0x1  }
0x1b3: {  	v46 =	vmul.f32 v27, v23;
	v24 =	vadd.f32 v45, v24;
	_ =	sdelay $0x1  }
0x1b4: {  	v24 =	vadd.f32 v46, v24;
	_ =	sdelay $0x1  }
0x1b5: {  	[tilespmem:s0+$0xFFFFF830] =	vst v24  }
0x1b6: {  	v24 =	vld [tilespmem:s11+$0xFFFFE040]  }
0x1b7: {  	v47 =	vld [tilespmem:s11+$0xFFFFF040];
	_ =	sdelay $0x1  }
0x1b8: {  	v48 =	vld [tilespmem:s11+$0x40];
	_ =	sdelay $0x1  }
0x1b9: {  	v49 =	vld [tilespmem:s11+$0x1040]  }
0x1ba: {  	v24 =	vmul.f32 v24, v20;
	v25 =	vmul.f32 v47, v22;
	_ =	sdelay $0x1  }
0x1bb: {  	v50 =	vmul.f32 v48, v21;
	v24 =	vadd.f32 v25, v24;
	_ =	sdelay $0x1  }
0x1bc: {  	v51 =	vmul.f32 v49, v23;
	v24 =	vadd.f32 v50, v24;
	_ =	sdelay $0x1  }
0x1bd: {  	v24 =	vadd.f32 v51, v24;
	_ =	sdelay $0x1  }
0x1be: {  	[tilespmem:s0+$0xFFFFF840] =	vst v24  }
0x1bf: {  	v24 =	vld [tilespmem:s11+$0xFFFFE050]  }
0x1c0: {  	v52 =	vld [tilespmem:s11+$0xFFFFF050];
	_ =	sdelay $0x1  }
0x1c1: {  	v53 =	vld [tilespmem:s11+$0x50];
	_ =	sdelay $0x1  }
0x1c2: {  	v54 =	vld [tilespmem:s11+$0x1050]  }
0x1c3: {  	v24 =	vmul.f32 v24, v20;
	v25 =	vmul.f32 v52, v22;
	_ =	sdelay $0x1  }
0x1c4: {  	v55 =	vmul.f32 v53, v21;
	v24 =	vadd.f32 v25, v24;
	_ =	sdelay $0x1  }
0x1c5: {  	v56 =	vmul.f32 v54, v23;
	v24 =	vadd.f32 v55, v24;
	_ =	sdelay $0x1  }
0x1c6: {  	v24 =	vadd.f32 v56, v24;
	_ =	sdelay $0x1  }
0x1c7: {  	[tilespmem:s0+$0xFFFFF850] =	vst v24  }
0x1c8: {  	v24 =	vld [tilespmem:s11+$0xFFFFE060]  }
0x1c9: {  	v57 =	vld [tilespmem:s11+$0xFFFFF060];
	_ =	sdelay $0x1  }
0x1ca: {  	v58 =	vmul.f32 v31, v16;
	v59 =	vmul.f32 v33, v18;
	v60 =	vld [tilespmem:s11+$0x60];
	_ =	sdelay $0x1  }
0x1cb: {  	v61 =	vmul.f32 v30, v19;
	v26 =	vadd.f32 v59, v58;
	v62 =	vld [tilespmem:s11+$0x1060]  }
0x1cc: {  	v24 =	vmul.f32 v24, v20;
	v25 =	vmul.f32 v57, v22  }
0x1cd: {  	v63 =	vmul.f32 v29, v17;
	v26 =	vadd.f32 v61, v26  }
0x1ce: {  	v31 =	vmul.f32 v60, v21;
	v24 =	vadd.f32 v25, v24  }
0x1cf: {  	v26 =	vadd.f32 v63, v26  }
0x1d0: {  	v32 =	vmul.f32 v62, v23;
	v24 =	vadd.f32 v31, v24  }
0x1d1: {  	[tilespmem:s9+$0xFFFFF860] =	vst v26  }
0x1d2: {  	v26 =	vld [tilespmem:s8+$0xFFFFE070];
	v24 =	vadd.f32 v32, v24  }
0x1d3: {  	v33 =	vld [tilespmem:s8+$0xFFFFF070]  }
0x1d4: {  	v34 =	vld [tilespmem:s8+$0x70];
	[tilespmem:s0+$0xFFFFF860] =	vst v24  }
0x1d5: {  	v24 =	vld [tilespmem:s11+$0xFFFFE070]  }
0x1d6: {  	v35 =	vld [tilespmem:s11+$0xFFFFF070]  }
0x1d7: {  	v36 =	vld [tilespmem:s8+$0x1070]  }
0x1d8: {  	v26 =	vmul.f32 v26, v16;
	v25 =	vmul.f32 v33, v18;
	v37 =	vld [tilespmem:s11+$0x70];
	_ =	sdelay $0x1  }
0x1d9: {  	v38 =	vmul.f32 v34, v19;
	v25 =	vadd.f32 v25, v26;
	v39 =	vld [tilespmem:s11+$0x1070]  }
0x1da: {  	v24 =	vmul.f32 v24, v20;
	v29 =	vmul.f32 v35, v22  }
0x1db: {  	v40 =	vmul.f32 v36, v17;
	v25 =	vadd.f32 v38, v25  }
0x1dc: {  	v41 =	vmul.f32 v37, v21;
	v24 =	vadd.f32 v29, v24  }
0x1dd: {  	v25 =	vadd.f32 v40, v25  }
0x1de: {  	v42 =	vmul.f32 v39, v23;
	v24 =	vadd.f32 v41, v24  }
0x1df: {  	[tilespmem:s9+$0xFFFFF870] =	vst v25  }
0x1e0: {  	v25 =	vld [tilespmem:s8+$0xFFFFE800];
	v24 =	vadd.f32 v42, v24  }
0x1e1: {  	v43 =	vld [tilespmem:s8+$0xFFFFF800]  }
0x1e2: {  	v44 =	vld [tilespmem:s8+$0x800];
	[tilespmem:s0+$0xFFFFF870] =	vst v24  }
0x1e3: {  	v24 =	vld [tilespmem:s11+$0xFFFFE800]  }
0x1e4: {  	v45 =	vld [tilespmem:s11+$0xFFFFF800]  }
0x1e5: {  	v46 =	vld [tilespmem:s8+$0x1800]  }
0x1e6: {  	v25 =	vmul.f32 v25, v16;
	v26 =	vmul.f32 v43, v18;
	v47 =	vld [tilespmem:s11+$0x800];
	_ =	sdelay $0x1  }
0x1e7: {  	v27 =	vmul.f32 v44, v19;
	v25 =	vadd.f32 v26, v25;
	v48 =	vld [tilespmem:s11+$0x1800]  }
0x1e8: {  	v24 =	vmul.f32 v24, v20;
	v29 =	vmul.f32 v45, v22  }
0x1e9: {  	v30 =	vmul.f32 v46, v17;
	v25 =	vadd.f32 v27, v25  }
0x1ea: {  	v49 =	vmul.f32 v47, v21;
	v24 =	vadd.f32 v29, v24  }
0x1eb: {  	v25 =	vadd.f32 v30, v25  }
0x1ec: {  	v26 =	vmul.f32 v48, v23;
	v24 =	vadd.f32 v49, v24  }
0x1ed: {  	[tilespmem:s9+$0x0] =	vst v25  }
0x1ee: {  	v25 =	vld [tilespmem:s8+$0xFFFFE810];
	v24 =	vadd.f32 v26, v24  }
0x1ef: {  	v50 =	vld [tilespmem:s8+$0xFFFFF810]  }
0x1f0: {  	v51 =	vld [tilespmem:s8+$0x810];
	[tilespmem:s0+$0x0] =	vst v24  }
0x1f1: {  	v24 =	vld [tilespmem:s11+$0xFFFFE810]  }
0x1f2: {  	v52 =	vld [tilespmem:s11+$0xFFFFF810]  }
0x1f3: {  	v53 =	vld [tilespmem:s8+$0x1810]  }
0x1f4: {  	v25 =	vmul.f32 v25, v16;
	v26 =	vmul.f32 v50, v18;
	v54 =	vld [tilespmem:s11+$0x810];
	_ =	sdelay $0x1  }
0x1f5: {  	v55 =	vmul.f32 v51, v19;
	v25 =	vadd.f32 v26, v25;
	v56 =	vld [tilespmem:s11+$0x1810]  }
0x1f6: {  	v24 =	vmul.f32 v24, v20;
	v29 =	vmul.f32 v52, v22  }
0x1f7: {  	v57 =	vmul.f32 v53, v17;
	v25 =	vadd.f32 v55, v25  }
0x1f8: {  	v58 =	vld [tilespmem:s7+$0xFFFFE820];
	v59 =	vmul.f32 v54, v21;
	v24 =	vadd.f32 v29, v24  }
0x1f9: {  	v60 =	vld [tilespmem:s7+$0xFFFFF820];
	v25 =	vadd.f32 v57, v25  }
0x1fa: {  	v61 =	vld [tilespmem:s7+$0x820];
	v27 =	vmul.f32 v56, v23;
	v24 =	vadd.f32 v59, v24  }
0x1fb: {  	v62 =	vld [tilespmem:s7+$0x1820];
	[tilespmem:s9+$0x10] =	vst v25  }
0x1fc: {  	v25 =	vld [tilespmem:s8+$0xFFFFE820];
	v24 =	vadd.f32 v27, v24  }
0x1fd: {  	v63 =	vld [tilespmem:s8+$0xFFFFF820]  }
0x1fe: {  	v31 =	vmul.f32 v60, v15;
	v30 =	vmul.f32 v58, v14;
	v36 =	vld [tilespmem:s8+$0x820];
	[tilespmem:s0+$0x10] =	vst v24  }
0x1ff: {  	v24 =	vld [tilespmem:s11+$0xFFFFE820]  }
0x200: {  	v30 =	vadd.f32 v31, v30;
	v26 =	vmul.f32 v61, v13;
	v37 =	vld [tilespmem:s11+$0xFFFFF820]  }
0x201: {  	v38 =	vld [tilespmem:s8+$0x1820];
	v29 =	vmul.f32 v62, v12  }
0x202: {  	v26 =	vadd.f32 v26, v30;
	v25 =	vmul.f32 v25, v16;
	v27 =	vmul.f32 v63, v18;
	v39 =	vld [tilespmem:s11+$0x820];
	_ =	sdelay $0x1  }
0x203: {  	v26 =	vadd.f32 v29, v26;
	v40 =	vmul.f32 v36, v19;
	v25 =	vadd.f32 v27, v25;
	v41 =	vld [tilespmem:s11+$0x1820]  }
0x204: {  	v24 =	vmul.f32 v24, v20;
	v31 =	vmul.f32 v37, v22  }
0x205: {  	[tilespmem:s6+$0x20] =	vst v26;
	v42 =	vmul.f32 v38, v17;
	v25 =	vadd.f32 v40, v25  }
0x206: {  	v43 =	vld [tilespmem:s7+$0xFFFFE830];
	v30 =	vmul.f32 v39, v21;
	v24 =	vadd.f32 v31, v24  }
0x207: {  	v44 =	vld [tilespmem:s7+$0xFFFFF830];
	v25 =	vadd.f32 v42, v25  }
0x208: {  	v45 =	vld [tilespmem:s7+$0x830];
	v27 =	vmul.f32 v41, v23;
	v24 =	vadd.f32 v30, v24  }
0x209: {  	v46 =	vld [tilespmem:s7+$0x1830];
	[tilespmem:s9+$0x20] =	vst v25  }
0x20a: {  	v25 =	vld [tilespmem:s8+$0xFFFFE830];
	v24 =	vadd.f32 v27, v24  }
0x20b: {  	v47 =	vld [tilespmem:s8+$0xFFFFF830]  }
0x20c: {  	v29 =	vmul.f32 v43, v14;
	v48 =	vld [tilespmem:s8+$0x830];
	v31 =	vmul.f32 v44, v15;
	[tilespmem:s0+$0x20] =	vst v24  }
0x20d: {  	v24 =	vld [tilespmem:s11+$0xFFFFE830]  }
0x20e: {  	v26 =	vmul.f32 v45, v13;
	v29 =	vadd.f32 v31, v29;
	v49 =	vld [tilespmem:s11+$0xFFFFF830]  }
0x20f: {  	v50 =	vld [tilespmem:s8+$0x1830];
	v30 =	vmul.f32 v46, v12  }
0x210: {  	v26 =	vadd.f32 v26, v29;
	v25 =	vmul.f32 v25, v16;
	v27 =	vmul.f32 v47, v18;
	v51 =	vld [tilespmem:s11+$0x830];
	_ =	sdelay $0x1  }
0x211: {  	v52 =	vmul.f32 v48, v19;
	v26 =	vadd.f32 v30, v26;
	v25 =	vadd.f32 v27, v25;
	v53 =	vld [tilespmem:s11+$0x1830]  }
0x212: {  	v24 =	vmul.f32 v24, v20;
	v31 =	vmul.f32 v49, v22  }
0x213: {  	v54 =	vmul.f32 v50, v17;
	[tilespmem:s6+$0x30] =	vst v26;
	v25 =	vadd.f32 v52, v25  }
0x214: {  	v55 =	vld [tilespmem:s7+$0xFFFFE840];
	v29 =	vmul.f32 v51, v21;
	v24 =	vadd.f32 v31, v24  }
0x215: {  	v56 =	vld [tilespmem:s7+$0xFFFFF840];
	v25 =	vadd.f32 v54, v25  }
0x216: {  	v57 =	vld [tilespmem:s7+$0x840];
	v58 =	vmul.f32 v53, v23;
	v24 =	vadd.f32 v29, v24  }
0x217: {  	v59 =	vld [tilespmem:s7+$0x1840];
	[tilespmem:s9+$0x30] =	vst v25  }
0x218: {  	v25 =	vld [tilespmem:s8+$0xFFFFE840];
	v24 =	vadd.f32 v58, v24  }
0x219: {  	v60 =	vld [tilespmem:s8+$0xFFFFF840]  }
0x21a: {  	v61 =	vld [tilespmem:s8+$0x840];
	v27 =	vmul.f32 v55, v14;
	v31 =	vmul.f32 v56, v15;
	[tilespmem:s0+$0x30] =	vst v24  }
0x21b: {  	v24 =	vld [tilespmem:s11+$0xFFFFE840]  }
0x21c: {  	v26 =	vmul.f32 v57, v13;
	v27 =	vadd.f32 v31, v27;
	v62 =	vld [tilespmem:s11+$0xFFFFF840]  }
0x21d: {  	v63 =	vld [tilespmem:s8+$0x1840];
	v30 =	vmul.f32 v59, v12  }
0x21e: {  	v26 =	vadd.f32 v26, v27;
	v25 =	vmul.f32 v25, v16;
	v34 =	vmul.f32 v60, v18;
	v35 =	vld [tilespmem:s11+$0x840];
	_ =	sdelay $0x1  }
0x21f: {  	v36 =	vmul.f32 v61, v19;
	v26 =	vadd.f32 v30, v26;
	v25 =	vadd.f32 v34, v25;
	v37 =	vld [tilespmem:s11+$0x1840]  }
0x220: {  	[tilespmem:s17+$0x50] =	vst v28;
	v24 =	vmul.f32 v24, v20;
	v38 =	vmul.f32 v62, v22  }
0x221: {  	v39 =	vld [tilespmem:s4+$0xFFFFE860];
	v40 =	vmul.f32 v63, v17;
	[tilespmem:s6+$0x40] =	vst v26;
	v25 =	vadd.f32 v36, v25  }
0x222: {  	v41 =	vld [tilespmem:s7+$0xFFFFE850];
	v42 =	vmul.f32 v35, v21;
	v24 =	vadd.f32 v38, v24  }
0x223: {  	v43 =	vld [tilespmem:s7+$0xFFFFF850];
	v25 =	vadd.f32 v40, v25  }
0x224: {  	v44 =	vld [tilespmem:s7+$0x850];
	v45 =	vmul.f32 v37, v23;
	v24 =	vadd.f32 v42, v24  }
0x225: {  	v46 =	vld [tilespmem:s7+$0x1850];
	[tilespmem:s9+$0x40] =	vst v25  }
0x226: {  	v25 =	vld [tilespmem:s8+$0xFFFFE850];
	v24 =	vadd.f32 v45, v24  }
0x227: {  	v47 =	vld [tilespmem:s8+$0xFFFFF850]  }
0x228: {  	v48 =	vld [tilespmem:s8+$0x850];
	v27 =	vmul.f32 v41, v14;
	v29 =	vmul.f32 v43, v15;
	[tilespmem:s0+$0x40] =	vst v24  }
0x229: {  	v24 =	vld [tilespmem:s11+$0xFFFFE850]  }
0x22a: {  	v26 =	vmul.f32 v44, v13;
	v27 =	vadd.f32 v29, v27;
	v49 =	vld [tilespmem:s11+$0xFFFFF850]  }
0x22b: {  	v50 =	vld [tilespmem:s8+$0x1850];
	v30 =	vmul.f32 v46, v12  }
0x22c: {  	v26 =	vadd.f32 v26, v27;
	v25 =	vmul.f32 v25, v16;
	v51 =	vmul.f32 v47, v18;
	v52 =	vld [tilespmem:s11+$0x850]  }
0x22d: {  	v53 =	vld [tilespmem:s4+$0xFFFFF860]  }
0x22e: {  	v54 =	vmul.f32 v48, v19;
	v26 =	vadd.f32 v30, v26;
	v25 =	vadd.f32 v51, v25;
	v55 =	vld [tilespmem:s11+$0x1850]  }
0x22f: {  	v56 =	vld [tilespmem:s4+$0x860];
	v24 =	vmul.f32 v24, v20;
	v29 =	vmul.f32 v49, v22  }
0x230: {  	v57 =	vld [tilespmem:s4+$0x1860];
	v58 =	vmul.f32 v50, v17;
	[tilespmem:s6+$0x50] =	vst v26;
	v25 =	vadd.f32 v54, v25  }
0x231: {  	v59 =	vld [tilespmem:s7+$0xFFFFE860];
	v28 =	vmul.f32 v52, v21;
	v24 =	vadd.f32 v29, v24  }
0x232: {  	v60 =	vmul.f32 v39, v8;
	v61 =	vld [tilespmem:s7+$0xFFFFF860];
	v25 =	vadd.f32 v58, v25  }
0x233: {  	v62 =	vmul.f32 v53, v9;
	v63 =	vld [tilespmem:s7+$0x860];
	v36 =	vmul.f32 v55, v23;
	v24 =	vadd.f32 v28, v24  }
0x234: {  	v37 =	vld [tilespmem:s7+$0x1860];
	[tilespmem:s9+$0x50] =	vst v25  }
0x235: {  	v39 =	vmul.f32 v56, v10;
	v38 =	vadd.f32 v62, v60;
	v40 =	vld [tilespmem:s8+$0xFFFFE860];
	v24 =	vadd.f32 v36, v24  }
0x236: {  	v41 =	vld [tilespmem:s8+$0xFFFFF860]  }
0x237: {  	v42 =	vmul.f32 v57, v11;
	v25 =	vadd.f32 v39, v38;
	v43 =	vld [tilespmem:s8+$0x860];
	[tilespmem:s0+$0x50] =	vst v24  }
0x238: {  	v44 =	vmul.f32 v59, v14;
	v45 =	vmul.f32 v61, v15;
	v46 =	vld [tilespmem:s11+$0xFFFFE860]  }
0x239: {  	v25 =	vadd.f32 v42, v25;
	v47 =	vld [tilespmem:s11+$0xFFFFF860]  }
0x23a: {  	v49 =	vld [tilespmem:s8+$0x1860];
	v48 =	vmul.f32 v63, v13;
	v24 =	vadd.f32 v45, v44  }
0x23b: {  	[tilespmem:s17+$0x60] =	vst v25;
	v50 =	vmul.f32 v40, v16;
	v28 =	vmul.f32 v41, v18;
	v51 =	vld [tilespmem:s11+$0x860]  }
0x23c: {  	v53 =	vmul.f32 v37, v12;
	v52 =	vld [tilespmem:s4+$0xFFFFE870];
	v24 =	vadd.f32 v48, v24  }
0x23d: {  	v54 =	vmul.f32 v43, v19;
	v25 =	vadd.f32 v28, v50;
	v55 =	vld [tilespmem:s11+$0x1860]  }
0x23e: {  	v56 =	vld [tilespmem:s4+$0xFFFFF870];
	v24 =	vadd.f32 v53, v24;
	v57 =	vmul.f32 v46, v20;
	v26 =	vmul.f32 v47, v22  }
0x23f: {  	v58 =	vld [tilespmem:s4+$0x870];
	v60 =	vmul.f32 v49, v17  }
0x240: {  	v59 =	vld [tilespmem:s4+$0x1870];
	v25 =	vadd.f32 v54, v25;
	[tilespmem:s6+$0x60] =	vst v24;
	v61 =	vmul.f32 v51, v21;
	v26 =	vadd.f32 v26, v57  }
0x241: {  	v62 =	vld [tilespmem:s7+$0xFFFFE870]  }
0x242: {  	v24 =	vadd.f32 v60, v25;
	v36 =	vmul.f32 v55, v23;
	v63 =	vld [tilespmem:s7+$0xFFFFF870];
	v35 =	vadd.f32 v61, v26  }
0x243: {  	v37 =	vld [tilespmem:s7+$0x870]  }
0x244: {  	v38 =	vld [tilespmem:s7+$0x1870];
	[tilespmem:s9+$0x60] =	vst v24;
	v39 =	vadd.f32 v36, v35  }
0x245: {  	v40 =	vld [tilespmem:s8+$0xFFFFE870]  }
0x246: {  	v41 =	vld [tilespmem:s8+$0xFFFFF870];
	[tilespmem:s0+$0x60] =	vst v39  }
0x247: {  	v24 =	vld [tilespmem:s11+$0xFFFFE870]  }
0x248: {  	v8 =	vmul.f32 v52, v8;
	v43 =	vmul.f32 v56, v9;
	v42 =	vld [tilespmem:s11+$0xFFFFF870]  }
0x249: {  	v44 =	vmul.f32 v58, v10;
	v45 =	vld [tilespmem:s8+$0x870]  }
0x24a: {  	v49 =	vmul.f32 v59, v11;
	v8 =	vadd.f32 v43, v8;
	v46 =	vmul.f32 v62, v14;
	v48 =	vld [tilespmem:s11+$0x870]  }
0x24b: {  	v51 =	vld [tilespmem:s8+$0x1870];
	v47 =	vmul.f32 v63, v15;
	v50 =	vmul.f32 v37, v13  }
0x24c: {  	v8 =	vadd.f32 v44, v8;
	v52 =	vmul.f32 v40, v16;
	v53 =	vmul.f32 v41, v18;
	v54 =	vld [tilespmem:s11+$0x1870]  }
0x24d: {  	v14 =	vadd.f32 v47, v46;
	v55 =	vmul.f32 v24, v20;
	v56 =	vmul.f32 v42, v22  }
0x24e: {  	v59 =	vmul.f32 v38, v12;
	v58 =	vmul.f32 v45, v19;
	v57 =	vadd.f32 v53, v52  }
0x24f: {  	v11 =	vadd.f32 v50, v14;
	v60 =	vmul.f32 v48, v21;
	v10 =	vadd.f32 v56, v55  }
0x250: {  	v8 =	vadd.f32 v49, v8;
	v13 =	vmul.f32 v51, v17;
	v61 =	vadd.f32 v58, v57  }
.Ltmp8:
0x251: {  	v11 =	vadd.f32 v59, v11;
	v62 =	vmul.f32 v54, v23;
	v10 =	vadd.f32 v60, v10;
	(pc) =	sbr.rel @p1 .LBB2_9-.Ltmp8, $4  }
0x252: {  	[tilespmem:s17+$0x70] =	vst v8;
	v8 =	vadd.f32 v13, v61  }
0x253: {  	[tilespmem:s6+$0x70] =	vst v11;
	v63 =	vadd.f32 v62, v10  }
0x254: {  	[tilespmem:s9+$0x70] =	vst v8  }
0x255: {  	p2 =	por $0x0, $0x0;
	[tilespmem:s0+$0x70] =	vst v63;
	s0 =	simm.s32 $0x1  }
0x256: {  	s0 =	sshll.u32 s28, $0x7  }
0x257: {  	p1 =	seq.s32 s28, $0x9;
	s0 =	sand.u32 $0x3FFFFF80, s0  }
.Ltmp9:
0x258: {  	s25 =	smin.u32 s2, $0x11;
	s0 =	sadd.s32 $0x2300, s0;
	(pc) =	sbr.rel @p1 .LBB2_15-.Ltmp9, $4  }
0x259: {  	[hbm4b:s3+s20] =	stream.indirect.scatter [tilespmem:s21], [sflag:$0x3], $0x80, s0, s20, $0xb8;
	[tilespmem:$0x16800] =	vst v63  }
0x25a: {  	s0 =	sshll.u32 s25, $0x8  }
0x25b: {  	s13 =	sadd.s32 $0x3, s2;
	s0 =	sadd.s32 $0x1100, s0  }
0x25c: {  	[tilespmem:s16], [sflag:$0x1] =	stream.indirect.gather [hbm4b:s1+s12], $0x80, s0, s12, $0xb8;
	[tilespmem:$0x16800] =	vst v63  }
0x25d: {  	s0 =	sshll.u32 s13, $0x1;
	s4 =	simm.s32 $0x0;
	s6 =	simm.s32 $0x2300  }
0x25e: {  	s7 =	simm.s32 $0x2310;
	s8 =	smov.u32 s10;
	s9 =	smov.u32 s29  }
.LBB2_14:
0x25f: {  	s11 =	sshrl.u32 s0, $0x3  }
0x260: {  	s14 =	sshll.u32 s11, $0x9  }
0x261: {  	s14 =	sadd.s32 s14, s9  }
0x262: {  	s14 =	sshra.s32 s14, $0x2  }
0x263: {  	v8 =	vld [tilespmem:s14+$0x0]  }
0x264: {  	v9 =	vld [tilespmem:s14+$0x80];
	_ =	sdelay $0x3  }
0x265: {  	v8 =	vadd.f32 $5.400000000e+01, v8  }
0x266: {  	v9 =	vadd.f32 $5.400000000e+01, v9  }
0x267: {  	v8 =	vmul.f32 v8, v4  }
0x268: {  	v9 =	vmul.f32 v9, v4  }
0x269: {  	v10 =	vtrunc.f32 v8  }
0x26a: {  	v12 =	vtrunc.f32 v9;
	v11 =	vcvt.f32.s32 v10  }
0x26b: {  	v13 =	vcvt.f32.s32 v12;
	vm0 =	vlt.f32 v8, v10;
	vm1 =	vlt.f32 v9, v12  }
0x26c: {  	v10 =	vsel vm0, $0xFFFFFFFF, v5;
	v12 =	vsel vm1, $0xFFFFFFFF, v5  }
0x26d: {  	v10 =	vadd.s32 v11, v10;
	v52 =	vadd.s32 v13, v12  }
0x26e: {  	vm14 =	vgt.s32 v10, $0x0;
	vm15 =	vgt.s32 v52, $0x0  }
0x26f: {  	v10 =	vnsel vm14, $0x0, v10;
	v11 =	vnsel vm15, $0x0, v52  }
0x270: {  	v53 =	vmin.u32 v10, $0xB2;
	v54 =	vmin.u32 v11, $0xB2  }
0x271: {  	v12 =	vadd.s32 $0x1, v53;
	v13 =	vadd.s32 $0x1, v54  }
0x272: {  	v11 =	vmin.u32 v11, $0xB3;
	v14 =	vcvt.s32.f32 v12;
	v15 =	vcvt.s32.f32 v13  }
0x273: {  	v10 =	vmin.u32 v10, $0xB3;
	v16 =	vcvt.s32.f32 v11  }
0x274: {  	v17 =	vcvt.s32.f32 v10;
	v14 =	vsub.f32 v14, v8;
	v15 =	vsub.f32 v15, v9  }
0x275: {  	v9 =	vsub.f32 v9, v16  }
0x276: {  	v8 =	vsub.f32 v8, v17;
	v55 =	vmul.f32 v15, v14  }
0x277: {  	s14 =	sshra.s32 s9, $0x2;
	v11 =	vmul.u32 $0xB4, v11;
	v14 =	vmul.f32 v9, v14  }
0x278: {  	v15 =	vmul.f32 v15, v8;
	[tilespmem:s14+$0x500] =	vst v55  }
0x279: {  	s15 =	sshll.u32 s0, $0x7;
	s24 =	sshll.u32 s11, $0x7;
	v13 =	vmul.u32 $0xB4, v13;
	v56 =	vadd.s32 v10, v11;
	v8 =	vmul.f32 v9, v8;
	[tilespmem:s14+$0x780] =	vst v14  }
0x27a: {  	s17 =	sshra.s32 s4, $0x2;
	s15 =	sand.u32 $0x3FFFFF00, s15;
	s25 =	ssub.s32 s8, s24;
	v9 =	vshll.u32 v56, $0x3;
	[tilespmem:s14+$0xA00] =	vst v15  }
0x27b: {  	s15 =	sadd.s32 s17, s15;
	v57 =	vor.u32 s25, v3;
	v10 =	vadd.s32 v10, v13;
	[tilespmem:s14+$0xC80] =	vst v8;
	v8 =	vor.u32 v0, v9  }
0x27c: {  	v11 =	vadd.s32 v12, v11;
	v10 =	vshll.u32 v10, $0x3;
	[tilespmem:s15+$0xF00] =	vst v8;
	v8 =	vor.u32 v2, v9  }
0x27d: {  	v59 =	vshll.u32 v11, $0x3;
	v58 =	vor.u32 v0, v10;
	[tilespmem:s15+$0xF10] =	vst v8;
	v8 =	vshrl.u32 v57, $0x3  }
0x27e: {  	v12 =	vadd.s32 v12, v13;
	v10 =	vor.u32 v2, v10;
	[tilespmem:s15+$0xF20] =	vst v58;
	v8 =	vadd.s32 v1, v8  }
0x27f: {  	v11 =	vor.u32 v0, v59;
	v60 =	vshll.u32 v12, $0x3;
	[tilespmem:s15+$0xF30] =	vst v10;
	v8 =	vmul.u32 $0xA, v8  }
0x280: {  	p1 =	sne.s32 s4, $0x200;
	s11 =	sshll.u32 s11, $0x1;
	v61 =	vor.u32 v0, v60;
	[tilespmem:s15+$0xF40] =	vst v11  }
.Ltmp10:
0x281: {  	s24 =	sshll.u32 s0, $0x5;
	v62 =	vor.u32 v2, v60;
	[tilespmem:s15+$0xF60] =	vst v61;
	v8 =	vadd.s32 s11, v8;
	(pc) =	sbr.rel @p1 .LBB2_14-.Ltmp10, $4  }
0x282: {  	s25 =	sand.u32 $0x3FFFFFC0, s24;
	v9 =	vor.u32 v2, v59;
	[tilespmem:s15+$0xF70] =	vst v62;
	v8 =	vshll.u32 v8, $0x3  }
0x283: {  	s4 =	sadd.s32 $0x200, s4;
	s14 =	sadd.s32 s25, s6;
	[tilespmem:s15+$0xF50] =	vst v9;
	v63 =	vor.u32 v6, v8  }
0x284: {  	s0 =	sadd.s32 $0x1, s0;
	s8 =	sadd.s32 $0x10, s8;
	s11 =	sadd.s32 s25, s7;
	v8 =	vor.u32 v7, v8;
	[tilespmem:s14+$0x0] =	vst v63  }
0x285: {  	s9 =	sadd.s32 $0x40, s9;
	s6 =	sadd.s32 $0x20, s6;
	s7 =	sadd.s32 $0x20, s7;
	[tilespmem:s11+$0x0] =	vst v8  }
.LBB2_15:
0x286: {  	_ =	swait.ge [sflag:s22], $0x8000  }
0x287: {  	[sflag:s22] =	ssyncset.done $0x0  }
0x288: {  	s0 =	simm.s32 @!p0 $0x4;
	[sflag:s22] =	ssyncadd.s32 $0xFFFF8000  }
0x289: {  	s2 =	sor.u32 $0x1, s2;
	_ =	swait.ge @!p0 [sflag:s0], $0x2000  }
0x28a: {  	s17 =	simm.s32 $0x0;
	p1 =	por $0x1, $0x1;
	[sflag:s0] =	ssyncset.done @!p0 $0x0  }
0x28b: {  	s15 =	sshll.u32 s2, $0x5;
	[sflag:s0] =	ssyncadd.s32 @!p0 $0xFFFFE000;
	s0 =	simm.s32 $0x0  }
.LBB2_16:
0x28c: {  	s4 =	sshll.u32 s0, $0x4  }
0x28d: {  	s4 =	sor.u32 s15, s4  }
0x28e: {  	s6 =	sshll.u32 s0, $0xE;
	v24 =	vld [tilespmem:s4+$0x500]  }
0x28f: {  	s6 =	sand.u32 $0x3FFFC000, s6;
	v25 =	vld [tilespmem:s4+$0x780]  }
0x290: {  	v26 =	vld [tilespmem:s4+$0xA00];
	s6 =	sadd.s32 $0xC800, s6  }
0x291: {  	v11 =	vld [tilespmem:s6+$0xFFFFE000]  }
0x292: {  	v12 =	vld [tilespmem:s6+$0xFFFFF000]  }
0x293: {  	v27 =	vld [tilespmem:s4+$0xC80]  }
0x294: {  	v13 =	vmov s17;
	v14 =	vld [tilespmem:s6+$0x0]  }
0x295: {  	v8 =	vperm.xlane v24, v13;
	v9 =	vperm.xlane v25, v13  }
0x296: {  	v15 =	vld [tilespmem:s6+$0x1000];
	v10 =	vperm.xlane v26, v13  }
0x297: {  	v16 =	vmul.f32 v11, v8;
	v12 =	vmul.f32 v12, v9;
	_ =	sdelay $0x1  }
0x298: {  	v11 =	vperm.xlane v27, v13;
	v13 =	vmul.f32 v14, v10;
	v12 =	vadd.f32 v12, v16;
	_ =	sdelay $0x1  }
0x299: {  	v14 =	vmul.f32 v15, v11;
	v12 =	vadd.f32 v13, v12  }
0x29a: {  	s14 =	sshll.u32 s0, $0xC  }
0x29b: {  	s0 =	sand.u32 $0x3FFFF000, s14;
	v12 =	vadd.f32 v14, v12  }
0x29c: {  	s4 =	sadd.s32 $0x15000, s0  }
0x29d: {  	[tilespmem:s4+$0xFFFFF800] =	vst v12  }
0x29e: {  	v12 =	vld [tilespmem:s6+$0xFFFFE010]  }
0x29f: {  	v13 =	vld [tilespmem:s6+$0xFFFFF010];
	_ =	sdelay $0x1  }
0x2a0: {  	v14 =	vld [tilespmem:s6+$0x10];
	_ =	sdelay $0x1  }
0x2a1: {  	v15 =	vld [tilespmem:s6+$0x1010]  }
0x2a2: {  	v12 =	vmul.f32 v12, v8;
	v13 =	vmul.f32 v13, v9;
	_ =	sdelay $0x1  }
0x2a3: {  	v12 =	vadd.f32 v13, v12;
	v13 =	vmul.f32 v14, v10;
	_ =	sdelay $0x1  }
0x2a4: {  	v14 =	vmul.f32 v15, v11;
	v12 =	vadd.f32 v13, v12;
	_ =	sdelay $0x1  }
0x2a5: {  	v12 =	vadd.f32 v14, v12;
	_ =	sdelay $0x1  }
0x2a6: {  	[tilespmem:s4+$0xFFFFF810] =	vst v12  }
0x2a7: {  	v12 =	vld [tilespmem:s6+$0xFFFFE020]  }
0x2a8: {  	v13 =	vld [tilespmem:s6+$0xFFFFF020];
	_ =	sdelay $0x1  }
0x2a9: {  	v14 =	vld [tilespmem:s6+$0x20];
	_ =	sdelay $0x1  }
0x2aa: {  	v15 =	vld [tilespmem:s6+$0x1020]  }
0x2ab: {  	v12 =	vmul.f32 v12, v8;
	v13 =	vmul.f32 v13, v9;
	_ =	sdelay $0x1  }
0x2ac: {  	v12 =	vadd.f32 v13, v12;
	v13 =	vmul.f32 v14, v10;
	_ =	sdelay $0x1  }
0x2ad: {  	v14 =	vmul.f32 v15, v11;
	v12 =	vadd.f32 v13, v12;
	_ =	sdelay $0x1  }
0x2ae: {  	v12 =	vadd.f32 v14, v12;
	_ =	sdelay $0x1  }
0x2af: {  	[tilespmem:s4+$0xFFFFF820] =	vst v12  }
0x2b0: {  	v12 =	vld [tilespmem:s6+$0xFFFFE030]  }
0x2b1: {  	v13 =	vld [tilespmem:s6+$0xFFFFF030];
	_ =	sdelay $0x1  }
0x2b2: {  	v14 =	vld [tilespmem:s6+$0x30];
	_ =	sdelay $0x1  }
0x2b3: {  	v15 =	vld [tilespmem:s6+$0x1030]  }
0x2b4: {  	v12 =	vmul.f32 v12, v8;
	v13 =	vmul.f32 v13, v9;
	_ =	sdelay $0x1  }
0x2b5: {  	v12 =	vadd.f32 v13, v12;
	v13 =	vmul.f32 v14, v10;
	_ =	sdelay $0x1  }
0x2b6: {  	v14 =	vmul.f32 v15, v11;
	v12 =	vadd.f32 v13, v12  }
0x2b7: {  	s8 =	sadd.s32 $0x80, s6  }
0x2b8: {  	v17 =	vld [tilespmem:s8+$0xFFFFF000];
	v12 =	vadd.f32 v14, v12  }
0x2b9: {  	v16 =	vld [tilespmem:s8+$0xFFFFE000]  }
0x2ba: {  	s24 =	simm.s32 $0x1;
	v18 =	vld [tilespmem:s8+$0x0];
	[tilespmem:s4+$0xFFFFF830] =	vst v12  }
0x2bb: {  	v12 =	vmov s24;
	v19 =	vld [tilespmem:s6+$0xFFFFE040]  }
0x2bc: {  	v14 =	vperm.xlane v24, v12;
	v15 =	vperm.xlane v25, v12;
	v20 =	vld [tilespmem:s6+$0xFFFFF040]  }
0x2bd: {  	v21 =	vld [tilespmem:s8+$0x1000];
	v13 =	vperm.xlane v26, v12  }
0x2be: {  	v22 =	vld [tilespmem:s6+$0x40];
	v16 =	vmul.f32 v16, v14;
	v17 =	vmul.f32 v17, v15;
	_ =	sdelay $0x1  }
0x2bf: {  	v23 =	vld [tilespmem:s6+$0x1040];
	v12 =	vperm.xlane v27, v12;
	v16 =	vadd.f32 v17, v16;
	v17 =	vmul.f32 v18, v13  }
0x2c0: {  	v18 =	vmul.f32 v19, v8;
	v19 =	vmul.f32 v20, v9  }
0x2c1: {  	v20 =	vmul.f32 v21, v12;
	v16 =	vadd.f32 v17, v16  }
0x2c2: {  	v17 =	vadd.f32 v19, v18;
	v18 =	vmul.f32 v22, v10  }
0x2c3: {  	v16 =	vadd.f32 v20, v16  }
0x2c4: {  	s7 =	sadd.s32 $0x80, s4;
	v17 =	vadd.f32 v18, v17;
	v18 =	vmul.f32 v23, v11  }
0x2c5: {  	[tilespmem:s7+$0xFFFFF800] =	vst v16  }
0x2c6: {  	v16 =	vadd.f32 v18, v17;
	v17 =	vld [tilespmem:s8+$0xFFFFE010]  }
0x2c7: {  	v18 =	vld [tilespmem:s8+$0xFFFFF010]  }
0x2c8: {  	v19 =	vld [tilespmem:s8+$0x10];
	[tilespmem:s4+$0xFFFFF840] =	vst v16  }
0x2c9: {  	v16 =	vld [tilespmem:s6+$0xFFFFE050]  }
0x2ca: {  	v20 =	vld [tilespmem:s6+$0xFFFFF050]  }
0x2cb: {  	v21 =	vld [tilespmem:s8+$0x1010]  }
0x2cc: {  	v22 =	vld [tilespmem:s6+$0x50];
	v17 =	vmul.f32 v17, v14;
	v18 =	vmul.f32 v18, v15;
	_ =	sdelay $0x1  }
0x2cd: {  	v23 =	vld [tilespmem:s6+$0x1050];
	v17 =	vadd.f32 v18, v17;
	v18 =	vmul.f32 v19, v13  }
0x2ce: {  	v16 =	vmul.f32 v16, v8;
	v19 =	vmul.f32 v20, v9  }
0x2cf: {  	v20 =	vmul.f32 v21, v12;
	v17 =	vadd.f32 v18, v17  }
0x2d0: {  	v18 =	vmul.f32 v22, v10;
	v16 =	vadd.f32 v19, v16  }
0x2d1: {  	v17 =	vadd.f32 v20, v17  }
0x2d2: {  	v19 =	vmul.f32 v23, v11;
	v16 =	vadd.f32 v18, v16  }
0x2d3: {  	[tilespmem:s7+$0xFFFFF810] =	vst v17  }
0x2d4: {  	v16 =	vadd.f32 v19, v16;
	v17 =	vld [tilespmem:s8+$0xFFFFE020]  }
0x2d5: {  	v18 =	vld [tilespmem:s8+$0xFFFFF020]  }
0x2d6: {  	v19 =	vld [tilespmem:s8+$0x20];
	[tilespmem:s4+$0xFFFFF850] =	vst v16  }
0x2d7: {  	v16 =	vld [tilespmem:s6+$0xFFFFE060]  }
0x2d8: {  	v20 =	vld [tilespmem:s6+$0xFFFFF060]  }
0x2d9: {  	v21 =	vld [tilespmem:s8+$0x1020]  }
0x2da: {  	v22 =	vld [tilespmem:s6+$0x60];
	v17 =	vmul.f32 v17, v14;
	v18 =	vmul.f32 v18, v15;
	_ =	sdelay $0x1  }
0x2db: {  	v23 =	vld [tilespmem:s6+$0x1060];
	v17 =	vadd.f32 v18, v17;
	v18 =	vmul.f32 v19, v13  }
0x2dc: {  	v16 =	vmul.f32 v16, v8;
	v19 =	vmul.f32 v20, v9  }
0x2dd: {  	v20 =	vmul.f32 v21, v12;
	v17 =	vadd.f32 v18, v17  }
0x2de: {  	v18 =	vmul.f32 v22, v10;
	v16 =	vadd.f32 v19, v16  }
0x2df: {  	v17 =	vadd.f32 v20, v17  }
0x2e0: {  	v16 =	vadd.f32 v18, v16;
	v18 =	vmul.f32 v23, v11  }
0x2e1: {  	[tilespmem:s7+$0xFFFFF820] =	vst v17  }
0x2e2: {  	v16 =	vadd.f32 v18, v16;
	v17 =	vld [tilespmem:s8+$0xFFFFE030]  }
0x2e3: {  	v18 =	vld [tilespmem:s8+$0xFFFFF030]  }
0x2e4: {  	v19 =	vld [tilespmem:s8+$0x30];
	[tilespmem:s4+$0xFFFFF860] =	vst v16  }
0x2e5: {  	v16 =	vld [tilespmem:s6+$0xFFFFE070]  }
0x2e6: {  	v20 =	vld [tilespmem:s6+$0xFFFFF070]  }
0x2e7: {  	v21 =	vld [tilespmem:s8+$0x1030]  }
0x2e8: {  	v22 =	vld [tilespmem:s6+$0x70];
	v17 =	vmul.f32 v17, v14;
	v18 =	vmul.f32 v18, v15;
	_ =	sdelay $0x1  }
0x2e9: {  	v17 =	vadd.f32 v18, v17;
	v18 =	vmul.f32 v19, v13;
	v19 =	vld [tilespmem:s6+$0x1070]  }
0x2ea: {  	v16 =	vmul.f32 v16, v8;
	v20 =	vmul.f32 v20, v9  }
0x2eb: {  	s9 =	sadd.s32 $0x80, s8;
	v21 =	vmul.f32 v21, v12;
	v17 =	vadd.f32 v18, v17  }
0x2ec: {  	v23 =	vld [tilespmem:s9+$0xFFFFE000];
	v18 =	vmul.f32 v22, v10;
	v16 =	vadd.f32 v20, v16  }
0x2ed: {  	v20 =	vld [tilespmem:s9+$0xFFFFF000];
	v17 =	vadd.f32 v21, v17  }
0x2ee: {  	s25 =	simm.s32 $0x2;
	v29 =	vld [tilespmem:s9+$0x0];
	v22 =	vadd.f32 v18, v16;
	v19 =	vmul.f32 v19, v11  }
0x2ef: {  	v28 =	vmov s25;
	v21 =	vld [tilespmem:s9+$0x1000];
	[tilespmem:s7+$0xFFFFF830] =	vst v17  }
0x2f0: {  	v16 =	vperm.xlane v24, v28;
	v18 =	vperm.xlane v25, v28;
	v30 =	vld [tilespmem:s8+$0xFFFFE040];
	v17 =	vadd.f32 v19, v22  }
0x2f1: {  	v19 =	vperm.xlane v26, v28;
	v22 =	vld [tilespmem:s8+$0xFFFFF040]  }
0x2f2: {  	v23 =	vmul.f32 v23, v16;
	v31 =	vld [tilespmem:s8+$0x40];
	v20 =	vmul.f32 v20, v18;
	[tilespmem:s4+$0xFFFFF870] =	vst v17  }
0x2f3: {  	v17 =	vperm.xlane v27, v28;
	v28 =	vld [tilespmem:s6+$0xFFFFE800]  }
0x2f4: {  	v20 =	vadd.f32 v20, v23;
	v23 =	vmul.f32 v29, v19;
	v29 =	vld [tilespmem:s6+$0xFFFFF800]  }
0x2f5: {  	v32 =	vld [tilespmem:s8+$0x1040];
	v21 =	vmul.f32 v21, v17  }
0x2f6: {  	v33 =	vld [tilespmem:s6+$0x800];
	v20 =	vadd.f32 v23, v20;
	v23 =	vmul.f32 v30, v14;
	v22 =	vmul.f32 v22, v15;
	_ =	sdelay $0x1  }
0x2f7: {  	v20 =	vadd.f32 v21, v20;
	v21 =	vadd.f32 v22, v23;
	v22 =	vmul.f32 v31, v13;
	v23 =	vld [tilespmem:s6+$0x1800]  }
0x2f8: {  	s0 =	sadd.s32 $0x80, s7;
	v28 =	vmul.f32 v28, v8;
	v29 =	vmul.f32 v29, v9  }
0x2f9: {  	[tilespmem:s0+$0xFFFFF800] =	vst v20;
	v20 =	vadd.f32 v22, v21;
	v21 =	vmul.f32 v32, v12  }
0x2fa: {  	v22 =	vmul.f32 v33, v10;
	v30 =	vld [tilespmem:s9+$0xFFFFE010];
	v28 =	vadd.f32 v29, v28  }
0x2fb: {  	v20 =	vadd.f32 v21, v20;
	v21 =	vld [tilespmem:s9+$0xFFFFF010]  }
0x2fc: {  	v29 =	vld [tilespmem:s9+$0x1010];
	v23 =	vmul.f32 v23, v11;
	v22 =	vadd.f32 v22, v28  }
0x2fd: {  	v28 =	vld [tilespmem:s9+$0x10];
	[tilespmem:s7+$0xFFFFF840] =	vst v20  }
0x2fe: {  	v20 =	vld [tilespmem:s8+$0xFFFFE050];
	v22 =	vadd.f32 v23, v22  }
0x2ff: {  	v23 =	vld [tilespmem:s8+$0xFFFFF050]  }
0x300: {  	v31 =	vld [tilespmem:s8+$0x50];
	v30 =	vmul.f32 v30, v16;
	v21 =	vmul.f32 v21, v18;
	[tilespmem:s4+$0x0] =	vst v22  }
0x301: {  	v22 =	vld [tilespmem:s6+$0xFFFFE810]  }
0x302: {  	v28 =	vmul.f32 v28, v19;
	v21 =	vadd.f32 v21, v30;
	v30 =	vld [tilespmem:s6+$0xFFFFF810]  }
0x303: {  	v54 =	vld [tilespmem:s8+$0x1050];
	v29 =	vmul.f32 v29, v17  }
0x304: {  	v20 =	vmul.f32 v20, v14;
	v23 =	vmul.f32 v23, v15;
	v21 =	vadd.f32 v28, v21;
	v28 =	vld [tilespmem:s6+$0x810];
	_ =	sdelay $0x1  }
0x305: {  	v20 =	vadd.f32 v23, v20;
	v23 =	vmul.f32 v31, v13;
	v21 =	vadd.f32 v29, v21;
	v29 =	vld [tilespmem:s6+$0x1810]  }
0x306: {  	v22 =	vmul.f32 v22, v8;
	v30 =	vmul.f32 v30, v9  }
0x307: {  	v31 =	vmul.f32 v54, v12;
	v20 =	vadd.f32 v23, v20;
	[tilespmem:s0+$0xFFFFF810] =	vst v21  }
0x308: {  	v21 =	vadd.f32 v30, v22;
	v22 =	vmul.f32 v28, v10;
	v23 =	vld [tilespmem:s9+$0xFFFFE020]  }
0x309: {  	v20 =	vadd.f32 v31, v20;
	v28 =	vld [tilespmem:s9+$0xFFFFF020]  }
0x30a: {  	v30 =	vld [tilespmem:s9+$0x1020];
	v21 =	vadd.f32 v22, v21;
	v22 =	vmul.f32 v29, v11  }
0x30b: {  	v29 =	vld [tilespmem:s9+$0x20];
	[tilespmem:s7+$0xFFFFF850] =	vst v20  }
0x30c: {  	v20 =	vadd.f32 v22, v21;
	v21 =	vld [tilespmem:s8+$0xFFFFE060]  }
0x30d: {  	v22 =	vld [tilespmem:s8+$0xFFFFF060]  }
0x30e: {  	v31 =	vld [tilespmem:s8+$0x60];
	[tilespmem:s4+$0x10] =	vst v20;
	v20 =	vmul.f32 v23, v16;
	v23 =	vmul.f32 v28, v18  }
0x30f: {  	v28 =	vld [tilespmem:s6+$0xFFFFE820]  }
0x310: {  	v20 =	vadd.f32 v23, v20;
	v23 =	vmul.f32 v29, v19;
	v29 =	vld [tilespmem:s6+$0xFFFFF820]  }
0x311: {  	v55 =	vld [tilespmem:s8+$0x1060];
	v30 =	vmul.f32 v30, v17  }
0x312: {  	v21 =	vmul.f32 v21, v14;
	v22 =	vmul.f32 v22, v15;
	v20 =	vadd.f32 v23, v20;
	v23 =	vld [tilespmem:s6+$0x820];
	_ =	sdelay $0x1  }
0x313: {  	v21 =	vadd.f32 v22, v21;
	v22 =	vmul.f32 v31, v13;
	v20 =	vadd.f32 v30, v20;
	v30 =	vld [tilespmem:s6+$0x1820]  }
0x314: {  	s14 =	sadd.s32 $0x80, s9;
	v28 =	vmul.f32 v28, v8;
	v29 =	vmul.f32 v29, v9  }
0x315: {  	v31 =	vld [tilespmem:s14+$0xFFFFE000];
	[tilespmem:s0+$0xFFFFF820] =	vst v20;
	v20 =	vadd.f32 v22, v21;
	v21 =	vmul.f32 v55, v12  }
0x316: {  	v22 =	vmul.f32 v23, v10;
	v23 =	vld [tilespmem:s9+$0xFFFFE030];
	v28 =	vadd.f32 v29, v28  }
0x317: {  	v20 =	vadd.f32 v21, v20;
	v21 =	vld [tilespmem:s9+$0xFFFFF030]  }
0x318: {  	v29 =	vld [tilespmem:s9+$0x1030];
	v22 =	vadd.f32 v22, v28;
	v28 =	vmul.f32 v30, v11  }
0x319: {  	v30 =	vld [tilespmem:s9+$0x30];
	[tilespmem:s7+$0xFFFFF860] =	vst v20  }
0x31a: {  	v20 =	vld [tilespmem:s8+$0xFFFFE070];
	v22 =	vadd.f32 v28, v22  }
0x31b: {  	v28 =	vld [tilespmem:s8+$0xFFFFF070]  }
0x31c: {  	v56 =	vld [tilespmem:s8+$0x70];
	[tilespmem:s4+$0x20] =	vst v22;
	v22 =	vmul.f32 v23, v16;
	v21 =	vmul.f32 v21, v18  }
0x31d: {  	v23 =	vld [tilespmem:s6+$0xFFFFE830]  }
0x31e: {  	v21 =	vadd.f32 v21, v22;
	v22 =	vmul.f32 v30, v19;
	v30 =	vld [tilespmem:s6+$0xFFFFF830]  }
0x31f: {  	v57 =	vld [tilespmem:s8+$0x1070];
	v29 =	vmul.f32 v29, v17  }
0x320: {  	v20 =	vmul.f32 v20, v14;
	v21 =	vadd.f32 v22, v21;
	v22 =	vmul.f32 v28, v15;
	v28 =	vld [tilespmem:s6+$0x830]  }
0x321: {  	v58 =	vld [tilespmem:s6+$0x1830]  }
0x322: {  	s11 =	simm.s32 $0x3;
	v34 =	vld [tilespmem:s14+$0xFFFFF000];
	v21 =	vadd.f32 v29, v21;
	v22 =	vadd.f32 v22, v20;
	v29 =	vmul.f32 v56, v13  }
0x323: {  	v35 =	vmov s11;
	v36 =	vld [tilespmem:s14+$0x1000];
	v23 =	vmul.f32 v23, v8;
	v30 =	vmul.f32 v30, v9  }
0x324: {  	v37 =	vld [tilespmem:s14+$0x0];
	v33 =	vmul.f32 v57, v12;
	v20 =	vperm.xlane v24, v35;
	[tilespmem:s0+$0xFFFFF830] =	vst v21;
	v29 =	vadd.f32 v29, v22  }
0x325: {  	v22 =	vperm.xlane v25, v35;
	v38 =	vld [tilespmem:s9+$0xFFFFE040];
	v23 =	vadd.f32 v30, v23;
	v28 =	vmul.f32 v28, v10  }
0x326: {  	v32 =	vmul.f32 v58, v11;
	v30 =	vmul.f32 v31, v20;
	v31 =	vld [tilespmem:s9+$0xFFFFF040];
	v29 =	vadd.f32 v33, v29  }
0x327: {  	v21 =	vperm.xlane v26, v35;
	v60 =	vld [tilespmem:s9+$0x1040];
	v59 =	vmul.f32 v34, v22;
	v28 =	vadd.f32 v28, v23  }
0x328: {  	v61 =	vld [tilespmem:s9+$0x40];
	v23 =	vperm.xlane v27, v35;
	[tilespmem:s7+$0xFFFFF870] =	vst v29  }
0x329: {  	v29 =	vadd.f32 v59, v30;
	v30 =	vmul.f32 v37, v21;
	v62 =	vld [tilespmem:s8+$0x800];
	v28 =	vadd.f32 v32, v28  }
0x32a: {  	v63 =	vmul.f32 v36, v23;
	v40 =	vld [tilespmem:s8+$0xFFFFE800]  }
0x32b: {  	v41 =	vld [tilespmem:s8+$0xFFFFF800];
	v29 =	vadd.f32 v30, v29;
	v30 =	vmul.f32 v38, v16;
	v31 =	vmul.f32 v31, v18;
	[tilespmem:s4+$0x30] =	vst v28  }
0x32c: {  	v28 =	vld [tilespmem:s6+$0xFFFFE840]  }
0x32d: {  	v29 =	vadd.f32 v63, v29;
	v30 =	vadd.f32 v31, v30;
	v31 =	vmul.f32 v61, v19;
	v42 =	vld [tilespmem:s6+$0xFFFFF840]  }
0x32e: {  	s11 =	sadd.s32 $0x80, s0;
	v43 =	vld [tilespmem:s8+$0x1800]  }
0x32f: {  	[tilespmem:s11+$0xFFFFF800] =	vst v29;
	v29 =	vadd.f32 v31, v30;
	v30 =	vmul.f32 v60, v17;
	v31 =	vld [tilespmem:s6+$0x840]  }
0x330: {  	v45 =	vld [tilespmem:s6+$0x1840];
	v36 =	vmul.f32 v40, v14;
	v37 =	vmul.f32 v41, v15  }
0x331: {  	v44 =	vld [tilespmem:s14+$0x1010];
	v29 =	vadd.f32 v30, v29;
	v30 =	vmul.f32 v62, v13  }
0x332: {  	v46 =	vld [tilespmem:s14+$0xFFFFE010];
	v36 =	vadd.f32 v37, v36;
	v28 =	vmul.f32 v28, v8;
	v32 =	vmul.f32 v42, v9  }
0x333: {  	v35 =	vmul.f32 v43, v12;
	v47 =	vld [tilespmem:s14+$0xFFFFF010]  }
0x334: {  	v39 =	vld [tilespmem:s14+$0x10];
	[tilespmem:s0+$0xFFFFF840] =	vst v29;
	v29 =	vadd.f32 v30, v36;
	v28 =	vadd.f32 v32, v28;
	v30 =	vmul.f32 v31, v10  }
0x335: {  	v31 =	vld [tilespmem:s9+$0x1050]  }
0x336: {  	v48 =	vld [tilespmem:s9+$0xFFFFE050];
	v29 =	vadd.f32 v35, v29;
	v28 =	vadd.f32 v30, v28;
	v30 =	vmul.f32 v45, v11  }
0x337: {  	v49 =	vld [tilespmem:s9+$0xFFFFF050]  }
0x338: {  	v52 =	vld [tilespmem:s9+$0x50];
	v50 =	vmul.f32 v46, v20;
	v51 =	vmul.f32 v47, v22;
	[tilespmem:s7+$0x0] =	vst v29;
	v28 =	vadd.f32 v30, v28  }
0x339: {  	v29 =	vld [tilespmem:s8+$0xFFFFE810]  }
0x33a: {  	v53 =	vmul.f32 v39, v21;
	v30 =	vadd.f32 v51, v50;
	v54 =	vld [tilespmem:s8+$0xFFFFF810];
	[tilespmem:s4+$0x40] =	vst v28  }
0x33b: {  	v32 =	vmul.f32 v48, v16;
	v55 =	vld [tilespmem:s6+$0xFFFFE850]  }
0x33c: {  	v33 =	vmul.f32 v49, v18;
	v28 =	vmul.f32 v44, v23;
	v30 =	vadd.f32 v53, v30;
	v56 =	vld [tilespmem:s6+$0xFFFFF850]  }
0x33d: {  	v57 =	vld [tilespmem:s8+$0x810]  }
0x33e: {  	v58 =	vmul.f32 v52, v19;
	v59 =	vld [tilespmem:s6+$0x850];
	v28 =	vadd.f32 v28, v30;
	v30 =	vadd.f32 v33, v32  }
0x33f: {  	v60 =	vld [tilespmem:s8+$0x1810];
	v31 =	vmul.f32 v31, v17  }
0x340: {  	v61 =	vld [tilespmem:s6+$0x1850];
	v29 =	vmul.f32 v29, v14;
	[tilespmem:s11+$0xFFFFF810] =	vst v28;
	v28 =	vadd.f32 v58, v30;
	v30 =	vmul.f32 v54, v15  }
0x341: {  	v32 =	vld [tilespmem:s14+$0x1020];
	v62 =	vmul.f32 v55, v8;
	v40 =	vmul.f32 v56, v9  }
0x342: {  	v34 =	vld [tilespmem:s14+$0x20];
	v28 =	vadd.f32 v31, v28;
	v29 =	vadd.f32 v30, v29;
	v30 =	vmul.f32 v57, v13  }
0x343: {  	v35 =	vld [tilespmem:s14+$0xFFFFE020];
	v33 =	vmul.f32 v59, v10;
	v31 =	vadd.f32 v40, v62  }
0x344: {  	v37 =	vmul.f32 v60, v12;
	v36 =	vld [tilespmem:s14+$0xFFFFF020];
	[tilespmem:s0+$0xFFFFF850] =	vst v28;
	v28 =	vadd.f32 v30, v29  }
0x345: {  	v63 =	vmul.f32 v61, v11;
	v29 =	vld [tilespmem:s9+$0x1060];
	v33 =	vadd.f32 v33, v31  }
0x346: {  	v30 =	vld [tilespmem:s9+$0x60];
	v37 =	vadd.f32 v37, v28  }
0x347: {  	v31 =	vld [tilespmem:s9+$0xFFFFE060];
	v28 =	vadd.f32 v63, v33  }
0x348: {  	p0 =	por p1, p1;
	s25 =	simm.s32 $0x4;
	s24 =	smov.u32 s14;
	v33 =	vld [tilespmem:s9+$0xFFFFF060];
	[tilespmem:s7+$0x10] =	vst v37  }
.LBB2_17:
0x349: {  	p1 =	sne.s32 s25, $0xF;
	v35 =	vmul.f32 v35, v20;
	v36 =	vmul.f32 v36, v22;
	v37 =	vld [tilespmem:s8+$0xFFFFE820];
	[tilespmem:s4+$0x50] =	vst v28  }
0x34a: {  	v28 =	vld [tilespmem:s6+$0xFFFFE860]  }
0x34b: {  	v34 =	vmul.f32 v34, v21;
	v35 =	vadd.f32 v36, v35;
	v36 =	vld [tilespmem:s6+$0xFFFFF860]  }
0x34c: {  	v32 =	vmul.f32 v32, v23;
	v38 =	vld [tilespmem:s8+$0xFFFFF820]  }
0x34d: {  	v31 =	vmul.f32 v31, v16;
	v34 =	vadd.f32 v34, v35;
	v33 =	vmul.f32 v33, v18;
	v35 =	vld [tilespmem:s6+$0x860]  }
0x34e: {  	v39 =	vld [tilespmem:s8+$0x820]  }
0x34f: {  	s14 =	sadd.s32 $0x80, s14;
	v30 =	vmul.f32 v30, v19;
	v32 =	vadd.f32 v32, v34;
	v31 =	vadd.f32 v33, v31;
	v33 =	vld [tilespmem:s6+$0x1860]  }
0x350: {  	v28 =	vmul.f32 v28, v8;
	v34 =	vld [tilespmem:s14+$0xFFFFE000];
	v36 =	vmul.f32 v36, v9  }
0x351: {  	v29 =	vmul.f32 v29, v17;
	[tilespmem:s11+$0xFFFFF820] =	vst v32;
	v30 =	vadd.f32 v30, v31;
	v31 =	vmul.f32 v37, v14;
	v32 =	vld [tilespmem:s8+$0x1820]  }
0x352: {  	v38 =	vmul.f32 v38, v15;
	v37 =	vld [tilespmem:s24+$0x1030];
	v28 =	vadd.f32 v36, v28;
	v35 =	vmul.f32 v35, v10  }
0x353: {  	v36 =	vld [tilespmem:s24+$0x30];
	v29 =	vadd.f32 v29, v30;
	v30 =	vmul.f32 v39, v13  }
0x354: {  	v31 =	vadd.f32 v38, v31;
	v39 =	vld [tilespmem:s24+$0xFFFFE030];
	v28 =	vadd.f32 v35, v28;
	v33 =	vmul.f32 v33, v11  }
0x355: {  	v35 =	vld [tilespmem:s24+$0xFFFFF030];
	[tilespmem:s0+$0xFFFFF860] =	vst v29  }
0x356: {  	v30 =	vadd.f32 v30, v31;
	v29 =	vld [tilespmem:s9+$0x70];
	v31 =	vmul.f32 v32, v12;
	v28 =	vadd.f32 v33, v28  }
0x357: {  	v32 =	vld [tilespmem:s9+$0xFFFFE070]  }
0x358: {  	v33 =	vld [tilespmem:s9+$0xFFFFF070];
	v30 =	vadd.f32 v31, v30;
	[tilespmem:s4+$0x60] =	vst v28  }
0x359: {  	v28 =	vld [tilespmem:s6+$0xFFFFE870]  }
0x35a: {  	[tilespmem:s7+$0x20] =	vst v30;
	v30 =	vld [tilespmem:s6+$0xFFFFF870]  }
0x35b: {  	v31 =	vmul.f32 v39, v20;
	v35 =	vmul.f32 v35, v22;
	v38 =	vld [tilespmem:s8+$0xFFFFE830]  }
0x35c: {  	v39 =	vld [tilespmem:s6+$0x870]  }
0x35d: {  	v40 =	vmov s25;
	v31 =	vadd.f32 v35, v31;
	v35 =	vmul.f32 v36, v21;
	v36 =	vld [tilespmem:s8+$0xFFFFF830]  }
0x35e: {  	v41 =	vperm.xlane v24, v40;
	v37 =	vmul.f32 v37, v23;
	v42 =	vld [tilespmem:s6+$0x1870];
	s6 =	smov.u32 s8;
	s8 =	smov.u32 s9;
	s9 =	smov.u32 s24  }
0x35f: {  	v31 =	vadd.f32 v35, v31;
	v28 =	vmul.f32 v28, v8;
	v8 =	vmovc v14;
	s24 =	smov.u32 s14;
	v35 =	vld [tilespmem:s8+$0x1070];
	v43 =	vmul.f32 v30, v9  }
0x360: {  	v14 =	vmovc v16;
	v30 =	vmul.f32 v32, v16;
	v32 =	vmul.f32 v33, v18;
	v16 =	vmovc v20;
	v20 =	vmov v41;
	v33 =	vld [tilespmem:s6+$0x830]  }
0x361: {  	v9 =	vmovc v15;
	v31 =	vadd.f32 v37, v31;
	v41 =	vld [tilespmem:s14+$0xFFFFF000];
	v28 =	vadd.f32 v43, v28;
	v10 =	vmul.f32 v39, v10  }
0x362: {  	v29 =	vmul.f32 v29, v19;
	v15 =	vmovc v18;
	v30 =	vadd.f32 v32, v30;
	v32 =	vmul.f32 v38, v8;
	v37 =	vld [tilespmem:s6+$0x1830]  }
0x363: {  	v18 =	vmovc v22;
	v36 =	vmul.f32 v36, v9;
	v38 =	vld [tilespmem:s14+$0x1000];
	v39 =	vadd.f32 v10, v28;
	v11 =	vmul.f32 v42, v11  }
0x364: {  	v22 =	vperm.xlane v25, v40;
	v29 =	vadd.f32 v29, v30;
	v28 =	vld [tilespmem:s14+$0x0];
	[tilespmem:s11+$0xFFFFF830] =	vst v31;
	v30 =	vmul.f32 v35, v17  }
0x365: {  	v32 =	vadd.f32 v36, v32;
	v31 =	vld [tilespmem:s9+$0xFFFFE040];
	v33 =	vmul.f32 v33, v13;
	v42 =	vadd.f32 v11, v39;
	v10 =	vmovc v13  }
0x366: {  	v34 =	vmul.f32 v34, v20;
	v35 =	vperm.xlane v26, v40;
	v13 =	vmovc v19;
	v36 =	vld [tilespmem:s9+$0xFFFFF040];
	v29 =	vadd.f32 v30, v29  }
0x367: {  	v30 =	vmul.f32 v41, v22;
	v39 =	vld [tilespmem:s9+$0x1040];
	v32 =	vadd.f32 v33, v32;
	v33 =	vmul.f32 v37, v12;
	[tilespmem:s4+$0x70] =	vst v42;
	s4 =	smov.u32 s7;
	s7 =	smov.u32 s0;
	s0 =	smov.u32 s11  }
0x368: {  	v19 =	vmovc v21;
	v21 =	vmovc v35;
	v37 =	vperm.xlane v27, v40;
	v11 =	vmov v12;
	v12 =	vmov v17;
	v40 =	vld [tilespmem:s9+$0x40];
	[tilespmem:s7+$0xFFFFF870] =	vst v29  }
0x369: {  	v17 =	vmovc v23;
	v29 =	vadd.f32 v30, v34;
	v28 =	vmul.f32 v28, v21;
	v30 =	vld [tilespmem:s8+$0x800];
	v32 =	vadd.f32 v33, v32  }
0x36a: {  	v33 =	vmul.f32 v38, v37;
	v23 =	vmov v37;
	v34 =	vld [tilespmem:s8+$0xFFFFE800]  }
0x36b: {  	v28 =	vadd.f32 v28, v29;
	v29 =	vmul.f32 v31, v16;
	v31 =	vmul.f32 v36, v18;
	v35 =	vld [tilespmem:s8+$0xFFFFF800];
	[tilespmem:s4+$0x30] =	vst v32  }
0x36c: {  	v32 =	vld [tilespmem:s6+$0xFFFFE840]  }
0x36d: {  	v28 =	vadd.f32 v33, v28;
	v29 =	vadd.f32 v31, v29;
	v31 =	vmul.f32 v40, v19;
	v33 =	vld [tilespmem:s6+$0xFFFFF840]  }
0x36e: {  	s11 =	sadd.s32 $0x80, s11;
	v36 =	vld [tilespmem:s8+$0x1800]  }
0x36f: {  	[tilespmem:s11+$0xFFFFF800] =	vst v28;
	v28 =	vadd.f32 v31, v29;
	v29 =	vmul.f32 v39, v17;
	v31 =	vld [tilespmem:s6+$0x840]  }
0x370: {  	v34 =	vmul.f32 v34, v14;
	v37 =	vld [tilespmem:s14+$0x1010];
	v35 =	vmul.f32 v35, v15  }
0x371: {  	v28 =	vadd.f32 v29, v28;
	v29 =	vmul.f32 v30, v13;
	v30 =	vld [tilespmem:s6+$0x1840]  }
0x372: {  	v32 =	vmul.f32 v32, v8;
	v38 =	vld [tilespmem:s14+$0xFFFFE010];
	v34 =	vadd.f32 v35, v34;
	v33 =	vmul.f32 v33, v9  }
0x373: {  	v35 =	vld [tilespmem:s14+$0xFFFFF010];
	v36 =	vmul.f32 v36, v12  }
0x374: {  	v39 =	vld [tilespmem:s14+$0x10];
	[tilespmem:s0+$0xFFFFF840] =	vst v28;
	v28 =	vadd.f32 v29, v34;
	v29 =	vadd.f32 v33, v32;
	v31 =	vmul.f32 v31, v10  }
0x375: {  	v32 =	vld [tilespmem:s9+$0x1050]  }
0x376: {  	v33 =	vld [tilespmem:s9+$0xFFFFE050];
	v28 =	vadd.f32 v36, v28;
	v29 =	vadd.f32 v31, v29;
	v30 =	vmul.f32 v30, v11  }
0x377: {  	v31 =	vld [tilespmem:s9+$0xFFFFF050]  }
0x378: {  	v34 =	vmul.f32 v38, v20;
	v35 =	vmul.f32 v35, v22;
	v36 =	vld [tilespmem:s9+$0x50];
	[tilespmem:s7+$0x0] =	vst v28;
	v28 =	vadd.f32 v30, v29  }
0x379: {  	v29 =	vld [tilespmem:s8+$0xFFFFE810]  }
0x37a: {  	v30 =	vadd.f32 v35, v34;
	v34 =	vmul.f32 v39, v21;
	v35 =	vld [tilespmem:s8+$0xFFFFF810];
	[tilespmem:s4+$0x40] =	vst v28  }
0x37b: {  	v28 =	vmul.f32 v37, v23;
	v37 =	vld [tilespmem:s6+$0xFFFFE850]  }
0x37c: {  	v33 =	vmul.f32 v33, v16;
	v30 =	vadd.f32 v34, v30;
	v31 =	vmul.f32 v31, v18;
	v34 =	vld [tilespmem:s6+$0xFFFFF850]  }
0x37d: {  	v38 =	vld [tilespmem:s8+$0x810]  }
0x37e: {  	v28 =	vadd.f32 v28, v30;
	v30 =	vadd.f32 v31, v33;
	v31 =	vmul.f32 v36, v19;
	v33 =	vld [tilespmem:s6+$0x850]  }
0x37f: {  	v36 =	vmul.f32 v32, v17;
	v39 =	vld [tilespmem:s8+$0x1810]  }
0x380: {  	v29 =	vmul.f32 v29, v14;
	[tilespmem:s11+$0xFFFFF810] =	vst v28;
	v28 =	vadd.f32 v31, v30;
	v30 =	vmul.f32 v35, v15;
	v31 =	vld [tilespmem:s6+$0x1850]  }
0x381: {  	v37 =	vmul.f32 v37, v8;
	v32 =	vld [tilespmem:s14+$0x1020];
	v40 =	vmul.f32 v34, v9  }
0x382: {  	v34 =	vld [tilespmem:s14+$0x20];
	v28 =	vadd.f32 v36, v28;
	v29 =	vadd.f32 v30, v29;
	v30 =	vmul.f32 v38, v13  }
0x383: {  	v35 =	vld [tilespmem:s14+$0xFFFFE020];
	v37 =	vadd.f32 v40, v37;
	v33 =	vmul.f32 v33, v10  }
.Ltmp11:
0x384: {  	v36 =	vld [tilespmem:s14+$0xFFFFF020];
	[tilespmem:s0+$0xFFFFF850] =	vst v28;
	v28 =	vadd.f32 v30, v29;
	v38 =	vmul.f32 v39, v12;
	(pc) =	sbr.rel @p1 .LBB2_17-.Ltmp11, $4  }
0x385: {  	v29 =	vld [tilespmem:s9+$0x1060];
	v33 =	vadd.f32 v33, v37;
	v37 =	vmul.f32 v31, v11  }
0x386: {  	v30 =	vld [tilespmem:s9+$0x60];
	v38 =	vadd.f32 v38, v28  }
0x387: {  	v31 =	vld [tilespmem:s9+$0xFFFFE060];
	v28 =	vadd.f32 v37, v33  }
0x388: {  	s25 =	sadd.s32 $0x1, s25;
	v33 =	vld [tilespmem:s9+$0xFFFFF060];
	[tilespmem:s7+$0x10] =	vst v38  }
0x389: {  	v24 =	vmul.f32 v35, v20;
	v25 =	vmul.f32 v36, v22;
	_ =	sdelay $0x1  }
0x38a: {  	v42 =	vmul.f32 v34, v21;
	v24 =	vadd.f32 v25, v24;
	_ =	sdelay $0x1  }
0x38b: {  	v26 =	vmul.f32 v32, v23;
	v24 =	vadd.f32 v42, v24;
	_ =	sdelay $0x1  }
0x38c: {  	v24 =	vadd.f32 v26, v24;
	_ =	sdelay $0x1  }
0x38d: {  	[tilespmem:s11+$0xFFFFF820] =	vst v24  }
0x38e: {  	v24 =	vld [tilespmem:s24+$0xFFFFE030]  }
0x38f: {  	v43 =	vld [tilespmem:s24+$0xFFFFF030];
	_ =	sdelay $0x1  }
0x390: {  	v44 =	vld [tilespmem:s24+$0x30];
	_ =	sdelay $0x1  }
0x391: {  	v27 =	vld [tilespmem:s24+$0x1030]  }
0x392: {  	v24 =	vmul.f32 v24, v20;
	v25 =	vmul.f32 v43, v22;
	_ =	sdelay $0x1  }
0x393: {  	v45 =	vmul.f32 v44, v21;
	v24 =	vadd.f32 v25, v24;
	_ =	sdelay $0x1  }
0x394: {  	v46 =	vmul.f32 v27, v23;
	v24 =	vadd.f32 v45, v24;
	_ =	sdelay $0x1  }
0x395: {  	v24 =	vadd.f32 v46, v24;
	_ =	sdelay $0x1  }
0x396: {  	[tilespmem:s11+$0xFFFFF830] =	vst v24  }
0x397: {  	v24 =	vld [tilespmem:s24+$0xFFFFE040]  }
0x398: {  	v47 =	vld [tilespmem:s24+$0xFFFFF040];
	_ =	sdelay $0x1  }
0x399: {  	v48 =	vld [tilespmem:s24+$0x40];
	_ =	sdelay $0x1  }
0x39a: {  	v49 =	vld [tilespmem:s24+$0x1040]  }
0x39b: {  	v24 =	vmul.f32 v24, v20;
	v25 =	vmul.f32 v47, v22;
	_ =	sdelay $0x1  }
0x39c: {  	v50 =	vmul.f32 v48, v21;
	v24 =	vadd.f32 v25, v24;
	_ =	sdelay $0x1  }
0x39d: {  	v51 =	vmul.f32 v49, v23;
	v24 =	vadd.f32 v50, v24;
	_ =	sdelay $0x1  }
0x39e: {  	v24 =	vadd.f32 v51, v24;
	_ =	sdelay $0x1  }
0x39f: {  	[tilespmem:s11+$0xFFFFF840] =	vst v24  }
0x3a0: {  	v24 =	vld [tilespmem:s24+$0xFFFFE050]  }
0x3a1: {  	v52 =	vld [tilespmem:s24+$0xFFFFF050];
	_ =	sdelay $0x1  }
0x3a2: {  	v53 =	vld [tilespmem:s24+$0x50];
	_ =	sdelay $0x1  }
0x3a3: {  	v54 =	vld [tilespmem:s24+$0x1050]  }
0x3a4: {  	v24 =	vmul.f32 v24, v20;
	v25 =	vmul.f32 v52, v22;
	_ =	sdelay $0x1  }
0x3a5: {  	v55 =	vmul.f32 v53, v21;
	v24 =	vadd.f32 v25, v24;
	_ =	sdelay $0x1  }
0x3a6: {  	v56 =	vmul.f32 v54, v23;
	v24 =	vadd.f32 v55, v24;
	_ =	sdelay $0x1  }
0x3a7: {  	v24 =	vadd.f32 v56, v24;
	_ =	sdelay $0x1  }
0x3a8: {  	[tilespmem:s11+$0xFFFFF850] =	vst v24  }
0x3a9: {  	v24 =	vld [tilespmem:s24+$0xFFFFE060]  }
0x3aa: {  	v57 =	vld [tilespmem:s24+$0xFFFFF060];
	_ =	sdelay $0x1  }
0x3ab: {  	v58 =	vmul.f32 v31, v16;
	v59 =	vmul.f32 v33, v18;
	v60 =	vld [tilespmem:s24+$0x60];
	_ =	sdelay $0x1  }
0x3ac: {  	v61 =	vmul.f32 v30, v19;
	v26 =	vadd.f32 v59, v58;
	v62 =	vld [tilespmem:s24+$0x1060]  }
0x3ad: {  	v24 =	vmul.f32 v24, v20;
	v25 =	vmul.f32 v57, v22  }
0x3ae: {  	v63 =	vmul.f32 v29, v17;
	v26 =	vadd.f32 v61, v26  }
0x3af: {  	v31 =	vmul.f32 v60, v21;
	v24 =	vadd.f32 v25, v24  }
0x3b0: {  	v26 =	vadd.f32 v63, v26  }
0x3b1: {  	v32 =	vmul.f32 v62, v23;
	v24 =	vadd.f32 v31, v24  }
0x3b2: {  	[tilespmem:s0+$0xFFFFF860] =	vst v26  }
0x3b3: {  	v26 =	vld [tilespmem:s9+$0xFFFFE070];
	v24 =	vadd.f32 v32, v24  }
0x3b4: {  	v33 =	vld [tilespmem:s9+$0xFFFFF070]  }
0x3b5: {  	v34 =	vld [tilespmem:s9+$0x70];
	[tilespmem:s11+$0xFFFFF860] =	vst v24  }
0x3b6: {  	v24 =	vld [tilespmem:s24+$0xFFFFE070]  }
0x3b7: {  	v35 =	vld [tilespmem:s24+$0xFFFFF070]  }
0x3b8: {  	v36 =	vld [tilespmem:s9+$0x1070]  }
0x3b9: {  	v26 =	vmul.f32 v26, v16;
	v25 =	vmul.f32 v33, v18;
	v37 =	vld [tilespmem:s24+$0x70];
	_ =	sdelay $0x1  }
0x3ba: {  	v38 =	vmul.f32 v34, v19;
	v25 =	vadd.f32 v25, v26;
	v39 =	vld [tilespmem:s24+$0x1070]  }
0x3bb: {  	v24 =	vmul.f32 v24, v20;
	v29 =	vmul.f32 v35, v22  }
0x3bc: {  	v40 =	vmul.f32 v36, v17;
	v25 =	vadd.f32 v38, v25  }
0x3bd: {  	v41 =	vmul.f32 v37, v21;
	v24 =	vadd.f32 v29, v24  }
0x3be: {  	v25 =	vadd.f32 v40, v25  }
0x3bf: {  	v42 =	vmul.f32 v39, v23;
	v24 =	vadd.f32 v41, v24  }
0x3c0: {  	[tilespmem:s0+$0xFFFFF870] =	vst v25  }
0x3c1: {  	v25 =	vld [tilespmem:s9+$0xFFFFE800];
	v24 =	vadd.f32 v42, v24  }
0x3c2: {  	v43 =	vld [tilespmem:s9+$0xFFFFF800]  }
0x3c3: {  	v44 =	vld [tilespmem:s9+$0x800];
	[tilespmem:s11+$0xFFFFF870] =	vst v24  }
0x3c4: {  	v24 =	vld [tilespmem:s24+$0xFFFFE800]  }
0x3c5: {  	v45 =	vld [tilespmem:s24+$0xFFFFF800]  }
0x3c6: {  	v46 =	vld [tilespmem:s9+$0x1800]  }
0x3c7: {  	v25 =	vmul.f32 v25, v16;
	v26 =	vmul.f32 v43, v18;
	v47 =	vld [tilespmem:s24+$0x800];
	_ =	sdelay $0x1  }
0x3c8: {  	v27 =	vmul.f32 v44, v19;
	v25 =	vadd.f32 v26, v25;
	v48 =	vld [tilespmem:s24+$0x1800]  }
0x3c9: {  	v24 =	vmul.f32 v24, v20;
	v29 =	vmul.f32 v45, v22  }
0x3ca: {  	v30 =	vmul.f32 v46, v17;
	v25 =	vadd.f32 v27, v25  }
0x3cb: {  	v49 =	vmul.f32 v47, v21;
	v24 =	vadd.f32 v29, v24  }
0x3cc: {  	v25 =	vadd.f32 v30, v25  }
0x3cd: {  	v26 =	vmul.f32 v48, v23;
	v24 =	vadd.f32 v49, v24  }
0x3ce: {  	[tilespmem:s0+$0x0] =	vst v25  }
0x3cf: {  	v25 =	vld [tilespmem:s9+$0xFFFFE810];
	v24 =	vadd.f32 v26, v24  }
0x3d0: {  	v50 =	vld [tilespmem:s9+$0xFFFFF810]  }
0x3d1: {  	v51 =	vld [tilespmem:s9+$0x810];
	[tilespmem:s11+$0x0] =	vst v24  }
0x3d2: {  	v24 =	vld [tilespmem:s24+$0xFFFFE810]  }
0x3d3: {  	v52 =	vld [tilespmem:s24+$0xFFFFF810]  }
0x3d4: {  	v53 =	vld [tilespmem:s9+$0x1810]  }
0x3d5: {  	v25 =	vmul.f32 v25, v16;
	v26 =	vmul.f32 v50, v18;
	v54 =	vld [tilespmem:s24+$0x810];
	_ =	sdelay $0x1  }
0x3d6: {  	v55 =	vmul.f32 v51, v19;
	v25 =	vadd.f32 v26, v25;
	v56 =	vld [tilespmem:s24+$0x1810]  }
0x3d7: {  	v24 =	vmul.f32 v24, v20;
	v29 =	vmul.f32 v52, v22  }
0x3d8: {  	v57 =	vmul.f32 v53, v17;
	v25 =	vadd.f32 v55, v25  }
0x3d9: {  	v58 =	vld [tilespmem:s8+$0xFFFFE820];
	v59 =	vmul.f32 v54, v21;
	v24 =	vadd.f32 v29, v24  }
0x3da: {  	v60 =	vld [tilespmem:s8+$0xFFFFF820];
	v25 =	vadd.f32 v57, v25  }
0x3db: {  	v61 =	vld [tilespmem:s8+$0x820];
	v27 =	vmul.f32 v56, v23;
	v24 =	vadd.f32 v59, v24  }
0x3dc: {  	v62 =	vld [tilespmem:s8+$0x1820];
	[tilespmem:s0+$0x10] =	vst v25  }
0x3dd: {  	v25 =	vld [tilespmem:s9+$0xFFFFE820];
	v24 =	vadd.f32 v27, v24  }
0x3de: {  	v63 =	vld [tilespmem:s9+$0xFFFFF820]  }
0x3df: {  	v31 =	vmul.f32 v60, v15;
	v30 =	vmul.f32 v58, v14;
	v36 =	vld [tilespmem:s9+$0x820];
	[tilespmem:s11+$0x10] =	vst v24  }
0x3e0: {  	v24 =	vld [tilespmem:s24+$0xFFFFE820]  }
0x3e1: {  	v30 =	vadd.f32 v31, v30;
	v26 =	vmul.f32 v61, v13;
	v37 =	vld [tilespmem:s24+$0xFFFFF820]  }
0x3e2: {  	v38 =	vld [tilespmem:s9+$0x1820];
	v29 =	vmul.f32 v62, v12  }
0x3e3: {  	v26 =	vadd.f32 v26, v30;
	v25 =	vmul.f32 v25, v16;
	v27 =	vmul.f32 v63, v18;
	v39 =	vld [tilespmem:s24+$0x820];
	_ =	sdelay $0x1  }
0x3e4: {  	v26 =	vadd.f32 v29, v26;
	v40 =	vmul.f32 v36, v19;
	v25 =	vadd.f32 v27, v25;
	v41 =	vld [tilespmem:s24+$0x1820]  }
0x3e5: {  	v24 =	vmul.f32 v24, v20;
	v31 =	vmul.f32 v37, v22  }
0x3e6: {  	[tilespmem:s7+$0x20] =	vst v26;
	v42 =	vmul.f32 v38, v17;
	v25 =	vadd.f32 v40, v25  }
0x3e7: {  	v43 =	vld [tilespmem:s8+$0xFFFFE830];
	v30 =	vmul.f32 v39, v21;
	v24 =	vadd.f32 v31, v24  }
0x3e8: {  	v44 =	vld [tilespmem:s8+$0xFFFFF830];
	v25 =	vadd.f32 v42, v25  }
0x3e9: {  	v45 =	vld [tilespmem:s8+$0x830];
	v27 =	vmul.f32 v41, v23;
	v24 =	vadd.f32 v30, v24  }
0x3ea: {  	v46 =	vld [tilespmem:s8+$0x1830];
	[tilespmem:s0+$0x20] =	vst v25  }
0x3eb: {  	v25 =	vld [tilespmem:s9+$0xFFFFE830];
	v24 =	vadd.f32 v27, v24  }
0x3ec: {  	v47 =	vld [tilespmem:s9+$0xFFFFF830]  }
0x3ed: {  	v29 =	vmul.f32 v43, v14;
	v48 =	vld [tilespmem:s9+$0x830];
	v31 =	vmul.f32 v44, v15;
	[tilespmem:s11+$0x20] =	vst v24  }
0x3ee: {  	v24 =	vld [tilespmem:s24+$0xFFFFE830]  }
0x3ef: {  	v26 =	vmul.f32 v45, v13;
	v29 =	vadd.f32 v31, v29;
	v49 =	vld [tilespmem:s24+$0xFFFFF830]  }
0x3f0: {  	v50 =	vld [tilespmem:s9+$0x1830];
	v30 =	vmul.f32 v46, v12  }
0x3f1: {  	v26 =	vadd.f32 v26, v29;
	v25 =	vmul.f32 v25, v16;
	v27 =	vmul.f32 v47, v18;
	v51 =	vld [tilespmem:s24+$0x830];
	_ =	sdelay $0x1  }
0x3f2: {  	v52 =	vmul.f32 v48, v19;
	v26 =	vadd.f32 v30, v26;
	v25 =	vadd.f32 v27, v25;
	v53 =	vld [tilespmem:s24+$0x1830]  }
0x3f3: {  	v24 =	vmul.f32 v24, v20;
	v31 =	vmul.f32 v49, v22  }
0x3f4: {  	v54 =	vmul.f32 v50, v17;
	[tilespmem:s7+$0x30] =	vst v26;
	v25 =	vadd.f32 v52, v25  }
0x3f5: {  	v55 =	vld [tilespmem:s8+$0xFFFFE840];
	v29 =	vmul.f32 v51, v21;
	v24 =	vadd.f32 v31, v24  }
0x3f6: {  	v56 =	vld [tilespmem:s8+$0xFFFFF840];
	v25 =	vadd.f32 v54, v25  }
0x3f7: {  	v57 =	vld [tilespmem:s8+$0x840];
	v58 =	vmul.f32 v53, v23;
	v24 =	vadd.f32 v29, v24  }
0x3f8: {  	v59 =	vld [tilespmem:s8+$0x1840];
	[tilespmem:s0+$0x30] =	vst v25  }
0x3f9: {  	v25 =	vld [tilespmem:s9+$0xFFFFE840];
	v24 =	vadd.f32 v58, v24  }
0x3fa: {  	v60 =	vld [tilespmem:s9+$0xFFFFF840]  }
0x3fb: {  	v61 =	vld [tilespmem:s9+$0x840];
	v27 =	vmul.f32 v55, v14;
	v31 =	vmul.f32 v56, v15;
	[tilespmem:s11+$0x30] =	vst v24  }
0x3fc: {  	v24 =	vld [tilespmem:s24+$0xFFFFE840]  }
0x3fd: {  	v26 =	vmul.f32 v57, v13;
	v27 =	vadd.f32 v31, v27;
	v62 =	vld [tilespmem:s24+$0xFFFFF840]  }
0x3fe: {  	v63 =	vld [tilespmem:s9+$0x1840];
	v30 =	vmul.f32 v59, v12  }
0x3ff: {  	v26 =	vadd.f32 v26, v27;
	v25 =	vmul.f32 v25, v16;
	v34 =	vmul.f32 v60, v18;
	v35 =	vld [tilespmem:s24+$0x840];
	_ =	sdelay $0x1  }
0x400: {  	v36 =	vmul.f32 v61, v19;
	v26 =	vadd.f32 v30, v26;
	v25 =	vadd.f32 v34, v25;
	v37 =	vld [tilespmem:s24+$0x1840]  }
0x401: {  	[tilespmem:s4+$0x50] =	vst v28;
	v24 =	vmul.f32 v24, v20;
	v38 =	vmul.f32 v62, v22  }
0x402: {  	v39 =	vld [tilespmem:s6+$0xFFFFE860];
	v40 =	vmul.f32 v63, v17;
	[tilespmem:s7+$0x40] =	vst v26;
	v25 =	vadd.f32 v36, v25  }
0x403: {  	v41 =	vld [tilespmem:s8+$0xFFFFE850];
	v42 =	vmul.f32 v35, v21;
	v24 =	vadd.f32 v38, v24  }
0x404: {  	v43 =	vld [tilespmem:s8+$0xFFFFF850];
	v25 =	vadd.f32 v40, v25  }
0x405: {  	v44 =	vld [tilespmem:s8+$0x850];
	v45 =	vmul.f32 v37, v23;
	v24 =	vadd.f32 v42, v24  }
0x406: {  	v46 =	vld [tilespmem:s8+$0x1850];
	[tilespmem:s0+$0x40] =	vst v25  }
0x407: {  	v25 =	vld [tilespmem:s9+$0xFFFFE850];
	v24 =	vadd.f32 v45, v24  }
0x408: {  	v47 =	vld [tilespmem:s9+$0xFFFFF850]  }
0x409: {  	v48 =	vld [tilespmem:s9+$0x850];
	v27 =	vmul.f32 v41, v14;
	v29 =	vmul.f32 v43, v15;
	[tilespmem:s11+$0x40] =	vst v24  }
0x40a: {  	v24 =	vld [tilespmem:s24+$0xFFFFE850]  }
0x40b: {  	v26 =	vmul.f32 v44, v13;
	v27 =	vadd.f32 v29, v27;
	v49 =	vld [tilespmem:s24+$0xFFFFF850]  }
0x40c: {  	v50 =	vld [tilespmem:s9+$0x1850];
	v30 =	vmul.f32 v46, v12  }
0x40d: {  	v26 =	vadd.f32 v26, v27;
	v25 =	vmul.f32 v25, v16;
	v51 =	vmul.f32 v47, v18;
	v52 =	vld [tilespmem:s24+$0x850]  }
0x40e: {  	v53 =	vld [tilespmem:s6+$0xFFFFF860]  }
0x40f: {  	v54 =	vmul.f32 v48, v19;
	v26 =	vadd.f32 v30, v26;
	v25 =	vadd.f32 v51, v25;
	v55 =	vld [tilespmem:s24+$0x1850]  }
0x410: {  	v56 =	vld [tilespmem:s6+$0x860];
	v24 =	vmul.f32 v24, v20;
	v29 =	vmul.f32 v49, v22  }
0x411: {  	v57 =	vld [tilespmem:s6+$0x1860];
	v58 =	vmul.f32 v50, v17;
	[tilespmem:s7+$0x50] =	vst v26;
	v25 =	vadd.f32 v54, v25  }
0x412: {  	v59 =	vld [tilespmem:s8+$0xFFFFE860];
	v28 =	vmul.f32 v52, v21;
	v24 =	vadd.f32 v29, v24  }
0x413: {  	v60 =	vmul.f32 v39, v8;
	v61 =	vld [tilespmem:s8+$0xFFFFF860];
	v25 =	vadd.f32 v58, v25  }
0x414: {  	v62 =	vmul.f32 v53, v9;
	v63 =	vld [tilespmem:s8+$0x860];
	v36 =	vmul.f32 v55, v23;
	v24 =	vadd.f32 v28, v24  }
0x415: {  	v37 =	vld [tilespmem:s8+$0x1860];
	[tilespmem:s0+$0x50] =	vst v25  }
0x416: {  	v39 =	vmul.f32 v56, v10;
	v38 =	vadd.f32 v62, v60;
	v40 =	vld [tilespmem:s9+$0xFFFFE860];
	v24 =	vadd.f32 v36, v24  }
0x417: {  	v41 =	vld [tilespmem:s9+$0xFFFFF860]  }
0x418: {  	v42 =	vmul.f32 v57, v11;
	v25 =	vadd.f32 v39, v38;
	v43 =	vld [tilespmem:s9+$0x860];
	[tilespmem:s11+$0x50] =	vst v24  }
0x419: {  	v44 =	vmul.f32 v59, v14;
	v45 =	vmul.f32 v61, v15;
	v46 =	vld [tilespmem:s24+$0xFFFFE860]  }
0x41a: {  	v25 =	vadd.f32 v42, v25;
	v47 =	vld [tilespmem:s24+$0xFFFFF860]  }
0x41b: {  	v49 =	vld [tilespmem:s9+$0x1860];
	v48 =	vmul.f32 v63, v13;
	v24 =	vadd.f32 v45, v44  }
0x41c: {  	[tilespmem:s4+$0x60] =	vst v25;
	v50 =	vmul.f32 v40, v16;
	v28 =	vmul.f32 v41, v18;
	v51 =	vld [tilespmem:s24+$0x860]  }
0x41d: {  	v53 =	vmul.f32 v37, v12;
	v52 =	vld [tilespmem:s6+$0xFFFFE870];
	v24 =	vadd.f32 v48, v24  }
0x41e: {  	v54 =	vmul.f32 v43, v19;
	v25 =	vadd.f32 v28, v50;
	v55 =	vld [tilespmem:s24+$0x1860]  }
0x41f: {  	v56 =	vld [tilespmem:s6+$0xFFFFF870];
	v24 =	vadd.f32 v53, v24;
	v57 =	vmul.f32 v46, v20;
	v26 =	vmul.f32 v47, v22  }
0x420: {  	v58 =	vld [tilespmem:s6+$0x870];
	v60 =	vmul.f32 v49, v17  }
0x421: {  	v59 =	vld [tilespmem:s6+$0x1870];
	v25 =	vadd.f32 v54, v25;
	[tilespmem:s7+$0x60] =	vst v24;
	v61 =	vmul.f32 v51, v21;
	v26 =	vadd.f32 v26, v57  }
0x422: {  	v62 =	vld [tilespmem:s8+$0xFFFFE870]  }
0x423: {  	v24 =	vadd.f32 v60, v25;
	v36 =	vmul.f32 v55, v23;
	v63 =	vld [tilespmem:s8+$0xFFFFF870];
	v35 =	vadd.f32 v61, v26  }
0x424: {  	v37 =	vld [tilespmem:s8+$0x870]  }
0x425: {  	v38 =	vld [tilespmem:s8+$0x1870];
	[tilespmem:s0+$0x60] =	vst v24;
	v39 =	vadd.f32 v36, v35  }
0x426: {  	v40 =	vld [tilespmem:s9+$0xFFFFE870]  }
0x427: {  	v41 =	vld [tilespmem:s9+$0xFFFFF870];
	[tilespmem:s11+$0x60] =	vst v39  }
0x428: {  	v24 =	vld [tilespmem:s24+$0xFFFFE870]  }
0x429: {  	v8 =	vmul.f32 v52, v8;
	v43 =	vmul.f32 v56, v9;
	v42 =	vld [tilespmem:s24+$0xFFFFF870]  }
0x42a: {  	v44 =	vmul.f32 v58, v10;
	v45 =	vld [tilespmem:s9+$0x870]  }
0x42b: {  	v49 =	vmul.f32 v59, v11;
	v8 =	vadd.f32 v43, v8;
	v46 =	vmul.f32 v62, v14;
	v48 =	vld [tilespmem:s24+$0x870]  }
0x42c: {  	v51 =	vld [tilespmem:s9+$0x1870];
	v47 =	vmul.f32 v63, v15;
	v50 =	vmul.f32 v37, v13  }
0x42d: {  	v8 =	vadd.f32 v44, v8;
	v52 =	vmul.f32 v40, v16;
	v53 =	vmul.f32 v41, v18;
	v54 =	vld [tilespmem:s24+$0x1870]  }
0x42e: {  	v14 =	vadd.f32 v47, v46;
	v55 =	vmul.f32 v24, v20;
	v56 =	vmul.f32 v42, v22  }
0x42f: {  	v59 =	vmul.f32 v38, v12;
	v58 =	vmul.f32 v45, v19;
	v57 =	vadd.f32 v53, v52  }
0x430: {  	v11 =	vadd.f32 v50, v14;
	v60 =	vmul.f32 v48, v21;
	v10 =	vadd.f32 v56, v55  }
0x431: {  	v8 =	vadd.f32 v49, v8;
	v13 =	vmul.f32 v51, v17;
	v61 =	vadd.f32 v58, v57  }
.Ltmp12:
0x432: {  	v11 =	vadd.f32 v59, v11;
	v62 =	vmul.f32 v54, v23;
	v10 =	vadd.f32 v60, v10;
	(pc) =	sbr.rel @p0 .LBB2_16-.Ltmp12, $4  }
0x433: {  	[tilespmem:s4+$0x70] =	vst v8;
	v8 =	vadd.f32 v13, v61  }
0x434: {  	[tilespmem:s7+$0x70] =	vst v11;
	v63 =	vadd.f32 v62, v10  }
0x435: {  	[tilespmem:s0+$0x70] =	vst v8  }
0x436: {  	p1 =	por $0x0, $0x0;
	s0 =	simm.s32 $0x1;
	[tilespmem:s11+$0x70] =	vst v63  }
0x437: {  	s0 =	sshll.u32 s2, $0x6  }
0x438: {  	p0 =	sgt.u32 s28, $0x7;
	s0 =	sand.u32 $0x3FFFFFC0, s0  }
.Ltmp13:
0x439: {  	s25 =	smin.u32 s13, $0x13;
	s0 =	sadd.s32 $0x2300, s0;
	(pc) =	sbr.rel @p0 .LBB2_22-.Ltmp13, $4  }
0x43a: {  	[hbm4b:s3+s20] =	stream.indirect.scatter [tilespmem:s23], [sflag:$0x4], $0x80, s0, s20, $0xb8;
	[tilespmem:$0x16800] =	vst v63  }
0x43b: {  	s0 =	sshll.u32 s25, $0x8  }
0x43c: {  	s0 =	sadd.s32 $0xF00, s0  }
0x43d: {  	[tilespmem:s18], [sflag:$0x2] =	stream.indirect.gather [hbm4b:s1+s12], $0x80, s0, s12, $0xb8;
	[tilespmem:$0x16800] =	vst v63  }
0x43e: {  	s0 =	sshll.u32 s28, $0x2  }
0x43f: {  	s2 =	simm.s32 $0x0;
	s4 =	simm.s32 $0x2300;
	s6 =	simm.s32 $0x2310  }
0x440: {  	s7 =	smov.u32 s31;
	s8 =	smov.u32 s30;
	s0 =	sadd.s32 $0x8, s0  }
.LBB2_21:
0x441: {  	s9 =	sshrl.u32 s0, $0x3  }
0x442: {  	s11 =	sshll.u32 s9, $0x9  }
0x443: {  	s11 =	sadd.s32 s11, s8  }
0x444: {  	s11 =	sshra.s32 s11, $0x2  }
0x445: {  	v8 =	vld [tilespmem:s11+$0x0]  }
0x446: {  	v9 =	vld [tilespmem:s11+$0x80];
	_ =	sdelay $0x3  }
0x447: {  	v8 =	vadd.f32 $5.400000000e+01, v8  }
0x448: {  	v9 =	vadd.f32 $5.400000000e+01, v9  }
0x449: {  	v8 =	vmul.f32 v8, v4  }
0x44a: {  	v9 =	vmul.f32 v9, v4  }
0x44b: {  	v10 =	vtrunc.f32 v8  }
0x44c: {  	v12 =	vtrunc.f32 v9;
	v11 =	vcvt.f32.s32 v10  }
0x44d: {  	v13 =	vcvt.f32.s32 v12;
	vm0 =	vlt.f32 v8, v10;
	vm1 =	vlt.f32 v9, v12  }
0x44e: {  	v10 =	vsel vm0, $0xFFFFFFFF, v5;
	v12 =	vsel vm1, $0xFFFFFFFF, v5  }
0x44f: {  	v10 =	vadd.s32 v11, v10;
	v52 =	vadd.s32 v13, v12  }
0x450: {  	vm14 =	vgt.s32 v10, $0x0;
	vm15 =	vgt.s32 v52, $0x0  }
0x451: {  	v10 =	vnsel vm14, $0x0, v10;
	v11 =	vnsel vm15, $0x0, v52  }
0x452: {  	v53 =	vmin.u32 v10, $0xB2;
	v54 =	vmin.u32 v11, $0xB2  }
0x453: {  	v12 =	vadd.s32 $0x1, v53;
	v13 =	vadd.s32 $0x1, v54  }
0x454: {  	v11 =	vmin.u32 v11, $0xB3;
	v14 =	vcvt.s32.f32 v12;
	v15 =	vcvt.s32.f32 v13  }
0x455: {  	v10 =	vmin.u32 v10, $0xB3;
	v16 =	vcvt.s32.f32 v11  }
0x456: {  	v17 =	vcvt.s32.f32 v10;
	v14 =	vsub.f32 v14, v8;
	v15 =	vsub.f32 v15, v9  }
0x457: {  	v9 =	vsub.f32 v9, v16  }
0x458: {  	v8 =	vsub.f32 v8, v17;
	v55 =	vmul.f32 v15, v14  }
0x459: {  	s25 =	sshra.s32 s8, $0x2;
	v11 =	vmul.u32 $0xB4, v11;
	v14 =	vmul.f32 v9, v14  }
0x45a: {  	v15 =	vmul.f32 v15, v8;
	[tilespmem:s25+$0x500] =	vst v55  }
0x45b: {  	s13 =	sshll.u32 s0, $0x7;
	s14 =	sshll.u32 s9, $0x7;
	v13 =	vmul.u32 $0xB4, v13;
	v56 =	vadd.s32 v10, v11;
	v8 =	vmul.f32 v9, v8;
	[tilespmem:s25+$0x780] =	vst v14  }
0x45c: {  	s17 =	sshra.s32 s2, $0x2;
	s15 =	sand.u32 $0x3FFFFF00, s13;
	s14 =	ssub.s32 s7, s14;
	v9 =	vshll.u32 v56, $0x3;
	[tilespmem:s25+$0xA00] =	vst v15  }
0x45d: {  	s15 =	sadd.s32 s17, s15;
	v57 =	vor.u32 s14, v3;
	v10 =	vadd.s32 v10, v13;
	[tilespmem:s25+$0xC80] =	vst v8;
	v8 =	vor.u32 v0, v9  }
0x45e: {  	v11 =	vadd.s32 v12, v11;
	v10 =	vshll.u32 v10, $0x3;
	[tilespmem:s15+$0xF00] =	vst v8;
	v8 =	vor.u32 v2, v9  }
0x45f: {  	v59 =	vshll.u32 v11, $0x3;
	v58 =	vor.u32 v0, v10;
	[tilespmem:s15+$0xF10] =	vst v8;
	v8 =	vshrl.u32 v57, $0x3  }
0x460: {  	v12 =	vadd.s32 v12, v13;
	v10 =	vor.u32 v2, v10;
	[tilespmem:s15+$0xF20] =	vst v58;
	v8 =	vadd.s32 v1, v8  }
0x461: {  	v11 =	vor.u32 v0, v59;
	v60 =	vshll.u32 v12, $0x3;
	[tilespmem:s15+$0xF30] =	vst v10;
	v8 =	vmul.u32 $0xA, v8  }
0x462: {  	p0 =	sne.s32 s2, $0x200;
	s9 =	sshll.u32 s9, $0x1;
	v61 =	vor.u32 v0, v60;
	[tilespmem:s15+$0xF40] =	vst v11  }
.Ltmp14:
0x463: {  	s24 =	sshra.s32 s13, $0x2;
	v62 =	vor.u32 v2, v60;
	[tilespmem:s15+$0xF60] =	vst v61;
	v8 =	vadd.s32 s9, v8;
	(pc) =	sbr.rel @p0 .LBB2_21-.Ltmp14, $4  }
0x464: {  	s25 =	sand.u32 $0xFFFFFFC0, s24;
	v9 =	vor.u32 v2, v59;
	[tilespmem:s15+$0xF70] =	vst v62;
	v8 =	vshll.u32 v8, $0x3  }
0x465: {  	s0 =	sadd.s32 $0x1, s0;
	s11 =	sadd.s32 s25, s4;
	[tilespmem:s15+$0xF50] =	vst v9;
	v63 =	vor.u32 v6, v8  }
0x466: {  	s2 =	sadd.s32 $0x200, s2;
	s8 =	sadd.s32 $0x40, s8;
	s9 =	sadd.s32 s25, s6;
	v8 =	vor.u32 v7, v8;
	[tilespmem:s11+$0x0] =	vst v63  }
0x467: {  	s7 =	sadd.s32 $0x10, s7;
	s4 =	sadd.s32 $0x20, s4;
	s6 =	sadd.s32 $0x20, s6;
	[tilespmem:s9+$0x0] =	vst v8  }
.Ltmp15:
0x468: {  	_ = 	snop;
	(pc) =	sbr.rel .LBB2_22-.Ltmp15, $1  }
0x469: {  	_ =	sdelay $0x3  }
.LBB2_24:
0x46a: {  	_ =	sfence.sel $0x180000  }
0x46b: {  	[bflag:$0x0] =	sbarrier.arrive $0xFFFF  }
0x46c: {  	_ =	strace $0x90000047  }
0x46d: {  	s0 =	stileid.u32;
	[bflag:$0x2] =	sbarrier.arrive $0xFFFF  }
0x46e: {  	p0 =	sne.s32 s0, $0x0;
	s0 =	rddreg [dreg:$0x3]  }
0x46f: {  	s0 =	sadd.s32 @!p0 $0x100000, s0  }
0x470: {  	[sflag:s0] =	ssyncadd.tile.s32 @!p0 $0x1;
	_ =	shalt  }
.Lfunc_end2:
_tile_overlayer_lowered:
.L_overlay_start_2:
0x471: {  	(tag) =	ssettag $0x2  }
0x472: {  	s0 =	rddreg [dreg:$0x0];
	s2 =	stileid.u32  }
0x473: {  	s1 =	rddreg [dreg:$0x1];
	p0 =	sne.s32 s2, $0x0  }
0x474: {  	s3 =	rddreg [dreg:$0x2];
	[bflag:$0x3] =	sbarrier.arrive $0xFFFF;
	s2 =	simm.s32 @!p0 $0x1C05  }
0x475: {  	[timem:s3], [sflag:s2] =	dma.local @!p0 [hbm:s0], s1  }
0x476: {  	s0 =	simm.s32 @!p0 $0x5  }
0x477: {  	_ =	swait.ge @!p0 [sflag:s0], s1  }
0x478: {  	s1 =	ssub.s32 @!p0 $0x0, s1;
	[sflag:s0] =	ssyncset.done @!p0 $0x0  }
0x479: {  	[sflag:s0] =	ssyncadd.s32 @!p0 s1  }
0x47a: {  	[bflag:$0x3] =	sbarrier.arrive $0xFFFF  }
0x47b: {  	_ =	shalt  }

</sc_bundles>
